<compile_context>
chip_gen: v7x
topology: tpu7x:2x2x1
jax: 0.10.2.dev20260603
libtpu: 0.0.44.dev20260713+nightly
codegen_flags: <defaults>
</compile_context>

<pallas_src>
import functools

import jax
import jax.numpy as jnp
from jax import lax
from jax.experimental import pallas as pl
from jax.experimental.pallas import tpu as pltpu
from jax.experimental.pallas import tpu_sc as plsc

_L = 16


def _al(x, n=16):
    return pl.multiple_of(x, n)


def _row_argmax(score_ref, buf, T):
    lane_iota = lax.iota(jnp.int32, _L)
    neg_inf = jnp.full((_L,), -jnp.inf, dtype=jnp.float32)
    half_t = T // 256

    def body(t, carry):
        maxa, besta, curia, maxb, bestb, curib = carry
        for k in range(128 // _L):
            xa = score_ref[buf, t, pl.ds(k * _L, _L)]
            xb = score_ref[buf, half_t + t, pl.ds(k * _L, _L)]
            ga = xa > maxa
            gb = xb > maxb
            maxa = jnp.where(ga, xa, maxa)
            besta = jnp.where(ga, curia, besta)
            maxb = jnp.where(gb, xb, maxb)
            bestb = jnp.where(gb, curib, bestb)
            curia = curia + _L
            curib = curib + _L
        return maxa, besta, curia, maxb, bestb, curib

    ib0 = lane_iota + T // 2
    maxa, besta, _, maxb, bestb, _ = lax.fori_loop(
        0, half_t, body, (neg_inf, lane_iota, lane_iota, neg_inf, ib0, ib0),
        unroll=2,
    )
    return _chain_merge(maxa, besta, maxb, bestb)


def _chain_merge(maxa, besta, maxb, bestb):
    gb = maxb > maxa
    maxv = jnp.where(gb, maxb, maxa)
    besti = jnp.where(gb, bestb, besta)
    m = jnp.max(maxv)
    masked = jnp.where(maxv == m, besti, jnp.int32(2147483647))
    return jnp.min(masked)




def _lane_extract(vec, lane):
    sel = lax.iota(jnp.int32, _L) == lane
    return jnp.sum(jnp.where(sel, vec, jnp.zeros_like(vec)))


def _sc_kernel_body(NS, B, T, ML, RPW,
                    score_hbm, off_hbm, frames_hbm, out_hbm,
                    sbuf, obuf, fbuf, outbuf, shared,
                    sems, osems, fsems, sem_m):
    cid = lax.axis_index("c")
    sid = lax.axis_index("s")
    wid = cid * NS + sid
    base = wid * RPW
    g = base // 8

    def row_copy(r):
        return pltpu.async_copy(score_hbm.at[g, :, base % 8 + r],
                                sbuf.at[r], sems[r])

    copies = [row_copy(0), row_copy(1)]
    inds, ocopies = [], []
    for r in range(RPW):
        copies[r].wait()
        if r == 0:
            copies += [row_copy(rr) for rr in range(2, RPW)]
        ind = _row_argmax(sbuf, r, T)
        inds.append(ind)
        for comp in range(2):
            ocopies.append(pltpu.async_copy(
                off_hbm.at[base + r, ind >> 7, comp,
                           pl.ds(_al((ind & 127) & ~15), _L)],
                obuf.at[2 * r + comp], osems[r],
            ))

    s_idx, e_idx, fcopies = [], [], []
    for r in range(RPW):
        ocopies[2 * r].wait()
        ocopies[2 * r + 1].wait()
        ind = inds[r]
        lane = ind & 15
        off0 = _lane_extract(obuf[2 * r], lane)
        off1 = _lane_extract(obuf[2 * r + 1], lane)
        center = (ind >> 2).astype(jnp.float32)
        half = (jnp.int32(4) << (ind & 3)).astype(jnp.float32)
        sf = (center - half) + off0
        ef = (center + half) + off1
        s = sf.astype(jnp.int32)
        s = s - (s.astype(jnp.float32) > sf).astype(jnp.int32)
        e = ef.astype(jnp.int32)
        e = e - (e.astype(jnp.float32) > ef).astype(jnp.int32)
        s_idx.append(jnp.clip(s, 0, ML - 1))
        e_idx.append(jnp.clip(e, 0, ML - 1))
        for k, v in ((r, s_idx[r]), (RPW + r, e_idx[r])):
            fcopies.append(pltpu.async_copy(
                frames_hbm.at[g, v >> 7, base % 8 + r,
                              pl.ds(_al((v & 127) & ~15), _L)],
                fbuf.at[k], fsems[r],
            ))
    for c in fcopies:
        c.wait()

    lane_iota = lax.iota(jnp.int32, _L)
    acc = jnp.zeros((_L,), dtype=jnp.float32)
    for r in range(RPW):
        f0 = _lane_extract(fbuf[r].astype(jnp.float32), s_idx[r] & 15)
        f1 = _lane_extract(fbuf[RPW + r].astype(jnp.float32), e_idx[r] & 15)
        acc = jnp.where(lane_iota == base % 8 + r, f0, acc)
        acc = jnp.where(lane_iota == 8 + base % 8 + r, f1 + 1.0, acc)

    @pl.when(sid % 2 == 1)
    def _():
        outbuf[...] = acc
        pltpu.sync_copy(outbuf, shared.at[sid])

    plsc.subcore_barrier()

    @pl.when(sid % 2 == 0)
    def _():
        pltpu.async_copy(shared.at[sid + 1], outbuf, sem_m).wait()
        outbuf[...] = acc + outbuf[...]
        b0 = base
        c1 = pltpu.async_copy(outbuf.at[pl.ds(0, 8)],
                              out_hbm.at[pl.ds(_al(b0, 8), 8)], sem_m)
        c2 = pltpu.async_copy(outbuf.at[pl.ds(8, 8)],
                              out_hbm.at[pl.ds(_al(B + b0, 8), 8)], sem_m)
        c1.wait()
        c2.wait()


def kernel(temporal_score, temporal_offset, frames_id):
    B, T = temporal_score.shape
    ML = frames_id.shape[1]
    info = plsc.get_sparse_core_info()
    NC, NS = info.num_cores, info.num_subcores
    NW = NC * NS
    RPW = B // NW

    score_po = temporal_score.reshape(B // 8, 8, T // 128, 128).transpose(
        0, 2, 1, 3)
    off_po = temporal_offset.reshape(B, T // 128, 128, 2).transpose(
        0, 1, 3, 2)
    frames_po = frames_id.reshape(B // 8, 8, ML // 128, 128).transpose(
        0, 2, 1, 3)

    mesh = plsc.VectorSubcoreMesh(core_axis_name="c", subcore_axis_name="s")
    k = functools.partial(
        pl.kernel,
        mesh=mesh,
        out_type=jax.ShapeDtypeStruct((2 * B,), jnp.float32),
        scratch_types=[
            pltpu.VMEM((RPW, T // 128, 128), jnp.float32),
            pltpu.VMEM((2 * RPW, _L), jnp.float32),
            pltpu.VMEM((2 * RPW, _L), jnp.int32),
            pltpu.VMEM((_L,), jnp.float32),
            pltpu.VMEM_SHARED((NS, _L), jnp.float32),
            [pltpu.SemaphoreType.DMA] * RPW,
            [pltpu.SemaphoreType.DMA] * RPW,
            [pltpu.SemaphoreType.DMA] * RPW,
            pltpu.SemaphoreType.DMA,
        ],
        compiler_params=pltpu.CompilerParams(
            use_tc_tiling_on_sc=False, needs_layout_passes=False
        ),
    )(functools.partial(_sc_kernel_body, NS, B, T, ML, RPW))
    return k(score_po, off_po, frames_po).reshape(2, B).T

# --- scband reference (transcript-rebuilt; emitter-appended) ---
"""Pipeline reference for scband-post-process-stvg-2061584302459 (READ-ONLY COPY).

The authoritative reference and input builder live on the scoring server;
editing this copy changes nothing except your own understanding.
"""

import jax, jax.numpy as jnp
import numpy as np

WINDOW_WIDTH = [9, 17, 33, 65]


def generate_proposals(max_length, window_width):
    widths = np.array(window_width, dtype=np.float32)
    num_anchors = widths.shape[0]
    center = np.arange(max_length, dtype=np.float32)
    widths_g = np.tile(widths[None, :], (max_length, 1)).reshape(-1)
    center_g = np.tile(center[:, None], (1, num_anchors)).reshape(-1)
    start = center_g - 0.5 * (widths_g - 1.0)
    end = center_g + 0.5 * (widths_g - 1.0)
    return jnp.asarray(np.stack([start, end], axis=-1))  # [max_length * num_anchors, 2]


def setup_inputs(seed: int = 0):
    key = jax.random.key(seed)
    k1, k2 = jax.random.split(key)
    B = 128
    max_length = 2048
    T = max_length * len(WINDOW_WIDTH)  # 8192
    temporal_score = jax.random.normal(k1, (B, T), dtype=jnp.float32)
    temporal_offset = jax.random.normal(k2, (B, T, 2), dtype=jnp.float32)
    # padded, per-row increasing frame ids [B, max_length]
    frames_id = jnp.arange(B * max_length, dtype=jnp.int32).reshape(B, max_length)
    return {"temporal_score": temporal_score, "temporal_offset": temporal_offset, "frames_id": frames_id}


def reference(temporal_score, temporal_offset, frames_id):
    num_anchors = len(WINDOW_WIDTH)
    T = temporal_score.shape[1]
    max_length = T // num_anchors
    proposals = generate_proposals(max_length, WINDOW_WIDTH)  # [T, 2]
    refined_boxes = proposals[None, :, :] + temporal_offset   # [B, T, 2]
    _, ind = jax.lax.top_k(temporal_score, 1)                 # [B, 1]
    idx = jnp.repeat(ind[..., None], 2, axis=-1)              # [B, 1, 2]
    pred_steds = jnp.take_along_axis(refined_boxes, idx, axis=1)
    pred_steds = jnp.squeeze(pred_steds, axis=1).astype(jnp.int32)  # [B, 2]
    pred_steds = jnp.clip(pred_steds, 0, max_length - 1)
    pred_steds = jnp.take_along_axis(frames_id, pred_steds, axis=1).astype(jnp.float32)
    pred_steds = pred_steds.at[:, 1].add(1.0)
    return pred_steds

if __name__ == "__main__":
    import jax
    _d = setup_inputs()
    print(jax.jit(kernel)(*tuple(_d.values())))

</pallas_src>

<mosaic_0001>
#map = affine_map<(d0, d1) -> (0, 0, 0, 0)>
#map1 = affine_map<(d0, d1) -> (0)>
module attributes {stable_mosaic.version = 14 : i64} {
  func.func @_sc_kernel_body(%arg0: i32, %arg1: i32, %arg2: memref<16x64x8x128xf32, #tpu.memory_space<hbm>>, %arg3: memref<128x64x2x128xf32, #tpu.memory_space<hbm>>, %arg4: memref<16x16x8x128xi32, #tpu.memory_space<hbm>>, %arg5: memref<256xf32, #tpu.memory_space<hbm>>, %arg6: memref<4x64x128xf32, #tpu.memory_space<vmem>>, %arg7: memref<8x16xf32, #tpu.memory_space<vmem>>, %arg8: memref<8x16xi32, #tpu.memory_space<vmem>>, %arg9: memref<16xf32, #tpu.memory_space<vmem>>, %arg10: memref<16x16xf32, #tpu.memory_space<vmem_shared>>, %arg11: memref<!tpu.dma_semaphore, #tpu.memory_space<semaphore_mem>>, %arg12: memref<!tpu.dma_semaphore, #tpu.memory_space<semaphore_mem>>, %arg13: memref<!tpu.dma_semaphore, #tpu.memory_space<semaphore_mem>>, %arg14: memref<!tpu.dma_semaphore, #tpu.memory_space<semaphore_mem>>, %arg15: memref<!tpu.dma_semaphore, #tpu.memory_space<semaphore_mem>>, %arg16: memref<!tpu.dma_semaphore, #tpu.memory_space<semaphore_mem>>, %arg17: memref<!tpu.dma_semaphore, #tpu.memory_space<semaphore_mem>>, %arg18: memref<!tpu.dma_semaphore, #tpu.memory_space<semaphore_mem>>, %arg19: memref<!tpu.dma_semaphore, #tpu.memory_space<semaphore_mem>>, %arg20: memref<!tpu.dma_semaphore, #tpu.memory_space<semaphore_mem>>, %arg21: memref<!tpu.dma_semaphore, #tpu.memory_space<semaphore_mem>>, %arg22: memref<!tpu.dma_semaphore, #tpu.memory_space<semaphore_mem>>, %arg23: memref<!tpu.dma_semaphore, #tpu.memory_space<semaphore_mem>>) attributes {dimension_semantics = [#tpu.dimension_semantics<core_parallel>, #tpu.dimension_semantics<subcore_parallel>], iteration_bounds = array<i64: 2, 16>, scalar_prefetch = 0 : i64, scratch_operands = 18 : i64, tpu.core_type = #tpu.core_type<sc_vector_subcore>, window_params = [{transform_indices = #map}, {transform_indices = #map}, {transform_indices = #map}, {transform_indices = #map1}]} {
    %mul3A = arith.constant 16 : i32
    %mul3A_0 = arith.muli %arg0, %mul3A : i32
    %add3A = arith.addi %mul3A_0, %arg1 : i32
    %mul3A_1 = arith.constant 4 : i32
    %mul3A_2 = arith.muli %add3A, %mul3A_1 : i32
    %jit3A = arith.constant 8 : i32
    %div3A = arith.divsi %mul3A_2, %jit3A : i32
    %sign3A = arith.constant 0 : i32
    %sign3A_3 = arith.cmpi sgt, %mul3A_2, %sign3A : i32
    %sign3A_4 = arith.extui %sign3A_3 : i1 to i32
    %sign3A_5 = arith.constant 0 : i32
    %sign3A_6 = arith.cmpi slt, %mul3A_2, %sign3A_5 : i32
    %sign3A_7 = arith.extui %sign3A_6 : i1 to i32
    %sign3A_8 = arith.subi %sign3A_4, %sign3A_7 : i32
    %sign3A_9 = arith.constant 0 : i32
    %sign3A_10 = arith.cmpi sgt, %jit3A, %sign3A_9 : i32
    %sign3A_11 = arith.extui %sign3A_10 : i1 to i32
    %sign3A_12 = arith.constant 0 : i32
    %sign3A_13 = arith.cmpi slt, %jit3A, %sign3A_12 : i32
    %sign3A_14 = arith.extui %sign3A_13 : i1 to i32
    %sign3A_15 = arith.subi %sign3A_11, %sign3A_14 : i32
    %ne3A = arith.cmpi ne, %sign3A_8, %sign3A_15 : i32
    %rem3A = arith.remsi %mul3A_2, %jit3A : i32
    %ne3A_16 = arith.constant 0 : i32
    %ne3A_17 = arith.cmpi ne, %rem3A, %ne3A_16 : i32
    %and3A = arith.andi %ne3A, %ne3A_17 : i1
    %sub3A = arith.constant 1 : i32
    %sub3A_18 = arith.subi %div3A, %sub3A : i32
    %select_n3A = arith.select %and3A, %sub3A_18, %div3A : i32
    %jit3A_19 = arith.constant 8 : i32
    %eq3A = arith.constant 0 : i32
    %eq3A_20 = arith.cmpi eq, %jit3A_19, %eq3A : i32
    %jit3A_21 = arith.constant 1 : i32
    %select_n3A_22 = arith.select %eq3A_20, %jit3A_21, %jit3A_19 : i32
    %rem3A_23 = arith.remsi %mul3A_2, %select_n3A_22 : i32
    %ne3A_24 = arith.constant 0 : i32
    %ne3A_25 = arith.cmpi ne, %rem3A_23, %ne3A_24 : i32
    %lt3A = arith.constant 0 : i32
    %lt3A_26 = arith.cmpi slt, %rem3A_23, %lt3A : i32
    %lt3A_27 = arith.constant 0 : i32
    %lt3A_28 = arith.cmpi slt, %select_n3A_22, %lt3A_27 : i32
    %ne3A_29 = arith.xori %lt3A_26, %lt3A_28 : i1
    %and3A_30 = arith.andi %ne3A_29, %ne3A_25 : i1
    %add3A_31 = arith.addi %rem3A_23, %select_n3A_22 : i32
    %select_n3A_32 = arith.select %and3A_30, %add3A_31, %rem3A_23 : i32
    %add3A_33 = arith.constant 0 : i32
    %add3A_34 = arith.addi %select_n3A_32, %add3A_33 : i32
    %dma_start3A = arith.constant 0 : i32
    %dma_start3A_35 = arith.constant 0 : i32
    %dma_start3A_36 = arith.constant 0 : i32
    %dma_start3A_37 = tpu.memref_slice %arg6[%dma_start3A, %dma_start3A_35, %dma_start3A_36] : memref<4x64x128xf32, #tpu.memory_space<vmem>> -> memref<1x64x128xf32, #tpu.memory_space<vmem>>
    %dma_start3A_38 = tpu.memref_squeeze %dma_start3A_37 : memref<1x64x128xf32, #tpu.memory_space<vmem>> -> memref<64x128xf32, #tpu.memory_space<vmem>>
    %dma_start3A_39 = arith.constant 0 : i32
    %dma_start3A_40 = arith.constant 0 : i32
    %dma_start3A_41 = tpu.memref_slice %arg2[%select_n3A, %dma_start3A_39, %add3A_34, %dma_start3A_40] : memref<16x64x8x128xf32, #tpu.memory_space<hbm>> -> memref<1x64x1x128xf32, #tpu.memory_space<hbm>>
    %dma_start3A_42 = tpu.memref_squeeze %dma_start3A_41 : memref<1x64x1x128xf32, #tpu.memory_space<hbm>> -> memref<64x128xf32, #tpu.memory_space<hbm>>
    %dma_start3A_43 = arith.constant 0 : i32
    %dma_start3A_44 = arith.constant 0 : i32
    %dma_start3A_45 = tpu.memref_slice %arg6[%dma_start3A, %dma_start3A_43, %dma_start3A_44] : memref<4x64x128xf32, #tpu.memory_space<vmem>> -> memref<1x64x128xf32, #tpu.memory_space<vmem>>
    %dma_start3A_46 = tpu.memref_squeeze %dma_start3A_45 : memref<1x64x128xf32, #tpu.memory_space<vmem>> -> memref<64x128xf32, #tpu.memory_space<vmem>>
    %dma_start3A_47 = arith.constant 0 : i32
    %dma_start3A_48 = arith.constant 0 : i32
    %dma_start3A_49 = tpu.memref_slice %arg2[%select_n3A, %dma_start3A_47, %add3A_34, %dma_start3A_48] : memref<16x64x8x128xf32, #tpu.memory_space<hbm>> -> memref<1x64x1x128xf32, #tpu.memory_space<hbm>>
    %dma_start3A_50 = tpu.memref_squeeze %dma_start3A_49 : memref<1x64x1x128xf32, #tpu.memory_space<hbm>> -> memref<64x128xf32, #tpu.memory_space<hbm>>
    tpu.enqueue_dma source(%dma_start3A_50 : memref<64x128xf32, #tpu.memory_space<hbm>>) target(%dma_start3A_46 : memref<64x128xf32, #tpu.memory_space<vmem>>) target_semaphore(%arg11 : memref<!tpu.dma_semaphore, #tpu.memory_space<semaphore_mem>>)
    %jit3A_51 = arith.constant 8 : i32
    %eq3A_52 = arith.constant 0 : i32
    %eq3A_53 = arith.cmpi eq, %jit3A_51, %eq3A_52 : i32
    %jit3A_54 = arith.constant 1 : i32
    %select_n3A_55 = arith.select %eq3A_53, %jit3A_54, %jit3A_51 : i32
    %rem3A_56 = arith.remsi %mul3A_2, %select_n3A_55 : i32
    %ne3A_57 = arith.constant 0 : i32
    %ne3A_58 = arith.cmpi ne, %rem3A_56, %ne3A_57 : i32
    %lt3A_59 = arith.constant 0 : i32
    %lt3A_60 = arith.cmpi slt, %rem3A_56, %lt3A_59 : i32
    %lt3A_61 = arith.constant 0 : i32
    %lt3A_62 = arith.cmpi slt, %select_n3A_55, %lt3A_61 : i32
    %ne3A_63 = arith.xori %lt3A_60, %lt3A_62 : i1
    %and3A_64 = arith.andi %ne3A_63, %ne3A_58 : i1
    %add3A_65 = arith.addi %rem3A_56, %select_n3A_55 : i32
    %select_n3A_66 = arith.select %and3A_64, %add3A_65, %rem3A_56 : i32
    %add3A_67 = arith.constant 1 : i32
    %add3A_68 = arith.addi %select_n3A_66, %add3A_67 : i32
    %dma_start3A_69 = arith.constant 1 : i32
    %dma_start3A_70 = arith.constant 0 : i32
    %dma_start3A_71 = arith.constant 0 : i32
    %dma_start3A_72 = tpu.memref_slice %arg6[%dma_start3A_69, %dma_start3A_70, %dma_start3A_71] : memref<4x64x128xf32, #tpu.memory_space<vmem>> -> memref<1x64x128xf32, #tpu.memory_space<vmem>>
    %dma_start3A_73 = tpu.memref_squeeze %dma_start3A_72 : memref<1x64x128xf32, #tpu.memory_space<vmem>> -> memref<64x128xf32, #tpu.memory_space<vmem>>
    %dma_start3A_74 = arith.constant 0 : i32
    %dma_start3A_75 = arith.constant 0 : i32
    %dma_start3A_76 = tpu.memref_slice %arg2[%select_n3A, %dma_start3A_74, %add3A_68, %dma_start3A_75] : memref<16x64x8x128xf32, #tpu.memory_space<hbm>> -> memref<1x64x1x128xf32, #tpu.memory_space<hbm>>
    %dma_start3A_77 = tpu.memref_squeeze %dma_start3A_76 : memref<1x64x1x128xf32, #tpu.memory_space<hbm>> -> memref<64x128xf32, #tpu.memory_space<hbm>>
    %dma_start3A_78 = arith.constant 0 : i32
    %dma_start3A_79 = arith.constant 0 : i32
    %dma_start3A_80 = tpu.memref_slice %arg6[%dma_start3A_69, %dma_start3A_78, %dma_start3A_79] : memref<4x64x128xf32, #tpu.memory_space<vmem>> -> memref<1x64x128xf32, #tpu.memory_space<vmem>>
    %dma_start3A_81 = tpu.memref_squeeze %dma_start3A_80 : memref<1x64x128xf32, #tpu.memory_space<vmem>> -> memref<64x128xf32, #tpu.memory_space<vmem>>
    %dma_start3A_82 = arith.constant 0 : i32
    %dma_start3A_83 = arith.constant 0 : i32
    %dma_start3A_84 = tpu.memref_slice %arg2[%select_n3A, %dma_start3A_82, %add3A_68, %dma_start3A_83] : memref<16x64x8x128xf32, #tpu.memory_space<hbm>> -> memref<1x64x1x128xf32, #tpu.memory_space<hbm>>
    %dma_start3A_85 = tpu.memref_squeeze %dma_start3A_84 : memref<1x64x1x128xf32, #tpu.memory_space<hbm>> -> memref<64x128xf32, #tpu.memory_space<hbm>>
    tpu.enqueue_dma source(%dma_start3A_85 : memref<64x128xf32, #tpu.memory_space<hbm>>) target(%dma_start3A_81 : memref<64x128xf32, #tpu.memory_space<vmem>>) target_semaphore(%arg12 : memref<!tpu.dma_semaphore, #tpu.memory_space<semaphore_mem>>)
    %dma_wait3A = arith.constant 0 : i32
    %dma_wait3A_86 = arith.constant 0 : i32
    %dma_wait3A_87 = arith.constant 0 : i32
    %dma_wait3A_88 = tpu.memref_slice %arg6[%dma_wait3A, %dma_wait3A_86, %dma_wait3A_87] : memref<4x64x128xf32, #tpu.memory_space<vmem>> -> memref<1x64x128xf32, #tpu.memory_space<vmem>>
    %dma_wait3A_89 = tpu.memref_squeeze %dma_wait3A_88 : memref<1x64x128xf32, #tpu.memory_space<vmem>> -> memref<64x128xf32, #tpu.memory_space<vmem>>
    %dma_wait3A_90 = arith.constant 0 : i32
    %dma_wait3A_91 = arith.constant 0 : i32
    %dma_wait3A_92 = tpu.memref_slice %arg2[%select_n3A, %dma_wait3A_90, %add3A_34, %dma_wait3A_91] : memref<16x64x8x128xf32, #tpu.memory_space<hbm>> -> memref<1x64x1x128xf32, #tpu.memory_space<hbm>>
    %dma_wait3A_93 = tpu.memref_squeeze %dma_wait3A_92 : memref<1x64x1x128xf32, #tpu.memory_space<hbm>> -> memref<64x128xf32, #tpu.memory_space<hbm>>
    %dma_wait3A_94 = arith.constant 0 : i32
    %dma_wait3A_95 = arith.constant 0 : i32
    %dma_wait3A_96 = tpu.memref_slice %arg6[%dma_wait3A, %dma_wait3A_94, %dma_wait3A_95] : memref<4x64x128xf32, #tpu.memory_space<vmem>> -> memref<1x64x128xf32, #tpu.memory_space<vmem>>
    %dma_wait3A_97 = tpu.memref_squeeze %dma_wait3A_96 : memref<1x64x128xf32, #tpu.memory_space<vmem>> -> memref<64x128xf32, #tpu.memory_space<vmem>>
    %dma_wait3A_98 = arith.constant 0 : i32
    %dma_wait3A_99 = arith.constant 0 : i32
    %dma_wait3A_100 = tpu.memref_slice %arg2[%select_n3A, %dma_wait3A_98, %add3A_34, %dma_wait3A_99] : memref<16x64x8x128xf32, #tpu.memory_space<hbm>> -> memref<1x64x1x128xf32, #tpu.memory_space<hbm>>
    %dma_wait3A_101 = tpu.memref_squeeze %dma_wait3A_100 : memref<1x64x1x128xf32, #tpu.memory_space<hbm>> -> memref<64x128xf32, #tpu.memory_space<hbm>>
    tpu.wait_dma2 semaphore(%arg11 : memref<!tpu.dma_semaphore, #tpu.memory_space<semaphore_mem>>) src(%dma_wait3A_101 : memref<64x128xf32, #tpu.memory_space<hbm>>) dst(%dma_wait3A_97 : memref<64x128xf32, #tpu.memory_space<vmem>>)
    %jit3A_102 = arith.constant 8 : i32
    %eq3A_103 = arith.constant 0 : i32
    %eq3A_104 = arith.cmpi eq, %jit3A_102, %eq3A_103 : i32
    %jit3A_105 = arith.constant 1 : i32
    %select_n3A_106 = arith.select %eq3A_104, %jit3A_105, %jit3A_102 : i32
    %rem3A_107 = arith.remsi %mul3A_2, %select_n3A_106 : i32
    %ne3A_108 = arith.constant 0 : i32
    %ne3A_109 = arith.cmpi ne, %rem3A_107, %ne3A_108 : i32
    %lt3A_110 = arith.constant 0 : i32
    %lt3A_111 = arith.cmpi slt, %rem3A_107, %lt3A_110 : i32
    %lt3A_112 = arith.constant 0 : i32
    %lt3A_113 = arith.cmpi slt, %select_n3A_106, %lt3A_112 : i32
    %ne3A_114 = arith.xori %lt3A_111, %lt3A_113 : i1
    %and3A_115 = arith.andi %ne3A_114, %ne3A_109 : i1
    %add3A_116 = arith.addi %rem3A_107, %select_n3A_106 : i32
    %select_n3A_117 = arith.select %and3A_115, %add3A_116, %rem3A_107 : i32
    %add3A_118 = arith.constant 2 : i32
    %add3A_119 = arith.addi %select_n3A_117, %add3A_118 : i32
    %dma_start3A_120 = arith.constant 2 : i32
    %dma_start3A_121 = arith.constant 0 : i32
    %dma_start3A_122 = arith.constant 0 : i32
    %dma_start3A_123 = tpu.memref_slice %arg6[%dma_start3A_120, %dma_start3A_121, %dma_start3A_122] : memref<4x64x128xf32, #tpu.memory_space<vmem>> -> memref<1x64x128xf32, #tpu.memory_space<vmem>>
    %dma_start3A_124 = tpu.memref_squeeze %dma_start3A_123 : memref<1x64x128xf32, #tpu.memory_space<vmem>> -> memref<64x128xf32, #tpu.memory_space<vmem>>
    %dma_start3A_125 = arith.constant 0 : i32
    %dma_start3A_126 = arith.constant 0 : i32
    %dma_start3A_127 = tpu.memref_slice %arg2[%select_n3A, %dma_start3A_125, %add3A_119, %dma_start3A_126] : memref<16x64x8x128xf32, #tpu.memory_space<hbm>> -> memref<1x64x1x128xf32, #tpu.memory_space<hbm>>
    %dma_start3A_128 = tpu.memref_squeeze %dma_start3A_127 : memref<1x64x1x128xf32, #tpu.memory_space<hbm>> -> memref<64x128xf32, #tpu.memory_space<hbm>>
    %dma_start3A_129 = arith.constant 0 : i32
    %dma_start3A_130 = arith.constant 0 : i32
    %dma_start3A_131 = tpu.memref_slice %arg6[%dma_start3A_120, %dma_start3A_129, %dma_start3A_130] : memref<4x64x128xf32, #tpu.memory_space<vmem>> -> memref<1x64x128xf32, #tpu.memory_space<vmem>>
    %dma_start3A_132 = tpu.memref_squeeze %dma_start3A_131 : memref<1x64x128xf32, #tpu.memory_space<vmem>> -> memref<64x128xf32, #tpu.memory_space<vmem>>
    %dma_start3A_133 = arith.constant 0 : i32
    %dma_start3A_134 = arith.constant 0 : i32
    %dma_start3A_135 = tpu.memref_slice %arg2[%select_n3A, %dma_start3A_133, %add3A_119, %dma_start3A_134] : memref<16x64x8x128xf32, #tpu.memory_space<hbm>> -> memref<1x64x1x128xf32, #tpu.memory_space<hbm>>
    %dma_start3A_136 = tpu.memref_squeeze %dma_start3A_135 : memref<1x64x1x128xf32, #tpu.memory_space<hbm>> -> memref<64x128xf32, #tpu.memory_space<hbm>>
    tpu.enqueue_dma source(%dma_start3A_136 : memref<64x128xf32, #tpu.memory_space<hbm>>) target(%dma_start3A_132 : memref<64x128xf32, #tpu.memory_space<vmem>>) target_semaphore(%arg13 : memref<!tpu.dma_semaphore, #tpu.memory_space<semaphore_mem>>)
    %jit3A_137 = arith.constant 8 : i32
    %eq3A_138 = arith.constant 0 : i32
    %eq3A_139 = arith.cmpi eq, %jit3A_137, %eq3A_138 : i32
    %jit3A_140 = arith.constant 1 : i32
    %select_n3A_141 = arith.select %eq3A_139, %jit3A_140, %jit3A_137 : i32
    %rem3A_142 = arith.remsi %mul3A_2, %select_n3A_141 : i32
    %ne3A_143 = arith.constant 0 : i32
    %ne3A_144 = arith.cmpi ne, %rem3A_142, %ne3A_143 : i32
    %lt3A_145 = arith.constant 0 : i32
    %lt3A_146 = arith.cmpi slt, %rem3A_142, %lt3A_145 : i32
    %lt3A_147 = arith.constant 0 : i32
    %lt3A_148 = arith.cmpi slt, %select_n3A_141, %lt3A_147 : i32
    %ne3A_149 = arith.xori %lt3A_146, %lt3A_148 : i1
    %and3A_150 = arith.andi %ne3A_149, %ne3A_144 : i1
    %add3A_151 = arith.addi %rem3A_142, %select_n3A_141 : i32
    %select_n3A_152 = arith.select %and3A_150, %add3A_151, %rem3A_142 : i32
    %add3A_153 = arith.constant 3 : i32
    %add3A_154 = arith.addi %select_n3A_152, %add3A_153 : i32
    %dma_start3A_155 = arith.constant 3 : i32
    %dma_start3A_156 = arith.constant 0 : i32
    %dma_start3A_157 = arith.constant 0 : i32
    %dma_start3A_158 = tpu.memref_slice %arg6[%dma_start3A_155, %dma_start3A_156, %dma_start3A_157] : memref<4x64x128xf32, #tpu.memory_space<vmem>> -> memref<1x64x128xf32, #tpu.memory_space<vmem>>
    %dma_start3A_159 = tpu.memref_squeeze %dma_start3A_158 : memref<1x64x128xf32, #tpu.memory_space<vmem>> -> memref<64x128xf32, #tpu.memory_space<vmem>>
    %dma_start3A_160 = arith.constant 0 : i32
    %dma_start3A_161 = arith.constant 0 : i32
    %dma_start3A_162 = tpu.memref_slice %arg2[%select_n3A, %dma_start3A_160, %add3A_154, %dma_start3A_161] : memref<16x64x8x128xf32, #tpu.memory_space<hbm>> -> memref<1x64x1x128xf32, #tpu.memory_space<hbm>>
    %dma_start3A_163 = tpu.memref_squeeze %dma_start3A_162 : memref<1x64x1x128xf32, #tpu.memory_space<hbm>> -> memref<64x128xf32, #tpu.memory_space<hbm>>
    %dma_start3A_164 = arith.constant 0 : i32
    %dma_start3A_165 = arith.constant 0 : i32
    %dma_start3A_166 = tpu.memref_slice %arg6[%dma_start3A_155, %dma_start3A_164, %dma_start3A_165] : memref<4x64x128xf32, #tpu.memory_space<vmem>> -> memref<1x64x128xf32, #tpu.memory_space<vmem>>
    %dma_start3A_167 = tpu.memref_squeeze %dma_start3A_166 : memref<1x64x128xf32, #tpu.memory_space<vmem>> -> memref<64x128xf32, #tpu.memory_space<vmem>>
    %dma_start3A_168 = arith.constant 0 : i32
    %dma_start3A_169 = arith.constant 0 : i32
    %dma_start3A_170 = tpu.memref_slice %arg2[%select_n3A, %dma_start3A_168, %add3A_154, %dma_start3A_169] : memref<16x64x8x128xf32, #tpu.memory_space<hbm>> -> memref<1x64x1x128xf32, #tpu.memory_space<hbm>>
    %dma_start3A_171 = tpu.memref_squeeze %dma_start3A_170 : memref<1x64x1x128xf32, #tpu.memory_space<hbm>> -> memref<64x128xf32, #tpu.memory_space<hbm>>
    tpu.enqueue_dma source(%dma_start3A_171 : memref<64x128xf32, #tpu.memory_space<hbm>>) target(%dma_start3A_167 : memref<64x128xf32, #tpu.memory_space<vmem>>) target_semaphore(%arg14 : memref<!tpu.dma_semaphore, #tpu.memory_space<semaphore_mem>>)
    %iota3A = tpu.iota {dimensions = array<i32: 0>} : vector<16xi32>
    %broadcast_in_dim3A = arith.constant 0xFF800000 : f32
    %broadcast_in_dim3A_172 = vector.broadcast %broadcast_in_dim3A : f32 to vector<16xf32>
    %add3A_173 = arith.constant 4096 : i32
    %add3A_174 = vector.broadcast %add3A_173 : i32 to vector<16xi32>
    %add3A_175 = arith.addi %iota3A, %add3A_174 : vector<16xi32>
    %scan3A = arith.constant 0 : i32
    %scan3A_176 = arith.constant 32 : i32
    %scan3A_177 = arith.addi %scan3A, %scan3A_176 : i32
    %scan3A_178 = arith.constant 2 : i32
    %scan3A_179:6 = scf.for %scan3A_1589 = %scan3A to %scan3A_177 step %scan3A_178 iter_args(%scan3A_1590 = %broadcast_in_dim3A_172, %scan3A_1591 = %iota3A, %scan3A_1592 = %iota3A, %scan3A_1593 = %broadcast_in_dim3A_172, %scan3A_1594 = %add3A_175, %scan3A_1595 = %add3A_175) -> (vector<16xf32>, vector<16xi32>, vector<16xi32>, vector<16xf32>, vector<16xi32>, vector<16xi32>)  : i32 {
      %get3A_1596 = arith.constant 0 : i32
      %get3A_1597 = arith.index_cast %get3A_1596 : i32 to index
      %get3A_1598 = arith.index_cast %scan3A_1589 : i32 to index
      %get3A_1599 = arith.constant 0 : index
      %get3A_1600 = tpu.vector_load %arg6[%get3A_1597, %get3A_1598, %get3A_1599] {strides = array<i32>} : memref<4x64x128xf32, #tpu.memory_space<vmem>>, vector<16xf32>,
      %add3A_1601 = arith.constant 32 : i32
      %add3A_1602 = arith.addi %add3A_1601, %scan3A_1589 : i32
      %get3A_1603 = arith.constant 0 : i32
      %get3A_1604 = arith.index_cast %get3A_1603 : i32 to index
      %get3A_1605 = arith.index_cast %add3A_1602 : i32 to index
      %get3A_1606 = arith.constant 0 : index
      %get3A_1607 = tpu.vector_load %arg6[%get3A_1604, %get3A_1605, %get3A_1606] {strides = array<i32>} : memref<4x64x128xf32, #tpu.memory_space<vmem>>, vector<16xf32>,
      %gt3A_1608 = arith.cmpf ogt, %get3A_1600, %scan3A_1590 : vector<16xf32>
      %gt3A_1609 = arith.cmpf ogt, %get3A_1607, %scan3A_1593 : vector<16xf32>
      %select_n3A_1610 = arith.select %gt3A_1608, %get3A_1600, %scan3A_1590 : vector<16xi1>, vector<16xf32>
      %select_n3A_1611 = arith.select %gt3A_1608, %scan3A_1592, %scan3A_1591 : vector<16xi1>, vector<16xi32>
      %select_n3A_1612 = arith.select %gt3A_1609, %get3A_1607, %scan3A_1593 : vector<16xi1>, vector<16xf32>
      %select_n3A_1613 = arith.select %gt3A_1609, %scan3A_1595, %scan3A_1594 : vector<16xi1>, vector<16xi32>
      %add3A_1614 = arith.constant 16 : i32
      %add3A_1615 = vector.broadcast %add3A_1614 : i32 to vector<16xi32>
      %add3A_1616 = arith.addi %scan3A_1592, %add3A_1615 : vector<16xi32>
      %add3A_1617 = arith.constant 16 : i32
      %add3A_1618 = vector.broadcast %add3A_1617 : i32 to vector<16xi32>
      %add3A_1619 = arith.addi %scan3A_1595, %add3A_1618 : vector<16xi32>
      %get3A_1620 = arith.constant 0 : i32
      %get3A_1621 = arith.index_cast %get3A_1620 : i32 to index
      %get3A_1622 = arith.index_cast %scan3A_1589 : i32 to index
      %get3A_1623 = arith.constant 16 : index
      %get3A_1624 = tpu.vector_load %arg6[%get3A_1621, %get3A_1622, %get3A_1623] {strides = array<i32>} : memref<4x64x128xf32, #tpu.memory_space<vmem>>, vector<16xf32>,
      %add3A_1625 = arith.constant 32 : i32
      %add3A_1626 = arith.addi %add3A_1625, %scan3A_1589 : i32
      %get3A_1627 = arith.constant 0 : i32
      %get3A_1628 = arith.index_cast %get3A_1627 : i32 to index
      %get3A_1629 = arith.index_cast %add3A_1626 : i32 to index
      %get3A_1630 = arith.constant 16 : index
      %get3A_1631 = tpu.vector_load %arg6[%get3A_1628, %get3A_1629, %get3A_1630] {strides = array<i32>} : memref<4x64x128xf32, #tpu.memory_space<vmem>>, vector<16xf32>,
      %gt3A_1632 = arith.cmpf ogt, %get3A_1624, %select_n3A_1610 : vector<16xf32>
      %gt3A_1633 = arith.cmpf ogt, %get3A_1631, %select_n3A_1612 : vector<16xf32>
      %select_n3A_1634 = arith.select %gt3A_1632, %get3A_1624, %select_n3A_1610 : vector<16xi1>, vector<16xf32>
      %select_n3A_1635 = arith.select %gt3A_1632, %add3A_1616, %select_n3A_1611 : vector<16xi1>, vector<16xi32>
      %select_n3A_1636 = arith.select %gt3A_1633, %get3A_1631, %select_n3A_1612 : vector<16xi1>, vector<16xf32>
      %select_n3A_1637 = arith.select %gt3A_1633, %add3A_1619, %select_n3A_1613 : vector<16xi1>, vector<16xi32>
      %add3A_1638 = arith.constant 16 : i32
      %add3A_1639 = vector.broadcast %add3A_1638 : i32 to vector<16xi32>
      %add3A_1640 = arith.addi %add3A_1616, %add3A_1639 : vector<16xi32>
      %add3A_1641 = arith.constant 16 : i32
      %add3A_1642 = vector.broadcast %add3A_1641 : i32 to vector<16xi32>
      %add3A_1643 = arith.addi %add3A_1619, %add3A_1642 : vector<16xi32>
      %get3A_1644 = arith.constant 0 : i32
      %get3A_1645 = arith.index_cast %get3A_1644 : i32 to index
      %get3A_1646 = arith.index_cast %scan3A_1589 : i32 to index
      %get3A_1647 = arith.constant 32 : index
      %get3A_1648 = tpu.vector_load %arg6[%get3A_1645, %get3A_1646, %get3A_1647] {strides = array<i32>} : memref<4x64x128xf32, #tpu.memory_space<vmem>>, vector<16xf32>,
      %add3A_1649 = arith.constant 32 : i32
      %add3A_1650 = arith.addi %add3A_1649, %scan3A_1589 : i32
      %get3A_1651 = arith.constant 0 : i32
      %get3A_1652 = arith.index_cast %get3A_1651 : i32 to index
      %get3A_1653 = arith.index_cast %add3A_1650 : i32 to index
      %get3A_1654 = arith.constant 32 : index
      %get3A_1655 = tpu.vector_load %arg6[%get3A_1652, %get3A_1653, %get3A_1654] {strides = array<i32>} : memref<4x64x128xf32, #tpu.memory_space<vmem>>, vector<16xf32>,
      %gt3A_1656 = arith.cmpf ogt, %get3A_1648, %select_n3A_1634 : vector<16xf32>
      %gt3A_1657 = arith.cmpf ogt, %get3A_1655, %select_n3A_1636 : vector<16xf32>
      %select_n3A_1658 = arith.select %gt3A_1656, %get3A_1648, %select_n3A_1634 : vector<16xi1>, vector<16xf32>
      %select_n3A_1659 = arith.select %gt3A_1656, %add3A_1640, %select_n3A_1635 : vector<16xi1>, vector<16xi32>
      %select_n3A_1660 = arith.select %gt3A_1657, %get3A_1655, %select_n3A_1636 : vector<16xi1>, vector<16xf32>
      %select_n3A_1661 = arith.select %gt3A_1657, %add3A_1643, %select_n3A_1637 : vector<16xi1>, vector<16xi32>
      %add3A_1662 = arith.constant 16 : i32
      %add3A_1663 = vector.broadcast %add3A_1662 : i32 to vector<16xi32>
      %add3A_1664 = arith.addi %add3A_1640, %add3A_1663 : vector<16xi32>
      %add3A_1665 = arith.constant 16 : i32
      %add3A_1666 = vector.broadcast %add3A_1665 : i32 to vector<16xi32>
      %add3A_1667 = arith.addi %add3A_1643, %add3A_1666 : vector<16xi32>
      %get3A_1668 = arith.constant 0 : i32
      %get3A_1669 = arith.index_cast %get3A_1668 : i32 to index
      %get3A_1670 = arith.index_cast %scan3A_1589 : i32 to index
      %get3A_1671 = arith.constant 48 : index
      %get3A_1672 = tpu.vector_load %arg6[%get3A_1669, %get3A_1670, %get3A_1671] {strides = array<i32>} : memref<4x64x128xf32, #tpu.memory_space<vmem>>, vector<16xf32>,
      %add3A_1673 = arith.constant 32 : i32
      %add3A_1674 = arith.addi %add3A_1673, %scan3A_1589 : i32
      %get3A_1675 = arith.constant 0 : i32
      %get3A_1676 = arith.index_cast %get3A_1675 : i32 to index
      %get3A_1677 = arith.index_cast %add3A_1674 : i32 to index
      %get3A_1678 = arith.constant 48 : index
      %get3A_1679 = tpu.vector_load %arg6[%get3A_1676, %get3A_1677, %get3A_1678] {strides = array<i32>} : memref<4x64x128xf32, #tpu.memory_space<vmem>>, vector<16xf32>,
      %gt3A_1680 = arith.cmpf ogt, %get3A_1672, %select_n3A_1658 : vector<16xf32>
      %gt3A_1681 = arith.cmpf ogt, %get3A_1679, %select_n3A_1660 : vector<16xf32>
      %select_n3A_1682 = arith.select %gt3A_1680, %get3A_1672, %select_n3A_1658 : vector<16xi1>, vector<16xf32>
      %select_n3A_1683 = arith.select %gt3A_1680, %add3A_1664, %select_n3A_1659 : vector<16xi1>, vector<16xi32>
      %select_n3A_1684 = arith.select %gt3A_1681, %get3A_1679, %select_n3A_1660 : vector<16xi1>, vector<16xf32>
      %select_n3A_1685 = arith.select %gt3A_1681, %add3A_1667, %select_n3A_1661 : vector<16xi1>, vector<16xi32>
      %add3A_1686 = arith.constant 16 : i32
      %add3A_1687 = vector.broadcast %add3A_1686 : i32 to vector<16xi32>
      %add3A_1688 = arith.addi %add3A_1664, %add3A_1687 : vector<16xi32>
      %add3A_1689 = arith.constant 16 : i32
      %add3A_1690 = vector.broadcast %add3A_1689 : i32 to vector<16xi32>
      %add3A_1691 = arith.addi %add3A_1667, %add3A_1690 : vector<16xi32>
      %get3A_1692 = arith.constant 0 : i32
      %get3A_1693 = arith.index_cast %get3A_1692 : i32 to index
      %get3A_1694 = arith.index_cast %scan3A_1589 : i32 to index
      %get3A_1695 = arith.constant 64 : index
      %get3A_1696 = tpu.vector_load %arg6[%get3A_1693, %get3A_1694, %get3A_1695] {strides = array<i32>} : memref<4x64x128xf32, #tpu.memory_space<vmem>>, vector<16xf32>,
      %add3A_1697 = arith.constant 32 : i32
      %add3A_1698 = arith.addi %add3A_1697, %scan3A_1589 : i32
      %get3A_1699 = arith.constant 0 : i32
      %get3A_1700 = arith.index_cast %get3A_1699 : i32 to index
      %get3A_1701 = arith.index_cast %add3A_1698 : i32 to index
      %get3A_1702 = arith.constant 64 : index
      %get3A_1703 = tpu.vector_load %arg6[%get3A_1700, %get3A_1701, %get3A_1702] {strides = array<i32>} : memref<4x64x128xf32, #tpu.memory_space<vmem>>, vector<16xf32>,
      %gt3A_1704 = arith.cmpf ogt, %get3A_1696, %select_n3A_1682 : vector<16xf32>
      %gt3A_1705 = arith.cmpf ogt, %get3A_1703, %select_n3A_1684 : vector<16xf32>
      %select_n3A_1706 = arith.select %gt3A_1704, %get3A_1696, %select_n3A_1682 : vector<16xi1>, vector<16xf32>
      %select_n3A_1707 = arith.select %gt3A_1704, %add3A_1688, %select_n3A_1683 : vector<16xi1>, vector<16xi32>
      %select_n3A_1708 = arith.select %gt3A_1705, %get3A_1703, %select_n3A_1684 : vector<16xi1>, vector<16xf32>
      %select_n3A_1709 = arith.select %gt3A_1705, %add3A_1691, %select_n3A_1685 : vector<16xi1>, vector<16xi32>
      %add3A_1710 = arith.constant 16 : i32
      %add3A_1711 = vector.broadcast %add3A_1710 : i32 to vector<16xi32>
      %add3A_1712 = arith.addi %add3A_1688, %add3A_1711 : vector<16xi32>
      %add3A_1713 = arith.constant 16 : i32
      %add3A_1714 = vector.broadcast %add3A_1713 : i32 to vector<16xi32>
      %add3A_1715 = arith.addi %add3A_1691, %add3A_1714 : vector<16xi32>
      %get3A_1716 = arith.constant 0 : i32
      %get3A_1717 = arith.index_cast %get3A_1716 : i32 to index
      %get3A_1718 = arith.index_cast %scan3A_1589 : i32 to index
      %get3A_1719 = arith.constant 80 : index
      %get3A_1720 = tpu.vector_load %arg6[%get3A_1717, %get3A_1718, %get3A_1719] {strides = array<i32>} : memref<4x64x128xf32, #tpu.memory_space<vmem>>, vector<16xf32>,
      %add3A_1721 = arith.constant 32 : i32
      %add3A_1722 = arith.addi %add3A_1721, %scan3A_1589 : i32
      %get3A_1723 = arith.constant 0 : i32
      %get3A_1724 = arith.index_cast %get3A_1723 : i32 to index
      %get3A_1725 = arith.index_cast %add3A_1722 : i32 to index
      %get3A_1726 = arith.constant 80 : index
      %get3A_1727 = tpu.vector_load %arg6[%get3A_1724, %get3A_1725, %get3A_1726] {strides = array<i32>} : memref<4x64x128xf32, #tpu.memory_space<vmem>>, vector<16xf32>,
      %gt3A_1728 = arith.cmpf ogt, %get3A_1720, %select_n3A_1706 : vector<16xf32>
      %gt3A_1729 = arith.cmpf ogt, %get3A_1727, %select_n3A_1708 : vector<16xf32>
      %select_n3A_1730 = arith.select %gt3A_1728, %get3A_1720, %select_n3A_1706 : vector<16xi1>, vector<16xf32>
      %select_n3A_1731 = arith.select %gt3A_1728, %add3A_1712, %select_n3A_1707 : vector<16xi1>, vector<16xi32>
      %select_n3A_1732 = arith.select %gt3A_1729, %get3A_1727, %select_n3A_1708 : vector<16xi1>, vector<16xf32>
      %select_n3A_1733 = arith.select %gt3A_1729, %add3A_1715, %select_n3A_1709 : vector<16xi1>, vector<16xi32>
      %add3A_1734 = arith.constant 16 : i32
      %add3A_1735 = vector.broadcast %add3A_1734 : i32 to vector<16xi32>
      %add3A_1736 = arith.addi %add3A_1712, %add3A_1735 : vector<16xi32>
      %add3A_1737 = arith.constant 16 : i32
      %add3A_1738 = vector.broadcast %add3A_1737 : i32 to vector<16xi32>
      %add3A_1739 = arith.addi %add3A_1715, %add3A_1738 : vector<16xi32>
      %get3A_1740 = arith.constant 0 : i32
      %get3A_1741 = arith.index_cast %get3A_1740 : i32 to index
      %get3A_1742 = arith.index_cast %scan3A_1589 : i32 to index
      %get3A_1743 = arith.constant 96 : index
      %get3A_1744 = tpu.vector_load %arg6[%get3A_1741, %get3A_1742, %get3A_1743] {strides = array<i32>} : memref<4x64x128xf32, #tpu.memory_space<vmem>>, vector<16xf32>,
      %add3A_1745 = arith.constant 32 : i32
      %add3A_1746 = arith.addi %add3A_1745, %scan3A_1589 : i32
      %get3A_1747 = arith.constant 0 : i32
      %get3A_1748 = arith.index_cast %get3A_1747 : i32 to index
      %get3A_1749 = arith.index_cast %add3A_1746 : i32 to index
      %get3A_1750 = arith.constant 96 : index
      %get3A_1751 = tpu.vector_load %arg6[%get3A_1748, %get3A_1749, %get3A_1750] {strides = array<i32>} : memref<4x64x128xf32, #tpu.memory_space<vmem>>, vector<16xf32>,
      %gt3A_1752 = arith.cmpf ogt, %get3A_1744, %select_n3A_1730 : vector<16xf32>
      %gt3A_1753 = arith.cmpf ogt, %get3A_1751, %select_n3A_1732 : vector<16xf32>
      %select_n3A_1754 = arith.select %gt3A_1752, %get3A_1744, %select_n3A_1730 : vector<16xi1>, vector<16xf32>
      %select_n3A_1755 = arith.select %gt3A_1752, %add3A_1736, %select_n3A_1731 : vector<16xi1>, vector<16xi32>
      %select_n3A_1756 = arith.select %gt3A_1753, %get3A_1751, %select_n3A_1732 : vector<16xi1>, vector<16xf32>
      %select_n3A_1757 = arith.select %gt3A_1753, %add3A_1739, %select_n3A_1733 : vector<16xi1>, vector<16xi32>
      %add3A_1758 = arith.constant 16 : i32
      %add3A_1759 = vector.broadcast %add3A_1758 : i32 to vector<16xi32>
      %add3A_1760 = arith.addi %add3A_1736, %add3A_1759 : vector<16xi32>
      %add3A_1761 = arith.constant 16 : i32
      %add3A_1762 = vector.broadcast %add3A_1761 : i32 to vector<16xi32>
      %add3A_1763 = arith.addi %add3A_1739, %add3A_1762 : vector<16xi32>
      %get3A_1764 = arith.constant 0 : i32
      %get3A_1765 = arith.index_cast %get3A_1764 : i32 to index
      %get3A_1766 = arith.index_cast %scan3A_1589 : i32 to index
      %get3A_1767 = arith.constant 112 : index
      %get3A_1768 = tpu.vector_load %arg6[%get3A_1765, %get3A_1766, %get3A_1767] {strides = array<i32>} : memref<4x64x128xf32, #tpu.memory_space<vmem>>, vector<16xf32>,
      %add3A_1769 = arith.constant 32 : i32
      %add3A_1770 = arith.addi %add3A_1769, %scan3A_1589 : i32
      %get3A_1771 = arith.constant 0 : i32
      %get3A_1772 = arith.index_cast %get3A_1771 : i32 to index
      %get3A_1773 = arith.index_cast %add3A_1770 : i32 to index
      %get3A_1774 = arith.constant 112 : index
      %get3A_1775 = tpu.vector_load %arg6[%get3A_1772, %get3A_1773, %get3A_1774] {strides = array<i32>} : memref<4x64x128xf32, #tpu.memory_space<vmem>>, vector<16xf32>,
      %gt3A_1776 = arith.cmpf ogt, %get3A_1768, %select_n3A_1754 : vector<16xf32>
      %gt3A_1777 = arith.cmpf ogt, %get3A_1775, %select_n3A_1756 : vector<16xf32>
      %select_n3A_1778 = arith.select %gt3A_1776, %get3A_1768, %select_n3A_1754 : vector<16xi1>, vector<16xf32>
      %select_n3A_1779 = arith.select %gt3A_1776, %add3A_1760, %select_n3A_1755 : vector<16xi1>, vector<16xi32>
      %select_n3A_1780 = arith.select %gt3A_1777, %get3A_1775, %select_n3A_1756 : vector<16xi1>, vector<16xf32>
      %select_n3A_1781 = arith.select %gt3A_1777, %add3A_1763, %select_n3A_1757 : vector<16xi1>, vector<16xi32>
      %add3A_1782 = arith.constant 16 : i32
      %add3A_1783 = vector.broadcast %add3A_1782 : i32 to vector<16xi32>
      %add3A_1784 = arith.addi %add3A_1760, %add3A_1783 : vector<16xi32>
      %add3A_1785 = arith.constant 16 : i32
      %add3A_1786 = vector.broadcast %add3A_1785 : i32 to vector<16xi32>
      %add3A_1787 = arith.addi %add3A_1763, %add3A_1786 : vector<16xi32>
      %scan3A_1788 = arith.constant 1 : i32
      %scan3A_1789 = arith.addi %scan3A_1589, %scan3A_1788 : i32
      %get3A_1790 = arith.constant 0 : i32
      %get3A_1791 = arith.index_cast %get3A_1790 : i32 to index
      %get3A_1792 = arith.index_cast %scan3A_1789 : i32 to index
      %get3A_1793 = arith.constant 0 : index
      %get3A_1794 = tpu.vector_load %arg6[%get3A_1791, %get3A_1792, %get3A_1793] {strides = array<i32>} : memref<4x64x128xf32, #tpu.memory_space<vmem>>, vector<16xf32>,
      %add3A_1795 = arith.constant 32 : i32
      %add3A_1796 = arith.addi %add3A_1795, %scan3A_1789 : i32
      %get3A_1797 = arith.constant 0 : i32
      %get3A_1798 = arith.index_cast %get3A_1797 : i32 to index
      %get3A_1799 = arith.index_cast %add3A_1796 : i32 to index
      %get3A_1800 = arith.constant 0 : index
      %get3A_1801 = tpu.vector_load %arg6[%get3A_1798, %get3A_1799, %get3A_1800] {strides = array<i32>} : memref<4x64x128xf32, #tpu.memory_space<vmem>>, vector<16xf32>,
      %gt3A_1802 = arith.cmpf ogt, %get3A_1794, %select_n3A_1778 : vector<16xf32>
      %gt3A_1803 = arith.cmpf ogt, %get3A_1801, %select_n3A_1780 : vector<16xf32>
      %select_n3A_1804 = arith.select %gt3A_1802, %get3A_1794, %select_n3A_1778 : vector<16xi1>, vector<16xf32>
      %select_n3A_1805 = arith.select %gt3A_1802, %add3A_1784, %select_n3A_1779 : vector<16xi1>, vector<16xi32>
      %select_n3A_1806 = arith.select %gt3A_1803, %get3A_1801, %select_n3A_1780 : vector<16xi1>, vector<16xf32>
      %select_n3A_1807 = arith.select %gt3A_1803, %add3A_1787, %select_n3A_1781 : vector<16xi1>, vector<16xi32>
      %add3A_1808 = arith.constant 16 : i32
      %add3A_1809 = vector.broadcast %add3A_1808 : i32 to vector<16xi32>
      %add3A_1810 = arith.addi %add3A_1784, %add3A_1809 : vector<16xi32>
      %add3A_1811 = arith.constant 16 : i32
      %add3A_1812 = vector.broadcast %add3A_1811 : i32 to vector<16xi32>
      %add3A_1813 = arith.addi %add3A_1787, %add3A_1812 : vector<16xi32>
      %get3A_1814 = arith.constant 0 : i32
      %get3A_1815 = arith.index_cast %get3A_1814 : i32 to index
      %get3A_1816 = arith.index_cast %scan3A_1789 : i32 to index
      %get3A_1817 = arith.constant 16 : index
      %get3A_1818 = tpu.vector_load %arg6[%get3A_1815, %get3A_1816, %get3A_1817] {strides = array<i32>} : memref<4x64x128xf32, #tpu.memory_space<vmem>>, vector<16xf32>,
      %add3A_1819 = arith.constant 32 : i32
      %add3A_1820 = arith.addi %add3A_1819, %scan3A_1789 : i32
      %get3A_1821 = arith.constant 0 : i32
      %get3A_1822 = arith.index_cast %get3A_1821 : i32 to index
      %get3A_1823 = arith.index_cast %add3A_1820 : i32 to index
      %get3A_1824 = arith.constant 16 : index
      %get3A_1825 = tpu.vector_load %arg6[%get3A_1822, %get3A_1823, %get3A_1824] {strides = array<i32>} : memref<4x64x128xf32, #tpu.memory_space<vmem>>, vector<16xf32>,
      %gt3A_1826 = arith.cmpf ogt, %get3A_1818, %select_n3A_1804 : vector<16xf32>
      %gt3A_1827 = arith.cmpf ogt, %get3A_1825, %select_n3A_1806 : vector<16xf32>
      %select_n3A_1828 = arith.select %gt3A_1826, %get3A_1818, %select_n3A_1804 : vector<16xi1>, vector<16xf32>
      %select_n3A_1829 = arith.select %gt3A_1826, %add3A_1810, %select_n3A_1805 : vector<16xi1>, vector<16xi32>
      %select_n3A_1830 = arith.select %gt3A_1827, %get3A_1825, %select_n3A_1806 : vector<16xi1>, vector<16xf32>
      %select_n3A_1831 = arith.select %gt3A_1827, %add3A_1813, %select_n3A_1807 : vector<16xi1>, vector<16xi32>
      %add3A_1832 = arith.constant 16 : i32
      %add3A_1833 = vector.broadcast %add3A_1832 : i32 to vector<16xi32>
      %add3A_1834 = arith.addi %add3A_1810, %add3A_1833 : vector<16xi32>
      %add3A_1835 = arith.constant 16 : i32
      %add3A_1836 = vector.broadcast %add3A_1835 : i32 to vector<16xi32>
      %add3A_1837 = arith.addi %add3A_1813, %add3A_1836 : vector<16xi32>
      %get3A_1838 = arith.constant 0 : i32
      %get3A_1839 = arith.index_cast %get3A_1838 : i32 to index
      %get3A_1840 = arith.index_cast %scan3A_1789 : i32 to index
      %get3A_1841 = arith.constant 32 : index
      %get3A_1842 = tpu.vector_load %arg6[%get3A_1839, %get3A_1840, %get3A_1841] {strides = array<i32>} : memref<4x64x128xf32, #tpu.memory_space<vmem>>, vector<16xf32>,
      %add3A_1843 = arith.constant 32 : i32
      %add3A_1844 = arith.addi %add3A_1843, %scan3A_1789 : i32
      %get3A_1845 = arith.constant 0 : i32
      %get3A_1846 = arith.index_cast %get3A_1845 : i32 to index
      %get3A_1847 = arith.index_cast %add3A_1844 : i32 to index
      %get3A_1848 = arith.constant 32 : index
      %get3A_1849 = tpu.vector_load %arg6[%get3A_1846, %get3A_1847, %get3A_1848] {strides = array<i32>} : memref<4x64x128xf32, #tpu.memory_space<vmem>>, vector<16xf32>,
      %gt3A_1850 = arith.cmpf ogt, %get3A_1842, %select_n3A_1828 : vector<16xf32>
      %gt3A_1851 = arith.cmpf ogt, %get3A_1849, %select_n3A_1830 : vector<16xf32>
      %select_n3A_1852 = arith.select %gt3A_1850, %get3A_1842, %select_n3A_1828 : vector<16xi1>, vector<16xf32>
      %select_n3A_1853 = arith.select %gt3A_1850, %add3A_1834, %select_n3A_1829 : vector<16xi1>, vector<16xi32>
      %select_n3A_1854 = arith.select %gt3A_1851, %get3A_1849, %select_n3A_1830 : vector<16xi1>, vector<16xf32>
      %select_n3A_1855 = arith.select %gt3A_1851, %add3A_1837, %select_n3A_1831 : vector<16xi1>, vector<16xi32>
      %add3A_1856 = arith.constant 16 : i32
      %add3A_1857 = vector.broadcast %add3A_1856 : i32 to vector<16xi32>
      %add3A_1858 = arith.addi %add3A_1834, %add3A_1857 : vector<16xi32>
      %add3A_1859 = arith.constant 16 : i32
      %add3A_1860 = vector.broadcast %add3A_1859 : i32 to vector<16xi32>
      %add3A_1861 = arith.addi %add3A_1837, %add3A_1860 : vector<16xi32>
      %get3A_1862 = arith.constant 0 : i32
      %get3A_1863 = arith.index_cast %get3A_1862 : i32 to index
      %get3A_1864 = arith.index_cast %scan3A_1789 : i32 to index
      %get3A_1865 = arith.constant 48 : index
      %get3A_1866 = tpu.vector_load %arg6[%get3A_1863, %get3A_1864, %get3A_1865] {strides = array<i32>} : memref<4x64x128xf32, #tpu.memory_space<vmem>>, vector<16xf32>,
      %add3A_1867 = arith.constant 32 : i32
      %add3A_1868 = arith.addi %add3A_1867, %scan3A_1789 : i32
      %get3A_1869 = arith.constant 0 : i32
      %get3A_1870 = arith.index_cast %get3A_1869 : i32 to index
      %get3A_1871 = arith.index_cast %add3A_1868 : i32 to index
      %get3A_1872 = arith.constant 48 : index
      %get3A_1873 = tpu.vector_load %arg6[%get3A_1870, %get3A_1871, %get3A_1872] {strides = array<i32>} : memref<4x64x128xf32, #tpu.memory_space<vmem>>, vector<16xf32>,
      %gt3A_1874 = arith.cmpf ogt, %get3A_1866, %select_n3A_1852 : vector<16xf32>
      %gt3A_1875 = arith.cmpf ogt, %get3A_1873, %select_n3A_1854 : vector<16xf32>
      %select_n3A_1876 = arith.select %gt3A_1874, %get3A_1866, %select_n3A_1852 : vector<16xi1>, vector<16xf32>
      %select_n3A_1877 = arith.select %gt3A_1874, %add3A_1858, %select_n3A_1853 : vector<16xi1>, vector<16xi32>
      %select_n3A_1878 = arith.select %gt3A_1875, %get3A_1873, %select_n3A_1854 : vector<16xi1>, vector<16xf32>
      %select_n3A_1879 = arith.select %gt3A_1875, %add3A_1861, %select_n3A_1855 : vector<16xi1>, vector<16xi32>
      %add3A_1880 = arith.constant 16 : i32
      %add3A_1881 = vector.broadcast %add3A_1880 : i32 to vector<16xi32>
      %add3A_1882 = arith.addi %add3A_1858, %add3A_1881 : vector<16xi32>
      %add3A_1883 = arith.constant 16 : i32
      %add3A_1884 = vector.broadcast %add3A_1883 : i32 to vector<16xi32>
      %add3A_1885 = arith.addi %add3A_1861, %add3A_1884 : vector<16xi32>
      %get3A_1886 = arith.constant 0 : i32
      %get3A_1887 = arith.index_cast %get3A_1886 : i32 to index
      %get3A_1888 = arith.index_cast %scan3A_1789 : i32 to index
      %get3A_1889 = arith.constant 64 : index
      %get3A_1890 = tpu.vector_load %arg6[%get3A_1887, %get3A_1888, %get3A_1889] {strides = array<i32>} : memref<4x64x128xf32, #tpu.memory_space<vmem>>, vector<16xf32>,
      %add3A_1891 = arith.constant 32 : i32
      %add3A_1892 = arith.addi %add3A_1891, %scan3A_1789 : i32
      %get3A_1893 = arith.constant 0 : i32
      %get3A_1894 = arith.index_cast %get3A_1893 : i32 to index
      %get3A_1895 = arith.index_cast %add3A_1892 : i32 to index
      %get3A_1896 = arith.constant 64 : index
      %get3A_1897 = tpu.vector_load %arg6[%get3A_1894, %get3A_1895, %get3A_1896] {strides = array<i32>} : memref<4x64x128xf32, #tpu.memory_space<vmem>>, vector<16xf32>,
      %gt3A_1898 = arith.cmpf ogt, %get3A_1890, %select_n3A_1876 : vector<16xf32>
      %gt3A_1899 = arith.cmpf ogt, %get3A_1897, %select_n3A_1878 : vector<16xf32>
      %select_n3A_1900 = arith.select %gt3A_1898, %get3A_1890, %select_n3A_1876 : vector<16xi1>, vector<16xf32>
      %select_n3A_1901 = arith.select %gt3A_1898, %add3A_1882, %select_n3A_1877 : vector<16xi1>, vector<16xi32>
      %select_n3A_1902 = arith.select %gt3A_1899, %get3A_1897, %select_n3A_1878 : vector<16xi1>, vector<16xf32>
      %select_n3A_1903 = arith.select %gt3A_1899, %add3A_1885, %select_n3A_1879 : vector<16xi1>, vector<16xi32>
      %add3A_1904 = arith.constant 16 : i32
      %add3A_1905 = vector.broadcast %add3A_1904 : i32 to vector<16xi32>
      %add3A_1906 = arith.addi %add3A_1882, %add3A_1905 : vector<16xi32>
      %add3A_1907 = arith.constant 16 : i32
      %add3A_1908 = vector.broadcast %add3A_1907 : i32 to vector<16xi32>
      %add3A_1909 = arith.addi %add3A_1885, %add3A_1908 : vector<16xi32>
      %get3A_1910 = arith.constant 0 : i32
      %get3A_1911 = arith.index_cast %get3A_1910 : i32 to index
      %get3A_1912 = arith.index_cast %scan3A_1789 : i32 to index
      %get3A_1913 = arith.constant 80 : index
      %get3A_1914 = tpu.vector_load %arg6[%get3A_1911, %get3A_1912, %get3A_1913] {strides = array<i32>} : memref<4x64x128xf32, #tpu.memory_space<vmem>>, vector<16xf32>,
      %add3A_1915 = arith.constant 32 : i32
      %add3A_1916 = arith.addi %add3A_1915, %scan3A_1789 : i32
      %get3A_1917 = arith.constant 0 : i32
      %get3A_1918 = arith.index_cast %get3A_1917 : i32 to index
      %get3A_1919 = arith.index_cast %add3A_1916 : i32 to index
      %get3A_1920 = arith.constant 80 : index
      %get3A_1921 = tpu.vector_load %arg6[%get3A_1918, %get3A_1919, %get3A_1920] {strides = array<i32>} : memref<4x64x128xf32, #tpu.memory_space<vmem>>, vector<16xf32>,
      %gt3A_1922 = arith.cmpf ogt, %get3A_1914, %select_n3A_1900 : vector<16xf32>
      %gt3A_1923 = arith.cmpf ogt, %get3A_1921, %select_n3A_1902 : vector<16xf32>
      %select_n3A_1924 = arith.select %gt3A_1922, %get3A_1914, %select_n3A_1900 : vector<16xi1>, vector<16xf32>
      %select_n3A_1925 = arith.select %gt3A_1922, %add3A_1906, %select_n3A_1901 : vector<16xi1>, vector<16xi32>
      %select_n3A_1926 = arith.select %gt3A_1923, %get3A_1921, %select_n3A_1902 : vector<16xi1>, vector<16xf32>
      %select_n3A_1927 = arith.select %gt3A_1923, %add3A_1909, %select_n3A_1903 : vector<16xi1>, vector<16xi32>
      %add3A_1928 = arith.constant 16 : i32
      %add3A_1929 = vector.broadcast %add3A_1928 : i32 to vector<16xi32>
      %add3A_1930 = arith.addi %add3A_1906, %add3A_1929 : vector<16xi32>
      %add3A_1931 = arith.constant 16 : i32
      %add3A_1932 = vector.broadcast %add3A_1931 : i32 to vector<16xi32>
      %add3A_1933 = arith.addi %add3A_1909, %add3A_1932 : vector<16xi32>
      %get3A_1934 = arith.constant 0 : i32
      %get3A_1935 = arith.index_cast %get3A_1934 : i32 to index
      %get3A_1936 = arith.index_cast %scan3A_1789 : i32 to index
      %get3A_1937 = arith.constant 96 : index
      %get3A_1938 = tpu.vector_load %arg6[%get3A_1935, %get3A_1936, %get3A_1937] {strides = array<i32>} : memref<4x64x128xf32, #tpu.memory_space<vmem>>, vector<16xf32>,
      %add3A_1939 = arith.constant 32 : i32
      %add3A_1940 = arith.addi %add3A_1939, %scan3A_1789 : i32
      %get3A_1941 = arith.constant 0 : i32
      %get3A_1942 = arith.index_cast %get3A_1941 : i32 to index
      %get3A_1943 = arith.index_cast %add3A_1940 : i32 to index
      %get3A_1944 = arith.constant 96 : index
      %get3A_1945 = tpu.vector_load %arg6[%get3A_1942, %get3A_1943, %get3A_1944] {strides = array<i32>} : memref<4x64x128xf32, #tpu.memory_space<vmem>>, vector<16xf32>,
      %gt3A_1946 = arith.cmpf ogt, %get3A_1938, %select_n3A_1924 : vector<16xf32>
      %gt3A_1947 = arith.cmpf ogt, %get3A_1945, %select_n3A_1926 : vector<16xf32>
      %select_n3A_1948 = arith.select %gt3A_1946, %get3A_1938, %select_n3A_1924 : vector<16xi1>, vector<16xf32>
      %select_n3A_1949 = arith.select %gt3A_1946, %add3A_1930, %select_n3A_1925 : vector<16xi1>, vector<16xi32>
      %select_n3A_1950 = arith.select %gt3A_1947, %get3A_1945, %select_n3A_1926 : vector<16xi1>, vector<16xf32>
      %select_n3A_1951 = arith.select %gt3A_1947, %add3A_1933, %select_n3A_1927 : vector<16xi1>, vector<16xi32>
      %add3A_1952 = arith.constant 16 : i32
      %add3A_1953 = vector.broadcast %add3A_1952 : i32 to vector<16xi32>
      %add3A_1954 = arith.addi %add3A_1930, %add3A_1953 : vector<16xi32>
      %add3A_1955 = arith.constant 16 : i32
      %add3A_1956 = vector.broadcast %add3A_1955 : i32 to vector<16xi32>
      %add3A_1957 = arith.addi %add3A_1933, %add3A_1956 : vector<16xi32>
      %get3A_1958 = arith.constant 0 : i32
      %get3A_1959 = arith.index_cast %get3A_1958 : i32 to index
      %get3A_1960 = arith.index_cast %scan3A_1789 : i32 to index
      %get3A_1961 = arith.constant 112 : index
      %get3A_1962 = tpu.vector_load %arg6[%get3A_1959, %get3A_1960, %get3A_1961] {strides = array<i32>} : memref<4x64x128xf32, #tpu.memory_space<vmem>>, vector<16xf32>,
      %add3A_1963 = arith.constant 32 : i32
      %add3A_1964 = arith.addi %add3A_1963, %scan3A_1789 : i32
      %get3A_1965 = arith.constant 0 : i32
      %get3A_1966 = arith.index_cast %get3A_1965 : i32 to index
      %get3A_1967 = arith.index_cast %add3A_1964 : i32 to index
      %get3A_1968 = arith.constant 112 : index
      %get3A_1969 = tpu.vector_load %arg6[%get3A_1966, %get3A_1967, %get3A_1968] {strides = array<i32>} : memref<4x64x128xf32, #tpu.memory_space<vmem>>, vector<16xf32>,
      %gt3A_1970 = arith.cmpf ogt, %get3A_1962, %select_n3A_1948 : vector<16xf32>
      %gt3A_1971 = arith.cmpf ogt, %get3A_1969, %select_n3A_1950 : vector<16xf32>
      %select_n3A_1972 = arith.select %gt3A_1970, %get3A_1962, %select_n3A_1948 : vector<16xi1>, vector<16xf32>
      %select_n3A_1973 = arith.select %gt3A_1970, %add3A_1954, %select_n3A_1949 : vector<16xi1>, vector<16xi32>
      %select_n3A_1974 = arith.select %gt3A_1971, %get3A_1969, %select_n3A_1950 : vector<16xi1>, vector<16xf32>
      %select_n3A_1975 = arith.select %gt3A_1971, %add3A_1957, %select_n3A_1951 : vector<16xi1>, vector<16xi32>
      %add3A_1976 = arith.constant 16 : i32
      %add3A_1977 = vector.broadcast %add3A_1976 : i32 to vector<16xi32>
      %add3A_1978 = arith.addi %add3A_1954, %add3A_1977 : vector<16xi32>
      %add3A_1979 = arith.constant 16 : i32
      %add3A_1980 = vector.broadcast %add3A_1979 : i32 to vector<16xi32>
      %add3A_1981 = arith.addi %add3A_1957, %add3A_1980 : vector<16xi32>
      scf.yield %select_n3A_1972, %select_n3A_1973, %add3A_1978, %select_n3A_1974, %select_n3A_1975, %add3A_1981 : vector<16xf32>, vector<16xi32>, vector<16xi32>, vector<16xf32>, vector<16xi32>, vector<16xi32>
    }
    %scan3A_180 = arith.constant 32 : i32
    %gt3A = arith.cmpf ogt, %scan3A_179#3, %scan3A_179#0 : vector<16xf32>
    %select_n3A_181 = arith.select %gt3A, %scan3A_179#3, %scan3A_179#0 : vector<16xi1>, vector<16xf32>
    %select_n3A_182 = arith.select %gt3A, %scan3A_179#4, %scan3A_179#1 : vector<16xi1>, vector<16xi32>
    %reduce_max3A = arith.constant true
    %reduce_max3A_183 = vector.broadcast %reduce_max3A : i1 to vector<16xi1>
    %reduce_max3A_184 = tpu.scan <max>, %select_n3A_181 masked %reduce_max3A_183 : vector<16xf32>, vector<16xi1> -> vector<16xf32>
    %reduce_max3A_185 = vector.extract %reduce_max3A_184[15] : f32 from vector<16xf32>
    %eq3A_186 = vector.broadcast %reduce_max3A_185 : f32 to vector<16xf32>
    %eq3A_187 = arith.cmpf oeq, %select_n3A_181, %eq3A_186 : vector<16xf32>
    %jit3A_188 = arith.constant 2147483647 : i32
    %broadcast_in_dim3A_189 = vector.broadcast %jit3A_188 : i32 to vector<16xi32>
    %select_n3A_190 = arith.select %eq3A_187, %select_n3A_182, %broadcast_in_dim3A_189 : vector<16xi1>, vector<16xi32>
    %reduce_min3A = arith.constant true
    %reduce_min3A_191 = vector.broadcast %reduce_min3A : i1 to vector<16xi1>
    %reduce_min3A_192 = arith.constant -2147483648 : i32
    %reduce_min3A_193 = vector.broadcast %reduce_min3A_192 : i32 to vector<16xi32>
    %reduce_min3A_194 = arith.xori %select_n3A_190, %reduce_min3A_193 : vector<16xi32>
    %reduce_min3A_195 = tpu.scan <min>, %reduce_min3A_194 masked %reduce_min3A_191 : vector<16xi32>, vector<16xi1> -> vector<16xi32>
    %reduce_min3A_196 = arith.xori %reduce_min3A_195, %reduce_min3A_193 : vector<16xi32>
    %reduce_min3A_197 = vector.extract %reduce_min3A_196[15] : i32 from vector<16xi32>
    %add3A_198 = arith.constant 0 : i32
    %add3A_199 = arith.addi %mul3A_2, %add3A_198 : i32
    %shift_right_arithmetic3A = arith.constant 7 : i32
    %shift_right_arithmetic3A_200 = arith.shrsi %reduce_min3A_197, %shift_right_arithmetic3A : i32
    %and3A_201 = arith.constant 127 : i32
    %and3A_202 = arith.andi %reduce_min3A_197, %and3A_201 : i32
    %and3A_203 = arith.constant -16 : i32
    %and3A_204 = arith.andi %and3A_202, %and3A_203 : i32
    %multiple_of3A = tpu.assume_multiple %and3A_204, 16 : i32
    %dma_start3A_205 = arith.constant 0 : i32
    %dma_start3A_206 = arith.constant 0 : i32
    %dma_start3A_207 = arith.constant 0 : i32
    %dma_start3A_208 = tpu.memref_slice %arg7[%dma_start3A_206, %dma_start3A_207] : memref<8x16xf32, #tpu.memory_space<vmem>> -> memref<1x16xf32, #tpu.memory_space<vmem>>
    %dma_start3A_209 = tpu.memref_squeeze %dma_start3A_208 : memref<1x16xf32, #tpu.memory_space<vmem>> -> memref<16xf32, #tpu.memory_space<vmem>>
    %dma_start3A_210 = tpu.memref_slice %arg3[%add3A_199, %shift_right_arithmetic3A_200, %dma_start3A_205, %multiple_of3A] : memref<128x64x2x128xf32, #tpu.memory_space<hbm>> -> memref<1x1x1x16xf32, #tpu.memory_space<hbm>>
    %dma_start3A_211 = tpu.memref_squeeze %dma_start3A_210 : memref<1x1x1x16xf32, #tpu.memory_space<hbm>> -> memref<16xf32, #tpu.memory_space<hbm>>
    %dma_start3A_212 = arith.constant 0 : i32
    %dma_start3A_213 = tpu.memref_slice %arg7[%dma_start3A_206, %dma_start3A_212] : memref<8x16xf32, #tpu.memory_space<vmem>> -> memref<1x16xf32, #tpu.memory_space<vmem>>
    %dma_start3A_214 = tpu.memref_squeeze %dma_start3A_213 : memref<1x16xf32, #tpu.memory_space<vmem>> -> memref<16xf32, #tpu.memory_space<vmem>>
    %dma_start3A_215 = tpu.memref_slice %arg3[%add3A_199, %shift_right_arithmetic3A_200, %dma_start3A_205, %multiple_of3A] : memref<128x64x2x128xf32, #tpu.memory_space<hbm>> -> memref<1x1x1x16xf32, #tpu.memory_space<hbm>>
    %dma_start3A_216 = tpu.memref_squeeze %dma_start3A_215 : memref<1x1x1x16xf32, #tpu.memory_space<hbm>> -> memref<16xf32, #tpu.memory_space<hbm>>
    tpu.enqueue_dma source(%dma_start3A_216 : memref<16xf32, #tpu.memory_space<hbm>>) target(%dma_start3A_214 : memref<16xf32, #tpu.memory_space<vmem>>) target_semaphore(%arg15 : memref<!tpu.dma_semaphore, #tpu.memory_space<semaphore_mem>>)
    %add3A_217 = arith.constant 0 : i32
    %add3A_218 = arith.addi %mul3A_2, %add3A_217 : i32
    %shift_right_arithmetic3A_219 = arith.constant 7 : i32
    %shift_right_arithmetic3A_220 = arith.shrsi %reduce_min3A_197, %shift_right_arithmetic3A_219 : i32
    %and3A_221 = arith.constant 127 : i32
    %and3A_222 = arith.andi %reduce_min3A_197, %and3A_221 : i32
    %and3A_223 = arith.constant -16 : i32
    %and3A_224 = arith.andi %and3A_222, %and3A_223 : i32
    %multiple_of3A_225 = tpu.assume_multiple %and3A_224, 16 : i32
    %dma_start3A_226 = arith.constant 1 : i32
    %dma_start3A_227 = arith.constant 1 : i32
    %dma_start3A_228 = arith.constant 0 : i32
    %dma_start3A_229 = tpu.memref_slice %arg7[%dma_start3A_227, %dma_start3A_228] : memref<8x16xf32, #tpu.memory_space<vmem>> -> memref<1x16xf32, #tpu.memory_space<vmem>>
    %dma_start3A_230 = tpu.memref_squeeze %dma_start3A_229 : memref<1x16xf32, #tpu.memory_space<vmem>> -> memref<16xf32, #tpu.memory_space<vmem>>
    %dma_start3A_231 = tpu.memref_slice %arg3[%add3A_218, %shift_right_arithmetic3A_220, %dma_start3A_226, %multiple_of3A_225] : memref<128x64x2x128xf32, #tpu.memory_space<hbm>> -> memref<1x1x1x16xf32, #tpu.memory_space<hbm>>
    %dma_start3A_232 = tpu.memref_squeeze %dma_start3A_231 : memref<1x1x1x16xf32, #tpu.memory_space<hbm>> -> memref<16xf32, #tpu.memory_space<hbm>>
    %dma_start3A_233 = arith.constant 0 : i32
    %dma_start3A_234 = tpu.memref_slice %arg7[%dma_start3A_227, %dma_start3A_233] : memref<8x16xf32, #tpu.memory_space<vmem>> -> memref<1x16xf32, #tpu.memory_space<vmem>>
    %dma_start3A_235 = tpu.memref_squeeze %dma_start3A_234 : memref<1x16xf32, #tpu.memory_space<vmem>> -> memref<16xf32, #tpu.memory_space<vmem>>
    %dma_start3A_236 = tpu.memref_slice %arg3[%add3A_218, %shift_right_arithmetic3A_220, %dma_start3A_226, %multiple_of3A_225] : memref<128x64x2x128xf32, #tpu.memory_space<hbm>> -> memref<1x1x1x16xf32, #tpu.memory_space<hbm>>
    %dma_start3A_237 = tpu.memref_squeeze %dma_start3A_236 : memref<1x1x1x16xf32, #tpu.memory_space<hbm>> -> memref<16xf32, #tpu.memory_space<hbm>>
    tpu.enqueue_dma source(%dma_start3A_237 : memref<16xf32, #tpu.memory_space<hbm>>) target(%dma_start3A_235 : memref<16xf32, #tpu.memory_space<vmem>>) target_semaphore(%arg15 : memref<!tpu.dma_semaphore, #tpu.memory_space<semaphore_mem>>)
    %dma_wait3A_238 = arith.constant 1 : i32
    %dma_wait3A_239 = arith.constant 0 : i32
    %dma_wait3A_240 = arith.constant 0 : i32
    %dma_wait3A_241 = tpu.memref_slice %arg6[%dma_wait3A_238, %dma_wait3A_239, %dma_wait3A_240] : memref<4x64x128xf32, #tpu.memory_space<vmem>> -> memref<1x64x128xf32, #tpu.memory_space<vmem>>
    %dma_wait3A_242 = tpu.memref_squeeze %dma_wait3A_241 : memref<1x64x128xf32, #tpu.memory_space<vmem>> -> memref<64x128xf32, #tpu.memory_space<vmem>>
    %dma_wait3A_243 = arith.constant 0 : i32
    %dma_wait3A_244 = arith.constant 0 : i32
    %dma_wait3A_245 = tpu.memref_slice %arg2[%select_n3A, %dma_wait3A_243, %add3A_68, %dma_wait3A_244] : memref<16x64x8x128xf32, #tpu.memory_space<hbm>> -> memref<1x64x1x128xf32, #tpu.memory_space<hbm>>
    %dma_wait3A_246 = tpu.memref_squeeze %dma_wait3A_245 : memref<1x64x1x128xf32, #tpu.memory_space<hbm>> -> memref<64x128xf32, #tpu.memory_space<hbm>>
    %dma_wait3A_247 = arith.constant 0 : i32
    %dma_wait3A_248 = arith.constant 0 : i32
    %dma_wait3A_249 = tpu.memref_slice %arg6[%dma_wait3A_238, %dma_wait3A_247, %dma_wait3A_248] : memref<4x64x128xf32, #tpu.memory_space<vmem>> -> memref<1x64x128xf32, #tpu.memory_space<vmem>>
    %dma_wait3A_250 = tpu.memref_squeeze %dma_wait3A_249 : memref<1x64x128xf32, #tpu.memory_space<vmem>> -> memref<64x128xf32, #tpu.memory_space<vmem>>
    %dma_wait3A_251 = arith.constant 0 : i32
    %dma_wait3A_252 = arith.constant 0 : i32
    %dma_wait3A_253 = tpu.memref_slice %arg2[%select_n3A, %dma_wait3A_251, %add3A_68, %dma_wait3A_252] : memref<16x64x8x128xf32, #tpu.memory_space<hbm>> -> memref<1x64x1x128xf32, #tpu.memory_space<hbm>>
    %dma_wait3A_254 = tpu.memref_squeeze %dma_wait3A_253 : memref<1x64x1x128xf32, #tpu.memory_space<hbm>> -> memref<64x128xf32, #tpu.memory_space<hbm>>
    tpu.wait_dma2 semaphore(%arg12 : memref<!tpu.dma_semaphore, #tpu.memory_space<semaphore_mem>>) src(%dma_wait3A_254 : memref<64x128xf32, #tpu.memory_space<hbm>>) dst(%dma_wait3A_250 : memref<64x128xf32, #tpu.memory_space<vmem>>)
    %iota3A_255 = tpu.iota {dimensions = array<i32: 0>} : vector<16xi32>
    %broadcast_in_dim3A_256 = arith.constant 0xFF800000 : f32
    %broadcast_in_dim3A_257 = vector.broadcast %broadcast_in_dim3A_256 : f32 to vector<16xf32>
    %add3A_258 = arith.constant 4096 : i32
    %add3A_259 = vector.broadcast %add3A_258 : i32 to vector<16xi32>
    %add3A_260 = arith.addi %iota3A_255, %add3A_259 : vector<16xi32>
    %scan3A_261 = arith.constant 0 : i32
    %scan3A_262 = arith.constant 32 : i32
    %scan3A_263 = arith.addi %scan3A_261, %scan3A_262 : i32
    %scan3A_264 = arith.constant 2 : i32
    %scan3A_265:6 = scf.for %scan3A_1589 = %scan3A_261 to %scan3A_263 step %scan3A_264 iter_args(%scan3A_1590 = %broadcast_in_dim3A_257, %scan3A_1591 = %iota3A_255, %scan3A_1592 = %iota3A_255, %scan3A_1593 = %broadcast_in_dim3A_257, %scan3A_1594 = %add3A_260, %scan3A_1595 = %add3A_260) -> (vector<16xf32>, vector<16xi32>, vector<16xi32>, vector<16xf32>, vector<16xi32>, vector<16xi32>)  : i32 {
      %get3A_1596 = arith.constant 1 : i32
      %get3A_1597 = arith.index_cast %get3A_1596 : i32 to index
      %get3A_1598 = arith.index_cast %scan3A_1589 : i32 to index
      %get3A_1599 = arith.constant 0 : index
      %get3A_1600 = tpu.vector_load %arg6[%get3A_1597, %get3A_1598, %get3A_1599] {strides = array<i32>} : memref<4x64x128xf32, #tpu.memory_space<vmem>>, vector<16xf32>,
      %add3A_1601 = arith.constant 32 : i32
      %add3A_1602 = arith.addi %add3A_1601, %scan3A_1589 : i32
      %get3A_1603 = arith.constant 1 : i32
      %get3A_1604 = arith.index_cast %get3A_1603 : i32 to index
      %get3A_1605 = arith.index_cast %add3A_1602 : i32 to index
      %get3A_1606 = arith.constant 0 : index
      %get3A_1607 = tpu.vector_load %arg6[%get3A_1604, %get3A_1605, %get3A_1606] {strides = array<i32>} : memref<4x64x128xf32, #tpu.memory_space<vmem>>, vector<16xf32>,
      %gt3A_1608 = arith.cmpf ogt, %get3A_1600, %scan3A_1590 : vector<16xf32>
      %gt3A_1609 = arith.cmpf ogt, %get3A_1607, %scan3A_1593 : vector<16xf32>
      %select_n3A_1610 = arith.select %gt3A_1608, %get3A_1600, %scan3A_1590 : vector<16xi1>, vector<16xf32>
      %select_n3A_1611 = arith.select %gt3A_1608, %scan3A_1592, %scan3A_1591 : vector<16xi1>, vector<16xi32>
      %select_n3A_1612 = arith.select %gt3A_1609, %get3A_1607, %scan3A_1593 : vector<16xi1>, vector<16xf32>
      %select_n3A_1613 = arith.select %gt3A_1609, %scan3A_1595, %scan3A_1594 : vector<16xi1>, vector<16xi32>
      %add3A_1614 = arith.constant 16 : i32
      %add3A_1615 = vector.broadcast %add3A_1614 : i32 to vector<16xi32>
      %add3A_1616 = arith.addi %scan3A_1592, %add3A_1615 : vector<16xi32>
      %add3A_1617 = arith.constant 16 : i32
      %add3A_1618 = vector.broadcast %add3A_1617 : i32 to vector<16xi32>
      %add3A_1619 = arith.addi %scan3A_1595, %add3A_1618 : vector<16xi32>
      %get3A_1620 = arith.constant 1 : i32
      %get3A_1621 = arith.index_cast %get3A_1620 : i32 to index
      %get3A_1622 = arith.index_cast %scan3A_1589 : i32 to index
      %get3A_1623 = arith.constant 16 : index
      %get3A_1624 = tpu.vector_load %arg6[%get3A_1621, %get3A_1622, %get3A_1623] {strides = array<i32>} : memref<4x64x128xf32, #tpu.memory_space<vmem>>, vector<16xf32>,
      %add3A_1625 = arith.constant 32 : i32
      %add3A_1626 = arith.addi %add3A_1625, %scan3A_1589 : i32
      %get3A_1627 = arith.constant 1 : i32
      %get3A_1628 = arith.index_cast %get3A_1627 : i32 to index
      %get3A_1629 = arith.index_cast %add3A_1626 : i32 to index
      %get3A_1630 = arith.constant 16 : index
      %get3A_1631 = tpu.vector_load %arg6[%get3A_1628, %get3A_1629, %get3A_1630] {strides = array<i32>} : memref<4x64x128xf32, #tpu.memory_space<vmem>>, vector<16xf32>,
      %gt3A_1632 = arith.cmpf ogt, %get3A_1624, %select_n3A_1610 : vector<16xf32>
      %gt3A_1633 = arith.cmpf ogt, %get3A_1631, %select_n3A_1612 : vector<16xf32>
      %select_n3A_1634 = arith.select %gt3A_1632, %get3A_1624, %select_n3A_1610 : vector<16xi1>, vector<16xf32>
      %select_n3A_1635 = arith.select %gt3A_1632, %add3A_1616, %select_n3A_1611 : vector<16xi1>, vector<16xi32>
      %select_n3A_1636 = arith.select %gt3A_1633, %get3A_1631, %select_n3A_1612 : vector<16xi1>, vector<16xf32>
      %select_n3A_1637 = arith.select %gt3A_1633, %add3A_1619, %select_n3A_1613 : vector<16xi1>, vector<16xi32>
      %add3A_1638 = arith.constant 16 : i32
      %add3A_1639 = vector.broadcast %add3A_1638 : i32 to vector<16xi32>
      %add3A_1640 = arith.addi %add3A_1616, %add3A_1639 : vector<16xi32>
      %add3A_1641 = arith.constant 16 : i32
      %add3A_1642 = vector.broadcast %add3A_1641 : i32 to vector<16xi32>
      %add3A_1643 = arith.addi %add3A_1619, %add3A_1642 : vector<16xi32>
      %get3A_1644 = arith.constant 1 : i32
      %get3A_1645 = arith.index_cast %get3A_1644 : i32 to index
      %get3A_1646 = arith.index_cast %scan3A_1589 : i32 to index
      %get3A_1647 = arith.constant 32 : index
      %get3A_1648 = tpu.vector_load %arg6[%get3A_1645, %get3A_1646, %get3A_1647] {strides = array<i32>} : memref<4x64x128xf32, #tpu.memory_space<vmem>>, vector<16xf32>,
      %add3A_1649 = arith.constant 32 : i32
      %add3A_1650 = arith.addi %add3A_1649, %scan3A_1589 : i32
      %get3A_1651 = arith.constant 1 : i32
      %get3A_1652 = arith.index_cast %get3A_1651 : i32 to index
      %get3A_1653 = arith.index_cast %add3A_1650 : i32 to index
      %get3A_1654 = arith.constant 32 : index
      %get3A_1655 = tpu.vector_load %arg6[%get3A_1652, %get3A_1653, %get3A_1654] {strides = array<i32>} : memref<4x64x128xf32, #tpu.memory_space<vmem>>, vector<16xf32>,
      %gt3A_1656 = arith.cmpf ogt, %get3A_1648, %select_n3A_1634 : vector<16xf32>
      %gt3A_1657 = arith.cmpf ogt, %get3A_1655, %select_n3A_1636 : vector<16xf32>
      %select_n3A_1658 = arith.select %gt3A_1656, %get3A_1648, %select_n3A_1634 : vector<16xi1>, vector<16xf32>
      %select_n3A_1659 = arith.select %gt3A_1656, %add3A_1640, %select_n3A_1635 : vector<16xi1>, vector<16xi32>
      %select_n3A_1660 = arith.select %gt3A_1657, %get3A_1655, %select_n3A_1636 : vector<16xi1>, vector<16xf32>
      %select_n3A_1661 = arith.select %gt3A_1657, %add3A_1643, %select_n3A_1637 : vector<16xi1>, vector<16xi32>
      %add3A_1662 = arith.constant 16 : i32
      %add3A_1663 = vector.broadcast %add3A_1662 : i32 to vector<16xi32>
      %add3A_1664 = arith.addi %add3A_1640, %add3A_1663 : vector<16xi32>
      %add3A_1665 = arith.constant 16 : i32
      %add3A_1666 = vector.broadcast %add3A_1665 : i32 to vector<16xi32>
      %add3A_1667 = arith.addi %add3A_1643, %add3A_1666 : vector<16xi32>
      %get3A_1668 = arith.constant 1 : i32
      %get3A_1669 = arith.index_cast %get3A_1668 : i32 to index
      %get3A_1670 = arith.index_cast %scan3A_1589 : i32 to index
      %get3A_1671 = arith.constant 48 : index
      %get3A_1672 = tpu.vector_load %arg6[%get3A_1669, %get3A_1670, %get3A_1671] {strides = array<i32>} : memref<4x64x128xf32, #tpu.memory_space<vmem>>, vector<16xf32>,
      %add3A_1673 = arith.constant 32 : i32
      %add3A_1674 = arith.addi %add3A_1673, %scan3A_1589 : i32
      %get3A_1675 = arith.constant 1 : i32
      %get3A_1676 = arith.index_cast %get3A_1675 : i32 to index
      %get3A_1677 = arith.index_cast %add3A_1674 : i32 to index
      %get3A_1678 = arith.constant 48 : index
      %get3A_1679 = tpu.vector_load %arg6[%get3A_1676, %get3A_1677, %get3A_1678] {strides = array<i32>} : memref<4x64x128xf32, #tpu.memory_space<vmem>>, vector<16xf32>,
      %gt3A_1680 = arith.cmpf ogt, %get3A_1672, %select_n3A_1658 : vector<16xf32>
      %gt3A_1681 = arith.cmpf ogt, %get3A_1679, %select_n3A_1660 : vector<16xf32>
      %select_n3A_1682 = arith.select %gt3A_1680, %get3A_1672, %select_n3A_1658 : vector<16xi1>, vector<16xf32>
      %select_n3A_1683 = arith.select %gt3A_1680, %add3A_1664, %select_n3A_1659 : vector<16xi1>, vector<16xi32>
      %select_n3A_1684 = arith.select %gt3A_1681, %get3A_1679, %select_n3A_1660 : vector<16xi1>, vector<16xf32>
      %select_n3A_1685 = arith.select %gt3A_1681, %add3A_1667, %select_n3A_1661 : vector<16xi1>, vector<16xi32>
      %add3A_1686 = arith.constant 16 : i32
      %add3A_1687 = vector.broadcast %add3A_1686 : i32 to vector<16xi32>
      %add3A_1688 = arith.addi %add3A_1664, %add3A_1687 : vector<16xi32>
      %add3A_1689 = arith.constant 16 : i32
      %add3A_1690 = vector.broadcast %add3A_1689 : i32 to vector<16xi32>
      %add3A_1691 = arith.addi %add3A_1667, %add3A_1690 : vector<16xi32>
      %get3A_1692 = arith.constant 1 : i32
      %get3A_1693 = arith.index_cast %get3A_1692 : i32 to index
      %get3A_1694 = arith.index_cast %scan3A_1589 : i32 to index
      %get3A_1695 = arith.constant 64 : index
      %get3A_1696 = tpu.vector_load %arg6[%get3A_1693, %get3A_1694, %get3A_1695] {strides = array<i32>} : memref<4x64x128xf32, #tpu.memory_space<vmem>>, vector<16xf32>,
      %add3A_1697 = arith.constant 32 : i32
      %add3A_1698 = arith.addi %add3A_1697, %scan3A_1589 : i32
      %get3A_1699 = arith.constant 1 : i32
      %get3A_1700 = arith.index_cast %get3A_1699 : i32 to index
      %get3A_1701 = arith.index_cast %add3A_1698 : i32 to index
      %get3A_1702 = arith.constant 64 : index
      %get3A_1703 = tpu.vector_load %arg6[%get3A_1700, %get3A_1701, %get3A_1702] {strides = array<i32>} : memref<4x64x128xf32, #tpu.memory_space<vmem>>, vector<16xf32>,
      %gt3A_1704 = arith.cmpf ogt, %get3A_1696, %select_n3A_1682 : vector<16xf32>
      %gt3A_1705 = arith.cmpf ogt, %get3A_1703, %select_n3A_1684 : vector<16xf32>
      %select_n3A_1706 = arith.select %gt3A_1704, %get3A_1696, %select_n3A_1682 : vector<16xi1>, vector<16xf32>
      %select_n3A_1707 = arith.select %gt3A_1704, %add3A_1688, %select_n3A_1683 : vector<16xi1>, vector<16xi32>
      %select_n3A_1708 = arith.select %gt3A_1705, %get3A_1703, %select_n3A_1684 : vector<16xi1>, vector<16xf32>
      %select_n3A_1709 = arith.select %gt3A_1705, %add3A_1691, %select_n3A_1685 : vector<16xi1>, vector<16xi32>
      %add3A_1710 = arith.constant 16 : i32
      %add3A_1711 = vector.broadcast %add3A_1710 : i32 to vector<16xi32>
      %add3A_1712 = arith.addi %add3A_1688, %add3A_1711 : vector<16xi32>
      %add3A_1713 = arith.constant 16 : i32
      %add3A_1714 = vector.broadcast %add3A_1713 : i32 to vector<16xi32>
      %add3A_1715 = arith.addi %add3A_1691, %add3A_1714 : vector<16xi32>
      %get3A_1716 = arith.constant 1 : i32
      %get3A_1717 = arith.index_cast %get3A_1716 : i32 to index
      %get3A_1718 = arith.index_cast %scan3A_1589 : i32 to index
      %get3A_1719 = arith.constant 80 : index
      %get3A_1720 = tpu.vector_load %arg6[%get3A_1717, %get3A_1718, %get3A_1719] {strides = array<i32>} : memref<4x64x128xf32, #tpu.memory_space<vmem>>, vector<16xf32>,
      %add3A_1721 = arith.constant 32 : i32
      %add3A_1722 = arith.addi %add3A_1721, %scan3A_1589 : i32
      %get3A_1723 = arith.constant 1 : i32
      %get3A_1724 = arith.index_cast %get3A_1723 : i32 to index
      %get3A_1725 = arith.index_cast %add3A_1722 : i32 to index
      %get3A_1726 = arith.constant 80 : index
      %get3A_1727 = tpu.vector_load %arg6[%get3A_1724, %get3A_1725, %get3A_1726] {strides = array<i32>} : memref<4x64x128xf32, #tpu.memory_space<vmem>>, vector<16xf32>,
      %gt3A_1728 = arith.cmpf ogt, %get3A_1720, %select_n3A_1706 : vector<16xf32>
      %gt3A_1729 = arith.cmpf ogt, %get3A_1727, %select_n3A_1708 : vector<16xf32>
      %select_n3A_1730 = arith.select %gt3A_1728, %get3A_1720, %select_n3A_1706 : vector<16xi1>, vector<16xf32>
      %select_n3A_1731 = arith.select %gt3A_1728, %add3A_1712, %select_n3A_1707 : vector<16xi1>, vector<16xi32>
      %select_n3A_1732 = arith.select %gt3A_1729, %get3A_1727, %select_n3A_1708 : vector<16xi1>, vector<16xf32>
      %select_n3A_1733 = arith.select %gt3A_1729, %add3A_1715, %select_n3A_1709 : vector<16xi1>, vector<16xi32>
      %add3A_1734 = arith.constant 16 : i32
      %add3A_1735 = vector.broadcast %add3A_1734 : i32 to vector<16xi32>
      %add3A_1736 = arith.addi %add3A_1712, %add3A_1735 : vector<16xi32>
      %add3A_1737 = arith.constant 16 : i32
      %add3A_1738 = vector.broadcast %add3A_1737 : i32 to vector<16xi32>
      %add3A_1739 = arith.addi %add3A_1715, %add3A_1738 : vector<16xi32>
      %get3A_1740 = arith.constant 1 : i32
      %get3A_1741 = arith.index_cast %get3A_1740 : i32 to index
      %get3A_1742 = arith.index_cast %scan3A_1589 : i32 to index
      %get3A_1743 = arith.constant 96 : index
      %get3A_1744 = tpu.vector_load %arg6[%get3A_1741, %get3A_1742, %get3A_1743] {strides = array<i32>} : memref<4x64x128xf32, #tpu.memory_space<vmem>>, vector<16xf32>,
      %add3A_1745 = arith.constant 32 : i32
      %add3A_1746 = arith.addi %add3A_1745, %scan3A_1589 : i32
      %get3A_1747 = arith.constant 1 : i32
      %get3A_1748 = arith.index_cast %get3A_1747 : i32 to index
      %get3A_1749 = arith.index_cast %add3A_1746 : i32 to index
      %get3A_1750 = arith.constant 96 : index
      %get3A_1751 = tpu.vector_load %arg6[%get3A_1748, %get3A_1749, %get3A_1750] {strides = array<i32>} : memref<4x64x128xf32, #tpu.memory_space<vmem>>, vector<16xf32>,
      %gt3A_1752 = arith.cmpf ogt, %get3A_1744, %select_n3A_1730 : vector<16xf32>
      %gt3A_1753 = arith.cmpf ogt, %get3A_1751, %select_n3A_1732 : vector<16xf32>
      %select_n3A_1754 = arith.select %gt3A_1752, %get3A_1744, %select_n3A_1730 : vector<16xi1>, vector<16xf32>
      %select_n3A_1755 = arith.select %gt3A_1752, %add3A_1736, %select_n3A_1731 : vector<16xi1>, vector<16xi32>
      %select_n3A_1756 = arith.select %gt3A_1753, %get3A_1751, %select_n3A_1732 : vector<16xi1>, vector<16xf32>
      %select_n3A_1757 = arith.select %gt3A_1753, %add3A_1739, %select_n3A_1733 : vector<16xi1>, vector<16xi32>
      %add3A_1758 = arith.constant 16 : i32
      %add3A_1759 = vector.broadcast %add3A_1758 : i32 to vector<16xi32>
      %add3A_1760 = arith.addi %add3A_1736, %add3A_1759 : vector<16xi32>
      %add3A_1761 = arith.constant 16 : i32
      %add3A_1762 = vector.broadcast %add3A_1761 : i32 to vector<16xi32>
      %add3A_1763 = arith.addi %add3A_1739, %add3A_1762 : vector<16xi32>
      %get3A_1764 = arith.constant 1 : i32
      %get3A_1765 = arith.index_cast %get3A_1764 : i32 to index
      %get3A_1766 = arith.index_cast %scan3A_1589 : i32 to index
      %get3A_1767 = arith.constant 112 : index
      %get3A_1768 = tpu.vector_load %arg6[%get3A_1765, %get3A_1766, %get3A_1767] {strides = array<i32>} : memref<4x64x128xf32, #tpu.memory_space<vmem>>, vector<16xf32>,
      %add3A_1769 = arith.constant 32 : i32
      %add3A_1770 = arith.addi %add3A_1769, %scan3A_1589 : i32
      %get3A_1771 = arith.constant 1 : i32
      %get3A_1772 = arith.index_cast %get3A_1771 : i32 to index
      %get3A_1773 = arith.index_cast %add3A_1770 : i32 to index
      %get3A_1774 = arith.constant 112 : index
      %get3A_1775 = tpu.vector_load %arg6[%get3A_1772, %get3A_1773, %get3A_1774] {strides = array<i32>} : memref<4x64x128xf32, #tpu.memory_space<vmem>>, vector<16xf32>,
      %gt3A_1776 = arith.cmpf ogt, %get3A_1768, %select_n3A_1754 : vector<16xf32>
      %gt3A_1777 = arith.cmpf ogt, %get3A_1775, %select_n3A_1756 : vector<16xf32>
      %select_n3A_1778 = arith.select %gt3A_1776, %get3A_1768, %select_n3A_1754 : vector<16xi1>, vector<16xf32>
      %select_n3A_1779 = arith.select %gt3A_1776, %add3A_1760, %select_n3A_1755 : vector<16xi1>, vector<16xi32>
      %select_n3A_1780 = arith.select %gt3A_1777, %get3A_1775, %select_n3A_1756 : vector<16xi1>, vector<16xf32>
      %select_n3A_1781 = arith.select %gt3A_1777, %add3A_1763, %select_n3A_1757 : vector<16xi1>, vector<16xi32>
      %add3A_1782 = arith.constant 16 : i32
      %add3A_1783 = vector.broadcast %add3A_1782 : i32 to vector<16xi32>
      %add3A_1784 = arith.addi %add3A_1760, %add3A_1783 : vector<16xi32>
      %add3A_1785 = arith.constant 16 : i32
      %add3A_1786 = vector.broadcast %add3A_1785 : i32 to vector<16xi32>
      %add3A_1787 = arith.addi %add3A_1763, %add3A_1786 : vector<16xi32>
      %scan3A_1788 = arith.constant 1 : i32
      %scan3A_1789 = arith.addi %scan3A_1589, %scan3A_1788 : i32
      %get3A_1790 = arith.constant 1 : i32
      %get3A_1791 = arith.index_cast %get3A_1790 : i32 to index
      %get3A_1792 = arith.index_cast %scan3A_1789 : i32 to index
      %get3A_1793 = arith.constant 0 : index
      %get3A_1794 = tpu.vector_load %arg6[%get3A_1791, %get3A_1792, %get3A_1793] {strides = array<i32>} : memref<4x64x128xf32, #tpu.memory_space<vmem>>, vector<16xf32>,
      %add3A_1795 = arith.constant 32 : i32
      %add3A_1796 = arith.addi %add3A_1795, %scan3A_1789 : i32
      %get3A_1797 = arith.constant 1 : i32
      %get3A_1798 = arith.index_cast %get3A_1797 : i32 to index
      %get3A_1799 = arith.index_cast %add3A_1796 : i32 to index
      %get3A_1800 = arith.constant 0 : index
      %get3A_1801 = tpu.vector_load %arg6[%get3A_1798, %get3A_1799, %get3A_1800] {strides = array<i32>} : memref<4x64x128xf32, #tpu.memory_space<vmem>>, vector<16xf32>,
      %gt3A_1802 = arith.cmpf ogt, %get3A_1794, %select_n3A_1778 : vector<16xf32>
      %gt3A_1803 = arith.cmpf ogt, %get3A_1801, %select_n3A_1780 : vector<16xf32>
      %select_n3A_1804 = arith.select %gt3A_1802, %get3A_1794, %select_n3A_1778 : vector<16xi1>, vector<16xf32>
      %select_n3A_1805 = arith.select %gt3A_1802, %add3A_1784, %select_n3A_1779 : vector<16xi1>, vector<16xi32>
      %select_n3A_1806 = arith.select %gt3A_1803, %get3A_1801, %select_n3A_1780 : vector<16xi1>, vector<16xf32>
      %select_n3A_1807 = arith.select %gt3A_1803, %add3A_1787, %select_n3A_1781 : vector<16xi1>, vector<16xi32>
      %add3A_1808 = arith.constant 16 : i32
      %add3A_1809 = vector.broadcast %add3A_1808 : i32 to vector<16xi32>
      %add3A_1810 = arith.addi %add3A_1784, %add3A_1809 : vector<16xi32>
      %add3A_1811 = arith.constant 16 : i32
      %add3A_1812 = vector.broadcast %add3A_1811 : i32 to vector<16xi32>
      %add3A_1813 = arith.addi %add3A_1787, %add3A_1812 : vector<16xi32>
      %get3A_1814 = arith.constant 1 : i32
      %get3A_1815 = arith.index_cast %get3A_1814 : i32 to index
      %get3A_1816 = arith.index_cast %scan3A_1789 : i32 to index
      %get3A_1817 = arith.constant 16 : index
      %get3A_1818 = tpu.vector_load %arg6[%get3A_1815, %get3A_1816, %get3A_1817] {strides = array<i32>} : memref<4x64x128xf32, #tpu.memory_space<vmem>>, vector<16xf32>,
      %add3A_1819 = arith.constant 32 : i32
      %add3A_1820 = arith.addi %add3A_1819, %scan3A_1789 : i32
      %get3A_1821 = arith.constant 1 : i32
      %get3A_1822 = arith.index_cast %get3A_1821 : i32 to index
      %get3A_1823 = arith.index_cast %add3A_1820 : i32 to index
      %get3A_1824 = arith.constant 16 : index
      %get3A_1825 = tpu.vector_load %arg6[%get3A_1822, %get3A_1823, %get3A_1824] {strides = array<i32>} : memref<4x64x128xf32, #tpu.memory_space<vmem>>, vector<16xf32>,
      %gt3A_1826 = arith.cmpf ogt, %get3A_1818, %select_n3A_1804 : vector<16xf32>
      %gt3A_1827 = arith.cmpf ogt, %get3A_1825, %select_n3A_1806 : vector<16xf32>
      %select_n3A_1828 = arith.select %gt3A_1826, %get3A_1818, %select_n3A_1804 : vector<16xi1>, vector<16xf32>
      %select_n3A_1829 = arith.select %gt3A_1826, %add3A_1810, %select_n3A_1805 : vector<16xi1>, vector<16xi32>
      %select_n3A_1830 = arith.select %gt3A_1827, %get3A_1825, %select_n3A_1806 : vector<16xi1>, vector<16xf32>
      %select_n3A_1831 = arith.select %gt3A_1827, %add3A_1813, %select_n3A_1807 : vector<16xi1>, vector<16xi32>
      %add3A_1832 = arith.constant 16 : i32
      %add3A_1833 = vector.broadcast %add3A_1832 : i32 to vector<16xi32>
      %add3A_1834 = arith.addi %add3A_1810, %add3A_1833 : vector<16xi32>
      %add3A_1835 = arith.constant 16 : i32
      %add3A_1836 = vector.broadcast %add3A_1835 : i32 to vector<16xi32>
      %add3A_1837 = arith.addi %add3A_1813, %add3A_1836 : vector<16xi32>
      %get3A_1838 = arith.constant 1 : i32
      %get3A_1839 = arith.index_cast %get3A_1838 : i32 to index
      %get3A_1840 = arith.index_cast %scan3A_1789 : i32 to index
      %get3A_1841 = arith.constant 32 : index
      %get3A_1842 = tpu.vector_load %arg6[%get3A_1839, %get3A_1840, %get3A_1841] {strides = array<i32>} : memref<4x64x128xf32, #tpu.memory_space<vmem>>, vector<16xf32>,
      %add3A_1843 = arith.constant 32 : i32
      %add3A_1844 = arith.addi %add3A_1843, %scan3A_1789 : i32
      %get3A_1845 = arith.constant 1 : i32
      %get3A_1846 = arith.index_cast %get3A_1845 : i32 to index
      %get3A_1847 = arith.index_cast %add3A_1844 : i32 to index
      %get3A_1848 = arith.constant 32 : index
      %get3A_1849 = tpu.vector_load %arg6[%get3A_1846, %get3A_1847, %get3A_1848] {strides = array<i32>} : memref<4x64x128xf32, #tpu.memory_space<vmem>>, vector<16xf32>,
      %gt3A_1850 = arith.cmpf ogt, %get3A_1842, %select_n3A_1828 : vector<16xf32>
      %gt3A_1851 = arith.cmpf ogt, %get3A_1849, %select_n3A_1830 : vector<16xf32>
      %select_n3A_1852 = arith.select %gt3A_1850, %get3A_1842, %select_n3A_1828 : vector<16xi1>, vector<16xf32>
      %select_n3A_1853 = arith.select %gt3A_1850, %add3A_1834, %select_n3A_1829 : vector<16xi1>, vector<16xi32>
      %select_n3A_1854 = arith.select %gt3A_1851, %get3A_1849, %select_n3A_1830 : vector<16xi1>, vector<16xf32>
      %select_n3A_1855 = arith.select %gt3A_1851, %add3A_1837, %select_n3A_1831 : vector<16xi1>, vector<16xi32>
      %add3A_1856 = arith.constant 16 : i32
      %add3A_1857 = vector.broadcast %add3A_1856 : i32 to vector<16xi32>
      %add3A_1858 = arith.addi %add3A_1834, %add3A_1857 : vector<16xi32>
      %add3A_1859 = arith.constant 16 : i32
      %add3A_1860 = vector.broadcast %add3A_1859 : i32 to vector<16xi32>
      %add3A_1861 = arith.addi %add3A_1837, %add3A_1860 : vector<16xi32>
      %get3A_1862 = arith.constant 1 : i32
      %get3A_1863 = arith.index_cast %get3A_1862 : i32 to index
      %get3A_1864 = arith.index_cast %scan3A_1789 : i32 to index
      %get3A_1865 = arith.constant 48 : index
      %get3A_1866 = tpu.vector_load %arg6[%get3A_1863, %get3A_1864, %get3A_1865] {strides = array<i32>} : memref<4x64x128xf32, #tpu.memory_space<vmem>>, vector<16xf32>,
      %add3A_1867 = arith.constant 32 : i32
      %add3A_1868 = arith.addi %add3A_1867, %scan3A_1789 : i32
      %get3A_1869 = arith.constant 1 : i32
      %get3A_1870 = arith.index_cast %get3A_1869 : i32 to index
      %get3A_1871 = arith.index_cast %add3A_1868 : i32 to index
      %get3A_1872 = arith.constant 48 : index
      %get3A_1873 = tpu.vector_load %arg6[%get3A_1870, %get3A_1871, %get3A_1872] {strides = array<i32>} : memref<4x64x128xf32, #tpu.memory_space<vmem>>, vector<16xf32>,
      %gt3A_1874 = arith.cmpf ogt, %get3A_1866, %select_n3A_1852 : vector<16xf32>
      %gt3A_1875 = arith.cmpf ogt, %get3A_1873, %select_n3A_1854 : vector<16xf32>
      %select_n3A_1876 = arith.select %gt3A_1874, %get3A_1866, %select_n3A_1852 : vector<16xi1>, vector<16xf32>
      %select_n3A_1877 = arith.select %gt3A_1874, %add3A_1858, %select_n3A_1853 : vector<16xi1>, vector<16xi32>
      %select_n3A_1878 = arith.select %gt3A_1875, %get3A_1873, %select_n3A_1854 : vector<16xi1>, vector<16xf32>
      %select_n3A_1879 = arith.select %gt3A_1875, %add3A_1861, %select_n3A_1855 : vector<16xi1>, vector<16xi32>
      %add3A_1880 = arith.constant 16 : i32
      %add3A_1881 = vector.broadcast %add3A_1880 : i32 to vector<16xi32>
      %add3A_1882 = arith.addi %add3A_1858, %add3A_1881 : vector<16xi32>
      %add3A_1883 = arith.constant 16 : i32
      %add3A_1884 = vector.broadcast %add3A_1883 : i32 to vector<16xi32>
      %add3A_1885 = arith.addi %add3A_1861, %add3A_1884 : vector<16xi32>
      %get3A_1886 = arith.constant 1 : i32
      %get3A_1887 = arith.index_cast %get3A_1886 : i32 to index
      %get3A_1888 = arith.index_cast %scan3A_1789 : i32 to index
      %get3A_1889 = arith.constant 64 : index
      %get3A_1890 = tpu.vector_load %arg6[%get3A_1887, %get3A_1888, %get3A_1889] {strides = array<i32>} : memref<4x64x128xf32, #tpu.memory_space<vmem>>, vector<16xf32>,
      %add3A_1891 = arith.constant 32 : i32
      %add3A_1892 = arith.addi %add3A_1891, %scan3A_1789 : i32
      %get3A_1893 = arith.constant 1 : i32
      %get3A_1894 = arith.index_cast %get3A_1893 : i32 to index
      %get3A_1895 = arith.index_cast %add3A_1892 : i32 to index
      %get3A_1896 = arith.constant 64 : index
      %get3A_1897 = tpu.vector_load %arg6[%get3A_1894, %get3A_1895, %get3A_1896] {strides = array<i32>} : memref<4x64x128xf32, #tpu.memory_space<vmem>>, vector<16xf32>,
      %gt3A_1898 = arith.cmpf ogt, %get3A_1890, %select_n3A_1876 : vector<16xf32>
      %gt3A_1899 = arith.cmpf ogt, %get3A_1897, %select_n3A_1878 : vector<16xf32>
      %select_n3A_1900 = arith.select %gt3A_1898, %get3A_1890, %select_n3A_1876 : vector<16xi1>, vector<16xf32>
      %select_n3A_1901 = arith.select %gt3A_1898, %add3A_1882, %select_n3A_1877 : vector<16xi1>, vector<16xi32>
      %select_n3A_1902 = arith.select %gt3A_1899, %get3A_1897, %select_n3A_1878 : vector<16xi1>, vector<16xf32>
      %select_n3A_1903 = arith.select %gt3A_1899, %add3A_1885, %select_n3A_1879 : vector<16xi1>, vector<16xi32>
      %add3A_1904 = arith.constant 16 : i32
      %add3A_1905 = vector.broadcast %add3A_1904 : i32 to vector<16xi32>
      %add3A_1906 = arith.addi %add3A_1882, %add3A_1905 : vector<16xi32>
      %add3A_1907 = arith.constant 16 : i32
      %add3A_1908 = vector.broadcast %add3A_1907 : i32 to vector<16xi32>
      %add3A_1909 = arith.addi %add3A_1885, %add3A_1908 : vector<16xi32>
      %get3A_1910 = arith.constant 1 : i32
      %get3A_1911 = arith.index_cast %get3A_1910 : i32 to index
      %get3A_1912 = arith.index_cast %scan3A_1789 : i32 to index
      %get3A_1913 = arith.constant 80 : index
      %get3A_1914 = tpu.vector_load %arg6[%get3A_1911, %get3A_1912, %get3A_1913] {strides = array<i32>} : memref<4x64x128xf32, #tpu.memory_space<vmem>>, vector<16xf32>,
      %add3A_1915 = arith.constant 32 : i32
      %add3A_1916 = arith.addi %add3A_1915, %scan3A_1789 : i32
      %get3A_1917 = arith.constant 1 : i32
      %get3A_1918 = arith.index_cast %get3A_1917 : i32 to index
      %get3A_1919 = arith.index_cast %add3A_1916 : i32 to index
      %get3A_1920 = arith.constant 80 : index
      %get3A_1921 = tpu.vector_load %arg6[%get3A_1918, %get3A_1919, %get3A_1920] {strides = array<i32>} : memref<4x64x128xf32, #tpu.memory_space<vmem>>, vector<16xf32>,
      %gt3A_1922 = arith.cmpf ogt, %get3A_1914, %select_n3A_1900 : vector<16xf32>
      %gt3A_1923 = arith.cmpf ogt, %get3A_1921, %select_n3A_1902 : vector<16xf32>
      %select_n3A_1924 = arith.select %gt3A_1922, %get3A_1914, %select_n3A_1900 : vector<16xi1>, vector<16xf32>
      %select_n3A_1925 = arith.select %gt3A_1922, %add3A_1906, %select_n3A_1901 : vector<16xi1>, vector<16xi32>
      %select_n3A_1926 = arith.select %gt3A_1923, %get3A_1921, %select_n3A_1902 : vector<16xi1>, vector<16xf32>
      %select_n3A_1927 = arith.select %gt3A_1923, %add3A_1909, %select_n3A_1903 : vector<16xi1>, vector<16xi32>
      %add3A_1928 = arith.constant 16 : i32
      %add3A_1929 = vector.broadcast %add3A_1928 : i32 to vector<16xi32>
      %add3A_1930 = arith.addi %add3A_1906, %add3A_1929 : vector<16xi32>
      %add3A_1931 = arith.constant 16 : i32
      %add3A_1932 = vector.broadcast %add3A_1931 : i32 to vector<16xi32>
      %add3A_1933 = arith.addi %add3A_1909, %add3A_1932 : vector<16xi32>
      %get3A_1934 = arith.constant 1 : i32
      %get3A_1935 = arith.index_cast %get3A_1934 : i32 to index
      %get3A_1936 = arith.index_cast %scan3A_1789 : i32 to index
      %get3A_1937 = arith.constant 96 : index
      %get3A_1938 = tpu.vector_load %arg6[%get3A_1935, %get3A_1936, %get3A_1937] {strides = array<i32>} : memref<4x64x128xf32, #tpu.memory_space<vmem>>, vector<16xf32>,
      %add3A_1939 = arith.constant 32 : i32
      %add3A_1940 = arith.addi %add3A_1939, %scan3A_1789 : i32
      %get3A_1941 = arith.constant 1 : i32
      %get3A_1942 = arith.index_cast %get3A_1941 : i32 to index
      %get3A_1943 = arith.index_cast %add3A_1940 : i32 to index
      %get3A_1944 = arith.constant 96 : index
      %get3A_1945 = tpu.vector_load %arg6[%get3A_1942, %get3A_1943, %get3A_1944] {strides = array<i32>} : memref<4x64x128xf32, #tpu.memory_space<vmem>>, vector<16xf32>,
      %gt3A_1946 = arith.cmpf ogt, %get3A_1938, %select_n3A_1924 : vector<16xf32>
      %gt3A_1947 = arith.cmpf ogt, %get3A_1945, %select_n3A_1926 : vector<16xf32>
      %select_n3A_1948 = arith.select %gt3A_1946, %get3A_1938, %select_n3A_1924 : vector<16xi1>, vector<16xf32>
      %select_n3A_1949 = arith.select %gt3A_1946, %add3A_1930, %select_n3A_1925 : vector<16xi1>, vector<16xi32>
      %select_n3A_1950 = arith.select %gt3A_1947, %get3A_1945, %select_n3A_1926 : vector<16xi1>, vector<16xf32>
      %select_n3A_1951 = arith.select %gt3A_1947, %add3A_1933, %select_n3A_1927 : vector<16xi1>, vector<16xi32>
      %add3A_1952 = arith.constant 16 : i32
      %add3A_1953 = vector.broadcast %add3A_1952 : i32 to vector<16xi32>
      %add3A_1954 = arith.addi %add3A_1930, %add3A_1953 : vector<16xi32>
      %add3A_1955 = arith.constant 16 : i32
      %add3A_1956 = vector.broadcast %add3A_1955 : i32 to vector<16xi32>
      %add3A_1957 = arith.addi %add3A_1933, %add3A_1956 : vector<16xi32>
      %get3A_1958 = arith.constant 1 : i32
      %get3A_1959 = arith.index_cast %get3A_1958 : i32 to index
      %get3A_1960 = arith.index_cast %scan3A_1789 : i32 to index
      %get3A_1961 = arith.constant 112 : index
      %get3A_1962 = tpu.vector_load %arg6[%get3A_1959, %get3A_1960, %get3A_1961] {strides = array<i32>} : memref<4x64x128xf32, #tpu.memory_space<vmem>>, vector<16xf32>,
      %add3A_1963 = arith.constant 32 : i32
      %add3A_1964 = arith.addi %add3A_1963, %scan3A_1789 : i32
      %get3A_1965 = arith.constant 1 : i32
      %get3A_1966 = arith.index_cast %get3A_1965 : i32 to index
      %get3A_1967 = arith.index_cast %add3A_1964 : i32 to index
      %get3A_1968 = arith.constant 112 : index
      %get3A_1969 = tpu.vector_load %arg6[%get3A_1966, %get3A_1967, %get3A_1968] {strides = array<i32>} : memref<4x64x128xf32, #tpu.memory_space<vmem>>, vector<16xf32>,
      %gt3A_1970 = arith.cmpf ogt, %get3A_1962, %select_n3A_1948 : vector<16xf32>
      %gt3A_1971 = arith.cmpf ogt, %get3A_1969, %select_n3A_1950 : vector<16xf32>
      %select_n3A_1972 = arith.select %gt3A_1970, %get3A_1962, %select_n3A_1948 : vector<16xi1>, vector<16xf32>
      %select_n3A_1973 = arith.select %gt3A_1970, %add3A_1954, %select_n3A_1949 : vector<16xi1>, vector<16xi32>
      %select_n3A_1974 = arith.select %gt3A_1971, %get3A_1969, %select_n3A_1950 : vector<16xi1>, vector<16xf32>
      %select_n3A_1975 = arith.select %gt3A_1971, %add3A_1957, %select_n3A_1951 : vector<16xi1>, vector<16xi32>
      %add3A_1976 = arith.constant 16 : i32
      %add3A_1977 = vector.broadcast %add3A_1976 : i32 to vector<16xi32>
      %add3A_1978 = arith.addi %add3A_1954, %add3A_1977 : vector<16xi32>
      %add3A_1979 = arith.constant 16 : i32
      %add3A_1980 = vector.broadcast %add3A_1979 : i32 to vector<16xi32>
      %add3A_1981 = arith.addi %add3A_1957, %add3A_1980 : vector<16xi32>
      scf.yield %select_n3A_1972, %select_n3A_1973, %add3A_1978, %select_n3A_1974, %select_n3A_1975, %add3A_1981 : vector<16xf32>, vector<16xi32>, vector<16xi32>, vector<16xf32>, vector<16xi32>, vector<16xi32>
    }
    %scan3A_266 = arith.constant 32 : i32
    %gt3A_267 = arith.cmpf ogt, %scan3A_265#3, %scan3A_265#0 : vector<16xf32>
    %select_n3A_268 = arith.select %gt3A_267, %scan3A_265#3, %scan3A_265#0 : vector<16xi1>, vector<16xf32>
    %select_n3A_269 = arith.select %gt3A_267, %scan3A_265#4, %scan3A_265#1 : vector<16xi1>, vector<16xi32>
    %reduce_max3A_270 = arith.constant true
    %reduce_max3A_271 = vector.broadcast %reduce_max3A_270 : i1 to vector<16xi1>
    %reduce_max3A_272 = tpu.scan <max>, %select_n3A_268 masked %reduce_max3A_271 : vector<16xf32>, vector<16xi1> -> vector<16xf32>
    %reduce_max3A_273 = vector.extract %reduce_max3A_272[15] : f32 from vector<16xf32>
    %eq3A_274 = vector.broadcast %reduce_max3A_273 : f32 to vector<16xf32>
    %eq3A_275 = arith.cmpf oeq, %select_n3A_268, %eq3A_274 : vector<16xf32>
    %jit3A_276 = arith.constant 2147483647 : i32
    %broadcast_in_dim3A_277 = vector.broadcast %jit3A_276 : i32 to vector<16xi32>
    %select_n3A_278 = arith.select %eq3A_275, %select_n3A_269, %broadcast_in_dim3A_277 : vector<16xi1>, vector<16xi32>
    %reduce_min3A_279 = arith.constant true
    %reduce_min3A_280 = vector.broadcast %reduce_min3A_279 : i1 to vector<16xi1>
    %reduce_min3A_281 = arith.constant -2147483648 : i32
    %reduce_min3A_282 = vector.broadcast %reduce_min3A_281 : i32 to vector<16xi32>
    %reduce_min3A_283 = arith.xori %select_n3A_278, %reduce_min3A_282 : vector<16xi32>
    %reduce_min3A_284 = tpu.scan <min>, %reduce_min3A_283 masked %reduce_min3A_280 : vector<16xi32>, vector<16xi1> -> vector<16xi32>
    %reduce_min3A_285 = arith.xori %reduce_min3A_284, %reduce_min3A_282 : vector<16xi32>
    %reduce_min3A_286 = vector.extract %reduce_min3A_285[15] : i32 from vector<16xi32>
    %add3A_287 = arith.constant 1 : i32
    %add3A_288 = arith.addi %mul3A_2, %add3A_287 : i32
    %shift_right_arithmetic3A_289 = arith.constant 7 : i32
    %shift_right_arithmetic3A_290 = arith.shrsi %reduce_min3A_286, %shift_right_arithmetic3A_289 : i32
    %and3A_291 = arith.constant 127 : i32
    %and3A_292 = arith.andi %reduce_min3A_286, %and3A_291 : i32
    %and3A_293 = arith.constant -16 : i32
    %and3A_294 = arith.andi %and3A_292, %and3A_293 : i32
    %multiple_of3A_295 = tpu.assume_multiple %and3A_294, 16 : i32
    %dma_start3A_296 = arith.constant 0 : i32
    %dma_start3A_297 = arith.constant 2 : i32
    %dma_start3A_298 = arith.constant 0 : i32
    %dma_start3A_299 = tpu.memref_slice %arg7[%dma_start3A_297, %dma_start3A_298] : memref<8x16xf32, #tpu.memory_space<vmem>> -> memref<1x16xf32, #tpu.memory_space<vmem>>
    %dma_start3A_300 = tpu.memref_squeeze %dma_start3A_299 : memref<1x16xf32, #tpu.memory_space<vmem>> -> memref<16xf32, #tpu.memory_space<vmem>>
    %dma_start3A_301 = tpu.memref_slice %arg3[%add3A_288, %shift_right_arithmetic3A_290, %dma_start3A_296, %multiple_of3A_295] : memref<128x64x2x128xf32, #tpu.memory_space<hbm>> -> memref<1x1x1x16xf32, #tpu.memory_space<hbm>>
    %dma_start3A_302 = tpu.memref_squeeze %dma_start3A_301 : memref<1x1x1x16xf32, #tpu.memory_space<hbm>> -> memref<16xf32, #tpu.memory_space<hbm>>
    %dma_start3A_303 = arith.constant 0 : i32
    %dma_start3A_304 = tpu.memref_slice %arg7[%dma_start3A_297, %dma_start3A_303] : memref<8x16xf32, #tpu.memory_space<vmem>> -> memref<1x16xf32, #tpu.memory_space<vmem>>
    %dma_start3A_305 = tpu.memref_squeeze %dma_start3A_304 : memref<1x16xf32, #tpu.memory_space<vmem>> -> memref<16xf32, #tpu.memory_space<vmem>>
    %dma_start3A_306 = tpu.memref_slice %arg3[%add3A_288, %shift_right_arithmetic3A_290, %dma_start3A_296, %multiple_of3A_295] : memref<128x64x2x128xf32, #tpu.memory_space<hbm>> -> memref<1x1x1x16xf32, #tpu.memory_space<hbm>>
    %dma_start3A_307 = tpu.memref_squeeze %dma_start3A_306 : memref<1x1x1x16xf32, #tpu.memory_space<hbm>> -> memref<16xf32, #tpu.memory_space<hbm>>
    tpu.enqueue_dma source(%dma_start3A_307 : memref<16xf32, #tpu.memory_space<hbm>>) target(%dma_start3A_305 : memref<16xf32, #tpu.memory_space<vmem>>) target_semaphore(%arg16 : memref<!tpu.dma_semaphore, #tpu.memory_space<semaphore_mem>>)
    %add3A_308 = arith.constant 1 : i32
    %add3A_309 = arith.addi %mul3A_2, %add3A_308 : i32
    %shift_right_arithmetic3A_310 = arith.constant 7 : i32
    %shift_right_arithmetic3A_311 = arith.shrsi %reduce_min3A_286, %shift_right_arithmetic3A_310 : i32
    %and3A_312 = arith.constant 127 : i32
    %and3A_313 = arith.andi %reduce_min3A_286, %and3A_312 : i32
    %and3A_314 = arith.constant -16 : i32
    %and3A_315 = arith.andi %and3A_313, %and3A_314 : i32
    %multiple_of3A_316 = tpu.assume_multiple %and3A_315, 16 : i32
    %dma_start3A_317 = arith.constant 1 : i32
    %dma_start3A_318 = arith.constant 3 : i32
    %dma_start3A_319 = arith.constant 0 : i32
    %dma_start3A_320 = tpu.memref_slice %arg7[%dma_start3A_318, %dma_start3A_319] : memref<8x16xf32, #tpu.memory_space<vmem>> -> memref<1x16xf32, #tpu.memory_space<vmem>>
    %dma_start3A_321 = tpu.memref_squeeze %dma_start3A_320 : memref<1x16xf32, #tpu.memory_space<vmem>> -> memref<16xf32, #tpu.memory_space<vmem>>
    %dma_start3A_322 = tpu.memref_slice %arg3[%add3A_309, %shift_right_arithmetic3A_311, %dma_start3A_317, %multiple_of3A_316] : memref<128x64x2x128xf32, #tpu.memory_space<hbm>> -> memref<1x1x1x16xf32, #tpu.memory_space<hbm>>
    %dma_start3A_323 = tpu.memref_squeeze %dma_start3A_322 : memref<1x1x1x16xf32, #tpu.memory_space<hbm>> -> memref<16xf32, #tpu.memory_space<hbm>>
    %dma_start3A_324 = arith.constant 0 : i32
    %dma_start3A_325 = tpu.memref_slice %arg7[%dma_start3A_318, %dma_start3A_324] : memref<8x16xf32, #tpu.memory_space<vmem>> -> memref<1x16xf32, #tpu.memory_space<vmem>>
    %dma_start3A_326 = tpu.memref_squeeze %dma_start3A_325 : memref<1x16xf32, #tpu.memory_space<vmem>> -> memref<16xf32, #tpu.memory_space<vmem>>
    %dma_start3A_327 = tpu.memref_slice %arg3[%add3A_309, %shift_right_arithmetic3A_311, %dma_start3A_317, %multiple_of3A_316] : memref<128x64x2x128xf32, #tpu.memory_space<hbm>> -> memref<1x1x1x16xf32, #tpu.memory_space<hbm>>
    %dma_start3A_328 = tpu.memref_squeeze %dma_start3A_327 : memref<1x1x1x16xf32, #tpu.memory_space<hbm>> -> memref<16xf32, #tpu.memory_space<hbm>>
    tpu.enqueue_dma source(%dma_start3A_328 : memref<16xf32, #tpu.memory_space<hbm>>) target(%dma_start3A_326 : memref<16xf32, #tpu.memory_space<vmem>>) target_semaphore(%arg16 : memref<!tpu.dma_semaphore, #tpu.memory_space<semaphore_mem>>)
    %dma_wait3A_329 = arith.constant 2 : i32
    %dma_wait3A_330 = arith.constant 0 : i32
    %dma_wait3A_331 = arith.constant 0 : i32
    %dma_wait3A_332 = tpu.memref_slice %arg6[%dma_wait3A_329, %dma_wait3A_330, %dma_wait3A_331] : memref<4x64x128xf32, #tpu.memory_space<vmem>> -> memref<1x64x128xf32, #tpu.memory_space<vmem>>
    %dma_wait3A_333 = tpu.memref_squeeze %dma_wait3A_332 : memref<1x64x128xf32, #tpu.memory_space<vmem>> -> memref<64x128xf32, #tpu.memory_space<vmem>>
    %dma_wait3A_334 = arith.constant 0 : i32
    %dma_wait3A_335 = arith.constant 0 : i32
    %dma_wait3A_336 = tpu.memref_slice %arg2[%select_n3A, %dma_wait3A_334, %add3A_119, %dma_wait3A_335] : memref<16x64x8x128xf32, #tpu.memory_space<hbm>> -> memref<1x64x1x128xf32, #tpu.memory_space<hbm>>
    %dma_wait3A_337 = tpu.memref_squeeze %dma_wait3A_336 : memref<1x64x1x128xf32, #tpu.memory_space<hbm>> -> memref<64x128xf32, #tpu.memory_space<hbm>>
    %dma_wait3A_338 = arith.constant 0 : i32
    %dma_wait3A_339 = arith.constant 0 : i32
    %dma_wait3A_340 = tpu.memref_slice %arg6[%dma_wait3A_329, %dma_wait3A_338, %dma_wait3A_339] : memref<4x64x128xf32, #tpu.memory_space<vmem>> -> memref<1x64x128xf32, #tpu.memory_space<vmem>>
    %dma_wait3A_341 = tpu.memref_squeeze %dma_wait3A_340 : memref<1x64x128xf32, #tpu.memory_space<vmem>> -> memref<64x128xf32, #tpu.memory_space<vmem>>
    %dma_wait3A_342 = arith.constant 0 : i32
    %dma_wait3A_343 = arith.constant 0 : i32
    %dma_wait3A_344 = tpu.memref_slice %arg2[%select_n3A, %dma_wait3A_342, %add3A_119, %dma_wait3A_343] : memref<16x64x8x128xf32, #tpu.memory_space<hbm>> -> memref<1x64x1x128xf32, #tpu.memory_space<hbm>>
    %dma_wait3A_345 = tpu.memref_squeeze %dma_wait3A_344 : memref<1x64x1x128xf32, #tpu.memory_space<hbm>> -> memref<64x128xf32, #tpu.memory_space<hbm>>
    tpu.wait_dma2 semaphore(%arg13 : memref<!tpu.dma_semaphore, #tpu.memory_space<semaphore_mem>>) src(%dma_wait3A_345 : memref<64x128xf32, #tpu.memory_space<hbm>>) dst(%dma_wait3A_341 : memref<64x128xf32, #tpu.memory_space<vmem>>)
    %iota3A_346 = tpu.iota {dimensions = array<i32: 0>} : vector<16xi32>
    %broadcast_in_dim3A_347 = arith.constant 0xFF800000 : f32
    %broadcast_in_dim3A_348 = vector.broadcast %broadcast_in_dim3A_347 : f32 to vector<16xf32>
    %add3A_349 = arith.constant 4096 : i32
    %add3A_350 = vector.broadcast %add3A_349 : i32 to vector<16xi32>
    %add3A_351 = arith.addi %iota3A_346, %add3A_350 : vector<16xi32>
    %scan3A_352 = arith.constant 0 : i32
    %scan3A_353 = arith.constant 32 : i32
    %scan3A_354 = arith.addi %scan3A_352, %scan3A_353 : i32
    %scan3A_355 = arith.constant 2 : i32
    %scan3A_356:6 = scf.for %scan3A_1589 = %scan3A_352 to %scan3A_354 step %scan3A_355 iter_args(%scan3A_1590 = %broadcast_in_dim3A_348, %scan3A_1591 = %iota3A_346, %scan3A_1592 = %iota3A_346, %scan3A_1593 = %broadcast_in_dim3A_348, %scan3A_1594 = %add3A_351, %scan3A_1595 = %add3A_351) -> (vector<16xf32>, vector<16xi32>, vector<16xi32>, vector<16xf32>, vector<16xi32>, vector<16xi32>)  : i32 {
      %get3A_1596 = arith.constant 2 : i32
      %get3A_1597 = arith.index_cast %get3A_1596 : i32 to index
      %get3A_1598 = arith.index_cast %scan3A_1589 : i32 to index
      %get3A_1599 = arith.constant 0 : index
      %get3A_1600 = tpu.vector_load %arg6[%get3A_1597, %get3A_1598, %get3A_1599] {strides = array<i32>} : memref<4x64x128xf32, #tpu.memory_space<vmem>>, vector<16xf32>,
      %add3A_1601 = arith.constant 32 : i32
      %add3A_1602 = arith.addi %add3A_1601, %scan3A_1589 : i32
      %get3A_1603 = arith.constant 2 : i32
      %get3A_1604 = arith.index_cast %get3A_1603 : i32 to index
      %get3A_1605 = arith.index_cast %add3A_1602 : i32 to index
      %get3A_1606 = arith.constant 0 : index
      %get3A_1607 = tpu.vector_load %arg6[%get3A_1604, %get3A_1605, %get3A_1606] {strides = array<i32>} : memref<4x64x128xf32, #tpu.memory_space<vmem>>, vector<16xf32>,
      %gt3A_1608 = arith.cmpf ogt, %get3A_1600, %scan3A_1590 : vector<16xf32>
      %gt3A_1609 = arith.cmpf ogt, %get3A_1607, %scan3A_1593 : vector<16xf32>
      %select_n3A_1610 = arith.select %gt3A_1608, %get3A_1600, %scan3A_1590 : vector<16xi1>, vector<16xf32>
      %select_n3A_1611 = arith.select %gt3A_1608, %scan3A_1592, %scan3A_1591 : vector<16xi1>, vector<16xi32>
      %select_n3A_1612 = arith.select %gt3A_1609, %get3A_1607, %scan3A_1593 : vector<16xi1>, vector<16xf32>
      %select_n3A_1613 = arith.select %gt3A_1609, %scan3A_1595, %scan3A_1594 : vector<16xi1>, vector<16xi32>
      %add3A_1614 = arith.constant 16 : i32
      %add3A_1615 = vector.broadcast %add3A_1614 : i32 to vector<16xi32>
      %add3A_1616 = arith.addi %scan3A_1592, %add3A_1615 : vector<16xi32>
      %add3A_1617 = arith.constant 16 : i32
      %add3A_1618 = vector.broadcast %add3A_1617 : i32 to vector<16xi32>
      %add3A_1619 = arith.addi %scan3A_1595, %add3A_1618 : vector<16xi32>
      %get3A_1620 = arith.constant 2 : i32
      %get3A_1621 = arith.index_cast %get3A_1620 : i32 to index
      %get3A_1622 = arith.index_cast %scan3A_1589 : i32 to index
      %get3A_1623 = arith.constant 16 : index
      %get3A_1624 = tpu.vector_load %arg6[%get3A_1621, %get3A_1622, %get3A_1623] {strides = array<i32>} : memref<4x64x128xf32, #tpu.memory_space<vmem>>, vector<16xf32>,
      %add3A_1625 = arith.constant 32 : i32
      %add3A_1626 = arith.addi %add3A_1625, %scan3A_1589 : i32
      %get3A_1627 = arith.constant 2 : i32
      %get3A_1628 = arith.index_cast %get3A_1627 : i32 to index
      %get3A_1629 = arith.index_cast %add3A_1626 : i32 to index
      %get3A_1630 = arith.constant 16 : index
      %get3A_1631 = tpu.vector_load %arg6[%get3A_1628, %get3A_1629, %get3A_1630] {strides = array<i32>} : memref<4x64x128xf32, #tpu.memory_space<vmem>>, vector<16xf32>,
      %gt3A_1632 = arith.cmpf ogt, %get3A_1624, %select_n3A_1610 : vector<16xf32>
      %gt3A_1633 = arith.cmpf ogt, %get3A_1631, %select_n3A_1612 : vector<16xf32>
      %select_n3A_1634 = arith.select %gt3A_1632, %get3A_1624, %select_n3A_1610 : vector<16xi1>, vector<16xf32>
      %select_n3A_1635 = arith.select %gt3A_1632, %add3A_1616, %select_n3A_1611 : vector<16xi1>, vector<16xi32>
      %select_n3A_1636 = arith.select %gt3A_1633, %get3A_1631, %select_n3A_1612 : vector<16xi1>, vector<16xf32>
      %select_n3A_1637 = arith.select %gt3A_1633, %add3A_1619, %select_n3A_1613 : vector<16xi1>, vector<16xi32>
      %add3A_1638 = arith.constant 16 : i32
      %add3A_1639 = vector.broadcast %add3A_1638 : i32 to vector<16xi32>
      %add3A_1640 = arith.addi %add3A_1616, %add3A_1639 : vector<16xi32>
      %add3A_1641 = arith.constant 16 : i32
      %add3A_1642 = vector.broadcast %add3A_1641 : i32 to vector<16xi32>
      %add3A_1643 = arith.addi %add3A_1619, %add3A_1642 : vector<16xi32>
      %get3A_1644 = arith.constant 2 : i32
      %get3A_1645 = arith.index_cast %get3A_1644 : i32 to index
      %get3A_1646 = arith.index_cast %scan3A_1589 : i32 to index
      %get3A_1647 = arith.constant 32 : index
      %get3A_1648 = tpu.vector_load %arg6[%get3A_1645, %get3A_1646, %get3A_1647] {strides = array<i32>} : memref<4x64x128xf32, #tpu.memory_space<vmem>>, vector<16xf32>,
      %add3A_1649 = arith.constant 32 : i32
      %add3A_1650 = arith.addi %add3A_1649, %scan3A_1589 : i32
      %get3A_1651 = arith.constant 2 : i32
      %get3A_1652 = arith.index_cast %get3A_1651 : i32 to index
      %get3A_1653 = arith.index_cast %add3A_1650 : i32 to index
      %get3A_1654 = arith.constant 32 : index
      %get3A_1655 = tpu.vector_load %arg6[%get3A_1652, %get3A_1653, %get3A_1654] {strides = array<i32>} : memref<4x64x128xf32, #tpu.memory_space<vmem>>, vector<16xf32>,
      %gt3A_1656 = arith.cmpf ogt, %get3A_1648, %select_n3A_1634 : vector<16xf32>
      %gt3A_1657 = arith.cmpf ogt, %get3A_1655, %select_n3A_1636 : vector<16xf32>
      %select_n3A_1658 = arith.select %gt3A_1656, %get3A_1648, %select_n3A_1634 : vector<16xi1>, vector<16xf32>
      %select_n3A_1659 = arith.select %gt3A_1656, %add3A_1640, %select_n3A_1635 : vector<16xi1>, vector<16xi32>
      %select_n3A_1660 = arith.select %gt3A_1657, %get3A_1655, %select_n3A_1636 : vector<16xi1>, vector<16xf32>
      %select_n3A_1661 = arith.select %gt3A_1657, %add3A_1643, %select_n3A_1637 : vector<16xi1>, vector<16xi32>
      %add3A_1662 = arith.constant 16 : i32
      %add3A_1663 = vector.broadcast %add3A_1662 : i32 to vector<16xi32>
      %add3A_1664 = arith.addi %add3A_1640, %add3A_1663 : vector<16xi32>
      %add3A_1665 = arith.constant 16 : i32
      %add3A_1666 = vector.broadcast %add3A_1665 : i32 to vector<16xi32>
      %add3A_1667 = arith.addi %add3A_1643, %add3A_1666 : vector<16xi32>
      %get3A_1668 = arith.constant 2 : i32
      %get3A_1669 = arith.index_cast %get3A_1668 : i32 to index
      %get3A_1670 = arith.index_cast %scan3A_1589 : i32 to index
      %get3A_1671 = arith.constant 48 : index
      %get3A_1672 = tpu.vector_load %arg6[%get3A_1669, %get3A_1670, %get3A_1671] {strides = array<i32>} : memref<4x64x128xf32, #tpu.memory_space<vmem>>, vector<16xf32>,
      %add3A_1673 = arith.constant 32 : i32
      %add3A_1674 = arith.addi %add3A_1673, %scan3A_1589 : i32
      %get3A_1675 = arith.constant 2 : i32
      %get3A_1676 = arith.index_cast %get3A_1675 : i32 to index
      %get3A_1677 = arith.index_cast %add3A_1674 : i32 to index
      %get3A_1678 = arith.constant 48 : index
      %get3A_1679 = tpu.vector_load %arg6[%get3A_1676, %get3A_1677, %get3A_1678] {strides = array<i32>} : memref<4x64x128xf32, #tpu.memory_space<vmem>>, vector<16xf32>,
      %gt3A_1680 = arith.cmpf ogt, %get3A_1672, %select_n3A_1658 : vector<16xf32>
      %gt3A_1681 = arith.cmpf ogt, %get3A_1679, %select_n3A_1660 : vector<16xf32>
      %select_n3A_1682 = arith.select %gt3A_1680, %get3A_1672, %select_n3A_1658 : vector<16xi1>, vector<16xf32>
      %select_n3A_1683 = arith.select %gt3A_1680, %add3A_1664, %select_n3A_1659 : vector<16xi1>, vector<16xi32>
      %select_n3A_1684 = arith.select %gt3A_1681, %get3A_1679, %select_n3A_1660 : vector<16xi1>, vector<16xf32>
      %select_n3A_1685 = arith.select %gt3A_1681, %add3A_1667, %select_n3A_1661 : vector<16xi1>, vector<16xi32>
      %add3A_1686 = arith.constant 16 : i32
      %add3A_1687 = vector.broadcast %add3A_1686 : i32 to vector<16xi32>
      %add3A_1688 = arith.addi %add3A_1664, %add3A_1687 : vector<16xi32>
      %add3A_1689 = arith.constant 16 : i32
      %add3A_1690 = vector.broadcast %add3A_1689 : i32 to vector<16xi32>
      %add3A_1691 = arith.addi %add3A_1667, %add3A_1690 : vector<16xi32>
      %get3A_1692 = arith.constant 2 : i32
      %get3A_1693 = arith.index_cast %get3A_1692 : i32 to index
      %get3A_1694 = arith.index_cast %scan3A_1589 : i32 to index
      %get3A_1695 = arith.constant 64 : index
      %get3A_1696 = tpu.vector_load %arg6[%get3A_1693, %get3A_1694, %get3A_1695] {strides = array<i32>} : memref<4x64x128xf32, #tpu.memory_space<vmem>>, vector<16xf32>,
      %add3A_1697 = arith.constant 32 : i32
      %add3A_1698 = arith.addi %add3A_1697, %scan3A_1589 : i32
      %get3A_1699 = arith.constant 2 : i32
      %get3A_1700 = arith.index_cast %get3A_1699 : i32 to index
      %get3A_1701 = arith.index_cast %add3A_1698 : i32 to index
      %get3A_1702 = arith.constant 64 : index
      %get3A_1703 = tpu.vector_load %arg6[%get3A_1700, %get3A_1701, %get3A_1702] {strides = array<i32>} : memref<4x64x128xf32, #tpu.memory_space<vmem>>, vector<16xf32>,
      %gt3A_1704 = arith.cmpf ogt, %get3A_1696, %select_n3A_1682 : vector<16xf32>
      %gt3A_1705 = arith.cmpf ogt, %get3A_1703, %select_n3A_1684 : vector<16xf32>
      %select_n3A_1706 = arith.select %gt3A_1704, %get3A_1696, %select_n3A_1682 : vector<16xi1>, vector<16xf32>
      %select_n3A_1707 = arith.select %gt3A_1704, %add3A_1688, %select_n3A_1683 : vector<16xi1>, vector<16xi32>
      %select_n3A_1708 = arith.select %gt3A_1705, %get3A_1703, %select_n3A_1684 : vector<16xi1>, vector<16xf32>
      %select_n3A_1709 = arith.select %gt3A_1705, %add3A_1691, %select_n3A_1685 : vector<16xi1>, vector<16xi32>
      %add3A_1710 = arith.constant 16 : i32
      %add3A_1711 = vector.broadcast %add3A_1710 : i32 to vector<16xi32>
      %add3A_1712 = arith.addi %add3A_1688, %add3A_1711 : vector<16xi32>
      %add3A_1713 = arith.constant 16 : i32
      %add3A_1714 = vector.broadcast %add3A_1713 : i32 to vector<16xi32>
      %add3A_1715 = arith.addi %add3A_1691, %add3A_1714 : vector<16xi32>
      %get3A_1716 = arith.constant 2 : i32
      %get3A_1717 = arith.index_cast %get3A_1716 : i32 to index
      %get3A_1718 = arith.index_cast %scan3A_1589 : i32 to index
      %get3A_1719 = arith.constant 80 : index
      %get3A_1720 = tpu.vector_load %arg6[%get3A_1717, %get3A_1718, %get3A_1719] {strides = array<i32>} : memref<4x64x128xf32, #tpu.memory_space<vmem>>, vector<16xf32>,
      %add3A_1721 = arith.constant 32 : i32
      %add3A_1722 = arith.addi %add3A_1721, %scan3A_1589 : i32
      %get3A_1723 = arith.constant 2 : i32
      %get3A_1724 = arith.index_cast %get3A_1723 : i32 to index
      %get3A_1725 = arith.index_cast %add3A_1722 : i32 to index
      %get3A_1726 = arith.constant 80 : index
      %get3A_1727 = tpu.vector_load %arg6[%get3A_1724, %get3A_1725, %get3A_1726] {strides = array<i32>} : memref<4x64x128xf32, #tpu.memory_space<vmem>>, vector<16xf32>,
      %gt3A_1728 = arith.cmpf ogt, %get3A_1720, %select_n3A_1706 : vector<16xf32>
      %gt3A_1729 = arith.cmpf ogt, %get3A_1727, %select_n3A_1708 : vector<16xf32>
      %select_n3A_1730 = arith.select %gt3A_1728, %get3A_1720, %select_n3A_1706 : vector<16xi1>, vector<16xf32>
      %select_n3A_1731 = arith.select %gt3A_1728, %add3A_1712, %select_n3A_1707 : vector<16xi1>, vector<16xi32>
      %select_n3A_1732 = arith.select %gt3A_1729, %get3A_1727, %select_n3A_1708 : vector<16xi1>, vector<16xf32>
      %select_n3A_1733 = arith.select %gt3A_1729, %add3A_1715, %select_n3A_1709 : vector<16xi1>, vector<16xi32>
      %add3A_1734 = arith.constant 16 : i32
      %add3A_1735 = vector.broadcast %add3A_1734 : i32 to vector<16xi32>
      %add3A_1736 = arith.addi %add3A_1712, %add3A_1735 : vector<16xi32>
      %add3A_1737 = arith.constant 16 : i32
      %add3A_1738 = vector.broadcast %add3A_1737 : i32 to vector<16xi32>
      %add3A_1739 = arith.addi %add3A_1715, %add3A_1738 : vector<16xi32>
      %get3A_1740 = arith.constant 2 : i32
      %get3A_1741 = arith.index_cast %get3A_1740 : i32 to index
      %get3A_1742 = arith.index_cast %scan3A_1589 : i32 to index
      %get3A_1743 = arith.constant 96 : index
      %get3A_1744 = tpu.vector_load %arg6[%get3A_1741, %get3A_1742, %get3A_1743] {strides = array<i32>} : memref<4x64x128xf32, #tpu.memory_space<vmem>>, vector<16xf32>,
      %add3A_1745 = arith.constant 32 : i32
      %add3A_1746 = arith.addi %add3A_1745, %scan3A_1589 : i32
      %get3A_1747 = arith.constant 2 : i32
      %get3A_1748 = arith.index_cast %get3A_1747 : i32 to index
      %get3A_1749 = arith.index_cast %add3A_1746 : i32 to index
      %get3A_1750 = arith.constant 96 : index
      %get3A_1751 = tpu.vector_load %arg6[%get3A_1748, %get3A_1749, %get3A_1750] {strides = array<i32>} : memref<4x64x128xf32, #tpu.memory_space<vmem>>, vector<16xf32>,
      %gt3A_1752 = arith.cmpf ogt, %get3A_1744, %select_n3A_1730 : vector<16xf32>
      %gt3A_1753 = arith.cmpf ogt, %get3A_1751, %select_n3A_1732 : vector<16xf32>
      %select_n3A_1754 = arith.select %gt3A_1752, %get3A_1744, %select_n3A_1730 : vector<16xi1>, vector<16xf32>
      %select_n3A_1755 = arith.select %gt3A_1752, %add3A_1736, %select_n3A_1731 : vector<16xi1>, vector<16xi32>
      %select_n3A_1756 = arith.select %gt3A_1753, %get3A_1751, %select_n3A_1732 : vector<16xi1>, vector<16xf32>
      %select_n3A_1757 = arith.select %gt3A_1753, %add3A_1739, %select_n3A_1733 : vector<16xi1>, vector<16xi32>
      %add3A_1758 = arith.constant 16 : i32
      %add3A_1759 = vector.broadcast %add3A_1758 : i32 to vector<16xi32>
      %add3A_1760 = arith.addi %add3A_1736, %add3A_1759 : vector<16xi32>
      %add3A_1761 = arith.constant 16 : i32
      %add3A_1762 = vector.broadcast %add3A_1761 : i32 to vector<16xi32>
      %add3A_1763 = arith.addi %add3A_1739, %add3A_1762 : vector<16xi32>
      %get3A_1764 = arith.constant 2 : i32
      %get3A_1765 = arith.index_cast %get3A_1764 : i32 to index
      %get3A_1766 = arith.index_cast %scan3A_1589 : i32 to index
      %get3A_1767 = arith.constant 112 : index
      %get3A_1768 = tpu.vector_load %arg6[%get3A_1765, %get3A_1766, %get3A_1767] {strides = array<i32>} : memref<4x64x128xf32, #tpu.memory_space<vmem>>, vector<16xf32>,
      %add3A_1769 = arith.constant 32 : i32
      %add3A_1770 = arith.addi %add3A_1769, %scan3A_1589 : i32
      %get3A_1771 = arith.constant 2 : i32
      %get3A_1772 = arith.index_cast %get3A_1771 : i32 to index
      %get3A_1773 = arith.index_cast %add3A_1770 : i32 to index
      %get3A_1774 = arith.constant 112 : index
      %get3A_1775 = tpu.vector_load %arg6[%get3A_1772, %get3A_1773, %get3A_1774] {strides = array<i32>} : memref<4x64x128xf32, #tpu.memory_space<vmem>>, vector<16xf32>,
      %gt3A_1776 = arith.cmpf ogt, %get3A_1768, %select_n3A_1754 : vector<16xf32>
      %gt3A_1777 = arith.cmpf ogt, %get3A_1775, %select_n3A_1756 : vector<16xf32>
      %select_n3A_1778 = arith.select %gt3A_1776, %get3A_1768, %select_n3A_1754 : vector<16xi1>, vector<16xf32>
      %select_n3A_1779 = arith.select %gt3A_1776, %add3A_1760, %select_n3A_1755 : vector<16xi1>, vector<16xi32>
      %select_n3A_1780 = arith.select %gt3A_1777, %get3A_1775, %select_n3A_1756 : vector<16xi1>, vector<16xf32>
      %select_n3A_1781 = arith.select %gt3A_1777, %add3A_1763, %select_n3A_1757 : vector<16xi1>, vector<16xi32>
      %add3A_1782 = arith.constant 16 : i32
      %add3A_1783 = vector.broadcast %add3A_1782 : i32 to vector<16xi32>
      %add3A_1784 = arith.addi %add3A_1760, %add3A_1783 : vector<16xi32>
      %add3A_1785 = arith.constant 16 : i32
      %add3A_1786 = vector.broadcast %add3A_1785 : i32 to vector<16xi32>
      %add3A_1787 = arith.addi %add3A_1763, %add3A_1786 : vector<16xi32>
      %scan3A_1788 = arith.constant 1 : i32
      %scan3A_1789 = arith.addi %scan3A_1589, %scan3A_1788 : i32
      %get3A_1790 = arith.constant 2 : i32
      %get3A_1791 = arith.index_cast %get3A_1790 : i32 to index
      %get3A_1792 = arith.index_cast %scan3A_1789 : i32 to index
      %get3A_1793 = arith.constant 0 : index
      %get3A_1794 = tpu.vector_load %arg6[%get3A_1791, %get3A_1792, %get3A_1793] {strides = array<i32>} : memref<4x64x128xf32, #tpu.memory_space<vmem>>, vector<16xf32>,
      %add3A_1795 = arith.constant 32 : i32
      %add3A_1796 = arith.addi %add3A_1795, %scan3A_1789 : i32
      %get3A_1797 = arith.constant 2 : i32
      %get3A_1798 = arith.index_cast %get3A_1797 : i32 to index
      %get3A_1799 = arith.index_cast %add3A_1796 : i32 to index
      %get3A_1800 = arith.constant 0 : index
      %get3A_1801 = tpu.vector_load %arg6[%get3A_1798, %get3A_1799, %get3A_1800] {strides = array<i32>} : memref<4x64x128xf32, #tpu.memory_space<vmem>>, vector<16xf32>,
      %gt3A_1802 = arith.cmpf ogt, %get3A_1794, %select_n3A_1778 : vector<16xf32>
      %gt3A_1803 = arith.cmpf ogt, %get3A_1801, %select_n3A_1780 : vector<16xf32>
      %select_n3A_1804 = arith.select %gt3A_1802, %get3A_1794, %select_n3A_1778 : vector<16xi1>, vector<16xf32>
      %select_n3A_1805 = arith.select %gt3A_1802, %add3A_1784, %select_n3A_1779 : vector<16xi1>, vector<16xi32>
      %select_n3A_1806 = arith.select %gt3A_1803, %get3A_1801, %select_n3A_1780 : vector<16xi1>, vector<16xf32>
      %select_n3A_1807 = arith.select %gt3A_1803, %add3A_1787, %select_n3A_1781 : vector<16xi1>, vector<16xi32>
      %add3A_1808 = arith.constant 16 : i32
      %add3A_1809 = vector.broadcast %add3A_1808 : i32 to vector<16xi32>
      %add3A_1810 = arith.addi %add3A_1784, %add3A_1809 : vector<16xi32>
      %add3A_1811 = arith.constant 16 : i32
      %add3A_1812 = vector.broadcast %add3A_1811 : i32 to vector<16xi32>
      %add3A_1813 = arith.addi %add3A_1787, %add3A_1812 : vector<16xi32>
      %get3A_1814 = arith.constant 2 : i32
      %get3A_1815 = arith.index_cast %get3A_1814 : i32 to index
      %get3A_1816 = arith.index_cast %scan3A_1789 : i32 to index
      %get3A_1817 = arith.constant 16 : index
      %get3A_1818 = tpu.vector_load %arg6[%get3A_1815, %get3A_1816, %get3A_1817] {strides = array<i32>} : memref<4x64x128xf32, #tpu.memory_space<vmem>>, vector<16xf32>,
      %add3A_1819 = arith.constant 32 : i32
      %add3A_1820 = arith.addi %add3A_1819, %scan3A_1789 : i32
      %get3A_1821 = arith.constant 2 : i32
      %get3A_1822 = arith.index_cast %get3A_1821 : i32 to index
      %get3A_1823 = arith.index_cast %add3A_1820 : i32 to index
      %get3A_1824 = arith.constant 16 : index
      %get3A_1825 = tpu.vector_load %arg6[%get3A_1822, %get3A_1823, %get3A_1824] {strides = array<i32>} : memref<4x64x128xf32, #tpu.memory_space<vmem>>, vector<16xf32>,
      %gt3A_1826 = arith.cmpf ogt, %get3A_1818, %select_n3A_1804 : vector<16xf32>
      %gt3A_1827 = arith.cmpf ogt, %get3A_1825, %select_n3A_1806 : vector<16xf32>
      %select_n3A_1828 = arith.select %gt3A_1826, %get3A_1818, %select_n3A_1804 : vector<16xi1>, vector<16xf32>
      %select_n3A_1829 = arith.select %gt3A_1826, %add3A_1810, %select_n3A_1805 : vector<16xi1>, vector<16xi32>
      %select_n3A_1830 = arith.select %gt3A_1827, %get3A_1825, %select_n3A_1806 : vector<16xi1>, vector<16xf32>
      %select_n3A_1831 = arith.select %gt3A_1827, %add3A_1813, %select_n3A_1807 : vector<16xi1>, vector<16xi32>
      %add3A_1832 = arith.constant 16 : i32
      %add3A_1833 = vector.broadcast %add3A_1832 : i32 to vector<16xi32>
      %add3A_1834 = arith.addi %add3A_1810, %add3A_1833 : vector<16xi32>
      %add3A_1835 = arith.constant 16 : i32
      %add3A_1836 = vector.broadcast %add3A_1835 : i32 to vector<16xi32>
      %add3A_1837 = arith.addi %add3A_1813, %add3A_1836 : vector<16xi32>
      %get3A_1838 = arith.constant 2 : i32
      %get3A_1839 = arith.index_cast %get3A_1838 : i32 to index
      %get3A_1840 = arith.index_cast %scan3A_1789 : i32 to index
      %get3A_1841 = arith.constant 32 : index
      %get3A_1842 = tpu.vector_load %arg6[%get3A_1839, %get3A_1840, %get3A_1841] {strides = array<i32>} : memref<4x64x128xf32, #tpu.memory_space<vmem>>, vector<16xf32>,
      %add3A_1843 = arith.constant 32 : i32
      %add3A_1844 = arith.addi %add3A_1843, %scan3A_1789 : i32
      %get3A_1845 = arith.constant 2 : i32
      %get3A_1846 = arith.index_cast %get3A_1845 : i32 to index
      %get3A_1847 = arith.index_cast %add3A_1844 : i32 to index
      %get3A_1848 = arith.constant 32 : index
      %get3A_1849 = tpu.vector_load %arg6[%get3A_1846, %get3A_1847, %get3A_1848] {strides = array<i32>} : memref<4x64x128xf32, #tpu.memory_space<vmem>>, vector<16xf32>,
      %gt3A_1850 = arith.cmpf ogt, %get3A_1842, %select_n3A_1828 : vector<16xf32>
      %gt3A_1851 = arith.cmpf ogt, %get3A_1849, %select_n3A_1830 : vector<16xf32>
      %select_n3A_1852 = arith.select %gt3A_1850, %get3A_1842, %select_n3A_1828 : vector<16xi1>, vector<16xf32>
      %select_n3A_1853 = arith.select %gt3A_1850, %add3A_1834, %select_n3A_1829 : vector<16xi1>, vector<16xi32>
      %select_n3A_1854 = arith.select %gt3A_1851, %get3A_1849, %select_n3A_1830 : vector<16xi1>, vector<16xf32>
      %select_n3A_1855 = arith.select %gt3A_1851, %add3A_1837, %select_n3A_1831 : vector<16xi1>, vector<16xi32>
      %add3A_1856 = arith.constant 16 : i32
      %add3A_1857 = vector.broadcast %add3A_1856 : i32 to vector<16xi32>
      %add3A_1858 = arith.addi %add3A_1834, %add3A_1857 : vector<16xi32>
      %add3A_1859 = arith.constant 16 : i32
      %add3A_1860 = vector.broadcast %add3A_1859 : i32 to vector<16xi32>
      %add3A_1861 = arith.addi %add3A_1837, %add3A_1860 : vector<16xi32>
      %get3A_1862 = arith.constant 2 : i32
      %get3A_1863 = arith.index_cast %get3A_1862 : i32 to index
      %get3A_1864 = arith.index_cast %scan3A_1789 : i32 to index
      %get3A_1865 = arith.constant 48 : index
      %get3A_1866 = tpu.vector_load %arg6[%get3A_1863, %get3A_1864, %get3A_1865] {strides = array<i32>} : memref<4x64x128xf32, #tpu.memory_space<vmem>>, vector<16xf32>,
      %add3A_1867 = arith.constant 32 : i32
      %add3A_1868 = arith.addi %add3A_1867, %scan3A_1789 : i32
      %get3A_1869 = arith.constant 2 : i32
      %get3A_1870 = arith.index_cast %get3A_1869 : i32 to index
      %get3A_1871 = arith.index_cast %add3A_1868 : i32 to index
      %get3A_1872 = arith.constant 48 : index
      %get3A_1873 = tpu.vector_load %arg6[%get3A_1870, %get3A_1871, %get3A_1872] {strides = array<i32>} : memref<4x64x128xf32, #tpu.memory_space<vmem>>, vector<16xf32>,
      %gt3A_1874 = arith.cmpf ogt, %get3A_1866, %select_n3A_1852 : vector<16xf32>
      %gt3A_1875 = arith.cmpf ogt, %get3A_1873, %select_n3A_1854 : vector<16xf32>
      %select_n3A_1876 = arith.select %gt3A_1874, %get3A_1866, %select_n3A_1852 : vector<16xi1>, vector<16xf32>
      %select_n3A_1877 = arith.select %gt3A_1874, %add3A_1858, %select_n3A_1853 : vector<16xi1>, vector<16xi32>
      %select_n3A_1878 = arith.select %gt3A_1875, %get3A_1873, %select_n3A_1854 : vector<16xi1>, vector<16xf32>
      %select_n3A_1879 = arith.select %gt3A_1875, %add3A_1861, %select_n3A_1855 : vector<16xi1>, vector<16xi32>
      %add3A_1880 = arith.constant 16 : i32
      %add3A_1881 = vector.broadcast %add3A_1880 : i32 to vector<16xi32>
      %add3A_1882 = arith.addi %add3A_1858, %add3A_1881 : vector<16xi32>
      %add3A_1883 = arith.constant 16 : i32
      %add3A_1884 = vector.broadcast %add3A_1883 : i32 to vector<16xi32>
      %add3A_1885 = arith.addi %add3A_1861, %add3A_1884 : vector<16xi32>
      %get3A_1886 = arith.constant 2 : i32
      %get3A_1887 = arith.index_cast %get3A_1886 : i32 to index
      %get3A_1888 = arith.index_cast %scan3A_1789 : i32 to index
      %get3A_1889 = arith.constant 64 : index
      %get3A_1890 = tpu.vector_load %arg6[%get3A_1887, %get3A_1888, %get3A_1889] {strides = array<i32>} : memref<4x64x128xf32, #tpu.memory_space<vmem>>, vector<16xf32>,
      %add3A_1891 = arith.constant 32 : i32
      %add3A_1892 = arith.addi %add3A_1891, %scan3A_1789 : i32
      %get3A_1893 = arith.constant 2 : i32
      %get3A_1894 = arith.index_cast %get3A_1893 : i32 to index
      %get3A_1895 = arith.index_cast %add3A_1892 : i32 to index
      %get3A_1896 = arith.constant 64 : index
      %get3A_1897 = tpu.vector_load %arg6[%get3A_1894, %get3A_1895, %get3A_1896] {strides = array<i32>} : memref<4x64x128xf32, #tpu.memory_space<vmem>>, vector<16xf32>,
      %gt3A_1898 = arith.cmpf ogt, %get3A_1890, %select_n3A_1876 : vector<16xf32>
      %gt3A_1899 = arith.cmpf ogt, %get3A_1897, %select_n3A_1878 : vector<16xf32>
      %select_n3A_1900 = arith.select %gt3A_1898, %get3A_1890, %select_n3A_1876 : vector<16xi1>, vector<16xf32>
      %select_n3A_1901 = arith.select %gt3A_1898, %add3A_1882, %select_n3A_1877 : vector<16xi1>, vector<16xi32>
      %select_n3A_1902 = arith.select %gt3A_1899, %get3A_1897, %select_n3A_1878 : vector<16xi1>, vector<16xf32>
      %select_n3A_1903 = arith.select %gt3A_1899, %add3A_1885, %select_n3A_1879 : vector<16xi1>, vector<16xi32>
      %add3A_1904 = arith.constant 16 : i32
      %add3A_1905 = vector.broadcast %add3A_1904 : i32 to vector<16xi32>
      %add3A_1906 = arith.addi %add3A_1882, %add3A_1905 : vector<16xi32>
      %add3A_1907 = arith.constant 16 : i32
      %add3A_1908 = vector.broadcast %add3A_1907 : i32 to vector<16xi32>
      %add3A_1909 = arith.addi %add3A_1885, %add3A_1908 : vector<16xi32>
      %get3A_1910 = arith.constant 2 : i32
      %get3A_1911 = arith.index_cast %get3A_1910 : i32 to index
      %get3A_1912 = arith.index_cast %scan3A_1789 : i32 to index
      %get3A_1913 = arith.constant 80 : index
      %get3A_1914 = tpu.vector_load %arg6[%get3A_1911, %get3A_1912, %get3A_1913] {strides = array<i32>} : memref<4x64x128xf32, #tpu.memory_space<vmem>>, vector<16xf32>,
      %add3A_1915 = arith.constant 32 : i32
      %add3A_1916 = arith.addi %add3A_1915, %scan3A_1789 : i32
      %get3A_1917 = arith.constant 2 : i32
      %get3A_1918 = arith.index_cast %get3A_1917 : i32 to index
      %get3A_1919 = arith.index_cast %add3A_1916 : i32 to index
      %get3A_1920 = arith.constant 80 : index
      %get3A_1921 = tpu.vector_load %arg6[%get3A_1918, %get3A_1919, %get3A_1920] {strides = array<i32>} : memref<4x64x128xf32, #tpu.memory_space<vmem>>, vector<16xf32>,
      %gt3A_1922 = arith.cmpf ogt, %get3A_1914, %select_n3A_1900 : vector<16xf32>
      %gt3A_1923 = arith.cmpf ogt, %get3A_1921, %select_n3A_1902 : vector<16xf32>
      %select_n3A_1924 = arith.select %gt3A_1922, %get3A_1914, %select_n3A_1900 : vector<16xi1>, vector<16xf32>
      %select_n3A_1925 = arith.select %gt3A_1922, %add3A_1906, %select_n3A_1901 : vector<16xi1>, vector<16xi32>
      %select_n3A_1926 = arith.select %gt3A_1923, %get3A_1921, %select_n3A_1902 : vector<16xi1>, vector<16xf32>
      %select_n3A_1927 = arith.select %gt3A_1923, %add3A_1909, %select_n3A_1903 : vector<16xi1>, vector<16xi32>
      %add3A_1928 = arith.constant 16 : i32
      %add3A_1929 = vector.broadcast %add3A_1928 : i32 to vector<16xi32>
      %add3A_1930 = arith.addi %add3A_1906, %add3A_1929 : vector<16xi32>
      %add3A_1931 = arith.constant 16 : i32
      %add3A_1932 = vector.broadcast %add3A_1931 : i32 to vector<16xi32>
      %add3A_1933 = arith.addi %add3A_1909, %add3A_1932 : vector<16xi32>
      %get3A_1934 = arith.constant 2 : i32
      %get3A_1935 = arith.index_cast %get3A_1934 : i32 to index
      %get3A_1936 = arith.index_cast %scan3A_1789 : i32 to index
      %get3A_1937 = arith.constant 96 : index
      %get3A_1938 = tpu.vector_load %arg6[%get3A_1935, %get3A_1936, %get3A_1937] {strides = array<i32>} : memref<4x64x128xf32, #tpu.memory_space<vmem>>, vector<16xf32>,
      %add3A_1939 = arith.constant 32 : i32
      %add3A_1940 = arith.addi %add3A_1939, %scan3A_1789 : i32
      %get3A_1941 = arith.constant 2 : i32
      %get3A_1942 = arith.index_cast %get3A_1941 : i32 to index
      %get3A_1943 = arith.index_cast %add3A_1940 : i32 to index
      %get3A_1944 = arith.constant 96 : index
      %get3A_1945 = tpu.vector_load %arg6[%get3A_1942, %get3A_1943, %get3A_1944] {strides = array<i32>} : memref<4x64x128xf32, #tpu.memory_space<vmem>>, vector<16xf32>,
      %gt3A_1946 = arith.cmpf ogt, %get3A_1938, %select_n3A_1924 : vector<16xf32>
      %gt3A_1947 = arith.cmpf ogt, %get3A_1945, %select_n3A_1926 : vector<16xf32>
      %select_n3A_1948 = arith.select %gt3A_1946, %get3A_1938, %select_n3A_1924 : vector<16xi1>, vector<16xf32>
      %select_n3A_1949 = arith.select %gt3A_1946, %add3A_1930, %select_n3A_1925 : vector<16xi1>, vector<16xi32>
      %select_n3A_1950 = arith.select %gt3A_1947, %get3A_1945, %select_n3A_1926 : vector<16xi1>, vector<16xf32>
      %select_n3A_1951 = arith.select %gt3A_1947, %add3A_1933, %select_n3A_1927 : vector<16xi1>, vector<16xi32>
      %add3A_1952 = arith.constant 16 : i32
      %add3A_1953 = vector.broadcast %add3A_1952 : i32 to vector<16xi32>
      %add3A_1954 = arith.addi %add3A_1930, %add3A_1953 : vector<16xi32>
      %add3A_1955 = arith.constant 16 : i32
      %add3A_1956 = vector.broadcast %add3A_1955 : i32 to vector<16xi32>
      %add3A_1957 = arith.addi %add3A_1933, %add3A_1956 : vector<16xi32>
      %get3A_1958 = arith.constant 2 : i32
      %get3A_1959 = arith.index_cast %get3A_1958 : i32 to index
      %get3A_1960 = arith.index_cast %scan3A_1789 : i32 to index
      %get3A_1961 = arith.constant 112 : index
      %get3A_1962 = tpu.vector_load %arg6[%get3A_1959, %get3A_1960, %get3A_1961] {strides = array<i32>} : memref<4x64x128xf32, #tpu.memory_space<vmem>>, vector<16xf32>,
      %add3A_1963 = arith.constant 32 : i32
      %add3A_1964 = arith.addi %add3A_1963, %scan3A_1789 : i32
      %get3A_1965 = arith.constant 2 : i32
      %get3A_1966 = arith.index_cast %get3A_1965 : i32 to index
      %get3A_1967 = arith.index_cast %add3A_1964 : i32 to index
      %get3A_1968 = arith.constant 112 : index
      %get3A_1969 = tpu.vector_load %arg6[%get3A_1966, %get3A_1967, %get3A_1968] {strides = array<i32>} : memref<4x64x128xf32, #tpu.memory_space<vmem>>, vector<16xf32>,
      %gt3A_1970 = arith.cmpf ogt, %get3A_1962, %select_n3A_1948 : vector<16xf32>
      %gt3A_1971 = arith.cmpf ogt, %get3A_1969, %select_n3A_1950 : vector<16xf32>
      %select_n3A_1972 = arith.select %gt3A_1970, %get3A_1962, %select_n3A_1948 : vector<16xi1>, vector<16xf32>
      %select_n3A_1973 = arith.select %gt3A_1970, %add3A_1954, %select_n3A_1949 : vector<16xi1>, vector<16xi32>
      %select_n3A_1974 = arith.select %gt3A_1971, %get3A_1969, %select_n3A_1950 : vector<16xi1>, vector<16xf32>
      %select_n3A_1975 = arith.select %gt3A_1971, %add3A_1957, %select_n3A_1951 : vector<16xi1>, vector<16xi32>
      %add3A_1976 = arith.constant 16 : i32
      %add3A_1977 = vector.broadcast %add3A_1976 : i32 to vector<16xi32>
      %add3A_1978 = arith.addi %add3A_1954, %add3A_1977 : vector<16xi32>
      %add3A_1979 = arith.constant 16 : i32
      %add3A_1980 = vector.broadcast %add3A_1979 : i32 to vector<16xi32>
      %add3A_1981 = arith.addi %add3A_1957, %add3A_1980 : vector<16xi32>
      scf.yield %select_n3A_1972, %select_n3A_1973, %add3A_1978, %select_n3A_1974, %select_n3A_1975, %add3A_1981 : vector<16xf32>, vector<16xi32>, vector<16xi32>, vector<16xf32>, vector<16xi32>, vector<16xi32>
    }
    %scan3A_357 = arith.constant 32 : i32
    %gt3A_358 = arith.cmpf ogt, %scan3A_356#3, %scan3A_356#0 : vector<16xf32>
    %select_n3A_359 = arith.select %gt3A_358, %scan3A_356#3, %scan3A_356#0 : vector<16xi1>, vector<16xf32>
    %select_n3A_360 = arith.select %gt3A_358, %scan3A_356#4, %scan3A_356#1 : vector<16xi1>, vector<16xi32>
    %reduce_max3A_361 = arith.constant true
    %reduce_max3A_362 = vector.broadcast %reduce_max3A_361 : i1 to vector<16xi1>
    %reduce_max3A_363 = tpu.scan <max>, %select_n3A_359 masked %reduce_max3A_362 : vector<16xf32>, vector<16xi1> -> vector<16xf32>
    %reduce_max3A_364 = vector.extract %reduce_max3A_363[15] : f32 from vector<16xf32>
    %eq3A_365 = vector.broadcast %reduce_max3A_364 : f32 to vector<16xf32>
    %eq3A_366 = arith.cmpf oeq, %select_n3A_359, %eq3A_365 : vector<16xf32>
    %jit3A_367 = arith.constant 2147483647 : i32
    %broadcast_in_dim3A_368 = vector.broadcast %jit3A_367 : i32 to vector<16xi32>
    %select_n3A_369 = arith.select %eq3A_366, %select_n3A_360, %broadcast_in_dim3A_368 : vector<16xi1>, vector<16xi32>
    %reduce_min3A_370 = arith.constant true
    %reduce_min3A_371 = vector.broadcast %reduce_min3A_370 : i1 to vector<16xi1>
    %reduce_min3A_372 = arith.constant -2147483648 : i32
    %reduce_min3A_373 = vector.broadcast %reduce_min3A_372 : i32 to vector<16xi32>
    %reduce_min3A_374 = arith.xori %select_n3A_369, %reduce_min3A_373 : vector<16xi32>
    %reduce_min3A_375 = tpu.scan <min>, %reduce_min3A_374 masked %reduce_min3A_371 : vector<16xi32>, vector<16xi1> -> vector<16xi32>
    %reduce_min3A_376 = arith.xori %reduce_min3A_375, %reduce_min3A_373 : vector<16xi32>
    %reduce_min3A_377 = vector.extract %reduce_min3A_376[15] : i32 from vector<16xi32>
    %add3A_378 = arith.constant 2 : i32
    %add3A_379 = arith.addi %mul3A_2, %add3A_378 : i32
    %shift_right_arithmetic3A_380 = arith.constant 7 : i32
    %shift_right_arithmetic3A_381 = arith.shrsi %reduce_min3A_377, %shift_right_arithmetic3A_380 : i32
    %and3A_382 = arith.constant 127 : i32
    %and3A_383 = arith.andi %reduce_min3A_377, %and3A_382 : i32
    %and3A_384 = arith.constant -16 : i32
    %and3A_385 = arith.andi %and3A_383, %and3A_384 : i32
    %multiple_of3A_386 = tpu.assume_multiple %and3A_385, 16 : i32
    %dma_start3A_387 = arith.constant 0 : i32
    %dma_start3A_388 = arith.constant 4 : i32
    %dma_start3A_389 = arith.constant 0 : i32
    %dma_start3A_390 = tpu.memref_slice %arg7[%dma_start3A_388, %dma_start3A_389] : memref<8x16xf32, #tpu.memory_space<vmem>> -> memref<1x16xf32, #tpu.memory_space<vmem>>
    %dma_start3A_391 = tpu.memref_squeeze %dma_start3A_390 : memref<1x16xf32, #tpu.memory_space<vmem>> -> memref<16xf32, #tpu.memory_space<vmem>>
    %dma_start3A_392 = tpu.memref_slice %arg3[%add3A_379, %shift_right_arithmetic3A_381, %dma_start3A_387, %multiple_of3A_386] : memref<128x64x2x128xf32, #tpu.memory_space<hbm>> -> memref<1x1x1x16xf32, #tpu.memory_space<hbm>>
    %dma_start3A_393 = tpu.memref_squeeze %dma_start3A_392 : memref<1x1x1x16xf32, #tpu.memory_space<hbm>> -> memref<16xf32, #tpu.memory_space<hbm>>
    %dma_start3A_394 = arith.constant 0 : i32
    %dma_start3A_395 = tpu.memref_slice %arg7[%dma_start3A_388, %dma_start3A_394] : memref<8x16xf32, #tpu.memory_space<vmem>> -> memref<1x16xf32, #tpu.memory_space<vmem>>
    %dma_start3A_396 = tpu.memref_squeeze %dma_start3A_395 : memref<1x16xf32, #tpu.memory_space<vmem>> -> memref<16xf32, #tpu.memory_space<vmem>>
    %dma_start3A_397 = tpu.memref_slice %arg3[%add3A_379, %shift_right_arithmetic3A_381, %dma_start3A_387, %multiple_of3A_386] : memref<128x64x2x128xf32, #tpu.memory_space<hbm>> -> memref<1x1x1x16xf32, #tpu.memory_space<hbm>>
    %dma_start3A_398 = tpu.memref_squeeze %dma_start3A_397 : memref<1x1x1x16xf32, #tpu.memory_space<hbm>> -> memref<16xf32, #tpu.memory_space<hbm>>
    tpu.enqueue_dma source(%dma_start3A_398 : memref<16xf32, #tpu.memory_space<hbm>>) target(%dma_start3A_396 : memref<16xf32, #tpu.memory_space<vmem>>) target_semaphore(%arg17 : memref<!tpu.dma_semaphore, #tpu.memory_space<semaphore_mem>>)
    %add3A_399 = arith.constant 2 : i32
    %add3A_400 = arith.addi %mul3A_2, %add3A_399 : i32
    %shift_right_arithmetic3A_401 = arith.constant 7 : i32
    %shift_right_arithmetic3A_402 = arith.shrsi %reduce_min3A_377, %shift_right_arithmetic3A_401 : i32
    %and3A_403 = arith.constant 127 : i32
    %and3A_404 = arith.andi %reduce_min3A_377, %and3A_403 : i32
    %and3A_405 = arith.constant -16 : i32
    %and3A_406 = arith.andi %and3A_404, %and3A_405 : i32
    %multiple_of3A_407 = tpu.assume_multiple %and3A_406, 16 : i32
    %dma_start3A_408 = arith.constant 1 : i32
    %dma_start3A_409 = arith.constant 5 : i32
    %dma_start3A_410 = arith.constant 0 : i32
    %dma_start3A_411 = tpu.memref_slice %arg7[%dma_start3A_409, %dma_start3A_410] : memref<8x16xf32, #tpu.memory_space<vmem>> -> memref<1x16xf32, #tpu.memory_space<vmem>>
    %dma_start3A_412 = tpu.memref_squeeze %dma_start3A_411 : memref<1x16xf32, #tpu.memory_space<vmem>> -> memref<16xf32, #tpu.memory_space<vmem>>
    %dma_start3A_413 = tpu.memref_slice %arg3[%add3A_400, %shift_right_arithmetic3A_402, %dma_start3A_408, %multiple_of3A_407] : memref<128x64x2x128xf32, #tpu.memory_space<hbm>> -> memref<1x1x1x16xf32, #tpu.memory_space<hbm>>
    %dma_start3A_414 = tpu.memref_squeeze %dma_start3A_413 : memref<1x1x1x16xf32, #tpu.memory_space<hbm>> -> memref<16xf32, #tpu.memory_space<hbm>>
    %dma_start3A_415 = arith.constant 0 : i32
    %dma_start3A_416 = tpu.memref_slice %arg7[%dma_start3A_409, %dma_start3A_415] : memref<8x16xf32, #tpu.memory_space<vmem>> -> memref<1x16xf32, #tpu.memory_space<vmem>>
    %dma_start3A_417 = tpu.memref_squeeze %dma_start3A_416 : memref<1x16xf32, #tpu.memory_space<vmem>> -> memref<16xf32, #tpu.memory_space<vmem>>
    %dma_start3A_418 = tpu.memref_slice %arg3[%add3A_400, %shift_right_arithmetic3A_402, %dma_start3A_408, %multiple_of3A_407] : memref<128x64x2x128xf32, #tpu.memory_space<hbm>> -> memref<1x1x1x16xf32, #tpu.memory_space<hbm>>
    %dma_start3A_419 = tpu.memref_squeeze %dma_start3A_418 : memref<1x1x1x16xf32, #tpu.memory_space<hbm>> -> memref<16xf32, #tpu.memory_space<hbm>>
    tpu.enqueue_dma source(%dma_start3A_419 : memref<16xf32, #tpu.memory_space<hbm>>) target(%dma_start3A_417 : memref<16xf32, #tpu.memory_space<vmem>>) target_semaphore(%arg17 : memref<!tpu.dma_semaphore, #tpu.memory_space<semaphore_mem>>)
    %dma_wait3A_420 = arith.constant 3 : i32
    %dma_wait3A_421 = arith.constant 0 : i32
    %dma_wait3A_422 = arith.constant 0 : i32
    %dma_wait3A_423 = tpu.memref_slice %arg6[%dma_wait3A_420, %dma_wait3A_421, %dma_wait3A_422] : memref<4x64x128xf32, #tpu.memory_space<vmem>> -> memref<1x64x128xf32, #tpu.memory_space<vmem>>
    %dma_wait3A_424 = tpu.memref_squeeze %dma_wait3A_423 : memref<1x64x128xf32, #tpu.memory_space<vmem>> -> memref<64x128xf32, #tpu.memory_space<vmem>>
    %dma_wait3A_425 = arith.constant 0 : i32
    %dma_wait3A_426 = arith.constant 0 : i32
    %dma_wait3A_427 = tpu.memref_slice %arg2[%select_n3A, %dma_wait3A_425, %add3A_154, %dma_wait3A_426] : memref<16x64x8x128xf32, #tpu.memory_space<hbm>> -> memref<1x64x1x128xf32, #tpu.memory_space<hbm>>
    %dma_wait3A_428 = tpu.memref_squeeze %dma_wait3A_427 : memref<1x64x1x128xf32, #tpu.memory_space<hbm>> -> memref<64x128xf32, #tpu.memory_space<hbm>>
    %dma_wait3A_429 = arith.constant 0 : i32
    %dma_wait3A_430 = arith.constant 0 : i32
    %dma_wait3A_431 = tpu.memref_slice %arg6[%dma_wait3A_420, %dma_wait3A_429, %dma_wait3A_430] : memref<4x64x128xf32, #tpu.memory_space<vmem>> -> memref<1x64x128xf32, #tpu.memory_space<vmem>>
    %dma_wait3A_432 = tpu.memref_squeeze %dma_wait3A_431 : memref<1x64x128xf32, #tpu.memory_space<vmem>> -> memref<64x128xf32, #tpu.memory_space<vmem>>
    %dma_wait3A_433 = arith.constant 0 : i32
    %dma_wait3A_434 = arith.constant 0 : i32
    %dma_wait3A_435 = tpu.memref_slice %arg2[%select_n3A, %dma_wait3A_433, %add3A_154, %dma_wait3A_434] : memref<16x64x8x128xf32, #tpu.memory_space<hbm>> -> memref<1x64x1x128xf32, #tpu.memory_space<hbm>>
    %dma_wait3A_436 = tpu.memref_squeeze %dma_wait3A_435 : memref<1x64x1x128xf32, #tpu.memory_space<hbm>> -> memref<64x128xf32, #tpu.memory_space<hbm>>
    tpu.wait_dma2 semaphore(%arg14 : memref<!tpu.dma_semaphore, #tpu.memory_space<semaphore_mem>>) src(%dma_wait3A_436 : memref<64x128xf32, #tpu.memory_space<hbm>>) dst(%dma_wait3A_432 : memref<64x128xf32, #tpu.memory_space<vmem>>)
    %iota3A_437 = tpu.iota {dimensions = array<i32: 0>} : vector<16xi32>
    %broadcast_in_dim3A_438 = arith.constant 0xFF800000 : f32
    %broadcast_in_dim3A_439 = vector.broadcast %broadcast_in_dim3A_438 : f32 to vector<16xf32>
    %add3A_440 = arith.constant 4096 : i32
    %add3A_441 = vector.broadcast %add3A_440 : i32 to vector<16xi32>
    %add3A_442 = arith.addi %iota3A_437, %add3A_441 : vector<16xi32>
    %scan3A_443 = arith.constant 0 : i32
    %scan3A_444 = arith.constant 32 : i32
    %scan3A_445 = arith.addi %scan3A_443, %scan3A_444 : i32
    %scan3A_446 = arith.constant 2 : i32
    %scan3A_447:6 = scf.for %scan3A_1589 = %scan3A_443 to %scan3A_445 step %scan3A_446 iter_args(%scan3A_1590 = %broadcast_in_dim3A_439, %scan3A_1591 = %iota3A_437, %scan3A_1592 = %iota3A_437, %scan3A_1593 = %broadcast_in_dim3A_439, %scan3A_1594 = %add3A_442, %scan3A_1595 = %add3A_442) -> (vector<16xf32>, vector<16xi32>, vector<16xi32>, vector<16xf32>, vector<16xi32>, vector<16xi32>)  : i32 {
      %get3A_1596 = arith.constant 3 : i32
      %get3A_1597 = arith.index_cast %get3A_1596 : i32 to index
      %get3A_1598 = arith.index_cast %scan3A_1589 : i32 to index
      %get3A_1599 = arith.constant 0 : index
      %get3A_1600 = tpu.vector_load %arg6[%get3A_1597, %get3A_1598, %get3A_1599] {strides = array<i32>} : memref<4x64x128xf32, #tpu.memory_space<vmem>>, vector<16xf32>,
      %add3A_1601 = arith.constant 32 : i32
      %add3A_1602 = arith.addi %add3A_1601, %scan3A_1589 : i32
      %get3A_1603 = arith.constant 3 : i32
      %get3A_1604 = arith.index_cast %get3A_1603 : i32 to index
      %get3A_1605 = arith.index_cast %add3A_1602 : i32 to index
      %get3A_1606 = arith.constant 0 : index
      %get3A_1607 = tpu.vector_load %arg6[%get3A_1604, %get3A_1605, %get3A_1606] {strides = array<i32>} : memref<4x64x128xf32, #tpu.memory_space<vmem>>, vector<16xf32>,
      %gt3A_1608 = arith.cmpf ogt, %get3A_1600, %scan3A_1590 : vector<16xf32>
      %gt3A_1609 = arith.cmpf ogt, %get3A_1607, %scan3A_1593 : vector<16xf32>
      %select_n3A_1610 = arith.select %gt3A_1608, %get3A_1600, %scan3A_1590 : vector<16xi1>, vector<16xf32>
      %select_n3A_1611 = arith.select %gt3A_1608, %scan3A_1592, %scan3A_1591 : vector<16xi1>, vector<16xi32>
      %select_n3A_1612 = arith.select %gt3A_1609, %get3A_1607, %scan3A_1593 : vector<16xi1>, vector<16xf32>
      %select_n3A_1613 = arith.select %gt3A_1609, %scan3A_1595, %scan3A_1594 : vector<16xi1>, vector<16xi32>
      %add3A_1614 = arith.constant 16 : i32
      %add3A_1615 = vector.broadcast %add3A_1614 : i32 to vector<16xi32>
      %add3A_1616 = arith.addi %scan3A_1592, %add3A_1615 : vector<16xi32>
      %add3A_1617 = arith.constant 16 : i32
      %add3A_1618 = vector.broadcast %add3A_1617 : i32 to vector<16xi32>
      %add3A_1619 = arith.addi %scan3A_1595, %add3A_1618 : vector<16xi32>
      %get3A_1620 = arith.constant 3 : i32
      %get3A_1621 = arith.index_cast %get3A_1620 : i32 to index
      %get3A_1622 = arith.index_cast %scan3A_1589 : i32 to index
      %get3A_1623 = arith.constant 16 : index
      %get3A_1624 = tpu.vector_load %arg6[%get3A_1621, %get3A_1622, %get3A_1623] {strides = array<i32>} : memref<4x64x128xf32, #tpu.memory_space<vmem>>, vector<16xf32>,
      %add3A_1625 = arith.constant 32 : i32
      %add3A_1626 = arith.addi %add3A_1625, %scan3A_1589 : i32
      %get3A_1627 = arith.constant 3 : i32
      %get3A_1628 = arith.index_cast %get3A_1627 : i32 to index
      %get3A_1629 = arith.index_cast %add3A_1626 : i32 to index
      %get3A_1630 = arith.constant 16 : index
      %get3A_1631 = tpu.vector_load %arg6[%get3A_1628, %get3A_1629, %get3A_1630] {strides = array<i32>} : memref<4x64x128xf32, #tpu.memory_space<vmem>>, vector<16xf32>,
      %gt3A_1632 = arith.cmpf ogt, %get3A_1624, %select_n3A_1610 : vector<16xf32>
      %gt3A_1633 = arith.cmpf ogt, %get3A_1631, %select_n3A_1612 : vector<16xf32>
      %select_n3A_1634 = arith.select %gt3A_1632, %get3A_1624, %select_n3A_1610 : vector<16xi1>, vector<16xf32>
      %select_n3A_1635 = arith.select %gt3A_1632, %add3A_1616, %select_n3A_1611 : vector<16xi1>, vector<16xi32>
      %select_n3A_1636 = arith.select %gt3A_1633, %get3A_1631, %select_n3A_1612 : vector<16xi1>, vector<16xf32>
      %select_n3A_1637 = arith.select %gt3A_1633, %add3A_1619, %select_n3A_1613 : vector<16xi1>, vector<16xi32>
      %add3A_1638 = arith.constant 16 : i32
      %add3A_1639 = vector.broadcast %add3A_1638 : i32 to vector<16xi32>
      %add3A_1640 = arith.addi %add3A_1616, %add3A_1639 : vector<16xi32>
      %add3A_1641 = arith.constant 16 : i32
      %add3A_1642 = vector.broadcast %add3A_1641 : i32 to vector<16xi32>
      %add3A_1643 = arith.addi %add3A_1619, %add3A_1642 : vector<16xi32>
      %get3A_1644 = arith.constant 3 : i32
      %get3A_1645 = arith.index_cast %get3A_1644 : i32 to index
      %get3A_1646 = arith.index_cast %scan3A_1589 : i32 to index
      %get3A_1647 = arith.constant 32 : index
      %get3A_1648 = tpu.vector_load %arg6[%get3A_1645, %get3A_1646, %get3A_1647] {strides = array<i32>} : memref<4x64x128xf32, #tpu.memory_space<vmem>>, vector<16xf32>,
      %add3A_1649 = arith.constant 32 : i32
      %add3A_1650 = arith.addi %add3A_1649, %scan3A_1589 : i32
      %get3A_1651 = arith.constant 3 : i32
      %get3A_1652 = arith.index_cast %get3A_1651 : i32 to index
      %get3A_1653 = arith.index_cast %add3A_1650 : i32 to index
      %get3A_1654 = arith.constant 32 : index
      %get3A_1655 = tpu.vector_load %arg6[%get3A_1652, %get3A_1653, %get3A_1654] {strides = array<i32>} : memref<4x64x128xf32, #tpu.memory_space<vmem>>, vector<16xf32>,
      %gt3A_1656 = arith.cmpf ogt, %get3A_1648, %select_n3A_1634 : vector<16xf32>
      %gt3A_1657 = arith.cmpf ogt, %get3A_1655, %select_n3A_1636 : vector<16xf32>
      %select_n3A_1658 = arith.select %gt3A_1656, %get3A_1648, %select_n3A_1634 : vector<16xi1>, vector<16xf32>
      %select_n3A_1659 = arith.select %gt3A_1656, %add3A_1640, %select_n3A_1635 : vector<16xi1>, vector<16xi32>
      %select_n3A_1660 = arith.select %gt3A_1657, %get3A_1655, %select_n3A_1636 : vector<16xi1>, vector<16xf32>
      %select_n3A_1661 = arith.select %gt3A_1657, %add3A_1643, %select_n3A_1637 : vector<16xi1>, vector<16xi32>
      %add3A_1662 = arith.constant 16 : i32
      %add3A_1663 = vector.broadcast %add3A_1662 : i32 to vector<16xi32>
      %add3A_1664 = arith.addi %add3A_1640, %add3A_1663 : vector<16xi32>
      %add3A_1665 = arith.constant 16 : i32
      %add3A_1666 = vector.broadcast %add3A_1665 : i32 to vector<16xi32>
      %add3A_1667 = arith.addi %add3A_1643, %add3A_1666 : vector<16xi32>
      %get3A_1668 = arith.constant 3 : i32
      %get3A_1669 = arith.index_cast %get3A_1668 : i32 to index
      %get3A_1670 = arith.index_cast %scan3A_1589 : i32 to index
      %get3A_1671 = arith.constant 48 : index
      %get3A_1672 = tpu.vector_load %arg6[%get3A_1669, %get3A_1670, %get3A_1671] {strides = array<i32>} : memref<4x64x128xf32, #tpu.memory_space<vmem>>, vector<16xf32>,
      %add3A_1673 = arith.constant 32 : i32
      %add3A_1674 = arith.addi %add3A_1673, %scan3A_1589 : i32
      %get3A_1675 = arith.constant 3 : i32
      %get3A_1676 = arith.index_cast %get3A_1675 : i32 to index
      %get3A_1677 = arith.index_cast %add3A_1674 : i32 to index
      %get3A_1678 = arith.constant 48 : index
      %get3A_1679 = tpu.vector_load %arg6[%get3A_1676, %get3A_1677, %get3A_1678] {strides = array<i32>} : memref<4x64x128xf32, #tpu.memory_space<vmem>>, vector<16xf32>,
      %gt3A_1680 = arith.cmpf ogt, %get3A_1672, %select_n3A_1658 : vector<16xf32>
      %gt3A_1681 = arith.cmpf ogt, %get3A_1679, %select_n3A_1660 : vector<16xf32>
      %select_n3A_1682 = arith.select %gt3A_1680, %get3A_1672, %select_n3A_1658 : vector<16xi1>, vector<16xf32>
      %select_n3A_1683 = arith.select %gt3A_1680, %add3A_1664, %select_n3A_1659 : vector<16xi1>, vector<16xi32>
      %select_n3A_1684 = arith.select %gt3A_1681, %get3A_1679, %select_n3A_1660 : vector<16xi1>, vector<16xf32>
      %select_n3A_1685 = arith.select %gt3A_1681, %add3A_1667, %select_n3A_1661 : vector<16xi1>, vector<16xi32>
      %add3A_1686 = arith.constant 16 : i32
      %add3A_1687 = vector.broadcast %add3A_1686 : i32 to vector<16xi32>
      %add3A_1688 = arith.addi %add3A_1664, %add3A_1687 : vector<16xi32>
      %add3A_1689 = arith.constant 16 : i32
      %add3A_1690 = vector.broadcast %add3A_1689 : i32 to vector<16xi32>
      %add3A_1691 = arith.addi %add3A_1667, %add3A_1690 : vector<16xi32>
      %get3A_1692 = arith.constant 3 : i32
      %get3A_1693 = arith.index_cast %get3A_1692 : i32 to index
      %get3A_1694 = arith.index_cast %scan3A_1589 : i32 to index
      %get3A_1695 = arith.constant 64 : index
      %get3A_1696 = tpu.vector_load %arg6[%get3A_1693, %get3A_1694, %get3A_1695] {strides = array<i32>} : memref<4x64x128xf32, #tpu.memory_space<vmem>>, vector<16xf32>,
      %add3A_1697 = arith.constant 32 : i32
      %add3A_1698 = arith.addi %add3A_1697, %scan3A_1589 : i32
      %get3A_1699 = arith.constant 3 : i32
      %get3A_1700 = arith.index_cast %get3A_1699 : i32 to index
      %get3A_1701 = arith.index_cast %add3A_1698 : i32 to index
      %get3A_1702 = arith.constant 64 : index
      %get3A_1703 = tpu.vector_load %arg6[%get3A_1700, %get3A_1701, %get3A_1702] {strides = array<i32>} : memref<4x64x128xf32, #tpu.memory_space<vmem>>, vector<16xf32>,
      %gt3A_1704 = arith.cmpf ogt, %get3A_1696, %select_n3A_1682 : vector<16xf32>
      %gt3A_1705 = arith.cmpf ogt, %get3A_1703, %select_n3A_1684 : vector<16xf32>
      %select_n3A_1706 = arith.select %gt3A_1704, %get3A_1696, %select_n3A_1682 : vector<16xi1>, vector<16xf32>
      %select_n3A_1707 = arith.select %gt3A_1704, %add3A_1688, %select_n3A_1683 : vector<16xi1>, vector<16xi32>
      %select_n3A_1708 = arith.select %gt3A_1705, %get3A_1703, %select_n3A_1684 : vector<16xi1>, vector<16xf32>
      %select_n3A_1709 = arith.select %gt3A_1705, %add3A_1691, %select_n3A_1685 : vector<16xi1>, vector<16xi32>
      %add3A_1710 = arith.constant 16 : i32
      %add3A_1711 = vector.broadcast %add3A_1710 : i32 to vector<16xi32>
      %add3A_1712 = arith.addi %add3A_1688, %add3A_1711 : vector<16xi32>
      %add3A_1713 = arith.constant 16 : i32
      %add3A_1714 = vector.broadcast %add3A_1713 : i32 to vector<16xi32>
      %add3A_1715 = arith.addi %add3A_1691, %add3A_1714 : vector<16xi32>
      %get3A_1716 = arith.constant 3 : i32
      %get3A_1717 = arith.index_cast %get3A_1716 : i32 to index
      %get3A_1718 = arith.index_cast %scan3A_1589 : i32 to index
      %get3A_1719 = arith.constant 80 : index
      %get3A_1720 = tpu.vector_load %arg6[%get3A_1717, %get3A_1718, %get3A_1719] {strides = array<i32>} : memref<4x64x128xf32, #tpu.memory_space<vmem>>, vector<16xf32>,
      %add3A_1721 = arith.constant 32 : i32
      %add3A_1722 = arith.addi %add3A_1721, %scan3A_1589 : i32
      %get3A_1723 = arith.constant 3 : i32
      %get3A_1724 = arith.index_cast %get3A_1723 : i32 to index
      %get3A_1725 = arith.index_cast %add3A_1722 : i32 to index
      %get3A_1726 = arith.constant 80 : index
      %get3A_1727 = tpu.vector_load %arg6[%get3A_1724, %get3A_1725, %get3A_1726] {strides = array<i32>} : memref<4x64x128xf32, #tpu.memory_space<vmem>>, vector<16xf32>,
      %gt3A_1728 = arith.cmpf ogt, %get3A_1720, %select_n3A_1706 : vector<16xf32>
      %gt3A_1729 = arith.cmpf ogt, %get3A_1727, %select_n3A_1708 : vector<16xf32>
      %select_n3A_1730 = arith.select %gt3A_1728, %get3A_1720, %select_n3A_1706 : vector<16xi1>, vector<16xf32>
      %select_n3A_1731 = arith.select %gt3A_1728, %add3A_1712, %select_n3A_1707 : vector<16xi1>, vector<16xi32>
      %select_n3A_1732 = arith.select %gt3A_1729, %get3A_1727, %select_n3A_1708 : vector<16xi1>, vector<16xf32>
      %select_n3A_1733 = arith.select %gt3A_1729, %add3A_1715, %select_n3A_1709 : vector<16xi1>, vector<16xi32>
      %add3A_1734 = arith.constant 16 : i32
      %add3A_1735 = vector.broadcast %add3A_1734 : i32 to vector<16xi32>
      %add3A_1736 = arith.addi %add3A_1712, %add3A_1735 : vector<16xi32>
      %add3A_1737 = arith.constant 16 : i32
      %add3A_1738 = vector.broadcast %add3A_1737 : i32 to vector<16xi32>
      %add3A_1739 = arith.addi %add3A_1715, %add3A_1738 : vector<16xi32>
      %get3A_1740 = arith.constant 3 : i32
      %get3A_1741 = arith.index_cast %get3A_1740 : i32 to index
      %get3A_1742 = arith.index_cast %scan3A_1589 : i32 to index
      %get3A_1743 = arith.constant 96 : index
      %get3A_1744 = tpu.vector_load %arg6[%get3A_1741, %get3A_1742, %get3A_1743] {strides = array<i32>} : memref<4x64x128xf32, #tpu.memory_space<vmem>>, vector<16xf32>,
      %add3A_1745 = arith.constant 32 : i32
      %add3A_1746 = arith.addi %add3A_1745, %scan3A_1589 : i32
      %get3A_1747 = arith.constant 3 : i32
      %get3A_1748 = arith.index_cast %get3A_1747 : i32 to index
      %get3A_1749 = arith.index_cast %add3A_1746 : i32 to index
      %get3A_1750 = arith.constant 96 : index
      %get3A_1751 = tpu.vector_load %arg6[%get3A_1748, %get3A_1749, %get3A_1750] {strides = array<i32>} : memref<4x64x128xf32, #tpu.memory_space<vmem>>, vector<16xf32>,
      %gt3A_1752 = arith.cmpf ogt, %get3A_1744, %select_n3A_1730 : vector<16xf32>
      %gt3A_1753 = arith.cmpf ogt, %get3A_1751, %select_n3A_1732 : vector<16xf32>
      %select_n3A_1754 = arith.select %gt3A_1752, %get3A_1744, %select_n3A_1730 : vector<16xi1>, vector<16xf32>
      %select_n3A_1755 = arith.select %gt3A_1752, %add3A_1736, %select_n3A_1731 : vector<16xi1>, vector<16xi32>
      %select_n3A_1756 = arith.select %gt3A_1753, %get3A_1751, %select_n3A_1732 : vector<16xi1>, vector<16xf32>
      %select_n3A_1757 = arith.select %gt3A_1753, %add3A_1739, %select_n3A_1733 : vector<16xi1>, vector<16xi32>
      %add3A_1758 = arith.constant 16 : i32
      %add3A_1759 = vector.broadcast %add3A_1758 : i32 to vector<16xi32>
      %add3A_1760 = arith.addi %add3A_1736, %add3A_1759 : vector<16xi32>
      %add3A_1761 = arith.constant 16 : i32
      %add3A_1762 = vector.broadcast %add3A_1761 : i32 to vector<16xi32>
      %add3A_1763 = arith.addi %add3A_1739, %add3A_1762 : vector<16xi32>
      %get3A_1764 = arith.constant 3 : i32
      %get3A_1765 = arith.index_cast %get3A_1764 : i32 to index
      %get3A_1766 = arith.index_cast %scan3A_1589 : i32 to index
      %get3A_1767 = arith.constant 112 : index
      %get3A_1768 = tpu.vector_load %arg6[%get3A_1765, %get3A_1766, %get3A_1767] {strides = array<i32>} : memref<4x64x128xf32, #tpu.memory_space<vmem>>, vector<16xf32>,
      %add3A_1769 = arith.constant 32 : i32
      %add3A_1770 = arith.addi %add3A_1769, %scan3A_1589 : i32
      %get3A_1771 = arith.constant 3 : i32
      %get3A_1772 = arith.index_cast %get3A_1771 : i32 to index
      %get3A_1773 = arith.index_cast %add3A_1770 : i32 to index
      %get3A_1774 = arith.constant 112 : index
      %get3A_1775 = tpu.vector_load %arg6[%get3A_1772, %get3A_1773, %get3A_1774] {strides = array<i32>} : memref<4x64x128xf32, #tpu.memory_space<vmem>>, vector<16xf32>,
      %gt3A_1776 = arith.cmpf ogt, %get3A_1768, %select_n3A_1754 : vector<16xf32>
      %gt3A_1777 = arith.cmpf ogt, %get3A_1775, %select_n3A_1756 : vector<16xf32>
      %select_n3A_1778 = arith.select %gt3A_1776, %get3A_1768, %select_n3A_1754 : vector<16xi1>, vector<16xf32>
      %select_n3A_1779 = arith.select %gt3A_1776, %add3A_1760, %select_n3A_1755 : vector<16xi1>, vector<16xi32>
      %select_n3A_1780 = arith.select %gt3A_1777, %get3A_1775, %select_n3A_1756 : vector<16xi1>, vector<16xf32>
      %select_n3A_1781 = arith.select %gt3A_1777, %add3A_1763, %select_n3A_1757 : vector<16xi1>, vector<16xi32>
      %add3A_1782 = arith.constant 16 : i32
      %add3A_1783 = vector.broadcast %add3A_1782 : i32 to vector<16xi32>
      %add3A_1784 = arith.addi %add3A_1760, %add3A_1783 : vector<16xi32>
      %add3A_1785 = arith.constant 16 : i32
      %add3A_1786 = vector.broadcast %add3A_1785 : i32 to vector<16xi32>
      %add3A_1787 = arith.addi %add3A_1763, %add3A_1786 : vector<16xi32>
      %scan3A_1788 = arith.constant 1 : i32
      %scan3A_1789 = arith.addi %scan3A_1589, %scan3A_1788 : i32
      %get3A_1790 = arith.constant 3 : i32
      %get3A_1791 = arith.index_cast %get3A_1790 : i32 to index
      %get3A_1792 = arith.index_cast %scan3A_1789 : i32 to index
      %get3A_1793 = arith.constant 0 : index
      %get3A_1794 = tpu.vector_load %arg6[%get3A_1791, %get3A_1792, %get3A_1793] {strides = array<i32>} : memref<4x64x128xf32, #tpu.memory_space<vmem>>, vector<16xf32>,
      %add3A_1795 = arith.constant 32 : i32
      %add3A_1796 = arith.addi %add3A_1795, %scan3A_1789 : i32
      %get3A_1797 = arith.constant 3 : i32
      %get3A_1798 = arith.index_cast %get3A_1797 : i32 to index
      %get3A_1799 = arith.index_cast %add3A_1796 : i32 to index
      %get3A_1800 = arith.constant 0 : index
      %get3A_1801 = tpu.vector_load %arg6[%get3A_1798, %get3A_1799, %get3A_1800] {strides = array<i32>} : memref<4x64x128xf32, #tpu.memory_space<vmem>>, vector<16xf32>,
      %gt3A_1802 = arith.cmpf ogt, %get3A_1794, %select_n3A_1778 : vector<16xf32>
      %gt3A_1803 = arith.cmpf ogt, %get3A_1801, %select_n3A_1780 : vector<16xf32>
      %select_n3A_1804 = arith.select %gt3A_1802, %get3A_1794, %select_n3A_1778 : vector<16xi1>, vector<16xf32>
      %select_n3A_1805 = arith.select %gt3A_1802, %add3A_1784, %select_n3A_1779 : vector<16xi1>, vector<16xi32>
      %select_n3A_1806 = arith.select %gt3A_1803, %get3A_1801, %select_n3A_1780 : vector<16xi1>, vector<16xf32>
      %select_n3A_1807 = arith.select %gt3A_1803, %add3A_1787, %select_n3A_1781 : vector<16xi1>, vector<16xi32>
      %add3A_1808 = arith.constant 16 : i32
      %add3A_1809 = vector.broadcast %add3A_1808 : i32 to vector<16xi32>
      %add3A_1810 = arith.addi %add3A_1784, %add3A_1809 : vector<16xi32>
      %add3A_1811 = arith.constant 16 : i32
      %add3A_1812 = vector.broadcast %add3A_1811 : i32 to vector<16xi32>
      %add3A_1813 = arith.addi %add3A_1787, %add3A_1812 : vector<16xi32>
      %get3A_1814 = arith.constant 3 : i32
      %get3A_1815 = arith.index_cast %get3A_1814 : i32 to index
      %get3A_1816 = arith.index_cast %scan3A_1789 : i32 to index
      %get3A_1817 = arith.constant 16 : index
      %get3A_1818 = tpu.vector_load %arg6[%get3A_1815, %get3A_1816, %get3A_1817] {strides = array<i32>} : memref<4x64x128xf32, #tpu.memory_space<vmem>>, vector<16xf32>,
      %add3A_1819 = arith.constant 32 : i32
      %add3A_1820 = arith.addi %add3A_1819, %scan3A_1789 : i32
      %get3A_1821 = arith.constant 3 : i32
      %get3A_1822 = arith.index_cast %get3A_1821 : i32 to index
      %get3A_1823 = arith.index_cast %add3A_1820 : i32 to index
      %get3A_1824 = arith.constant 16 : index
      %get3A_1825 = tpu.vector_load %arg6[%get3A_1822, %get3A_1823, %get3A_1824] {strides = array<i32>} : memref<4x64x128xf32, #tpu.memory_space<vmem>>, vector<16xf32>,
      %gt3A_1826 = arith.cmpf ogt, %get3A_1818, %select_n3A_1804 : vector<16xf32>
      %gt3A_1827 = arith.cmpf ogt, %get3A_1825, %select_n3A_1806 : vector<16xf32>
      %select_n3A_1828 = arith.select %gt3A_1826, %get3A_1818, %select_n3A_1804 : vector<16xi1>, vector<16xf32>
      %select_n3A_1829 = arith.select %gt3A_1826, %add3A_1810, %select_n3A_1805 : vector<16xi1>, vector<16xi32>
      %select_n3A_1830 = arith.select %gt3A_1827, %get3A_1825, %select_n3A_1806 : vector<16xi1>, vector<16xf32>
      %select_n3A_1831 = arith.select %gt3A_1827, %add3A_1813, %select_n3A_1807 : vector<16xi1>, vector<16xi32>
      %add3A_1832 = arith.constant 16 : i32
      %add3A_1833 = vector.broadcast %add3A_1832 : i32 to vector<16xi32>
      %add3A_1834 = arith.addi %add3A_1810, %add3A_1833 : vector<16xi32>
      %add3A_1835 = arith.constant 16 : i32
      %add3A_1836 = vector.broadcast %add3A_1835 : i32 to vector<16xi32>
      %add3A_1837 = arith.addi %add3A_1813, %add3A_1836 : vector<16xi32>
      %get3A_1838 = arith.constant 3 : i32
      %get3A_1839 = arith.index_cast %get3A_1838 : i32 to index
      %get3A_1840 = arith.index_cast %scan3A_1789 : i32 to index
      %get3A_1841 = arith.constant 32 : index
      %get3A_1842 = tpu.vector_load %arg6[%get3A_1839, %get3A_1840, %get3A_1841] {strides = array<i32>} : memref<4x64x128xf32, #tpu.memory_space<vmem>>, vector<16xf32>,
      %add3A_1843 = arith.constant 32 : i32
      %add3A_1844 = arith.addi %add3A_1843, %scan3A_1789 : i32
      %get3A_1845 = arith.constant 3 : i32
      %get3A_1846 = arith.index_cast %get3A_1845 : i32 to index
      %get3A_1847 = arith.index_cast %add3A_1844 : i32 to index
      %get3A_1848 = arith.constant 32 : index
      %get3A_1849 = tpu.vector_load %arg6[%get3A_1846, %get3A_1847, %get3A_1848] {strides = array<i32>} : memref<4x64x128xf32, #tpu.memory_space<vmem>>, vector<16xf32>,
      %gt3A_1850 = arith.cmpf ogt, %get3A_1842, %select_n3A_1828 : vector<16xf32>
      %gt3A_1851 = arith.cmpf ogt, %get3A_1849, %select_n3A_1830 : vector<16xf32>
      %select_n3A_1852 = arith.select %gt3A_1850, %get3A_1842, %select_n3A_1828 : vector<16xi1>, vector<16xf32>
      %select_n3A_1853 = arith.select %gt3A_1850, %add3A_1834, %select_n3A_1829 : vector<16xi1>, vector<16xi32>
      %select_n3A_1854 = arith.select %gt3A_1851, %get3A_1849, %select_n3A_1830 : vector<16xi1>, vector<16xf32>
      %select_n3A_1855 = arith.select %gt3A_1851, %add3A_1837, %select_n3A_1831 : vector<16xi1>, vector<16xi32>
      %add3A_1856 = arith.constant 16 : i32
      %add3A_1857 = vector.broadcast %add3A_1856 : i32 to vector<16xi32>
      %add3A_1858 = arith.addi %add3A_1834, %add3A_1857 : vector<16xi32>
      %add3A_1859 = arith.constant 16 : i32
      %add3A_1860 = vector.broadcast %add3A_1859 : i32 to vector<16xi32>
      %add3A_1861 = arith.addi %add3A_1837, %add3A_1860 : vector<16xi32>
      %get3A_1862 = arith.constant 3 : i32
      %get3A_1863 = arith.index_cast %get3A_1862 : i32 to index
      %get3A_1864 = arith.index_cast %scan3A_1789 : i32 to index
      %get3A_1865 = arith.constant 48 : index
      %get3A_1866 = tpu.vector_load %arg6[%get3A_1863, %get3A_1864, %get3A_1865] {strides = array<i32>} : memref<4x64x128xf32, #tpu.memory_space<vmem>>, vector<16xf32>,
      %add3A_1867 = arith.constant 32 : i32
      %add3A_1868 = arith.addi %add3A_1867, %scan3A_1789 : i32
      %get3A_1869 = arith.constant 3 : i32
      %get3A_1870 = arith.index_cast %get3A_1869 : i32 to index
      %get3A_1871 = arith.index_cast %add3A_1868 : i32 to index
      %get3A_1872 = arith.constant 48 : index
      %get3A_1873 = tpu.vector_load %arg6[%get3A_1870, %get3A_1871, %get3A_1872] {strides = array<i32>} : memref<4x64x128xf32, #tpu.memory_space<vmem>>, vector<16xf32>,
      %gt3A_1874 = arith.cmpf ogt, %get3A_1866, %select_n3A_1852 : vector<16xf32>
      %gt3A_1875 = arith.cmpf ogt, %get3A_1873, %select_n3A_1854 : vector<16xf32>
      %select_n3A_1876 = arith.select %gt3A_1874, %get3A_1866, %select_n3A_1852 : vector<16xi1>, vector<16xf32>
      %select_n3A_1877 = arith.select %gt3A_1874, %add3A_1858, %select_n3A_1853 : vector<16xi1>, vector<16xi32>
      %select_n3A_1878 = arith.select %gt3A_1875, %get3A_1873, %select_n3A_1854 : vector<16xi1>, vector<16xf32>
      %select_n3A_1879 = arith.select %gt3A_1875, %add3A_1861, %select_n3A_1855 : vector<16xi1>, vector<16xi32>
      %add3A_1880 = arith.constant 16 : i32
      %add3A_1881 = vector.broadcast %add3A_1880 : i32 to vector<16xi32>
      %add3A_1882 = arith.addi %add3A_1858, %add3A_1881 : vector<16xi32>
      %add3A_1883 = arith.constant 16 : i32
      %add3A_1884 = vector.broadcast %add3A_1883 : i32 to vector<16xi32>
      %add3A_1885 = arith.addi %add3A_1861, %add3A_1884 : vector<16xi32>
      %get3A_1886 = arith.constant 3 : i32
      %get3A_1887 = arith.index_cast %get3A_1886 : i32 to index
      %get3A_1888 = arith.index_cast %scan3A_1789 : i32 to index
      %get3A_1889 = arith.constant 64 : index
      %get3A_1890 = tpu.vector_load %arg6[%get3A_1887, %get3A_1888, %get3A_1889] {strides = array<i32>} : memref<4x64x128xf32, #tpu.memory_space<vmem>>, vector<16xf32>,
      %add3A_1891 = arith.constant 32 : i32
      %add3A_1892 = arith.addi %add3A_1891, %scan3A_1789 : i32
      %get3A_1893 = arith.constant 3 : i32
      %get3A_1894 = arith.index_cast %get3A_1893 : i32 to index
      %get3A_1895 = arith.index_cast %add3A_1892 : i32 to index
      %get3A_1896 = arith.constant 64 : index
      %get3A_1897 = tpu.vector_load %arg6[%get3A_1894, %get3A_1895, %get3A_1896] {strides = array<i32>} : memref<4x64x128xf32, #tpu.memory_space<vmem>>, vector<16xf32>,
      %gt3A_1898 = arith.cmpf ogt, %get3A_1890, %select_n3A_1876 : vector<16xf32>
      %gt3A_1899 = arith.cmpf ogt, %get3A_1897, %select_n3A_1878 : vector<16xf32>
      %select_n3A_1900 = arith.select %gt3A_1898, %get3A_1890, %select_n3A_1876 : vector<16xi1>, vector<16xf32>
      %select_n3A_1901 = arith.select %gt3A_1898, %add3A_1882, %select_n3A_1877 : vector<16xi1>, vector<16xi32>
      %select_n3A_1902 = arith.select %gt3A_1899, %get3A_1897, %select_n3A_1878 : vector<16xi1>, vector<16xf32>
      %select_n3A_1903 = arith.select %gt3A_1899, %add3A_1885, %select_n3A_1879 : vector<16xi1>, vector<16xi32>
      %add3A_1904 = arith.constant 16 : i32
      %add3A_1905 = vector.broadcast %add3A_1904 : i32 to vector<16xi32>
      %add3A_1906 = arith.addi %add3A_1882, %add3A_1905 : vector<16xi32>
      %add3A_1907 = arith.constant 16 : i32
      %add3A_1908 = vector.broadcast %add3A_1907 : i32 to vector<16xi32>
      %add3A_1909 = arith.addi %add3A_1885, %add3A_1908 : vector<16xi32>
      %get3A_1910 = arith.constant 3 : i32
      %get3A_1911 = arith.index_cast %get3A_1910 : i32 to index
      %get3A_1912 = arith.index_cast %scan3A_1789 : i32 to index
      %get3A_1913 = arith.constant 80 : index
      %get3A_1914 = tpu.vector_load %arg6[%get3A_1911, %get3A_1912, %get3A_1913] {strides = array<i32>} : memref<4x64x128xf32, #tpu.memory_space<vmem>>, vector<16xf32>,
      %add3A_1915 = arith.constant 32 : i32
      %add3A_1916 = arith.addi %add3A_1915, %scan3A_1789 : i32
      %get3A_1917 = arith.constant 3 : i32
      %get3A_1918 = arith.index_cast %get3A_1917 : i32 to index
      %get3A_1919 = arith.index_cast %add3A_1916 : i32 to index
      %get3A_1920 = arith.constant 80 : index
      %get3A_1921 = tpu.vector_load %arg6[%get3A_1918, %get3A_1919, %get3A_1920] {strides = array<i32>} : memref<4x64x128xf32, #tpu.memory_space<vmem>>, vector<16xf32>,
      %gt3A_1922 = arith.cmpf ogt, %get3A_1914, %select_n3A_1900 : vector<16xf32>
      %gt3A_1923 = arith.cmpf ogt, %get3A_1921, %select_n3A_1902 : vector<16xf32>
      %select_n3A_1924 = arith.select %gt3A_1922, %get3A_1914, %select_n3A_1900 : vector<16xi1>, vector<16xf32>
      %select_n3A_1925 = arith.select %gt3A_1922, %add3A_1906, %select_n3A_1901 : vector<16xi1>, vector<16xi32>
      %select_n3A_1926 = arith.select %gt3A_1923, %get3A_1921, %select_n3A_1902 : vector<16xi1>, vector<16xf32>
      %select_n3A_1927 = arith.select %gt3A_1923, %add3A_1909, %select_n3A_1903 : vector<16xi1>, vector<16xi32>
      %add3A_1928 = arith.constant 16 : i32
      %add3A_1929 = vector.broadcast %add3A_1928 : i32 to vector<16xi32>
      %add3A_1930 = arith.addi %add3A_1906, %add3A_1929 : vector<16xi32>
      %add3A_1931 = arith.constant 16 : i32
      %add3A_1932 = vector.broadcast %add3A_1931 : i32 to vector<16xi32>
      %add3A_1933 = arith.addi %add3A_1909, %add3A_1932 : vector<16xi32>
      %get3A_1934 = arith.constant 3 : i32
      %get3A_1935 = arith.index_cast %get3A_1934 : i32 to index
      %get3A_1936 = arith.index_cast %scan3A_1789 : i32 to index
      %get3A_1937 = arith.constant 96 : index
      %get3A_1938 = tpu.vector_load %arg6[%get3A_1935, %get3A_1936, %get3A_1937] {strides = array<i32>} : memref<4x64x128xf32, #tpu.memory_space<vmem>>, vector<16xf32>,
      %add3A_1939 = arith.constant 32 : i32
      %add3A_1940 = arith.addi %add3A_1939, %scan3A_1789 : i32
      %get3A_1941 = arith.constant 3 : i32
      %get3A_1942 = arith.index_cast %get3A_1941 : i32 to index
      %get3A_1943 = arith.index_cast %add3A_1940 : i32 to index
      %get3A_1944 = arith.constant 96 : index
      %get3A_1945 = tpu.vector_load %arg6[%get3A_1942, %get3A_1943, %get3A_1944] {strides = array<i32>} : memref<4x64x128xf32, #tpu.memory_space<vmem>>, vector<16xf32>,
      %gt3A_1946 = arith.cmpf ogt, %get3A_1938, %select_n3A_1924 : vector<16xf32>
      %gt3A_1947 = arith.cmpf ogt, %get3A_1945, %select_n3A_1926 : vector<16xf32>
      %select_n3A_1948 = arith.select %gt3A_1946, %get3A_1938, %select_n3A_1924 : vector<16xi1>, vector<16xf32>
      %select_n3A_1949 = arith.select %gt3A_1946, %add3A_1930, %select_n3A_1925 : vector<16xi1>, vector<16xi32>
      %select_n3A_1950 = arith.select %gt3A_1947, %get3A_1945, %select_n3A_1926 : vector<16xi1>, vector<16xf32>
      %select_n3A_1951 = arith.select %gt3A_1947, %add3A_1933, %select_n3A_1927 : vector<16xi1>, vector<16xi32>
      %add3A_1952 = arith.constant 16 : i32
      %add3A_1953 = vector.broadcast %add3A_1952 : i32 to vector<16xi32>
      %add3A_1954 = arith.addi %add3A_1930, %add3A_1953 : vector<16xi32>
      %add3A_1955 = arith.constant 16 : i32
      %add3A_1956 = vector.broadcast %add3A_1955 : i32 to vector<16xi32>
      %add3A_1957 = arith.addi %add3A_1933, %add3A_1956 : vector<16xi32>
      %get3A_1958 = arith.constant 3 : i32
      %get3A_1959 = arith.index_cast %get3A_1958 : i32 to index
      %get3A_1960 = arith.index_cast %scan3A_1789 : i32 to index
      %get3A_1961 = arith.constant 112 : index
      %get3A_1962 = tpu.vector_load %arg6[%get3A_1959, %get3A_1960, %get3A_1961] {strides = array<i32>} : memref<4x64x128xf32, #tpu.memory_space<vmem>>, vector<16xf32>,
      %add3A_1963 = arith.constant 32 : i32
      %add3A_1964 = arith.addi %add3A_1963, %scan3A_1789 : i32
      %get3A_1965 = arith.constant 3 : i32
      %get3A_1966 = arith.index_cast %get3A_1965 : i32 to index
      %get3A_1967 = arith.index_cast %add3A_1964 : i32 to index
      %get3A_1968 = arith.constant 112 : index
      %get3A_1969 = tpu.vector_load %arg6[%get3A_1966, %get3A_1967, %get3A_1968] {strides = array<i32>} : memref<4x64x128xf32, #tpu.memory_space<vmem>>, vector<16xf32>,
      %gt3A_1970 = arith.cmpf ogt, %get3A_1962, %select_n3A_1948 : vector<16xf32>
      %gt3A_1971 = arith.cmpf ogt, %get3A_1969, %select_n3A_1950 : vector<16xf32>
      %select_n3A_1972 = arith.select %gt3A_1970, %get3A_1962, %select_n3A_1948 : vector<16xi1>, vector<16xf32>
      %select_n3A_1973 = arith.select %gt3A_1970, %add3A_1954, %select_n3A_1949 : vector<16xi1>, vector<16xi32>
      %select_n3A_1974 = arith.select %gt3A_1971, %get3A_1969, %select_n3A_1950 : vector<16xi1>, vector<16xf32>
      %select_n3A_1975 = arith.select %gt3A_1971, %add3A_1957, %select_n3A_1951 : vector<16xi1>, vector<16xi32>
      %add3A_1976 = arith.constant 16 : i32
      %add3A_1977 = vector.broadcast %add3A_1976 : i32 to vector<16xi32>
      %add3A_1978 = arith.addi %add3A_1954, %add3A_1977 : vector<16xi32>
      %add3A_1979 = arith.constant 16 : i32
      %add3A_1980 = vector.broadcast %add3A_1979 : i32 to vector<16xi32>
      %add3A_1981 = arith.addi %add3A_1957, %add3A_1980 : vector<16xi32>
      scf.yield %select_n3A_1972, %select_n3A_1973, %add3A_1978, %select_n3A_1974, %select_n3A_1975, %add3A_1981 : vector<16xf32>, vector<16xi32>, vector<16xi32>, vector<16xf32>, vector<16xi32>, vector<16xi32>
    }
    %scan3A_448 = arith.constant 32 : i32
    %gt3A_449 = arith.cmpf ogt, %scan3A_447#3, %scan3A_447#0 : vector<16xf32>
    %select_n3A_450 = arith.select %gt3A_449, %scan3A_447#3, %scan3A_447#0 : vector<16xi1>, vector<16xf32>
    %select_n3A_451 = arith.select %gt3A_449, %scan3A_447#4, %scan3A_447#1 : vector<16xi1>, vector<16xi32>
    %reduce_max3A_452 = arith.constant true
    %reduce_max3A_453 = vector.broadcast %reduce_max3A_452 : i1 to vector<16xi1>
    %reduce_max3A_454 = tpu.scan <max>, %select_n3A_450 masked %reduce_max3A_453 : vector<16xf32>, vector<16xi1> -> vector<16xf32>
    %reduce_max3A_455 = vector.extract %reduce_max3A_454[15] : f32 from vector<16xf32>
    %eq3A_456 = vector.broadcast %reduce_max3A_455 : f32 to vector<16xf32>
    %eq3A_457 = arith.cmpf oeq, %select_n3A_450, %eq3A_456 : vector<16xf32>
    %jit3A_458 = arith.constant 2147483647 : i32
    %broadcast_in_dim3A_459 = vector.broadcast %jit3A_458 : i32 to vector<16xi32>
    %select_n3A_460 = arith.select %eq3A_457, %select_n3A_451, %broadcast_in_dim3A_459 : vector<16xi1>, vector<16xi32>
    %reduce_min3A_461 = arith.constant true
    %reduce_min3A_462 = vector.broadcast %reduce_min3A_461 : i1 to vector<16xi1>
    %reduce_min3A_463 = arith.constant -2147483648 : i32
    %reduce_min3A_464 = vector.broadcast %reduce_min3A_463 : i32 to vector<16xi32>
    %reduce_min3A_465 = arith.xori %select_n3A_460, %reduce_min3A_464 : vector<16xi32>
    %reduce_min3A_466 = tpu.scan <min>, %reduce_min3A_465 masked %reduce_min3A_462 : vector<16xi32>, vector<16xi1> -> vector<16xi32>
    %reduce_min3A_467 = arith.xori %reduce_min3A_466, %reduce_min3A_464 : vector<16xi32>
    %reduce_min3A_468 = vector.extract %reduce_min3A_467[15] : i32 from vector<16xi32>
    %add3A_469 = arith.constant 3 : i32
    %add3A_470 = arith.addi %mul3A_2, %add3A_469 : i32
    %shift_right_arithmetic3A_471 = arith.constant 7 : i32
    %shift_right_arithmetic3A_472 = arith.shrsi %reduce_min3A_468, %shift_right_arithmetic3A_471 : i32
    %and3A_473 = arith.constant 127 : i32
    %and3A_474 = arith.andi %reduce_min3A_468, %and3A_473 : i32
    %and3A_475 = arith.constant -16 : i32
    %and3A_476 = arith.andi %and3A_474, %and3A_475 : i32
    %multiple_of3A_477 = tpu.assume_multiple %and3A_476, 16 : i32
    %dma_start3A_478 = arith.constant 0 : i32
    %dma_start3A_479 = arith.constant 6 : i32
    %dma_start3A_480 = arith.constant 0 : i32
    %dma_start3A_481 = tpu.memref_slice %arg7[%dma_start3A_479, %dma_start3A_480] : memref<8x16xf32, #tpu.memory_space<vmem>> -> memref<1x16xf32, #tpu.memory_space<vmem>>
    %dma_start3A_482 = tpu.memref_squeeze %dma_start3A_481 : memref<1x16xf32, #tpu.memory_space<vmem>> -> memref<16xf32, #tpu.memory_space<vmem>>
    %dma_start3A_483 = tpu.memref_slice %arg3[%add3A_470, %shift_right_arithmetic3A_472, %dma_start3A_478, %multiple_of3A_477] : memref<128x64x2x128xf32, #tpu.memory_space<hbm>> -> memref<1x1x1x16xf32, #tpu.memory_space<hbm>>
    %dma_start3A_484 = tpu.memref_squeeze %dma_start3A_483 : memref<1x1x1x16xf32, #tpu.memory_space<hbm>> -> memref<16xf32, #tpu.memory_space<hbm>>
    %dma_start3A_485 = arith.constant 0 : i32
    %dma_start3A_486 = tpu.memref_slice %arg7[%dma_start3A_479, %dma_start3A_485] : memref<8x16xf32, #tpu.memory_space<vmem>> -> memref<1x16xf32, #tpu.memory_space<vmem>>
    %dma_start3A_487 = tpu.memref_squeeze %dma_start3A_486 : memref<1x16xf32, #tpu.memory_space<vmem>> -> memref<16xf32, #tpu.memory_space<vmem>>
    %dma_start3A_488 = tpu.memref_slice %arg3[%add3A_470, %shift_right_arithmetic3A_472, %dma_start3A_478, %multiple_of3A_477] : memref<128x64x2x128xf32, #tpu.memory_space<hbm>> -> memref<1x1x1x16xf32, #tpu.memory_space<hbm>>
    %dma_start3A_489 = tpu.memref_squeeze %dma_start3A_488 : memref<1x1x1x16xf32, #tpu.memory_space<hbm>> -> memref<16xf32, #tpu.memory_space<hbm>>
    tpu.enqueue_dma source(%dma_start3A_489 : memref<16xf32, #tpu.memory_space<hbm>>) target(%dma_start3A_487 : memref<16xf32, #tpu.memory_space<vmem>>) target_semaphore(%arg18 : memref<!tpu.dma_semaphore, #tpu.memory_space<semaphore_mem>>)
    %add3A_490 = arith.constant 3 : i32
    %add3A_491 = arith.addi %mul3A_2, %add3A_490 : i32
    %shift_right_arithmetic3A_492 = arith.constant 7 : i32
    %shift_right_arithmetic3A_493 = arith.shrsi %reduce_min3A_468, %shift_right_arithmetic3A_492 : i32
    %and3A_494 = arith.constant 127 : i32
    %and3A_495 = arith.andi %reduce_min3A_468, %and3A_494 : i32
    %and3A_496 = arith.constant -16 : i32
    %and3A_497 = arith.andi %and3A_495, %and3A_496 : i32
    %multiple_of3A_498 = tpu.assume_multiple %and3A_497, 16 : i32
    %dma_start3A_499 = arith.constant 1 : i32
    %dma_start3A_500 = arith.constant 7 : i32
    %dma_start3A_501 = arith.constant 0 : i32
    %dma_start3A_502 = tpu.memref_slice %arg7[%dma_start3A_500, %dma_start3A_501] : memref<8x16xf32, #tpu.memory_space<vmem>> -> memref<1x16xf32, #tpu.memory_space<vmem>>
    %dma_start3A_503 = tpu.memref_squeeze %dma_start3A_502 : memref<1x16xf32, #tpu.memory_space<vmem>> -> memref<16xf32, #tpu.memory_space<vmem>>
    %dma_start3A_504 = tpu.memref_slice %arg3[%add3A_491, %shift_right_arithmetic3A_493, %dma_start3A_499, %multiple_of3A_498] : memref<128x64x2x128xf32, #tpu.memory_space<hbm>> -> memref<1x1x1x16xf32, #tpu.memory_space<hbm>>
    %dma_start3A_505 = tpu.memref_squeeze %dma_start3A_504 : memref<1x1x1x16xf32, #tpu.memory_space<hbm>> -> memref<16xf32, #tpu.memory_space<hbm>>
    %dma_start3A_506 = arith.constant 0 : i32
    %dma_start3A_507 = tpu.memref_slice %arg7[%dma_start3A_500, %dma_start3A_506] : memref<8x16xf32, #tpu.memory_space<vmem>> -> memref<1x16xf32, #tpu.memory_space<vmem>>
    %dma_start3A_508 = tpu.memref_squeeze %dma_start3A_507 : memref<1x16xf32, #tpu.memory_space<vmem>> -> memref<16xf32, #tpu.memory_space<vmem>>
    %dma_start3A_509 = tpu.memref_slice %arg3[%add3A_491, %shift_right_arithmetic3A_493, %dma_start3A_499, %multiple_of3A_498] : memref<128x64x2x128xf32, #tpu.memory_space<hbm>> -> memref<1x1x1x16xf32, #tpu.memory_space<hbm>>
    %dma_start3A_510 = tpu.memref_squeeze %dma_start3A_509 : memref<1x1x1x16xf32, #tpu.memory_space<hbm>> -> memref<16xf32, #tpu.memory_space<hbm>>
    tpu.enqueue_dma source(%dma_start3A_510 : memref<16xf32, #tpu.memory_space<hbm>>) target(%dma_start3A_508 : memref<16xf32, #tpu.memory_space<vmem>>) target_semaphore(%arg18 : memref<!tpu.dma_semaphore, #tpu.memory_space<semaphore_mem>>)
    %dma_wait3A_511 = arith.constant 0 : i32
    %dma_wait3A_512 = arith.constant 0 : i32
    %dma_wait3A_513 = arith.constant 0 : i32
    %dma_wait3A_514 = tpu.memref_slice %arg7[%dma_wait3A_512, %dma_wait3A_513] : memref<8x16xf32, #tpu.memory_space<vmem>> -> memref<1x16xf32, #tpu.memory_space<vmem>>
    %dma_wait3A_515 = tpu.memref_squeeze %dma_wait3A_514 : memref<1x16xf32, #tpu.memory_space<vmem>> -> memref<16xf32, #tpu.memory_space<vmem>>
    %dma_wait3A_516 = tpu.memref_slice %arg3[%add3A_199, %shift_right_arithmetic3A_200, %dma_wait3A_511, %multiple_of3A] : memref<128x64x2x128xf32, #tpu.memory_space<hbm>> -> memref<1x1x1x16xf32, #tpu.memory_space<hbm>>
    %dma_wait3A_517 = tpu.memref_squeeze %dma_wait3A_516 : memref<1x1x1x16xf32, #tpu.memory_space<hbm>> -> memref<16xf32, #tpu.memory_space<hbm>>
    %dma_wait3A_518 = arith.constant 0 : i32
    %dma_wait3A_519 = tpu.memref_slice %arg7[%dma_wait3A_512, %dma_wait3A_518] : memref<8x16xf32, #tpu.memory_space<vmem>> -> memref<1x16xf32, #tpu.memory_space<vmem>>
    %dma_wait3A_520 = tpu.memref_squeeze %dma_wait3A_519 : memref<1x16xf32, #tpu.memory_space<vmem>> -> memref<16xf32, #tpu.memory_space<vmem>>
    %dma_wait3A_521 = tpu.memref_slice %arg3[%add3A_199, %shift_right_arithmetic3A_200, %dma_wait3A_511, %multiple_of3A] : memref<128x64x2x128xf32, #tpu.memory_space<hbm>> -> memref<1x1x1x16xf32, #tpu.memory_space<hbm>>
    %dma_wait3A_522 = tpu.memref_squeeze %dma_wait3A_521 : memref<1x1x1x16xf32, #tpu.memory_space<hbm>> -> memref<16xf32, #tpu.memory_space<hbm>>
    tpu.wait_dma2 semaphore(%arg15 : memref<!tpu.dma_semaphore, #tpu.memory_space<semaphore_mem>>) src(%dma_wait3A_522 : memref<16xf32, #tpu.memory_space<hbm>>) dst(%dma_wait3A_520 : memref<16xf32, #tpu.memory_space<vmem>>)
    %dma_wait3A_523 = arith.constant 1 : i32
    %dma_wait3A_524 = arith.constant 1 : i32
    %dma_wait3A_525 = arith.constant 0 : i32
    %dma_wait3A_526 = tpu.memref_slice %arg7[%dma_wait3A_524, %dma_wait3A_525] : memref<8x16xf32, #tpu.memory_space<vmem>> -> memref<1x16xf32, #tpu.memory_space<vmem>>
    %dma_wait3A_527 = tpu.memref_squeeze %dma_wait3A_526 : memref<1x16xf32, #tpu.memory_space<vmem>> -> memref<16xf32, #tpu.memory_space<vmem>>
    %dma_wait3A_528 = tpu.memref_slice %arg3[%add3A_218, %shift_right_arithmetic3A_220, %dma_wait3A_523, %multiple_of3A_225] : memref<128x64x2x128xf32, #tpu.memory_space<hbm>> -> memref<1x1x1x16xf32, #tpu.memory_space<hbm>>
    %dma_wait3A_529 = tpu.memref_squeeze %dma_wait3A_528 : memref<1x1x1x16xf32, #tpu.memory_space<hbm>> -> memref<16xf32, #tpu.memory_space<hbm>>
    %dma_wait3A_530 = arith.constant 0 : i32
    %dma_wait3A_531 = tpu.memref_slice %arg7[%dma_wait3A_524, %dma_wait3A_530] : memref<8x16xf32, #tpu.memory_space<vmem>> -> memref<1x16xf32, #tpu.memory_space<vmem>>
    %dma_wait3A_532 = tpu.memref_squeeze %dma_wait3A_531 : memref<1x16xf32, #tpu.memory_space<vmem>> -> memref<16xf32, #tpu.memory_space<vmem>>
    %dma_wait3A_533 = tpu.memref_slice %arg3[%add3A_218, %shift_right_arithmetic3A_220, %dma_wait3A_523, %multiple_of3A_225] : memref<128x64x2x128xf32, #tpu.memory_space<hbm>> -> memref<1x1x1x16xf32, #tpu.memory_space<hbm>>
    %dma_wait3A_534 = tpu.memref_squeeze %dma_wait3A_533 : memref<1x1x1x16xf32, #tpu.memory_space<hbm>> -> memref<16xf32, #tpu.memory_space<hbm>>
    tpu.wait_dma2 semaphore(%arg15 : memref<!tpu.dma_semaphore, #tpu.memory_space<semaphore_mem>>) src(%dma_wait3A_534 : memref<16xf32, #tpu.memory_space<hbm>>) dst(%dma_wait3A_532 : memref<16xf32, #tpu.memory_space<vmem>>)
    %and3A_535 = arith.constant 15 : i32
    %and3A_536 = arith.andi %reduce_min3A_197, %and3A_535 : i32
    %get3A = arith.constant 0 : i32
    %get3A_537 = arith.index_cast %get3A : i32 to index
    %get3A_538 = arith.constant 0 : index
    %get3A_539 = tpu.vector_load %arg7[%get3A_537, %get3A_538] {strides = array<i32>} : memref<8x16xf32, #tpu.memory_space<vmem>>, vector<16xf32>,
    %iota3A_540 = tpu.iota {dimensions = array<i32: 0>} : vector<16xi32>
    %eq3A_541 = vector.broadcast %and3A_536 : i32 to vector<16xi32>
    %eq3A_542 = arith.cmpi eq, %iota3A_540, %eq3A_541 : vector<16xi32>
    %broadcast_in_dim3A_543 = arith.constant 0.000000e+00 : f32
    %broadcast_in_dim3A_544 = vector.broadcast %broadcast_in_dim3A_543 : f32 to vector<16xf32>
    %select_n3A_545 = arith.select %eq3A_542, %get3A_539, %broadcast_in_dim3A_544 : vector<16xi1>, vector<16xf32>
    %reduce_sum3A = arith.constant true
    %reduce_sum3A_546 = vector.broadcast %reduce_sum3A : i1 to vector<16xi1>
    %reduce_sum3A_547 = tpu.scan <sum>, %select_n3A_545 masked %reduce_sum3A_546 : vector<16xf32>, vector<16xi1> -> vector<16xf32>
    %reduce_sum3A_548 = vector.extract %reduce_sum3A_547[15] : f32 from vector<16xf32>
    %get3A_549 = arith.constant 1 : i32
    %get3A_550 = arith.index_cast %get3A_549 : i32 to index
    %get3A_551 = arith.constant 0 : index
    %get3A_552 = tpu.vector_load %arg7[%get3A_550, %get3A_551] {strides = array<i32>} : memref<8x16xf32, #tpu.memory_space<vmem>>, vector<16xf32>,
    %iota3A_553 = tpu.iota {dimensions = array<i32: 0>} : vector<16xi32>
    %eq3A_554 = vector.broadcast %and3A_536 : i32 to vector<16xi32>
    %eq3A_555 = arith.cmpi eq, %iota3A_553, %eq3A_554 : vector<16xi32>
    %broadcast_in_dim3A_556 = arith.constant 0.000000e+00 : f32
    %broadcast_in_dim3A_557 = vector.broadcast %broadcast_in_dim3A_556 : f32 to vector<16xf32>
    %select_n3A_558 = arith.select %eq3A_555, %get3A_552, %broadcast_in_dim3A_557 : vector<16xi1>, vector<16xf32>
    %reduce_sum3A_559 = arith.constant true
    %reduce_sum3A_560 = vector.broadcast %reduce_sum3A_559 : i1 to vector<16xi1>
    %reduce_sum3A_561 = tpu.scan <sum>, %select_n3A_558 masked %reduce_sum3A_560 : vector<16xf32>, vector<16xi1> -> vector<16xf32>
    %reduce_sum3A_562 = vector.extract %reduce_sum3A_561[15] : f32 from vector<16xf32>
    %shift_right_arithmetic3A_563 = arith.constant 2 : i32
    %shift_right_arithmetic3A_564 = arith.shrsi %reduce_min3A_197, %shift_right_arithmetic3A_563 : i32
    %convert_element_type3A = arith.sitofp %shift_right_arithmetic3A_564 : i32 to f32
    %and3A_565 = arith.constant 3 : i32
    %and3A_566 = arith.andi %reduce_min3A_197, %and3A_565 : i32
    %shift_left3A = arith.constant 4 : i32
    %shift_left3A_567 = arith.shli %shift_left3A, %and3A_566 : i32
    %convert_element_type3A_568 = arith.sitofp %shift_left3A_567 : i32 to f32
    %sub3A_569 = arith.subf %convert_element_type3A, %convert_element_type3A_568 : f32
    %add3A_570 = arith.addf %sub3A_569, %reduce_sum3A_548 : f32
    %add3A_571 = arith.addf %convert_element_type3A, %convert_element_type3A_568 : f32
    %add3A_572 = arith.addf %add3A_571, %reduce_sum3A_562 : f32
    %convert_element_type3A_573 = arith.fptosi %add3A_570 : f32 to i32
    %convert_element_type3A_574 = arith.sitofp %convert_element_type3A_573 : i32 to f32
    %gt3A_575 = arith.cmpf ogt, %convert_element_type3A_574, %add3A_570 : f32
    %convert_element_type3A_576 = arith.extui %gt3A_575 : i1 to i32
    %sub3A_577 = arith.subi %convert_element_type3A_573, %convert_element_type3A_576 : i32
    %convert_element_type3A_578 = arith.fptosi %add3A_572 : f32 to i32
    %convert_element_type3A_579 = arith.sitofp %convert_element_type3A_578 : i32 to f32
    %gt3A_580 = arith.cmpf ogt, %convert_element_type3A_579, %add3A_572 : f32
    %convert_element_type3A_581 = arith.extui %gt3A_580 : i1 to i32
    %sub3A_582 = arith.subi %convert_element_type3A_578, %convert_element_type3A_581 : i32
    %jit3A_583 = arith.constant 0 : i32
    %jit3A_584 = arith.constant 2047 : i32
    %max3A = arith.maxsi %jit3A_583, %sub3A_577 : i32
    %min3A = arith.minsi %jit3A_584, %max3A : i32
    %jit3A_585 = arith.constant 0 : i32
    %jit3A_586 = arith.constant 2047 : i32
    %max3A_587 = arith.maxsi %jit3A_585, %sub3A_582 : i32
    %min3A_588 = arith.minsi %jit3A_586, %max3A_587 : i32
    %shift_right_arithmetic3A_589 = arith.constant 7 : i32
    %shift_right_arithmetic3A_590 = arith.shrsi %min3A, %shift_right_arithmetic3A_589 : i32
    %jit3A_591 = arith.constant 8 : i32
    %eq3A_592 = arith.constant 0 : i32
    %eq3A_593 = arith.cmpi eq, %jit3A_591, %eq3A_592 : i32
    %jit3A_594 = arith.constant 1 : i32
    %select_n3A_595 = arith.select %eq3A_593, %jit3A_594, %jit3A_591 : i32
    %rem3A_596 = arith.remsi %mul3A_2, %select_n3A_595 : i32
    %ne3A_597 = arith.constant 0 : i32
    %ne3A_598 = arith.cmpi ne, %rem3A_596, %ne3A_597 : i32
    %lt3A_599 = arith.constant 0 : i32
    %lt3A_600 = arith.cmpi slt, %rem3A_596, %lt3A_599 : i32
    %lt3A_601 = arith.constant 0 : i32
    %lt3A_602 = arith.cmpi slt, %select_n3A_595, %lt3A_601 : i32
    %ne3A_603 = arith.xori %lt3A_600, %lt3A_602 : i1
    %and3A_604 = arith.andi %ne3A_603, %ne3A_598 : i1
    %add3A_605 = arith.addi %rem3A_596, %select_n3A_595 : i32
    %select_n3A_606 = arith.select %and3A_604, %add3A_605, %rem3A_596 : i32
    %add3A_607 = arith.constant 0 : i32
    %add3A_608 = arith.addi %select_n3A_606, %add3A_607 : i32
    %and3A_609 = arith.constant 127 : i32
    %and3A_610 = arith.andi %min3A, %and3A_609 : i32
    %and3A_611 = arith.constant -16 : i32
    %and3A_612 = arith.andi %and3A_610, %and3A_611 : i32
    %multiple_of3A_613 = tpu.assume_multiple %and3A_612, 16 : i32
    %dma_start3A_614 = arith.constant 0 : i32
    %dma_start3A_615 = arith.constant 0 : i32
    %dma_start3A_616 = tpu.memref_slice %arg8[%dma_start3A_614, %dma_start3A_615] : memref<8x16xi32, #tpu.memory_space<vmem>> -> memref<1x16xi32, #tpu.memory_space<vmem>>
    %dma_start3A_617 = tpu.memref_squeeze %dma_start3A_616 : memref<1x16xi32, #tpu.memory_space<vmem>> -> memref<16xi32, #tpu.memory_space<vmem>>
    %dma_start3A_618 = tpu.memref_slice %arg4[%select_n3A, %shift_right_arithmetic3A_590, %add3A_608, %multiple_of3A_613] : memref<16x16x8x128xi32, #tpu.memory_space<hbm>> -> memref<1x1x1x16xi32, #tpu.memory_space<hbm>>
    %dma_start3A_619 = tpu.memref_squeeze %dma_start3A_618 : memref<1x1x1x16xi32, #tpu.memory_space<hbm>> -> memref<16xi32, #tpu.memory_space<hbm>>
    %dma_start3A_620 = arith.constant 0 : i32
    %dma_start3A_621 = tpu.memref_slice %arg8[%dma_start3A_614, %dma_start3A_620] : memref<8x16xi32, #tpu.memory_space<vmem>> -> memref<1x16xi32, #tpu.memory_space<vmem>>
    %dma_start3A_622 = tpu.memref_squeeze %dma_start3A_621 : memref<1x16xi32, #tpu.memory_space<vmem>> -> memref<16xi32, #tpu.memory_space<vmem>>
    %dma_start3A_623 = tpu.memref_slice %arg4[%select_n3A, %shift_right_arithmetic3A_590, %add3A_608, %multiple_of3A_613] : memref<16x16x8x128xi32, #tpu.memory_space<hbm>> -> memref<1x1x1x16xi32, #tpu.memory_space<hbm>>
    %dma_start3A_624 = tpu.memref_squeeze %dma_start3A_623 : memref<1x1x1x16xi32, #tpu.memory_space<hbm>> -> memref<16xi32, #tpu.memory_space<hbm>>
    tpu.enqueue_dma source(%dma_start3A_624 : memref<16xi32, #tpu.memory_space<hbm>>) target(%dma_start3A_622 : memref<16xi32, #tpu.memory_space<vmem>>) target_semaphore(%arg19 : memref<!tpu.dma_semaphore, #tpu.memory_space<semaphore_mem>>)
    %shift_right_arithmetic3A_625 = arith.constant 7 : i32
    %shift_right_arithmetic3A_626 = arith.shrsi %min3A_588, %shift_right_arithmetic3A_625 : i32
    %jit3A_627 = arith.constant 8 : i32
    %eq3A_628 = arith.constant 0 : i32
    %eq3A_629 = arith.cmpi eq, %jit3A_627, %eq3A_628 : i32
    %jit3A_630 = arith.constant 1 : i32
    %select_n3A_631 = arith.select %eq3A_629, %jit3A_630, %jit3A_627 : i32
    %rem3A_632 = arith.remsi %mul3A_2, %select_n3A_631 : i32
    %ne3A_633 = arith.constant 0 : i32
    %ne3A_634 = arith.cmpi ne, %rem3A_632, %ne3A_633 : i32
    %lt3A_635 = arith.constant 0 : i32
    %lt3A_636 = arith.cmpi slt, %rem3A_632, %lt3A_635 : i32
    %lt3A_637 = arith.constant 0 : i32
    %lt3A_638 = arith.cmpi slt, %select_n3A_631, %lt3A_637 : i32
    %ne3A_639 = arith.xori %lt3A_636, %lt3A_638 : i1
    %and3A_640 = arith.andi %ne3A_639, %ne3A_634 : i1
    %add3A_641 = arith.addi %rem3A_632, %select_n3A_631 : i32
    %select_n3A_642 = arith.select %and3A_640, %add3A_641, %rem3A_632 : i32
    %add3A_643 = arith.constant 0 : i32
    %add3A_644 = arith.addi %select_n3A_642, %add3A_643 : i32
    %and3A_645 = arith.constant 127 : i32
    %and3A_646 = arith.andi %min3A_588, %and3A_645 : i32
    %and3A_647 = arith.constant -16 : i32
    %and3A_648 = arith.andi %and3A_646, %and3A_647 : i32
    %multiple_of3A_649 = tpu.assume_multiple %and3A_648, 16 : i32
    %dma_start3A_650 = arith.constant 4 : i32
    %dma_start3A_651 = arith.constant 0 : i32
    %dma_start3A_652 = tpu.memref_slice %arg8[%dma_start3A_650, %dma_start3A_651] : memref<8x16xi32, #tpu.memory_space<vmem>> -> memref<1x16xi32, #tpu.memory_space<vmem>>
    %dma_start3A_653 = tpu.memref_squeeze %dma_start3A_652 : memref<1x16xi32, #tpu.memory_space<vmem>> -> memref<16xi32, #tpu.memory_space<vmem>>
    %dma_start3A_654 = tpu.memref_slice %arg4[%select_n3A, %shift_right_arithmetic3A_626, %add3A_644, %multiple_of3A_649] : memref<16x16x8x128xi32, #tpu.memory_space<hbm>> -> memref<1x1x1x16xi32, #tpu.memory_space<hbm>>
    %dma_start3A_655 = tpu.memref_squeeze %dma_start3A_654 : memref<1x1x1x16xi32, #tpu.memory_space<hbm>> -> memref<16xi32, #tpu.memory_space<hbm>>
    %dma_start3A_656 = arith.constant 0 : i32
    %dma_start3A_657 = tpu.memref_slice %arg8[%dma_start3A_650, %dma_start3A_656] : memref<8x16xi32, #tpu.memory_space<vmem>> -> memref<1x16xi32, #tpu.memory_space<vmem>>
    %dma_start3A_658 = tpu.memref_squeeze %dma_start3A_657 : memref<1x16xi32, #tpu.memory_space<vmem>> -> memref<16xi32, #tpu.memory_space<vmem>>
    %dma_start3A_659 = tpu.memref_slice %arg4[%select_n3A, %shift_right_arithmetic3A_626, %add3A_644, %multiple_of3A_649] : memref<16x16x8x128xi32, #tpu.memory_space<hbm>> -> memref<1x1x1x16xi32, #tpu.memory_space<hbm>>
    %dma_start3A_660 = tpu.memref_squeeze %dma_start3A_659 : memref<1x1x1x16xi32, #tpu.memory_space<hbm>> -> memref<16xi32, #tpu.memory_space<hbm>>
    tpu.enqueue_dma source(%dma_start3A_660 : memref<16xi32, #tpu.memory_space<hbm>>) target(%dma_start3A_658 : memref<16xi32, #tpu.memory_space<vmem>>) target_semaphore(%arg19 : memref<!tpu.dma_semaphore, #tpu.memory_space<semaphore_mem>>)
    %dma_wait3A_661 = arith.constant 0 : i32
    %dma_wait3A_662 = arith.constant 2 : i32
    %dma_wait3A_663 = arith.constant 0 : i32
    %dma_wait3A_664 = tpu.memref_slice %arg7[%dma_wait3A_662, %dma_wait3A_663] : memref<8x16xf32, #tpu.memory_space<vmem>> -> memref<1x16xf32, #tpu.memory_space<vmem>>
    %dma_wait3A_665 = tpu.memref_squeeze %dma_wait3A_664 : memref<1x16xf32, #tpu.memory_space<vmem>> -> memref<16xf32, #tpu.memory_space<vmem>>
    %dma_wait3A_666 = tpu.memref_slice %arg3[%add3A_288, %shift_right_arithmetic3A_290, %dma_wait3A_661, %multiple_of3A_295] : memref<128x64x2x128xf32, #tpu.memory_space<hbm>> -> memref<1x1x1x16xf32, #tpu.memory_space<hbm>>
    %dma_wait3A_667 = tpu.memref_squeeze %dma_wait3A_666 : memref<1x1x1x16xf32, #tpu.memory_space<hbm>> -> memref<16xf32, #tpu.memory_space<hbm>>
    %dma_wait3A_668 = arith.constant 0 : i32
    %dma_wait3A_669 = tpu.memref_slice %arg7[%dma_wait3A_662, %dma_wait3A_668] : memref<8x16xf32, #tpu.memory_space<vmem>> -> memref<1x16xf32, #tpu.memory_space<vmem>>
    %dma_wait3A_670 = tpu.memref_squeeze %dma_wait3A_669 : memref<1x16xf32, #tpu.memory_space<vmem>> -> memref<16xf32, #tpu.memory_space<vmem>>
    %dma_wait3A_671 = tpu.memref_slice %arg3[%add3A_288, %shift_right_arithmetic3A_290, %dma_wait3A_661, %multiple_of3A_295] : memref<128x64x2x128xf32, #tpu.memory_space<hbm>> -> memref<1x1x1x16xf32, #tpu.memory_space<hbm>>
    %dma_wait3A_672 = tpu.memref_squeeze %dma_wait3A_671 : memref<1x1x1x16xf32, #tpu.memory_space<hbm>> -> memref<16xf32, #tpu.memory_space<hbm>>
    tpu.wait_dma2 semaphore(%arg16 : memref<!tpu.dma_semaphore, #tpu.memory_space<semaphore_mem>>) src(%dma_wait3A_672 : memref<16xf32, #tpu.memory_space<hbm>>) dst(%dma_wait3A_670 : memref<16xf32, #tpu.memory_space<vmem>>)
    %dma_wait3A_673 = arith.constant 1 : i32
    %dma_wait3A_674 = arith.constant 3 : i32
    %dma_wait3A_675 = arith.constant 0 : i32
    %dma_wait3A_676 = tpu.memref_slice %arg7[%dma_wait3A_674, %dma_wait3A_675] : memref<8x16xf32, #tpu.memory_space<vmem>> -> memref<1x16xf32, #tpu.memory_space<vmem>>
    %dma_wait3A_677 = tpu.memref_squeeze %dma_wait3A_676 : memref<1x16xf32, #tpu.memory_space<vmem>> -> memref<16xf32, #tpu.memory_space<vmem>>
    %dma_wait3A_678 = tpu.memref_slice %arg3[%add3A_309, %shift_right_arithmetic3A_311, %dma_wait3A_673, %multiple_of3A_316] : memref<128x64x2x128xf32, #tpu.memory_space<hbm>> -> memref<1x1x1x16xf32, #tpu.memory_space<hbm>>
    %dma_wait3A_679 = tpu.memref_squeeze %dma_wait3A_678 : memref<1x1x1x16xf32, #tpu.memory_space<hbm>> -> memref<16xf32, #tpu.memory_space<hbm>>
    %dma_wait3A_680 = arith.constant 0 : i32
    %dma_wait3A_681 = tpu.memref_slice %arg7[%dma_wait3A_674, %dma_wait3A_680] : memref<8x16xf32, #tpu.memory_space<vmem>> -> memref<1x16xf32, #tpu.memory_space<vmem>>
    %dma_wait3A_682 = tpu.memref_squeeze %dma_wait3A_681 : memref<1x16xf32, #tpu.memory_space<vmem>> -> memref<16xf32, #tpu.memory_space<vmem>>
    %dma_wait3A_683 = tpu.memref_slice %arg3[%add3A_309, %shift_right_arithmetic3A_311, %dma_wait3A_673, %multiple_of3A_316] : memref<128x64x2x128xf32, #tpu.memory_space<hbm>> -> memref<1x1x1x16xf32, #tpu.memory_space<hbm>>
    %dma_wait3A_684 = tpu.memref_squeeze %dma_wait3A_683 : memref<1x1x1x16xf32, #tpu.memory_space<hbm>> -> memref<16xf32, #tpu.memory_space<hbm>>
    tpu.wait_dma2 semaphore(%arg16 : memref<!tpu.dma_semaphore, #tpu.memory_space<semaphore_mem>>) src(%dma_wait3A_684 : memref<16xf32, #tpu.memory_space<hbm>>) dst(%dma_wait3A_682 : memref<16xf32, #tpu.memory_space<vmem>>)
    %and3A_685 = arith.constant 15 : i32
    %and3A_686 = arith.andi %reduce_min3A_286, %and3A_685 : i32
    %get3A_687 = arith.constant 2 : i32
    %get3A_688 = arith.index_cast %get3A_687 : i32 to index
    %get3A_689 = arith.constant 0 : index
    %get3A_690 = tpu.vector_load %arg7[%get3A_688, %get3A_689] {strides = array<i32>} : memref<8x16xf32, #tpu.memory_space<vmem>>, vector<16xf32>,
    %iota3A_691 = tpu.iota {dimensions = array<i32: 0>} : vector<16xi32>
    %eq3A_692 = vector.broadcast %and3A_686 : i32 to vector<16xi32>
    %eq3A_693 = arith.cmpi eq, %iota3A_691, %eq3A_692 : vector<16xi32>
    %broadcast_in_dim3A_694 = arith.constant 0.000000e+00 : f32
    %broadcast_in_dim3A_695 = vector.broadcast %broadcast_in_dim3A_694 : f32 to vector<16xf32>
    %select_n3A_696 = arith.select %eq3A_693, %get3A_690, %broadcast_in_dim3A_695 : vector<16xi1>, vector<16xf32>
    %reduce_sum3A_697 = arith.constant true
    %reduce_sum3A_698 = vector.broadcast %reduce_sum3A_697 : i1 to vector<16xi1>
    %reduce_sum3A_699 = tpu.scan <sum>, %select_n3A_696 masked %reduce_sum3A_698 : vector<16xf32>, vector<16xi1> -> vector<16xf32>
    %reduce_sum3A_700 = vector.extract %reduce_sum3A_699[15] : f32 from vector<16xf32>
    %get3A_701 = arith.constant 3 : i32
    %get3A_702 = arith.index_cast %get3A_701 : i32 to index
    %get3A_703 = arith.constant 0 : index
    %get3A_704 = tpu.vector_load %arg7[%get3A_702, %get3A_703] {strides = array<i32>} : memref<8x16xf32, #tpu.memory_space<vmem>>, vector<16xf32>,
    %iota3A_705 = tpu.iota {dimensions = array<i32: 0>} : vector<16xi32>
    %eq3A_706 = vector.broadcast %and3A_686 : i32 to vector<16xi32>
    %eq3A_707 = arith.cmpi eq, %iota3A_705, %eq3A_706 : vector<16xi32>
    %broadcast_in_dim3A_708 = arith.constant 0.000000e+00 : f32
    %broadcast_in_dim3A_709 = vector.broadcast %broadcast_in_dim3A_708 : f32 to vector<16xf32>
    %select_n3A_710 = arith.select %eq3A_707, %get3A_704, %broadcast_in_dim3A_709 : vector<16xi1>, vector<16xf32>
    %reduce_sum3A_711 = arith.constant true
    %reduce_sum3A_712 = vector.broadcast %reduce_sum3A_711 : i1 to vector<16xi1>
    %reduce_sum3A_713 = tpu.scan <sum>, %select_n3A_710 masked %reduce_sum3A_712 : vector<16xf32>, vector<16xi1> -> vector<16xf32>
    %reduce_sum3A_714 = vector.extract %reduce_sum3A_713[15] : f32 from vector<16xf32>
    %shift_right_arithmetic3A_715 = arith.constant 2 : i32
    %shift_right_arithmetic3A_716 = arith.shrsi %reduce_min3A_286, %shift_right_arithmetic3A_715 : i32
    %convert_element_type3A_717 = arith.sitofp %shift_right_arithmetic3A_716 : i32 to f32
    %and3A_718 = arith.constant 3 : i32
    %and3A_719 = arith.andi %reduce_min3A_286, %and3A_718 : i32
    %shift_left3A_720 = arith.constant 4 : i32
    %shift_left3A_721 = arith.shli %shift_left3A_720, %and3A_719 : i32
    %convert_element_type3A_722 = arith.sitofp %shift_left3A_721 : i32 to f32
    %sub3A_723 = arith.subf %convert_element_type3A_717, %convert_element_type3A_722 : f32
    %add3A_724 = arith.addf %sub3A_723, %reduce_sum3A_700 : f32
    %add3A_725 = arith.addf %convert_element_type3A_717, %convert_element_type3A_722 : f32
    %add3A_726 = arith.addf %add3A_725, %reduce_sum3A_714 : f32
    %convert_element_type3A_727 = arith.fptosi %add3A_724 : f32 to i32
    %convert_element_type3A_728 = arith.sitofp %convert_element_type3A_727 : i32 to f32
    %gt3A_729 = arith.cmpf ogt, %convert_element_type3A_728, %add3A_724 : f32
    %convert_element_type3A_730 = arith.extui %gt3A_729 : i1 to i32
    %sub3A_731 = arith.subi %convert_element_type3A_727, %convert_element_type3A_730 : i32
    %convert_element_type3A_732 = arith.fptosi %add3A_726 : f32 to i32
    %convert_element_type3A_733 = arith.sitofp %convert_element_type3A_732 : i32 to f32
    %gt3A_734 = arith.cmpf ogt, %convert_element_type3A_733, %add3A_726 : f32
    %convert_element_type3A_735 = arith.extui %gt3A_734 : i1 to i32
    %sub3A_736 = arith.subi %convert_element_type3A_732, %convert_element_type3A_735 : i32
    %jit3A_737 = arith.constant 0 : i32
    %jit3A_738 = arith.constant 2047 : i32
    %max3A_739 = arith.maxsi %jit3A_737, %sub3A_731 : i32
    %min3A_740 = arith.minsi %jit3A_738, %max3A_739 : i32
    %jit3A_741 = arith.constant 0 : i32
    %jit3A_742 = arith.constant 2047 : i32
    %max3A_743 = arith.maxsi %jit3A_741, %sub3A_736 : i32
    %min3A_744 = arith.minsi %jit3A_742, %max3A_743 : i32
    %shift_right_arithmetic3A_745 = arith.constant 7 : i32
    %shift_right_arithmetic3A_746 = arith.shrsi %min3A_740, %shift_right_arithmetic3A_745 : i32
    %jit3A_747 = arith.constant 8 : i32
    %eq3A_748 = arith.constant 0 : i32
    %eq3A_749 = arith.cmpi eq, %jit3A_747, %eq3A_748 : i32
    %jit3A_750 = arith.constant 1 : i32
    %select_n3A_751 = arith.select %eq3A_749, %jit3A_750, %jit3A_747 : i32
    %rem3A_752 = arith.remsi %mul3A_2, %select_n3A_751 : i32
    %ne3A_753 = arith.constant 0 : i32
    %ne3A_754 = arith.cmpi ne, %rem3A_752, %ne3A_753 : i32
    %lt3A_755 = arith.constant 0 : i32
    %lt3A_756 = arith.cmpi slt, %rem3A_752, %lt3A_755 : i32
    %lt3A_757 = arith.constant 0 : i32
    %lt3A_758 = arith.cmpi slt, %select_n3A_751, %lt3A_757 : i32
    %ne3A_759 = arith.xori %lt3A_756, %lt3A_758 : i1
    %and3A_760 = arith.andi %ne3A_759, %ne3A_754 : i1
    %add3A_761 = arith.addi %rem3A_752, %select_n3A_751 : i32
    %select_n3A_762 = arith.select %and3A_760, %add3A_761, %rem3A_752 : i32
    %add3A_763 = arith.constant 1 : i32
    %add3A_764 = arith.addi %select_n3A_762, %add3A_763 : i32
    %and3A_765 = arith.constant 127 : i32
    %and3A_766 = arith.andi %min3A_740, %and3A_765 : i32
    %and3A_767 = arith.constant -16 : i32
    %and3A_768 = arith.andi %and3A_766, %and3A_767 : i32
    %multiple_of3A_769 = tpu.assume_multiple %and3A_768, 16 : i32
    %dma_start3A_770 = arith.constant 1 : i32
    %dma_start3A_771 = arith.constant 0 : i32
    %dma_start3A_772 = tpu.memref_slice %arg8[%dma_start3A_770, %dma_start3A_771] : memref<8x16xi32, #tpu.memory_space<vmem>> -> memref<1x16xi32, #tpu.memory_space<vmem>>
    %dma_start3A_773 = tpu.memref_squeeze %dma_start3A_772 : memref<1x16xi32, #tpu.memory_space<vmem>> -> memref<16xi32, #tpu.memory_space<vmem>>
    %dma_start3A_774 = tpu.memref_slice %arg4[%select_n3A, %shift_right_arithmetic3A_746, %add3A_764, %multiple_of3A_769] : memref<16x16x8x128xi32, #tpu.memory_space<hbm>> -> memref<1x1x1x16xi32, #tpu.memory_space<hbm>>
    %dma_start3A_775 = tpu.memref_squeeze %dma_start3A_774 : memref<1x1x1x16xi32, #tpu.memory_space<hbm>> -> memref<16xi32, #tpu.memory_space<hbm>>
    %dma_start3A_776 = arith.constant 0 : i32
    %dma_start3A_777 = tpu.memref_slice %arg8[%dma_start3A_770, %dma_start3A_776] : memref<8x16xi32, #tpu.memory_space<vmem>> -> memref<1x16xi32, #tpu.memory_space<vmem>>
    %dma_start3A_778 = tpu.memref_squeeze %dma_start3A_777 : memref<1x16xi32, #tpu.memory_space<vmem>> -> memref<16xi32, #tpu.memory_space<vmem>>
    %dma_start3A_779 = tpu.memref_slice %arg4[%select_n3A, %shift_right_arithmetic3A_746, %add3A_764, %multiple_of3A_769] : memref<16x16x8x128xi32, #tpu.memory_space<hbm>> -> memref<1x1x1x16xi32, #tpu.memory_space<hbm>>
    %dma_start3A_780 = tpu.memref_squeeze %dma_start3A_779 : memref<1x1x1x16xi32, #tpu.memory_space<hbm>> -> memref<16xi32, #tpu.memory_space<hbm>>
    tpu.enqueue_dma source(%dma_start3A_780 : memref<16xi32, #tpu.memory_space<hbm>>) target(%dma_start3A_778 : memref<16xi32, #tpu.memory_space<vmem>>) target_semaphore(%arg20 : memref<!tpu.dma_semaphore, #tpu.memory_space<semaphore_mem>>)
    %shift_right_arithmetic3A_781 = arith.constant 7 : i32
    %shift_right_arithmetic3A_782 = arith.shrsi %min3A_744, %shift_right_arithmetic3A_781 : i32
    %jit3A_783 = arith.constant 8 : i32
    %eq3A_784 = arith.constant 0 : i32
    %eq3A_785 = arith.cmpi eq, %jit3A_783, %eq3A_784 : i32
    %jit3A_786 = arith.constant 1 : i32
    %select_n3A_787 = arith.select %eq3A_785, %jit3A_786, %jit3A_783 : i32
    %rem3A_788 = arith.remsi %mul3A_2, %select_n3A_787 : i32
    %ne3A_789 = arith.constant 0 : i32
    %ne3A_790 = arith.cmpi ne, %rem3A_788, %ne3A_789 : i32
    %lt3A_791 = arith.constant 0 : i32
    %lt3A_792 = arith.cmpi slt, %rem3A_788, %lt3A_791 : i32
    %lt3A_793 = arith.constant 0 : i32
    %lt3A_794 = arith.cmpi slt, %select_n3A_787, %lt3A_793 : i32
    %ne3A_795 = arith.xori %lt3A_792, %lt3A_794 : i1
    %and3A_796 = arith.andi %ne3A_795, %ne3A_790 : i1
    %add3A_797 = arith.addi %rem3A_788, %select_n3A_787 : i32
    %select_n3A_798 = arith.select %and3A_796, %add3A_797, %rem3A_788 : i32
    %add3A_799 = arith.constant 1 : i32
    %add3A_800 = arith.addi %select_n3A_798, %add3A_799 : i32
    %and3A_801 = arith.constant 127 : i32
    %and3A_802 = arith.andi %min3A_744, %and3A_801 : i32
    %and3A_803 = arith.constant -16 : i32
    %and3A_804 = arith.andi %and3A_802, %and3A_803 : i32
    %multiple_of3A_805 = tpu.assume_multiple %and3A_804, 16 : i32
    %dma_start3A_806 = arith.constant 5 : i32
    %dma_start3A_807 = arith.constant 0 : i32
    %dma_start3A_808 = tpu.memref_slice %arg8[%dma_start3A_806, %dma_start3A_807] : memref<8x16xi32, #tpu.memory_space<vmem>> -> memref<1x16xi32, #tpu.memory_space<vmem>>
    %dma_start3A_809 = tpu.memref_squeeze %dma_start3A_808 : memref<1x16xi32, #tpu.memory_space<vmem>> -> memref<16xi32, #tpu.memory_space<vmem>>
    %dma_start3A_810 = tpu.memref_slice %arg4[%select_n3A, %shift_right_arithmetic3A_782, %add3A_800, %multiple_of3A_805] : memref<16x16x8x128xi32, #tpu.memory_space<hbm>> -> memref<1x1x1x16xi32, #tpu.memory_space<hbm>>
    %dma_start3A_811 = tpu.memref_squeeze %dma_start3A_810 : memref<1x1x1x16xi32, #tpu.memory_space<hbm>> -> memref<16xi32, #tpu.memory_space<hbm>>
    %dma_start3A_812 = arith.constant 0 : i32
    %dma_start3A_813 = tpu.memref_slice %arg8[%dma_start3A_806, %dma_start3A_812] : memref<8x16xi32, #tpu.memory_space<vmem>> -> memref<1x16xi32, #tpu.memory_space<vmem>>
    %dma_start3A_814 = tpu.memref_squeeze %dma_start3A_813 : memref<1x16xi32, #tpu.memory_space<vmem>> -> memref<16xi32, #tpu.memory_space<vmem>>
    %dma_start3A_815 = tpu.memref_slice %arg4[%select_n3A, %shift_right_arithmetic3A_782, %add3A_800, %multiple_of3A_805] : memref<16x16x8x128xi32, #tpu.memory_space<hbm>> -> memref<1x1x1x16xi32, #tpu.memory_space<hbm>>
    %dma_start3A_816 = tpu.memref_squeeze %dma_start3A_815 : memref<1x1x1x16xi32, #tpu.memory_space<hbm>> -> memref<16xi32, #tpu.memory_space<hbm>>
    tpu.enqueue_dma source(%dma_start3A_816 : memref<16xi32, #tpu.memory_space<hbm>>) target(%dma_start3A_814 : memref<16xi32, #tpu.memory_space<vmem>>) target_semaphore(%arg20 : memref<!tpu.dma_semaphore, #tpu.memory_space<semaphore_mem>>)
    %dma_wait3A_817 = arith.constant 0 : i32
    %dma_wait3A_818 = arith.constant 4 : i32
    %dma_wait3A_819 = arith.constant 0 : i32
    %dma_wait3A_820 = tpu.memref_slice %arg7[%dma_wait3A_818, %dma_wait3A_819] : memref<8x16xf32, #tpu.memory_space<vmem>> -> memref<1x16xf32, #tpu.memory_space<vmem>>
    %dma_wait3A_821 = tpu.memref_squeeze %dma_wait3A_820 : memref<1x16xf32, #tpu.memory_space<vmem>> -> memref<16xf32, #tpu.memory_space<vmem>>
    %dma_wait3A_822 = tpu.memref_slice %arg3[%add3A_379, %shift_right_arithmetic3A_381, %dma_wait3A_817, %multiple_of3A_386] : memref<128x64x2x128xf32, #tpu.memory_space<hbm>> -> memref<1x1x1x16xf32, #tpu.memory_space<hbm>>
    %dma_wait3A_823 = tpu.memref_squeeze %dma_wait3A_822 : memref<1x1x1x16xf32, #tpu.memory_space<hbm>> -> memref<16xf32, #tpu.memory_space<hbm>>
    %dma_wait3A_824 = arith.constant 0 : i32
    %dma_wait3A_825 = tpu.memref_slice %arg7[%dma_wait3A_818, %dma_wait3A_824] : memref<8x16xf32, #tpu.memory_space<vmem>> -> memref<1x16xf32, #tpu.memory_space<vmem>>
    %dma_wait3A_826 = tpu.memref_squeeze %dma_wait3A_825 : memref<1x16xf32, #tpu.memory_space<vmem>> -> memref<16xf32, #tpu.memory_space<vmem>>
    %dma_wait3A_827 = tpu.memref_slice %arg3[%add3A_379, %shift_right_arithmetic3A_381, %dma_wait3A_817, %multiple_of3A_386] : memref<128x64x2x128xf32, #tpu.memory_space<hbm>> -> memref<1x1x1x16xf32, #tpu.memory_space<hbm>>
    %dma_wait3A_828 = tpu.memref_squeeze %dma_wait3A_827 : memref<1x1x1x16xf32, #tpu.memory_space<hbm>> -> memref<16xf32, #tpu.memory_space<hbm>>
    tpu.wait_dma2 semaphore(%arg17 : memref<!tpu.dma_semaphore, #tpu.memory_space<semaphore_mem>>) src(%dma_wait3A_828 : memref<16xf32, #tpu.memory_space<hbm>>) dst(%dma_wait3A_826 : memref<16xf32, #tpu.memory_space<vmem>>)
    %dma_wait3A_829 = arith.constant 1 : i32
    %dma_wait3A_830 = arith.constant 5 : i32
    %dma_wait3A_831 = arith.constant 0 : i32
    %dma_wait3A_832 = tpu.memref_slice %arg7[%dma_wait3A_830, %dma_wait3A_831] : memref<8x16xf32, #tpu.memory_space<vmem>> -> memref<1x16xf32, #tpu.memory_space<vmem>>
    %dma_wait3A_833 = tpu.memref_squeeze %dma_wait3A_832 : memref<1x16xf32, #tpu.memory_space<vmem>> -> memref<16xf32, #tpu.memory_space<vmem>>
    %dma_wait3A_834 = tpu.memref_slice %arg3[%add3A_400, %shift_right_arithmetic3A_402, %dma_wait3A_829, %multiple_of3A_407] : memref<128x64x2x128xf32, #tpu.memory_space<hbm>> -> memref<1x1x1x16xf32, #tpu.memory_space<hbm>>
    %dma_wait3A_835 = tpu.memref_squeeze %dma_wait3A_834 : memref<1x1x1x16xf32, #tpu.memory_space<hbm>> -> memref<16xf32, #tpu.memory_space<hbm>>
    %dma_wait3A_836 = arith.constant 0 : i32
    %dma_wait3A_837 = tpu.memref_slice %arg7[%dma_wait3A_830, %dma_wait3A_836] : memref<8x16xf32, #tpu.memory_space<vmem>> -> memref<1x16xf32, #tpu.memory_space<vmem>>
    %dma_wait3A_838 = tpu.memref_squeeze %dma_wait3A_837 : memref<1x16xf32, #tpu.memory_space<vmem>> -> memref<16xf32, #tpu.memory_space<vmem>>
    %dma_wait3A_839 = tpu.memref_slice %arg3[%add3A_400, %shift_right_arithmetic3A_402, %dma_wait3A_829, %multiple_of3A_407] : memref<128x64x2x128xf32, #tpu.memory_space<hbm>> -> memref<1x1x1x16xf32, #tpu.memory_space<hbm>>
    %dma_wait3A_840 = tpu.memref_squeeze %dma_wait3A_839 : memref<1x1x1x16xf32, #tpu.memory_space<hbm>> -> memref<16xf32, #tpu.memory_space<hbm>>
    tpu.wait_dma2 semaphore(%arg17 : memref<!tpu.dma_semaphore, #tpu.memory_space<semaphore_mem>>) src(%dma_wait3A_840 : memref<16xf32, #tpu.memory_space<hbm>>) dst(%dma_wait3A_838 : memref<16xf32, #tpu.memory_space<vmem>>)
    %and3A_841 = arith.constant 15 : i32
    %and3A_842 = arith.andi %reduce_min3A_377, %and3A_841 : i32
    %get3A_843 = arith.constant 4 : i32
    %get3A_844 = arith.index_cast %get3A_843 : i32 to index
    %get3A_845 = arith.constant 0 : index
    %get3A_846 = tpu.vector_load %arg7[%get3A_844, %get3A_845] {strides = array<i32>} : memref<8x16xf32, #tpu.memory_space<vmem>>, vector<16xf32>,
    %iota3A_847 = tpu.iota {dimensions = array<i32: 0>} : vector<16xi32>
    %eq3A_848 = vector.broadcast %and3A_842 : i32 to vector<16xi32>
    %eq3A_849 = arith.cmpi eq, %iota3A_847, %eq3A_848 : vector<16xi32>
    %broadcast_in_dim3A_850 = arith.constant 0.000000e+00 : f32
    %broadcast_in_dim3A_851 = vector.broadcast %broadcast_in_dim3A_850 : f32 to vector<16xf32>
    %select_n3A_852 = arith.select %eq3A_849, %get3A_846, %broadcast_in_dim3A_851 : vector<16xi1>, vector<16xf32>
    %reduce_sum3A_853 = arith.constant true
    %reduce_sum3A_854 = vector.broadcast %reduce_sum3A_853 : i1 to vector<16xi1>
    %reduce_sum3A_855 = tpu.scan <sum>, %select_n3A_852 masked %reduce_sum3A_854 : vector<16xf32>, vector<16xi1> -> vector<16xf32>
    %reduce_sum3A_856 = vector.extract %reduce_sum3A_855[15] : f32 from vector<16xf32>
    %get3A_857 = arith.constant 5 : i32
    %get3A_858 = arith.index_cast %get3A_857 : i32 to index
    %get3A_859 = arith.constant 0 : index
    %get3A_860 = tpu.vector_load %arg7[%get3A_858, %get3A_859] {strides = array<i32>} : memref<8x16xf32, #tpu.memory_space<vmem>>, vector<16xf32>,
    %iota3A_861 = tpu.iota {dimensions = array<i32: 0>} : vector<16xi32>
    %eq3A_862 = vector.broadcast %and3A_842 : i32 to vector<16xi32>
    %eq3A_863 = arith.cmpi eq, %iota3A_861, %eq3A_862 : vector<16xi32>
    %broadcast_in_dim3A_864 = arith.constant 0.000000e+00 : f32
    %broadcast_in_dim3A_865 = vector.broadcast %broadcast_in_dim3A_864 : f32 to vector<16xf32>
    %select_n3A_866 = arith.select %eq3A_863, %get3A_860, %broadcast_in_dim3A_865 : vector<16xi1>, vector<16xf32>
    %reduce_sum3A_867 = arith.constant true
    %reduce_sum3A_868 = vector.broadcast %reduce_sum3A_867 : i1 to vector<16xi1>
    %reduce_sum3A_869 = tpu.scan <sum>, %select_n3A_866 masked %reduce_sum3A_868 : vector<16xf32>, vector<16xi1> -> vector<16xf32>
    %reduce_sum3A_870 = vector.extract %reduce_sum3A_869[15] : f32 from vector<16xf32>
    %shift_right_arithmetic3A_871 = arith.constant 2 : i32
    %shift_right_arithmetic3A_872 = arith.shrsi %reduce_min3A_377, %shift_right_arithmetic3A_871 : i32
    %convert_element_type3A_873 = arith.sitofp %shift_right_arithmetic3A_872 : i32 to f32
    %and3A_874 = arith.constant 3 : i32
    %and3A_875 = arith.andi %reduce_min3A_377, %and3A_874 : i32
    %shift_left3A_876 = arith.constant 4 : i32
    %shift_left3A_877 = arith.shli %shift_left3A_876, %and3A_875 : i32
    %convert_element_type3A_878 = arith.sitofp %shift_left3A_877 : i32 to f32
    %sub3A_879 = arith.subf %convert_element_type3A_873, %convert_element_type3A_878 : f32
    %add3A_880 = arith.addf %sub3A_879, %reduce_sum3A_856 : f32
    %add3A_881 = arith.addf %convert_element_type3A_873, %convert_element_type3A_878 : f32
    %add3A_882 = arith.addf %add3A_881, %reduce_sum3A_870 : f32
    %convert_element_type3A_883 = arith.fptosi %add3A_880 : f32 to i32
    %convert_element_type3A_884 = arith.sitofp %convert_element_type3A_883 : i32 to f32
    %gt3A_885 = arith.cmpf ogt, %convert_element_type3A_884, %add3A_880 : f32
    %convert_element_type3A_886 = arith.extui %gt3A_885 : i1 to i32
    %sub3A_887 = arith.subi %convert_element_type3A_883, %convert_element_type3A_886 : i32
    %convert_element_type3A_888 = arith.fptosi %add3A_882 : f32 to i32
    %convert_element_type3A_889 = arith.sitofp %convert_element_type3A_888 : i32 to f32
    %gt3A_890 = arith.cmpf ogt, %convert_element_type3A_889, %add3A_882 : f32
    %convert_element_type3A_891 = arith.extui %gt3A_890 : i1 to i32
    %sub3A_892 = arith.subi %convert_element_type3A_888, %convert_element_type3A_891 : i32
    %jit3A_893 = arith.constant 0 : i32
    %jit3A_894 = arith.constant 2047 : i32
    %max3A_895 = arith.maxsi %jit3A_893, %sub3A_887 : i32
    %min3A_896 = arith.minsi %jit3A_894, %max3A_895 : i32
    %jit3A_897 = arith.constant 0 : i32
    %jit3A_898 = arith.constant 2047 : i32
    %max3A_899 = arith.maxsi %jit3A_897, %sub3A_892 : i32
    %min3A_900 = arith.minsi %jit3A_898, %max3A_899 : i32
    %shift_right_arithmetic3A_901 = arith.constant 7 : i32
    %shift_right_arithmetic3A_902 = arith.shrsi %min3A_896, %shift_right_arithmetic3A_901 : i32
    %jit3A_903 = arith.constant 8 : i32
    %eq3A_904 = arith.constant 0 : i32
    %eq3A_905 = arith.cmpi eq, %jit3A_903, %eq3A_904 : i32
    %jit3A_906 = arith.constant 1 : i32
    %select_n3A_907 = arith.select %eq3A_905, %jit3A_906, %jit3A_903 : i32
    %rem3A_908 = arith.remsi %mul3A_2, %select_n3A_907 : i32
    %ne3A_909 = arith.constant 0 : i32
    %ne3A_910 = arith.cmpi ne, %rem3A_908, %ne3A_909 : i32
    %lt3A_911 = arith.constant 0 : i32
    %lt3A_912 = arith.cmpi slt, %rem3A_908, %lt3A_911 : i32
    %lt3A_913 = arith.constant 0 : i32
    %lt3A_914 = arith.cmpi slt, %select_n3A_907, %lt3A_913 : i32
    %ne3A_915 = arith.xori %lt3A_912, %lt3A_914 : i1
    %and3A_916 = arith.andi %ne3A_915, %ne3A_910 : i1
    %add3A_917 = arith.addi %rem3A_908, %select_n3A_907 : i32
    %select_n3A_918 = arith.select %and3A_916, %add3A_917, %rem3A_908 : i32
    %add3A_919 = arith.constant 2 : i32
    %add3A_920 = arith.addi %select_n3A_918, %add3A_919 : i32
    %and3A_921 = arith.constant 127 : i32
    %and3A_922 = arith.andi %min3A_896, %and3A_921 : i32
    %and3A_923 = arith.constant -16 : i32
    %and3A_924 = arith.andi %and3A_922, %and3A_923 : i32
    %multiple_of3A_925 = tpu.assume_multiple %and3A_924, 16 : i32
    %dma_start3A_926 = arith.constant 2 : i32
    %dma_start3A_927 = arith.constant 0 : i32
    %dma_start3A_928 = tpu.memref_slice %arg8[%dma_start3A_926, %dma_start3A_927] : memref<8x16xi32, #tpu.memory_space<vmem>> -> memref<1x16xi32, #tpu.memory_space<vmem>>
    %dma_start3A_929 = tpu.memref_squeeze %dma_start3A_928 : memref<1x16xi32, #tpu.memory_space<vmem>> -> memref<16xi32, #tpu.memory_space<vmem>>
    %dma_start3A_930 = tpu.memref_slice %arg4[%select_n3A, %shift_right_arithmetic3A_902, %add3A_920, %multiple_of3A_925] : memref<16x16x8x128xi32, #tpu.memory_space<hbm>> -> memref<1x1x1x16xi32, #tpu.memory_space<hbm>>
    %dma_start3A_931 = tpu.memref_squeeze %dma_start3A_930 : memref<1x1x1x16xi32, #tpu.memory_space<hbm>> -> memref<16xi32, #tpu.memory_space<hbm>>
    %dma_start3A_932 = arith.constant 0 : i32
    %dma_start3A_933 = tpu.memref_slice %arg8[%dma_start3A_926, %dma_start3A_932] : memref<8x16xi32, #tpu.memory_space<vmem>> -> memref<1x16xi32, #tpu.memory_space<vmem>>
    %dma_start3A_934 = tpu.memref_squeeze %dma_start3A_933 : memref<1x16xi32, #tpu.memory_space<vmem>> -> memref<16xi32, #tpu.memory_space<vmem>>
    %dma_start3A_935 = tpu.memref_slice %arg4[%select_n3A, %shift_right_arithmetic3A_902, %add3A_920, %multiple_of3A_925] : memref<16x16x8x128xi32, #tpu.memory_space<hbm>> -> memref<1x1x1x16xi32, #tpu.memory_space<hbm>>
    %dma_start3A_936 = tpu.memref_squeeze %dma_start3A_935 : memref<1x1x1x16xi32, #tpu.memory_space<hbm>> -> memref<16xi32, #tpu.memory_space<hbm>>
    tpu.enqueue_dma source(%dma_start3A_936 : memref<16xi32, #tpu.memory_space<hbm>>) target(%dma_start3A_934 : memref<16xi32, #tpu.memory_space<vmem>>) target_semaphore(%arg21 : memref<!tpu.dma_semaphore, #tpu.memory_space<semaphore_mem>>)
    %shift_right_arithmetic3A_937 = arith.constant 7 : i32
    %shift_right_arithmetic3A_938 = arith.shrsi %min3A_900, %shift_right_arithmetic3A_937 : i32
    %jit3A_939 = arith.constant 8 : i32
    %eq3A_940 = arith.constant 0 : i32
    %eq3A_941 = arith.cmpi eq, %jit3A_939, %eq3A_940 : i32
    %jit3A_942 = arith.constant 1 : i32
    %select_n3A_943 = arith.select %eq3A_941, %jit3A_942, %jit3A_939 : i32
    %rem3A_944 = arith.remsi %mul3A_2, %select_n3A_943 : i32
    %ne3A_945 = arith.constant 0 : i32
    %ne3A_946 = arith.cmpi ne, %rem3A_944, %ne3A_945 : i32
    %lt3A_947 = arith.constant 0 : i32
    %lt3A_948 = arith.cmpi slt, %rem3A_944, %lt3A_947 : i32
    %lt3A_949 = arith.constant 0 : i32
    %lt3A_950 = arith.cmpi slt, %select_n3A_943, %lt3A_949 : i32
    %ne3A_951 = arith.xori %lt3A_948, %lt3A_950 : i1
    %and3A_952 = arith.andi %ne3A_951, %ne3A_946 : i1
    %add3A_953 = arith.addi %rem3A_944, %select_n3A_943 : i32
    %select_n3A_954 = arith.select %and3A_952, %add3A_953, %rem3A_944 : i32
    %add3A_955 = arith.constant 2 : i32
    %add3A_956 = arith.addi %select_n3A_954, %add3A_955 : i32
    %and3A_957 = arith.constant 127 : i32
    %and3A_958 = arith.andi %min3A_900, %and3A_957 : i32
    %and3A_959 = arith.constant -16 : i32
    %and3A_960 = arith.andi %and3A_958, %and3A_959 : i32
    %multiple_of3A_961 = tpu.assume_multiple %and3A_960, 16 : i32
    %dma_start3A_962 = arith.constant 6 : i32
    %dma_start3A_963 = arith.constant 0 : i32
    %dma_start3A_964 = tpu.memref_slice %arg8[%dma_start3A_962, %dma_start3A_963] : memref<8x16xi32, #tpu.memory_space<vmem>> -> memref<1x16xi32, #tpu.memory_space<vmem>>
    %dma_start3A_965 = tpu.memref_squeeze %dma_start3A_964 : memref<1x16xi32, #tpu.memory_space<vmem>> -> memref<16xi32, #tpu.memory_space<vmem>>
    %dma_start3A_966 = tpu.memref_slice %arg4[%select_n3A, %shift_right_arithmetic3A_938, %add3A_956, %multiple_of3A_961] : memref<16x16x8x128xi32, #tpu.memory_space<hbm>> -> memref<1x1x1x16xi32, #tpu.memory_space<hbm>>
    %dma_start3A_967 = tpu.memref_squeeze %dma_start3A_966 : memref<1x1x1x16xi32, #tpu.memory_space<hbm>> -> memref<16xi32, #tpu.memory_space<hbm>>
    %dma_start3A_968 = arith.constant 0 : i32
    %dma_start3A_969 = tpu.memref_slice %arg8[%dma_start3A_962, %dma_start3A_968] : memref<8x16xi32, #tpu.memory_space<vmem>> -> memref<1x16xi32, #tpu.memory_space<vmem>>
    %dma_start3A_970 = tpu.memref_squeeze %dma_start3A_969 : memref<1x16xi32, #tpu.memory_space<vmem>> -> memref<16xi32, #tpu.memory_space<vmem>>
    %dma_start3A_971 = tpu.memref_slice %arg4[%select_n3A, %shift_right_arithmetic3A_938, %add3A_956, %multiple_of3A_961] : memref<16x16x8x128xi32, #tpu.memory_space<hbm>> -> memref<1x1x1x16xi32, #tpu.memory_space<hbm>>
    %dma_start3A_972 = tpu.memref_squeeze %dma_start3A_971 : memref<1x1x1x16xi32, #tpu.memory_space<hbm>> -> memref<16xi32, #tpu.memory_space<hbm>>
    tpu.enqueue_dma source(%dma_start3A_972 : memref<16xi32, #tpu.memory_space<hbm>>) target(%dma_start3A_970 : memref<16xi32, #tpu.memory_space<vmem>>) target_semaphore(%arg21 : memref<!tpu.dma_semaphore, #tpu.memory_space<semaphore_mem>>)
    %dma_wait3A_973 = arith.constant 0 : i32
    %dma_wait3A_974 = arith.constant 6 : i32
    %dma_wait3A_975 = arith.constant 0 : i32
    %dma_wait3A_976 = tpu.memref_slice %arg7[%dma_wait3A_974, %dma_wait3A_975] : memref<8x16xf32, #tpu.memory_space<vmem>> -> memref<1x16xf32, #tpu.memory_space<vmem>>
    %dma_wait3A_977 = tpu.memref_squeeze %dma_wait3A_976 : memref<1x16xf32, #tpu.memory_space<vmem>> -> memref<16xf32, #tpu.memory_space<vmem>>
    %dma_wait3A_978 = tpu.memref_slice %arg3[%add3A_470, %shift_right_arithmetic3A_472, %dma_wait3A_973, %multiple_of3A_477] : memref<128x64x2x128xf32, #tpu.memory_space<hbm>> -> memref<1x1x1x16xf32, #tpu.memory_space<hbm>>
    %dma_wait3A_979 = tpu.memref_squeeze %dma_wait3A_978 : memref<1x1x1x16xf32, #tpu.memory_space<hbm>> -> memref<16xf32, #tpu.memory_space<hbm>>
    %dma_wait3A_980 = arith.constant 0 : i32
    %dma_wait3A_981 = tpu.memref_slice %arg7[%dma_wait3A_974, %dma_wait3A_980] : memref<8x16xf32, #tpu.memory_space<vmem>> -> memref<1x16xf32, #tpu.memory_space<vmem>>
    %dma_wait3A_982 = tpu.memref_squeeze %dma_wait3A_981 : memref<1x16xf32, #tpu.memory_space<vmem>> -> memref<16xf32, #tpu.memory_space<vmem>>
    %dma_wait3A_983 = tpu.memref_slice %arg3[%add3A_470, %shift_right_arithmetic3A_472, %dma_wait3A_973, %multiple_of3A_477] : memref<128x64x2x128xf32, #tpu.memory_space<hbm>> -> memref<1x1x1x16xf32, #tpu.memory_space<hbm>>
    %dma_wait3A_984 = tpu.memref_squeeze %dma_wait3A_983 : memref<1x1x1x16xf32, #tpu.memory_space<hbm>> -> memref<16xf32, #tpu.memory_space<hbm>>
    tpu.wait_dma2 semaphore(%arg18 : memref<!tpu.dma_semaphore, #tpu.memory_space<semaphore_mem>>) src(%dma_wait3A_984 : memref<16xf32, #tpu.memory_space<hbm>>) dst(%dma_wait3A_982 : memref<16xf32, #tpu.memory_space<vmem>>)
    %dma_wait3A_985 = arith.constant 1 : i32
    %dma_wait3A_986 = arith.constant 7 : i32
    %dma_wait3A_987 = arith.constant 0 : i32
    %dma_wait3A_988 = tpu.memref_slice %arg7[%dma_wait3A_986, %dma_wait3A_987] : memref<8x16xf32, #tpu.memory_space<vmem>> -> memref<1x16xf32, #tpu.memory_space<vmem>>
    %dma_wait3A_989 = tpu.memref_squeeze %dma_wait3A_988 : memref<1x16xf32, #tpu.memory_space<vmem>> -> memref<16xf32, #tpu.memory_space<vmem>>
    %dma_wait3A_990 = tpu.memref_slice %arg3[%add3A_491, %shift_right_arithmetic3A_493, %dma_wait3A_985, %multiple_of3A_498] : memref<128x64x2x128xf32, #tpu.memory_space<hbm>> -> memref<1x1x1x16xf32, #tpu.memory_space<hbm>>
    %dma_wait3A_991 = tpu.memref_squeeze %dma_wait3A_990 : memref<1x1x1x16xf32, #tpu.memory_space<hbm>> -> memref<16xf32, #tpu.memory_space<hbm>>
    %dma_wait3A_992 = arith.constant 0 : i32
    %dma_wait3A_993 = tpu.memref_slice %arg7[%dma_wait3A_986, %dma_wait3A_992] : memref<8x16xf32, #tpu.memory_space<vmem>> -> memref<1x16xf32, #tpu.memory_space<vmem>>
    %dma_wait3A_994 = tpu.memref_squeeze %dma_wait3A_993 : memref<1x16xf32, #tpu.memory_space<vmem>> -> memref<16xf32, #tpu.memory_space<vmem>>
    %dma_wait3A_995 = tpu.memref_slice %arg3[%add3A_491, %shift_right_arithmetic3A_493, %dma_wait3A_985, %multiple_of3A_498] : memref<128x64x2x128xf32, #tpu.memory_space<hbm>> -> memref<1x1x1x16xf32, #tpu.memory_space<hbm>>
    %dma_wait3A_996 = tpu.memref_squeeze %dma_wait3A_995 : memref<1x1x1x16xf32, #tpu.memory_space<hbm>> -> memref<16xf32, #tpu.memory_space<hbm>>
    tpu.wait_dma2 semaphore(%arg18 : memref<!tpu.dma_semaphore, #tpu.memory_space<semaphore_mem>>) src(%dma_wait3A_996 : memref<16xf32, #tpu.memory_space<hbm>>) dst(%dma_wait3A_994 : memref<16xf32, #tpu.memory_space<vmem>>)
    %and3A_997 = arith.constant 15 : i32
    %and3A_998 = arith.andi %reduce_min3A_468, %and3A_997 : i32
    %get3A_999 = arith.constant 6 : i32
    %get3A_1000 = arith.index_cast %get3A_999 : i32 to index
    %get3A_1001 = arith.constant 0 : index
    %get3A_1002 = tpu.vector_load %arg7[%get3A_1000, %get3A_1001] {strides = array<i32>} : memref<8x16xf32, #tpu.memory_space<vmem>>, vector<16xf32>,
    %iota3A_1003 = tpu.iota {dimensions = array<i32: 0>} : vector<16xi32>
    %eq3A_1004 = vector.broadcast %and3A_998 : i32 to vector<16xi32>
    %eq3A_1005 = arith.cmpi eq, %iota3A_1003, %eq3A_1004 : vector<16xi32>
    %broadcast_in_dim3A_1006 = arith.constant 0.000000e+00 : f32
    %broadcast_in_dim3A_1007 = vector.broadcast %broadcast_in_dim3A_1006 : f32 to vector<16xf32>
    %select_n3A_1008 = arith.select %eq3A_1005, %get3A_1002, %broadcast_in_dim3A_1007 : vector<16xi1>, vector<16xf32>
    %reduce_sum3A_1009 = arith.constant true
    %reduce_sum3A_1010 = vector.broadcast %reduce_sum3A_1009 : i1 to vector<16xi1>
    %reduce_sum3A_1011 = tpu.scan <sum>, %select_n3A_1008 masked %reduce_sum3A_1010 : vector<16xf32>, vector<16xi1> -> vector<16xf32>
    %reduce_sum3A_1012 = vector.extract %reduce_sum3A_1011[15] : f32 from vector<16xf32>
    %get3A_1013 = arith.constant 7 : i32
    %get3A_1014 = arith.index_cast %get3A_1013 : i32 to index
    %get3A_1015 = arith.constant 0 : index
    %get3A_1016 = tpu.vector_load %arg7[%get3A_1014, %get3A_1015] {strides = array<i32>} : memref<8x16xf32, #tpu.memory_space<vmem>>, vector<16xf32>,
    %iota3A_1017 = tpu.iota {dimensions = array<i32: 0>} : vector<16xi32>
    %eq3A_1018 = vector.broadcast %and3A_998 : i32 to vector<16xi32>
    %eq3A_1019 = arith.cmpi eq, %iota3A_1017, %eq3A_1018 : vector<16xi32>
    %broadcast_in_dim3A_1020 = arith.constant 0.000000e+00 : f32
    %broadcast_in_dim3A_1021 = vector.broadcast %broadcast_in_dim3A_1020 : f32 to vector<16xf32>
    %select_n3A_1022 = arith.select %eq3A_1019, %get3A_1016, %broadcast_in_dim3A_1021 : vector<16xi1>, vector<16xf32>
    %reduce_sum3A_1023 = arith.constant true
    %reduce_sum3A_1024 = vector.broadcast %reduce_sum3A_1023 : i1 to vector<16xi1>
    %reduce_sum3A_1025 = tpu.scan <sum>, %select_n3A_1022 masked %reduce_sum3A_1024 : vector<16xf32>, vector<16xi1> -> vector<16xf32>
    %reduce_sum3A_1026 = vector.extract %reduce_sum3A_1025[15] : f32 from vector<16xf32>
    %shift_right_arithmetic3A_1027 = arith.constant 2 : i32
    %shift_right_arithmetic3A_1028 = arith.shrsi %reduce_min3A_468, %shift_right_arithmetic3A_1027 : i32
    %convert_element_type3A_1029 = arith.sitofp %shift_right_arithmetic3A_1028 : i32 to f32
    %and3A_1030 = arith.constant 3 : i32
    %and3A_1031 = arith.andi %reduce_min3A_468, %and3A_1030 : i32
    %shift_left3A_1032 = arith.constant 4 : i32
    %shift_left3A_1033 = arith.shli %shift_left3A_1032, %and3A_1031 : i32
    %convert_element_type3A_1034 = arith.sitofp %shift_left3A_1033 : i32 to f32
    %sub3A_1035 = arith.subf %convert_element_type3A_1029, %convert_element_type3A_1034 : f32
    %add3A_1036 = arith.addf %sub3A_1035, %reduce_sum3A_1012 : f32
    %add3A_1037 = arith.addf %convert_element_type3A_1029, %convert_element_type3A_1034 : f32
    %add3A_1038 = arith.addf %add3A_1037, %reduce_sum3A_1026 : f32
    %convert_element_type3A_1039 = arith.fptosi %add3A_1036 : f32 to i32
    %convert_element_type3A_1040 = arith.sitofp %convert_element_type3A_1039 : i32 to f32
    %gt3A_1041 = arith.cmpf ogt, %convert_element_type3A_1040, %add3A_1036 : f32
    %convert_element_type3A_1042 = arith.extui %gt3A_1041 : i1 to i32
    %sub3A_1043 = arith.subi %convert_element_type3A_1039, %convert_element_type3A_1042 : i32
    %convert_element_type3A_1044 = arith.fptosi %add3A_1038 : f32 to i32
    %convert_element_type3A_1045 = arith.sitofp %convert_element_type3A_1044 : i32 to f32
    %gt3A_1046 = arith.cmpf ogt, %convert_element_type3A_1045, %add3A_1038 : f32
    %convert_element_type3A_1047 = arith.extui %gt3A_1046 : i1 to i32
    %sub3A_1048 = arith.subi %convert_element_type3A_1044, %convert_element_type3A_1047 : i32
    %jit3A_1049 = arith.constant 0 : i32
    %jit3A_1050 = arith.constant 2047 : i32
    %max3A_1051 = arith.maxsi %jit3A_1049, %sub3A_1043 : i32
    %min3A_1052 = arith.minsi %jit3A_1050, %max3A_1051 : i32
    %jit3A_1053 = arith.constant 0 : i32
    %jit3A_1054 = arith.constant 2047 : i32
    %max3A_1055 = arith.maxsi %jit3A_1053, %sub3A_1048 : i32
    %min3A_1056 = arith.minsi %jit3A_1054, %max3A_1055 : i32
    %shift_right_arithmetic3A_1057 = arith.constant 7 : i32
    %shift_right_arithmetic3A_1058 = arith.shrsi %min3A_1052, %shift_right_arithmetic3A_1057 : i32
    %jit3A_1059 = arith.constant 8 : i32
    %eq3A_1060 = arith.constant 0 : i32
    %eq3A_1061 = arith.cmpi eq, %jit3A_1059, %eq3A_1060 : i32
    %jit3A_1062 = arith.constant 1 : i32
    %select_n3A_1063 = arith.select %eq3A_1061, %jit3A_1062, %jit3A_1059 : i32
    %rem3A_1064 = arith.remsi %mul3A_2, %select_n3A_1063 : i32
    %ne3A_1065 = arith.constant 0 : i32
    %ne3A_1066 = arith.cmpi ne, %rem3A_1064, %ne3A_1065 : i32
    %lt3A_1067 = arith.constant 0 : i32
    %lt3A_1068 = arith.cmpi slt, %rem3A_1064, %lt3A_1067 : i32
    %lt3A_1069 = arith.constant 0 : i32
    %lt3A_1070 = arith.cmpi slt, %select_n3A_1063, %lt3A_1069 : i32
    %ne3A_1071 = arith.xori %lt3A_1068, %lt3A_1070 : i1
    %and3A_1072 = arith.andi %ne3A_1071, %ne3A_1066 : i1
    %add3A_1073 = arith.addi %rem3A_1064, %select_n3A_1063 : i32
    %select_n3A_1074 = arith.select %and3A_1072, %add3A_1073, %rem3A_1064 : i32
    %add3A_1075 = arith.constant 3 : i32
    %add3A_1076 = arith.addi %select_n3A_1074, %add3A_1075 : i32
    %and3A_1077 = arith.constant 127 : i32
    %and3A_1078 = arith.andi %min3A_1052, %and3A_1077 : i32
    %and3A_1079 = arith.constant -16 : i32
    %and3A_1080 = arith.andi %and3A_1078, %and3A_1079 : i32
    %multiple_of3A_1081 = tpu.assume_multiple %and3A_1080, 16 : i32
    %dma_start3A_1082 = arith.constant 3 : i32
    %dma_start3A_1083 = arith.constant 0 : i32
    %dma_start3A_1084 = tpu.memref_slice %arg8[%dma_start3A_1082, %dma_start3A_1083] : memref<8x16xi32, #tpu.memory_space<vmem>> -> memref<1x16xi32, #tpu.memory_space<vmem>>
    %dma_start3A_1085 = tpu.memref_squeeze %dma_start3A_1084 : memref<1x16xi32, #tpu.memory_space<vmem>> -> memref<16xi32, #tpu.memory_space<vmem>>
    %dma_start3A_1086 = tpu.memref_slice %arg4[%select_n3A, %shift_right_arithmetic3A_1058, %add3A_1076, %multiple_of3A_1081] : memref<16x16x8x128xi32, #tpu.memory_space<hbm>> -> memref<1x1x1x16xi32, #tpu.memory_space<hbm>>
    %dma_start3A_1087 = tpu.memref_squeeze %dma_start3A_1086 : memref<1x1x1x16xi32, #tpu.memory_space<hbm>> -> memref<16xi32, #tpu.memory_space<hbm>>
    %dma_start3A_1088 = arith.constant 0 : i32
    %dma_start3A_1089 = tpu.memref_slice %arg8[%dma_start3A_1082, %dma_start3A_1088] : memref<8x16xi32, #tpu.memory_space<vmem>> -> memref<1x16xi32, #tpu.memory_space<vmem>>
    %dma_start3A_1090 = tpu.memref_squeeze %dma_start3A_1089 : memref<1x16xi32, #tpu.memory_space<vmem>> -> memref<16xi32, #tpu.memory_space<vmem>>
    %dma_start3A_1091 = tpu.memref_slice %arg4[%select_n3A, %shift_right_arithmetic3A_1058, %add3A_1076, %multiple_of3A_1081] : memref<16x16x8x128xi32, #tpu.memory_space<hbm>> -> memref<1x1x1x16xi32, #tpu.memory_space<hbm>>
    %dma_start3A_1092 = tpu.memref_squeeze %dma_start3A_1091 : memref<1x1x1x16xi32, #tpu.memory_space<hbm>> -> memref<16xi32, #tpu.memory_space<hbm>>
    tpu.enqueue_dma source(%dma_start3A_1092 : memref<16xi32, #tpu.memory_space<hbm>>) target(%dma_start3A_1090 : memref<16xi32, #tpu.memory_space<vmem>>) target_semaphore(%arg22 : memref<!tpu.dma_semaphore, #tpu.memory_space<semaphore_mem>>)
    %shift_right_arithmetic3A_1093 = arith.constant 7 : i32
    %shift_right_arithmetic3A_1094 = arith.shrsi %min3A_1056, %shift_right_arithmetic3A_1093 : i32
    %jit3A_1095 = arith.constant 8 : i32
    %eq3A_1096 = arith.constant 0 : i32
    %eq3A_1097 = arith.cmpi eq, %jit3A_1095, %eq3A_1096 : i32
    %jit3A_1098 = arith.constant 1 : i32
    %select_n3A_1099 = arith.select %eq3A_1097, %jit3A_1098, %jit3A_1095 : i32
    %rem3A_1100 = arith.remsi %mul3A_2, %select_n3A_1099 : i32
    %ne3A_1101 = arith.constant 0 : i32
    %ne3A_1102 = arith.cmpi ne, %rem3A_1100, %ne3A_1101 : i32
    %lt3A_1103 = arith.constant 0 : i32
    %lt3A_1104 = arith.cmpi slt, %rem3A_1100, %lt3A_1103 : i32
    %lt3A_1105 = arith.constant 0 : i32
    %lt3A_1106 = arith.cmpi slt, %select_n3A_1099, %lt3A_1105 : i32
    %ne3A_1107 = arith.xori %lt3A_1104, %lt3A_1106 : i1
    %and3A_1108 = arith.andi %ne3A_1107, %ne3A_1102 : i1
    %add3A_1109 = arith.addi %rem3A_1100, %select_n3A_1099 : i32
    %select_n3A_1110 = arith.select %and3A_1108, %add3A_1109, %rem3A_1100 : i32
    %add3A_1111 = arith.constant 3 : i32
    %add3A_1112 = arith.addi %select_n3A_1110, %add3A_1111 : i32
    %and3A_1113 = arith.constant 127 : i32
    %and3A_1114 = arith.andi %min3A_1056, %and3A_1113 : i32
    %and3A_1115 = arith.constant -16 : i32
    %and3A_1116 = arith.andi %and3A_1114, %and3A_1115 : i32
    %multiple_of3A_1117 = tpu.assume_multiple %and3A_1116, 16 : i32
    %dma_start3A_1118 = arith.constant 7 : i32
    %dma_start3A_1119 = arith.constant 0 : i32
    %dma_start3A_1120 = tpu.memref_slice %arg8[%dma_start3A_1118, %dma_start3A_1119] : memref<8x16xi32, #tpu.memory_space<vmem>> -> memref<1x16xi32, #tpu.memory_space<vmem>>
    %dma_start3A_1121 = tpu.memref_squeeze %dma_start3A_1120 : memref<1x16xi32, #tpu.memory_space<vmem>> -> memref<16xi32, #tpu.memory_space<vmem>>
    %dma_start3A_1122 = tpu.memref_slice %arg4[%select_n3A, %shift_right_arithmetic3A_1094, %add3A_1112, %multiple_of3A_1117] : memref<16x16x8x128xi32, #tpu.memory_space<hbm>> -> memref<1x1x1x16xi32, #tpu.memory_space<hbm>>
    %dma_start3A_1123 = tpu.memref_squeeze %dma_start3A_1122 : memref<1x1x1x16xi32, #tpu.memory_space<hbm>> -> memref<16xi32, #tpu.memory_space<hbm>>
    %dma_start3A_1124 = arith.constant 0 : i32
    %dma_start3A_1125 = tpu.memref_slice %arg8[%dma_start3A_1118, %dma_start3A_1124] : memref<8x16xi32, #tpu.memory_space<vmem>> -> memref<1x16xi32, #tpu.memory_space<vmem>>
    %dma_start3A_1126 = tpu.memref_squeeze %dma_start3A_1125 : memref<1x16xi32, #tpu.memory_space<vmem>> -> memref<16xi32, #tpu.memory_space<vmem>>
    %dma_start3A_1127 = tpu.memref_slice %arg4[%select_n3A, %shift_right_arithmetic3A_1094, %add3A_1112, %multiple_of3A_1117] : memref<16x16x8x128xi32, #tpu.memory_space<hbm>> -> memref<1x1x1x16xi32, #tpu.memory_space<hbm>>
    %dma_start3A_1128 = tpu.memref_squeeze %dma_start3A_1127 : memref<1x1x1x16xi32, #tpu.memory_space<hbm>> -> memref<16xi32, #tpu.memory_space<hbm>>
    tpu.enqueue_dma source(%dma_start3A_1128 : memref<16xi32, #tpu.memory_space<hbm>>) target(%dma_start3A_1126 : memref<16xi32, #tpu.memory_space<vmem>>) target_semaphore(%arg22 : memref<!tpu.dma_semaphore, #tpu.memory_space<semaphore_mem>>)
    %dma_wait3A_1129 = arith.constant 0 : i32
    %dma_wait3A_1130 = arith.constant 0 : i32
    %dma_wait3A_1131 = tpu.memref_slice %arg8[%dma_wait3A_1129, %dma_wait3A_1130] : memref<8x16xi32, #tpu.memory_space<vmem>> -> memref<1x16xi32, #tpu.memory_space<vmem>>
    %dma_wait3A_1132 = tpu.memref_squeeze %dma_wait3A_1131 : memref<1x16xi32, #tpu.memory_space<vmem>> -> memref<16xi32, #tpu.memory_space<vmem>>
    %dma_wait3A_1133 = tpu.memref_slice %arg4[%select_n3A, %shift_right_arithmetic3A_590, %add3A_608, %multiple_of3A_613] : memref<16x16x8x128xi32, #tpu.memory_space<hbm>> -> memref<1x1x1x16xi32, #tpu.memory_space<hbm>>
    %dma_wait3A_1134 = tpu.memref_squeeze %dma_wait3A_1133 : memref<1x1x1x16xi32, #tpu.memory_space<hbm>> -> memref<16xi32, #tpu.memory_space<hbm>>
    %dma_wait3A_1135 = arith.constant 0 : i32
    %dma_wait3A_1136 = tpu.memref_slice %arg8[%dma_wait3A_1129, %dma_wait3A_1135] : memref<8x16xi32, #tpu.memory_space<vmem>> -> memref<1x16xi32, #tpu.memory_space<vmem>>
    %dma_wait3A_1137 = tpu.memref_squeeze %dma_wait3A_1136 : memref<1x16xi32, #tpu.memory_space<vmem>> -> memref<16xi32, #tpu.memory_space<vmem>>
    %dma_wait3A_1138 = tpu.memref_slice %arg4[%select_n3A, %shift_right_arithmetic3A_590, %add3A_608, %multiple_of3A_613] : memref<16x16x8x128xi32, #tpu.memory_space<hbm>> -> memref<1x1x1x16xi32, #tpu.memory_space<hbm>>
    %dma_wait3A_1139 = tpu.memref_squeeze %dma_wait3A_1138 : memref<1x1x1x16xi32, #tpu.memory_space<hbm>> -> memref<16xi32, #tpu.memory_space<hbm>>
    tpu.wait_dma2 semaphore(%arg19 : memref<!tpu.dma_semaphore, #tpu.memory_space<semaphore_mem>>) src(%dma_wait3A_1139 : memref<16xi32, #tpu.memory_space<hbm>>) dst(%dma_wait3A_1137 : memref<16xi32, #tpu.memory_space<vmem>>)
    %dma_wait3A_1140 = arith.constant 4 : i32
    %dma_wait3A_1141 = arith.constant 0 : i32
    %dma_wait3A_1142 = tpu.memref_slice %arg8[%dma_wait3A_1140, %dma_wait3A_1141] : memref<8x16xi32, #tpu.memory_space<vmem>> -> memref<1x16xi32, #tpu.memory_space<vmem>>
    %dma_wait3A_1143 = tpu.memref_squeeze %dma_wait3A_1142 : memref<1x16xi32, #tpu.memory_space<vmem>> -> memref<16xi32, #tpu.memory_space<vmem>>
    %dma_wait3A_1144 = tpu.memref_slice %arg4[%select_n3A, %shift_right_arithmetic3A_626, %add3A_644, %multiple_of3A_649] : memref<16x16x8x128xi32, #tpu.memory_space<hbm>> -> memref<1x1x1x16xi32, #tpu.memory_space<hbm>>
    %dma_wait3A_1145 = tpu.memref_squeeze %dma_wait3A_1144 : memref<1x1x1x16xi32, #tpu.memory_space<hbm>> -> memref<16xi32, #tpu.memory_space<hbm>>
    %dma_wait3A_1146 = arith.constant 0 : i32
    %dma_wait3A_1147 = tpu.memref_slice %arg8[%dma_wait3A_1140, %dma_wait3A_1146] : memref<8x16xi32, #tpu.memory_space<vmem>> -> memref<1x16xi32, #tpu.memory_space<vmem>>
    %dma_wait3A_1148 = tpu.memref_squeeze %dma_wait3A_1147 : memref<1x16xi32, #tpu.memory_space<vmem>> -> memref<16xi32, #tpu.memory_space<vmem>>
    %dma_wait3A_1149 = tpu.memref_slice %arg4[%select_n3A, %shift_right_arithmetic3A_626, %add3A_644, %multiple_of3A_649] : memref<16x16x8x128xi32, #tpu.memory_space<hbm>> -> memref<1x1x1x16xi32, #tpu.memory_space<hbm>>
    %dma_wait3A_1150 = tpu.memref_squeeze %dma_wait3A_1149 : memref<1x1x1x16xi32, #tpu.memory_space<hbm>> -> memref<16xi32, #tpu.memory_space<hbm>>
    tpu.wait_dma2 semaphore(%arg19 : memref<!tpu.dma_semaphore, #tpu.memory_space<semaphore_mem>>) src(%dma_wait3A_1150 : memref<16xi32, #tpu.memory_space<hbm>>) dst(%dma_wait3A_1148 : memref<16xi32, #tpu.memory_space<vmem>>)
    %dma_wait3A_1151 = arith.constant 1 : i32
    %dma_wait3A_1152 = arith.constant 0 : i32
    %dma_wait3A_1153 = tpu.memref_slice %arg8[%dma_wait3A_1151, %dma_wait3A_1152] : memref<8x16xi32, #tpu.memory_space<vmem>> -> memref<1x16xi32, #tpu.memory_space<vmem>>
    %dma_wait3A_1154 = tpu.memref_squeeze %dma_wait3A_1153 : memref<1x16xi32, #tpu.memory_space<vmem>> -> memref<16xi32, #tpu.memory_space<vmem>>
    %dma_wait3A_1155 = tpu.memref_slice %arg4[%select_n3A, %shift_right_arithmetic3A_746, %add3A_764, %multiple_of3A_769] : memref<16x16x8x128xi32, #tpu.memory_space<hbm>> -> memref<1x1x1x16xi32, #tpu.memory_space<hbm>>
    %dma_wait3A_1156 = tpu.memref_squeeze %dma_wait3A_1155 : memref<1x1x1x16xi32, #tpu.memory_space<hbm>> -> memref<16xi32, #tpu.memory_space<hbm>>
    %dma_wait3A_1157 = arith.constant 0 : i32
    %dma_wait3A_1158 = tpu.memref_slice %arg8[%dma_wait3A_1151, %dma_wait3A_1157] : memref<8x16xi32, #tpu.memory_space<vmem>> -> memref<1x16xi32, #tpu.memory_space<vmem>>
    %dma_wait3A_1159 = tpu.memref_squeeze %dma_wait3A_1158 : memref<1x16xi32, #tpu.memory_space<vmem>> -> memref<16xi32, #tpu.memory_space<vmem>>
    %dma_wait3A_1160 = tpu.memref_slice %arg4[%select_n3A, %shift_right_arithmetic3A_746, %add3A_764, %multiple_of3A_769] : memref<16x16x8x128xi32, #tpu.memory_space<hbm>> -> memref<1x1x1x16xi32, #tpu.memory_space<hbm>>
    %dma_wait3A_1161 = tpu.memref_squeeze %dma_wait3A_1160 : memref<1x1x1x16xi32, #tpu.memory_space<hbm>> -> memref<16xi32, #tpu.memory_space<hbm>>
    tpu.wait_dma2 semaphore(%arg20 : memref<!tpu.dma_semaphore, #tpu.memory_space<semaphore_mem>>) src(%dma_wait3A_1161 : memref<16xi32, #tpu.memory_space<hbm>>) dst(%dma_wait3A_1159 : memref<16xi32, #tpu.memory_space<vmem>>)
    %dma_wait3A_1162 = arith.constant 5 : i32
    %dma_wait3A_1163 = arith.constant 0 : i32
    %dma_wait3A_1164 = tpu.memref_slice %arg8[%dma_wait3A_1162, %dma_wait3A_1163] : memref<8x16xi32, #tpu.memory_space<vmem>> -> memref<1x16xi32, #tpu.memory_space<vmem>>
    %dma_wait3A_1165 = tpu.memref_squeeze %dma_wait3A_1164 : memref<1x16xi32, #tpu.memory_space<vmem>> -> memref<16xi32, #tpu.memory_space<vmem>>
    %dma_wait3A_1166 = tpu.memref_slice %arg4[%select_n3A, %shift_right_arithmetic3A_782, %add3A_800, %multiple_of3A_805] : memref<16x16x8x128xi32, #tpu.memory_space<hbm>> -> memref<1x1x1x16xi32, #tpu.memory_space<hbm>>
    %dma_wait3A_1167 = tpu.memref_squeeze %dma_wait3A_1166 : memref<1x1x1x16xi32, #tpu.memory_space<hbm>> -> memref<16xi32, #tpu.memory_space<hbm>>
    %dma_wait3A_1168 = arith.constant 0 : i32
    %dma_wait3A_1169 = tpu.memref_slice %arg8[%dma_wait3A_1162, %dma_wait3A_1168] : memref<8x16xi32, #tpu.memory_space<vmem>> -> memref<1x16xi32, #tpu.memory_space<vmem>>
    %dma_wait3A_1170 = tpu.memref_squeeze %dma_wait3A_1169 : memref<1x16xi32, #tpu.memory_space<vmem>> -> memref<16xi32, #tpu.memory_space<vmem>>
    %dma_wait3A_1171 = tpu.memref_slice %arg4[%select_n3A, %shift_right_arithmetic3A_782, %add3A_800, %multiple_of3A_805] : memref<16x16x8x128xi32, #tpu.memory_space<hbm>> -> memref<1x1x1x16xi32, #tpu.memory_space<hbm>>
    %dma_wait3A_1172 = tpu.memref_squeeze %dma_wait3A_1171 : memref<1x1x1x16xi32, #tpu.memory_space<hbm>> -> memref<16xi32, #tpu.memory_space<hbm>>
    tpu.wait_dma2 semaphore(%arg20 : memref<!tpu.dma_semaphore, #tpu.memory_space<semaphore_mem>>) src(%dma_wait3A_1172 : memref<16xi32, #tpu.memory_space<hbm>>) dst(%dma_wait3A_1170 : memref<16xi32, #tpu.memory_space<vmem>>)
    %dma_wait3A_1173 = arith.constant 2 : i32
    %dma_wait3A_1174 = arith.constant 0 : i32
    %dma_wait3A_1175 = tpu.memref_slice %arg8[%dma_wait3A_1173, %dma_wait3A_1174] : memref<8x16xi32, #tpu.memory_space<vmem>> -> memref<1x16xi32, #tpu.memory_space<vmem>>
    %dma_wait3A_1176 = tpu.memref_squeeze %dma_wait3A_1175 : memref<1x16xi32, #tpu.memory_space<vmem>> -> memref<16xi32, #tpu.memory_space<vmem>>
    %dma_wait3A_1177 = tpu.memref_slice %arg4[%select_n3A, %shift_right_arithmetic3A_902, %add3A_920, %multiple_of3A_925] : memref<16x16x8x128xi32, #tpu.memory_space<hbm>> -> memref<1x1x1x16xi32, #tpu.memory_space<hbm>>
    %dma_wait3A_1178 = tpu.memref_squeeze %dma_wait3A_1177 : memref<1x1x1x16xi32, #tpu.memory_space<hbm>> -> memref<16xi32, #tpu.memory_space<hbm>>
    %dma_wait3A_1179 = arith.constant 0 : i32
    %dma_wait3A_1180 = tpu.memref_slice %arg8[%dma_wait3A_1173, %dma_wait3A_1179] : memref<8x16xi32, #tpu.memory_space<vmem>> -> memref<1x16xi32, #tpu.memory_space<vmem>>
    %dma_wait3A_1181 = tpu.memref_squeeze %dma_wait3A_1180 : memref<1x16xi32, #tpu.memory_space<vmem>> -> memref<16xi32, #tpu.memory_space<vmem>>
    %dma_wait3A_1182 = tpu.memref_slice %arg4[%select_n3A, %shift_right_arithmetic3A_902, %add3A_920, %multiple_of3A_925] : memref<16x16x8x128xi32, #tpu.memory_space<hbm>> -> memref<1x1x1x16xi32, #tpu.memory_space<hbm>>
    %dma_wait3A_1183 = tpu.memref_squeeze %dma_wait3A_1182 : memref<1x1x1x16xi32, #tpu.memory_space<hbm>> -> memref<16xi32, #tpu.memory_space<hbm>>
    tpu.wait_dma2 semaphore(%arg21 : memref<!tpu.dma_semaphore, #tpu.memory_space<semaphore_mem>>) src(%dma_wait3A_1183 : memref<16xi32, #tpu.memory_space<hbm>>) dst(%dma_wait3A_1181 : memref<16xi32, #tpu.memory_space<vmem>>)
    %dma_wait3A_1184 = arith.constant 6 : i32
    %dma_wait3A_1185 = arith.constant 0 : i32
    %dma_wait3A_1186 = tpu.memref_slice %arg8[%dma_wait3A_1184, %dma_wait3A_1185] : memref<8x16xi32, #tpu.memory_space<vmem>> -> memref<1x16xi32, #tpu.memory_space<vmem>>
    %dma_wait3A_1187 = tpu.memref_squeeze %dma_wait3A_1186 : memref<1x16xi32, #tpu.memory_space<vmem>> -> memref<16xi32, #tpu.memory_space<vmem>>
    %dma_wait3A_1188 = tpu.memref_slice %arg4[%select_n3A, %shift_right_arithmetic3A_938, %add3A_956, %multiple_of3A_961] : memref<16x16x8x128xi32, #tpu.memory_space<hbm>> -> memref<1x1x1x16xi32, #tpu.memory_space<hbm>>
    %dma_wait3A_1189 = tpu.memref_squeeze %dma_wait3A_1188 : memref<1x1x1x16xi32, #tpu.memory_space<hbm>> -> memref<16xi32, #tpu.memory_space<hbm>>
    %dma_wait3A_1190 = arith.constant 0 : i32
    %dma_wait3A_1191 = tpu.memref_slice %arg8[%dma_wait3A_1184, %dma_wait3A_1190] : memref<8x16xi32, #tpu.memory_space<vmem>> -> memref<1x16xi32, #tpu.memory_space<vmem>>
    %dma_wait3A_1192 = tpu.memref_squeeze %dma_wait3A_1191 : memref<1x16xi32, #tpu.memory_space<vmem>> -> memref<16xi32, #tpu.memory_space<vmem>>
    %dma_wait3A_1193 = tpu.memref_slice %arg4[%select_n3A, %shift_right_arithmetic3A_938, %add3A_956, %multiple_of3A_961] : memref<16x16x8x128xi32, #tpu.memory_space<hbm>> -> memref<1x1x1x16xi32, #tpu.memory_space<hbm>>
    %dma_wait3A_1194 = tpu.memref_squeeze %dma_wait3A_1193 : memref<1x1x1x16xi32, #tpu.memory_space<hbm>> -> memref<16xi32, #tpu.memory_space<hbm>>
    tpu.wait_dma2 semaphore(%arg21 : memref<!tpu.dma_semaphore, #tpu.memory_space<semaphore_mem>>) src(%dma_wait3A_1194 : memref<16xi32, #tpu.memory_space<hbm>>) dst(%dma_wait3A_1192 : memref<16xi32, #tpu.memory_space<vmem>>)
    %dma_wait3A_1195 = arith.constant 3 : i32
    %dma_wait3A_1196 = arith.constant 0 : i32
    %dma_wait3A_1197 = tpu.memref_slice %arg8[%dma_wait3A_1195, %dma_wait3A_1196] : memref<8x16xi32, #tpu.memory_space<vmem>> -> memref<1x16xi32, #tpu.memory_space<vmem>>
    %dma_wait3A_1198 = tpu.memref_squeeze %dma_wait3A_1197 : memref<1x16xi32, #tpu.memory_space<vmem>> -> memref<16xi32, #tpu.memory_space<vmem>>
    %dma_wait3A_1199 = tpu.memref_slice %arg4[%select_n3A, %shift_right_arithmetic3A_1058, %add3A_1076, %multiple_of3A_1081] : memref<16x16x8x128xi32, #tpu.memory_space<hbm>> -> memref<1x1x1x16xi32, #tpu.memory_space<hbm>>
    %dma_wait3A_1200 = tpu.memref_squeeze %dma_wait3A_1199 : memref<1x1x1x16xi32, #tpu.memory_space<hbm>> -> memref<16xi32, #tpu.memory_space<hbm>>
    %dma_wait3A_1201 = arith.constant 0 : i32
    %dma_wait3A_1202 = tpu.memref_slice %arg8[%dma_wait3A_1195, %dma_wait3A_1201] : memref<8x16xi32, #tpu.memory_space<vmem>> -> memref<1x16xi32, #tpu.memory_space<vmem>>
    %dma_wait3A_1203 = tpu.memref_squeeze %dma_wait3A_1202 : memref<1x16xi32, #tpu.memory_space<vmem>> -> memref<16xi32, #tpu.memory_space<vmem>>
    %dma_wait3A_1204 = tpu.memref_slice %arg4[%select_n3A, %shift_right_arithmetic3A_1058, %add3A_1076, %multiple_of3A_1081] : memref<16x16x8x128xi32, #tpu.memory_space<hbm>> -> memref<1x1x1x16xi32, #tpu.memory_space<hbm>>
    %dma_wait3A_1205 = tpu.memref_squeeze %dma_wait3A_1204 : memref<1x1x1x16xi32, #tpu.memory_space<hbm>> -> memref<16xi32, #tpu.memory_space<hbm>>
    tpu.wait_dma2 semaphore(%arg22 : memref<!tpu.dma_semaphore, #tpu.memory_space<semaphore_mem>>) src(%dma_wait3A_1205 : memref<16xi32, #tpu.memory_space<hbm>>) dst(%dma_wait3A_1203 : memref<16xi32, #tpu.memory_space<vmem>>)
    %dma_wait3A_1206 = arith.constant 7 : i32
    %dma_wait3A_1207 = arith.constant 0 : i32
    %dma_wait3A_1208 = tpu.memref_slice %arg8[%dma_wait3A_1206, %dma_wait3A_1207] : memref<8x16xi32, #tpu.memory_space<vmem>> -> memref<1x16xi32, #tpu.memory_space<vmem>>
    %dma_wait3A_1209 = tpu.memref_squeeze %dma_wait3A_1208 : memref<1x16xi32, #tpu.memory_space<vmem>> -> memref<16xi32, #tpu.memory_space<vmem>>
    %dma_wait3A_1210 = tpu.memref_slice %arg4[%select_n3A, %shift_right_arithmetic3A_1094, %add3A_1112, %multiple_of3A_1117] : memref<16x16x8x128xi32, #tpu.memory_space<hbm>> -> memref<1x1x1x16xi32, #tpu.memory_space<hbm>>
    %dma_wait3A_1211 = tpu.memref_squeeze %dma_wait3A_1210 : memref<1x1x1x16xi32, #tpu.memory_space<hbm>> -> memref<16xi32, #tpu.memory_space<hbm>>
    %dma_wait3A_1212 = arith.constant 0 : i32
    %dma_wait3A_1213 = tpu.memref_slice %arg8[%dma_wait3A_1206, %dma_wait3A_1212] : memref<8x16xi32, #tpu.memory_space<vmem>> -> memref<1x16xi32, #tpu.memory_space<vmem>>
    %dma_wait3A_1214 = tpu.memref_squeeze %dma_wait3A_1213 : memref<1x16xi32, #tpu.memory_space<vmem>> -> memref<16xi32, #tpu.memory_space<vmem>>
    %dma_wait3A_1215 = tpu.memref_slice %arg4[%select_n3A, %shift_right_arithmetic3A_1094, %add3A_1112, %multiple_of3A_1117] : memref<16x16x8x128xi32, #tpu.memory_space<hbm>> -> memref<1x1x1x16xi32, #tpu.memory_space<hbm>>
    %dma_wait3A_1216 = tpu.memref_squeeze %dma_wait3A_1215 : memref<1x1x1x16xi32, #tpu.memory_space<hbm>> -> memref<16xi32, #tpu.memory_space<hbm>>
    tpu.wait_dma2 semaphore(%arg22 : memref<!tpu.dma_semaphore, #tpu.memory_space<semaphore_mem>>) src(%dma_wait3A_1216 : memref<16xi32, #tpu.memory_space<hbm>>) dst(%dma_wait3A_1214 : memref<16xi32, #tpu.memory_space<vmem>>)
    %iota3A_1217 = tpu.iota {dimensions = array<i32: 0>} : vector<16xi32>
    %broadcast_in_dim3A_1218 = arith.constant 0.000000e+00 : f32
    %broadcast_in_dim3A_1219 = vector.broadcast %broadcast_in_dim3A_1218 : f32 to vector<16xf32>
    %get3A_1220 = arith.constant 0 : i32
    %get3A_1221 = arith.index_cast %get3A_1220 : i32 to index
    %get3A_1222 = arith.constant 0 : index
    %get3A_1223 = tpu.vector_load %arg8[%get3A_1221, %get3A_1222] {strides = array<i32>} : memref<8x16xi32, #tpu.memory_space<vmem>>, vector<16xi32>,
    %convert_element_type3A_1224 = arith.sitofp %get3A_1223 : vector<16xi32> to vector<16xf32>
    %and3A_1225 = arith.constant 15 : i32
    %and3A_1226 = arith.andi %min3A, %and3A_1225 : i32
    %iota3A_1227 = tpu.iota {dimensions = array<i32: 0>} : vector<16xi32>
    %eq3A_1228 = vector.broadcast %and3A_1226 : i32 to vector<16xi32>
    %eq3A_1229 = arith.cmpi eq, %iota3A_1227, %eq3A_1228 : vector<16xi32>
    %broadcast_in_dim3A_1230 = arith.constant 0.000000e+00 : f32
    %broadcast_in_dim3A_1231 = vector.broadcast %broadcast_in_dim3A_1230 : f32 to vector<16xf32>
    %select_n3A_1232 = arith.select %eq3A_1229, %convert_element_type3A_1224, %broadcast_in_dim3A_1231 : vector<16xi1>, vector<16xf32>
    %reduce_sum3A_1233 = arith.constant true
    %reduce_sum3A_1234 = vector.broadcast %reduce_sum3A_1233 : i1 to vector<16xi1>
    %reduce_sum3A_1235 = tpu.scan <sum>, %select_n3A_1232 masked %reduce_sum3A_1234 : vector<16xf32>, vector<16xi1> -> vector<16xf32>
    %reduce_sum3A_1236 = vector.extract %reduce_sum3A_1235[15] : f32 from vector<16xf32>
    %get3A_1237 = arith.constant 4 : i32
    %get3A_1238 = arith.index_cast %get3A_1237 : i32 to index
    %get3A_1239 = arith.constant 0 : index
    %get3A_1240 = tpu.vector_load %arg8[%get3A_1238, %get3A_1239] {strides = array<i32>} : memref<8x16xi32, #tpu.memory_space<vmem>>, vector<16xi32>,
    %convert_element_type3A_1241 = arith.sitofp %get3A_1240 : vector<16xi32> to vector<16xf32>
    %and3A_1242 = arith.constant 15 : i32
    %and3A_1243 = arith.andi %min3A_588, %and3A_1242 : i32
    %iota3A_1244 = tpu.iota {dimensions = array<i32: 0>} : vector<16xi32>
    %eq3A_1245 = vector.broadcast %and3A_1243 : i32 to vector<16xi32>
    %eq3A_1246 = arith.cmpi eq, %iota3A_1244, %eq3A_1245 : vector<16xi32>
    %broadcast_in_dim3A_1247 = arith.constant 0.000000e+00 : f32
    %broadcast_in_dim3A_1248 = vector.broadcast %broadcast_in_dim3A_1247 : f32 to vector<16xf32>
    %select_n3A_1249 = arith.select %eq3A_1246, %convert_element_type3A_1241, %broadcast_in_dim3A_1248 : vector<16xi1>, vector<16xf32>
    %reduce_sum3A_1250 = arith.constant true
    %reduce_sum3A_1251 = vector.broadcast %reduce_sum3A_1250 : i1 to vector<16xi1>
    %reduce_sum3A_1252 = tpu.scan <sum>, %select_n3A_1249 masked %reduce_sum3A_1251 : vector<16xf32>, vector<16xi1> -> vector<16xf32>
    %reduce_sum3A_1253 = vector.extract %reduce_sum3A_1252[15] : f32 from vector<16xf32>
    %jit3A_1254 = arith.constant 8 : i32
    %eq3A_1255 = arith.constant 0 : i32
    %eq3A_1256 = arith.cmpi eq, %jit3A_1254, %eq3A_1255 : i32
    %jit3A_1257 = arith.constant 1 : i32
    %select_n3A_1258 = arith.select %eq3A_1256, %jit3A_1257, %jit3A_1254 : i32
    %rem3A_1259 = arith.remsi %mul3A_2, %select_n3A_1258 : i32
    %ne3A_1260 = arith.constant 0 : i32
    %ne3A_1261 = arith.cmpi ne, %rem3A_1259, %ne3A_1260 : i32
    %lt3A_1262 = arith.constant 0 : i32
    %lt3A_1263 = arith.cmpi slt, %rem3A_1259, %lt3A_1262 : i32
    %lt3A_1264 = arith.constant 0 : i32
    %lt3A_1265 = arith.cmpi slt, %select_n3A_1258, %lt3A_1264 : i32
    %ne3A_1266 = arith.xori %lt3A_1263, %lt3A_1265 : i1
    %and3A_1267 = arith.andi %ne3A_1266, %ne3A_1261 : i1
    %add3A_1268 = arith.addi %rem3A_1259, %select_n3A_1258 : i32
    %select_n3A_1269 = arith.select %and3A_1267, %add3A_1268, %rem3A_1259 : i32
    %add3A_1270 = arith.constant 0 : i32
    %add3A_1271 = arith.addi %select_n3A_1269, %add3A_1270 : i32
    %eq3A_1272 = vector.broadcast %add3A_1271 : i32 to vector<16xi32>
    %eq3A_1273 = arith.cmpi eq, %iota3A_1217, %eq3A_1272 : vector<16xi32>
    %broadcast_in_dim3A_1274 = vector.broadcast %reduce_sum3A_1236 : f32 to vector<16xf32>
    %select_n3A_1275 = arith.select %eq3A_1273, %broadcast_in_dim3A_1274, %broadcast_in_dim3A_1219 : vector<16xi1>, vector<16xf32>
    %jit3A_1276 = arith.constant 8 : i32
    %eq3A_1277 = arith.constant 0 : i32
    %eq3A_1278 = arith.cmpi eq, %jit3A_1276, %eq3A_1277 : i32
    %jit3A_1279 = arith.constant 1 : i32
    %select_n3A_1280 = arith.select %eq3A_1278, %jit3A_1279, %jit3A_1276 : i32
    %rem3A_1281 = arith.remsi %mul3A_2, %select_n3A_1280 : i32
    %ne3A_1282 = arith.constant 0 : i32
    %ne3A_1283 = arith.cmpi ne, %rem3A_1281, %ne3A_1282 : i32
    %lt3A_1284 = arith.constant 0 : i32
    %lt3A_1285 = arith.cmpi slt, %rem3A_1281, %lt3A_1284 : i32
    %lt3A_1286 = arith.constant 0 : i32
    %lt3A_1287 = arith.cmpi slt, %select_n3A_1280, %lt3A_1286 : i32
    %ne3A_1288 = arith.xori %lt3A_1285, %lt3A_1287 : i1
    %and3A_1289 = arith.andi %ne3A_1288, %ne3A_1283 : i1
    %add3A_1290 = arith.addi %rem3A_1281, %select_n3A_1280 : i32
    %select_n3A_1291 = arith.select %and3A_1289, %add3A_1290, %rem3A_1281 : i32
    %add3A_1292 = arith.constant 8 : i32
    %add3A_1293 = arith.addi %add3A_1292, %select_n3A_1291 : i32
    %add3A_1294 = arith.constant 0 : i32
    %add3A_1295 = arith.addi %add3A_1293, %add3A_1294 : i32
    %eq3A_1296 = vector.broadcast %add3A_1295 : i32 to vector<16xi32>
    %eq3A_1297 = arith.cmpi eq, %iota3A_1217, %eq3A_1296 : vector<16xi32>
    %add3A_1298 = arith.constant 1.000000e+00 : f32
    %add3A_1299 = arith.addf %reduce_sum3A_1253, %add3A_1298 : f32
    %broadcast_in_dim3A_1300 = vector.broadcast %add3A_1299 : f32 to vector<16xf32>
    %select_n3A_1301 = arith.select %eq3A_1297, %broadcast_in_dim3A_1300, %select_n3A_1275 : vector<16xi1>, vector<16xf32>
    %get3A_1302 = arith.constant 1 : i32
    %get3A_1303 = arith.index_cast %get3A_1302 : i32 to index
    %get3A_1304 = arith.constant 0 : index
    %get3A_1305 = tpu.vector_load %arg8[%get3A_1303, %get3A_1304] {strides = array<i32>} : memref<8x16xi32, #tpu.memory_space<vmem>>, vector<16xi32>,
    %convert_element_type3A_1306 = arith.sitofp %get3A_1305 : vector<16xi32> to vector<16xf32>
    %and3A_1307 = arith.constant 15 : i32
    %and3A_1308 = arith.andi %min3A_740, %and3A_1307 : i32
    %iota3A_1309 = tpu.iota {dimensions = array<i32: 0>} : vector<16xi32>
    %eq3A_1310 = vector.broadcast %and3A_1308 : i32 to vector<16xi32>
    %eq3A_1311 = arith.cmpi eq, %iota3A_1309, %eq3A_1310 : vector<16xi32>
    %broadcast_in_dim3A_1312 = arith.constant 0.000000e+00 : f32
    %broadcast_in_dim3A_1313 = vector.broadcast %broadcast_in_dim3A_1312 : f32 to vector<16xf32>
    %select_n3A_1314 = arith.select %eq3A_1311, %convert_element_type3A_1306, %broadcast_in_dim3A_1313 : vector<16xi1>, vector<16xf32>
    %reduce_sum3A_1315 = arith.constant true
    %reduce_sum3A_1316 = vector.broadcast %reduce_sum3A_1315 : i1 to vector<16xi1>
    %reduce_sum3A_1317 = tpu.scan <sum>, %select_n3A_1314 masked %reduce_sum3A_1316 : vector<16xf32>, vector<16xi1> -> vector<16xf32>
    %reduce_sum3A_1318 = vector.extract %reduce_sum3A_1317[15] : f32 from vector<16xf32>
    %get3A_1319 = arith.constant 5 : i32
    %get3A_1320 = arith.index_cast %get3A_1319 : i32 to index
    %get3A_1321 = arith.constant 0 : index
    %get3A_1322 = tpu.vector_load %arg8[%get3A_1320, %get3A_1321] {strides = array<i32>} : memref<8x16xi32, #tpu.memory_space<vmem>>, vector<16xi32>,
    %convert_element_type3A_1323 = arith.sitofp %get3A_1322 : vector<16xi32> to vector<16xf32>
    %and3A_1324 = arith.constant 15 : i32
    %and3A_1325 = arith.andi %min3A_744, %and3A_1324 : i32
    %iota3A_1326 = tpu.iota {dimensions = array<i32: 0>} : vector<16xi32>
    %eq3A_1327 = vector.broadcast %and3A_1325 : i32 to vector<16xi32>
    %eq3A_1328 = arith.cmpi eq, %iota3A_1326, %eq3A_1327 : vector<16xi32>
    %broadcast_in_dim3A_1329 = arith.constant 0.000000e+00 : f32
    %broadcast_in_dim3A_1330 = vector.broadcast %broadcast_in_dim3A_1329 : f32 to vector<16xf32>
    %select_n3A_1331 = arith.select %eq3A_1328, %convert_element_type3A_1323, %broadcast_in_dim3A_1330 : vector<16xi1>, vector<16xf32>
    %reduce_sum3A_1332 = arith.constant true
    %reduce_sum3A_1333 = vector.broadcast %reduce_sum3A_1332 : i1 to vector<16xi1>
    %reduce_sum3A_1334 = tpu.scan <sum>, %select_n3A_1331 masked %reduce_sum3A_1333 : vector<16xf32>, vector<16xi1> -> vector<16xf32>
    %reduce_sum3A_1335 = vector.extract %reduce_sum3A_1334[15] : f32 from vector<16xf32>
    %jit3A_1336 = arith.constant 8 : i32
    %eq3A_1337 = arith.constant 0 : i32
    %eq3A_1338 = arith.cmpi eq, %jit3A_1336, %eq3A_1337 : i32
    %jit3A_1339 = arith.constant 1 : i32
    %select_n3A_1340 = arith.select %eq3A_1338, %jit3A_1339, %jit3A_1336 : i32
    %rem3A_1341 = arith.remsi %mul3A_2, %select_n3A_1340 : i32
    %ne3A_1342 = arith.constant 0 : i32
    %ne3A_1343 = arith.cmpi ne, %rem3A_1341, %ne3A_1342 : i32
    %lt3A_1344 = arith.constant 0 : i32
    %lt3A_1345 = arith.cmpi slt, %rem3A_1341, %lt3A_1344 : i32
    %lt3A_1346 = arith.constant 0 : i32
    %lt3A_1347 = arith.cmpi slt, %select_n3A_1340, %lt3A_1346 : i32
    %ne3A_1348 = arith.xori %lt3A_1345, %lt3A_1347 : i1
    %and3A_1349 = arith.andi %ne3A_1348, %ne3A_1343 : i1
    %add3A_1350 = arith.addi %rem3A_1341, %select_n3A_1340 : i32
    %select_n3A_1351 = arith.select %and3A_1349, %add3A_1350, %rem3A_1341 : i32
    %add3A_1352 = arith.constant 1 : i32
    %add3A_1353 = arith.addi %select_n3A_1351, %add3A_1352 : i32
    %eq3A_1354 = vector.broadcast %add3A_1353 : i32 to vector<16xi32>
    %eq3A_1355 = arith.cmpi eq, %iota3A_1217, %eq3A_1354 : vector<16xi32>
    %broadcast_in_dim3A_1356 = vector.broadcast %reduce_sum3A_1318 : f32 to vector<16xf32>
    %select_n3A_1357 = arith.select %eq3A_1355, %broadcast_in_dim3A_1356, %select_n3A_1301 : vector<16xi1>, vector<16xf32>
    %jit3A_1358 = arith.constant 8 : i32
    %eq3A_1359 = arith.constant 0 : i32
    %eq3A_1360 = arith.cmpi eq, %jit3A_1358, %eq3A_1359 : i32
    %jit3A_1361 = arith.constant 1 : i32
    %select_n3A_1362 = arith.select %eq3A_1360, %jit3A_1361, %jit3A_1358 : i32
    %rem3A_1363 = arith.remsi %mul3A_2, %select_n3A_1362 : i32
    %ne3A_1364 = arith.constant 0 : i32
    %ne3A_1365 = arith.cmpi ne, %rem3A_1363, %ne3A_1364 : i32
    %lt3A_1366 = arith.constant 0 : i32
    %lt3A_1367 = arith.cmpi slt, %rem3A_1363, %lt3A_1366 : i32
    %lt3A_1368 = arith.constant 0 : i32
    %lt3A_1369 = arith.cmpi slt, %select_n3A_1362, %lt3A_1368 : i32
    %ne3A_1370 = arith.xori %lt3A_1367, %lt3A_1369 : i1
    %and3A_1371 = arith.andi %ne3A_1370, %ne3A_1365 : i1
    %add3A_1372 = arith.addi %rem3A_1363, %select_n3A_1362 : i32
    %select_n3A_1373 = arith.select %and3A_1371, %add3A_1372, %rem3A_1363 : i32
    %add3A_1374 = arith.constant 8 : i32
    %add3A_1375 = arith.addi %add3A_1374, %select_n3A_1373 : i32
    %add3A_1376 = arith.constant 1 : i32
    %add3A_1377 = arith.addi %add3A_1375, %add3A_1376 : i32
    %eq3A_1378 = vector.broadcast %add3A_1377 : i32 to vector<16xi32>
    %eq3A_1379 = arith.cmpi eq, %iota3A_1217, %eq3A_1378 : vector<16xi32>
    %add3A_1380 = arith.constant 1.000000e+00 : f32
    %add3A_1381 = arith.addf %reduce_sum3A_1335, %add3A_1380 : f32
    %broadcast_in_dim3A_1382 = vector.broadcast %add3A_1381 : f32 to vector<16xf32>
    %select_n3A_1383 = arith.select %eq3A_1379, %broadcast_in_dim3A_1382, %select_n3A_1357 : vector<16xi1>, vector<16xf32>
    %get3A_1384 = arith.constant 2 : i32
    %get3A_1385 = arith.index_cast %get3A_1384 : i32 to index
    %get3A_1386 = arith.constant 0 : index
    %get3A_1387 = tpu.vector_load %arg8[%get3A_1385, %get3A_1386] {strides = array<i32>} : memref<8x16xi32, #tpu.memory_space<vmem>>, vector<16xi32>,
    %convert_element_type3A_1388 = arith.sitofp %get3A_1387 : vector<16xi32> to vector<16xf32>
    %and3A_1389 = arith.constant 15 : i32
    %and3A_1390 = arith.andi %min3A_896, %and3A_1389 : i32
    %iota3A_1391 = tpu.iota {dimensions = array<i32: 0>} : vector<16xi32>
    %eq3A_1392 = vector.broadcast %and3A_1390 : i32 to vector<16xi32>
    %eq3A_1393 = arith.cmpi eq, %iota3A_1391, %eq3A_1392 : vector<16xi32>
    %broadcast_in_dim3A_1394 = arith.constant 0.000000e+00 : f32
    %broadcast_in_dim3A_1395 = vector.broadcast %broadcast_in_dim3A_1394 : f32 to vector<16xf32>
    %select_n3A_1396 = arith.select %eq3A_1393, %convert_element_type3A_1388, %broadcast_in_dim3A_1395 : vector<16xi1>, vector<16xf32>
    %reduce_sum3A_1397 = arith.constant true
    %reduce_sum3A_1398 = vector.broadcast %reduce_sum3A_1397 : i1 to vector<16xi1>
    %reduce_sum3A_1399 = tpu.scan <sum>, %select_n3A_1396 masked %reduce_sum3A_1398 : vector<16xf32>, vector<16xi1> -> vector<16xf32>
    %reduce_sum3A_1400 = vector.extract %reduce_sum3A_1399[15] : f32 from vector<16xf32>
    %get3A_1401 = arith.constant 6 : i32
    %get3A_1402 = arith.index_cast %get3A_1401 : i32 to index
    %get3A_1403 = arith.constant 0 : index
    %get3A_1404 = tpu.vector_load %arg8[%get3A_1402, %get3A_1403] {strides = array<i32>} : memref<8x16xi32, #tpu.memory_space<vmem>>, vector<16xi32>,
    %convert_element_type3A_1405 = arith.sitofp %get3A_1404 : vector<16xi32> to vector<16xf32>
    %and3A_1406 = arith.constant 15 : i32
    %and3A_1407 = arith.andi %min3A_900, %and3A_1406 : i32
    %iota3A_1408 = tpu.iota {dimensions = array<i32: 0>} : vector<16xi32>
    %eq3A_1409 = vector.broadcast %and3A_1407 : i32 to vector<16xi32>
    %eq3A_1410 = arith.cmpi eq, %iota3A_1408, %eq3A_1409 : vector<16xi32>
    %broadcast_in_dim3A_1411 = arith.constant 0.000000e+00 : f32
    %broadcast_in_dim3A_1412 = vector.broadcast %broadcast_in_dim3A_1411 : f32 to vector<16xf32>
    %select_n3A_1413 = arith.select %eq3A_1410, %convert_element_type3A_1405, %broadcast_in_dim3A_1412 : vector<16xi1>, vector<16xf32>
    %reduce_sum3A_1414 = arith.constant true
    %reduce_sum3A_1415 = vector.broadcast %reduce_sum3A_1414 : i1 to vector<16xi1>
    %reduce_sum3A_1416 = tpu.scan <sum>, %select_n3A_1413 masked %reduce_sum3A_1415 : vector<16xf32>, vector<16xi1> -> vector<16xf32>
    %reduce_sum3A_1417 = vector.extract %reduce_sum3A_1416[15] : f32 from vector<16xf32>
    %jit3A_1418 = arith.constant 8 : i32
    %eq3A_1419 = arith.constant 0 : i32
    %eq3A_1420 = arith.cmpi eq, %jit3A_1418, %eq3A_1419 : i32
    %jit3A_1421 = arith.constant 1 : i32
    %select_n3A_1422 = arith.select %eq3A_1420, %jit3A_1421, %jit3A_1418 : i32
    %rem3A_1423 = arith.remsi %mul3A_2, %select_n3A_1422 : i32
    %ne3A_1424 = arith.constant 0 : i32
    %ne3A_1425 = arith.cmpi ne, %rem3A_1423, %ne3A_1424 : i32
    %lt3A_1426 = arith.constant 0 : i32
    %lt3A_1427 = arith.cmpi slt, %rem3A_1423, %lt3A_1426 : i32
    %lt3A_1428 = arith.constant 0 : i32
    %lt3A_1429 = arith.cmpi slt, %select_n3A_1422, %lt3A_1428 : i32
    %ne3A_1430 = arith.xori %lt3A_1427, %lt3A_1429 : i1
    %and3A_1431 = arith.andi %ne3A_1430, %ne3A_1425 : i1
    %add3A_1432 = arith.addi %rem3A_1423, %select_n3A_1422 : i32
    %select_n3A_1433 = arith.select %and3A_1431, %add3A_1432, %rem3A_1423 : i32
    %add3A_1434 = arith.constant 2 : i32
    %add3A_1435 = arith.addi %select_n3A_1433, %add3A_1434 : i32
    %eq3A_1436 = vector.broadcast %add3A_1435 : i32 to vector<16xi32>
    %eq3A_1437 = arith.cmpi eq, %iota3A_1217, %eq3A_1436 : vector<16xi32>
    %broadcast_in_dim3A_1438 = vector.broadcast %reduce_sum3A_1400 : f32 to vector<16xf32>
    %select_n3A_1439 = arith.select %eq3A_1437, %broadcast_in_dim3A_1438, %select_n3A_1383 : vector<16xi1>, vector<16xf32>
    %jit3A_1440 = arith.constant 8 : i32
    %eq3A_1441 = arith.constant 0 : i32
    %eq3A_1442 = arith.cmpi eq, %jit3A_1440, %eq3A_1441 : i32
    %jit3A_1443 = arith.constant 1 : i32
    %select_n3A_1444 = arith.select %eq3A_1442, %jit3A_1443, %jit3A_1440 : i32
    %rem3A_1445 = arith.remsi %mul3A_2, %select_n3A_1444 : i32
    %ne3A_1446 = arith.constant 0 : i32
    %ne3A_1447 = arith.cmpi ne, %rem3A_1445, %ne3A_1446 : i32
    %lt3A_1448 = arith.constant 0 : i32
    %lt3A_1449 = arith.cmpi slt, %rem3A_1445, %lt3A_1448 : i32
    %lt3A_1450 = arith.constant 0 : i32
    %lt3A_1451 = arith.cmpi slt, %select_n3A_1444, %lt3A_1450 : i32
    %ne3A_1452 = arith.xori %lt3A_1449, %lt3A_1451 : i1
    %and3A_1453 = arith.andi %ne3A_1452, %ne3A_1447 : i1
    %add3A_1454 = arith.addi %rem3A_1445, %select_n3A_1444 : i32
    %select_n3A_1455 = arith.select %and3A_1453, %add3A_1454, %rem3A_1445 : i32
    %add3A_1456 = arith.constant 8 : i32
    %add3A_1457 = arith.addi %add3A_1456, %select_n3A_1455 : i32
    %add3A_1458 = arith.constant 2 : i32
    %add3A_1459 = arith.addi %add3A_1457, %add3A_1458 : i32
    %eq3A_1460 = vector.broadcast %add3A_1459 : i32 to vector<16xi32>
    %eq3A_1461 = arith.cmpi eq, %iota3A_1217, %eq3A_1460 : vector<16xi32>
    %add3A_1462 = arith.constant 1.000000e+00 : f32
    %add3A_1463 = arith.addf %reduce_sum3A_1417, %add3A_1462 : f32
    %broadcast_in_dim3A_1464 = vector.broadcast %add3A_1463 : f32 to vector<16xf32>
    %select_n3A_1465 = arith.select %eq3A_1461, %broadcast_in_dim3A_1464, %select_n3A_1439 : vector<16xi1>, vector<16xf32>
    %get3A_1466 = arith.constant 3 : i32
    %get3A_1467 = arith.index_cast %get3A_1466 : i32 to index
    %get3A_1468 = arith.constant 0 : index
    %get3A_1469 = tpu.vector_load %arg8[%get3A_1467, %get3A_1468] {strides = array<i32>} : memref<8x16xi32, #tpu.memory_space<vmem>>, vector<16xi32>,
    %convert_element_type3A_1470 = arith.sitofp %get3A_1469 : vector<16xi32> to vector<16xf32>
    %and3A_1471 = arith.constant 15 : i32
    %and3A_1472 = arith.andi %min3A_1052, %and3A_1471 : i32
    %iota3A_1473 = tpu.iota {dimensions = array<i32: 0>} : vector<16xi32>
    %eq3A_1474 = vector.broadcast %and3A_1472 : i32 to vector<16xi32>
    %eq3A_1475 = arith.cmpi eq, %iota3A_1473, %eq3A_1474 : vector<16xi32>
    %broadcast_in_dim3A_1476 = arith.constant 0.000000e+00 : f32
    %broadcast_in_dim3A_1477 = vector.broadcast %broadcast_in_dim3A_1476 : f32 to vector<16xf32>
    %select_n3A_1478 = arith.select %eq3A_1475, %convert_element_type3A_1470, %broadcast_in_dim3A_1477 : vector<16xi1>, vector<16xf32>
    %reduce_sum3A_1479 = arith.constant true
    %reduce_sum3A_1480 = vector.broadcast %reduce_sum3A_1479 : i1 to vector<16xi1>
    %reduce_sum3A_1481 = tpu.scan <sum>, %select_n3A_1478 masked %reduce_sum3A_1480 : vector<16xf32>, vector<16xi1> -> vector<16xf32>
    %reduce_sum3A_1482 = vector.extract %reduce_sum3A_1481[15] : f32 from vector<16xf32>
    %get3A_1483 = arith.constant 7 : i32
    %get3A_1484 = arith.index_cast %get3A_1483 : i32 to index
    %get3A_1485 = arith.constant 0 : index
    %get3A_1486 = tpu.vector_load %arg8[%get3A_1484, %get3A_1485] {strides = array<i32>} : memref<8x16xi32, #tpu.memory_space<vmem>>, vector<16xi32>,
    %convert_element_type3A_1487 = arith.sitofp %get3A_1486 : vector<16xi32> to vector<16xf32>
    %and3A_1488 = arith.constant 15 : i32
    %and3A_1489 = arith.andi %min3A_1056, %and3A_1488 : i32
    %iota3A_1490 = tpu.iota {dimensions = array<i32: 0>} : vector<16xi32>
    %eq3A_1491 = vector.broadcast %and3A_1489 : i32 to vector<16xi32>
    %eq3A_1492 = arith.cmpi eq, %iota3A_1490, %eq3A_1491 : vector<16xi32>
    %broadcast_in_dim3A_1493 = arith.constant 0.000000e+00 : f32
    %broadcast_in_dim3A_1494 = vector.broadcast %broadcast_in_dim3A_1493 : f32 to vector<16xf32>
    %select_n3A_1495 = arith.select %eq3A_1492, %convert_element_type3A_1487, %broadcast_in_dim3A_1494 : vector<16xi1>, vector<16xf32>
    %reduce_sum3A_1496 = arith.constant true
    %reduce_sum3A_1497 = vector.broadcast %reduce_sum3A_1496 : i1 to vector<16xi1>
    %reduce_sum3A_1498 = tpu.scan <sum>, %select_n3A_1495 masked %reduce_sum3A_1497 : vector<16xf32>, vector<16xi1> -> vector<16xf32>
    %reduce_sum3A_1499 = vector.extract %reduce_sum3A_1498[15] : f32 from vector<16xf32>
    %jit3A_1500 = arith.constant 8 : i32
    %eq3A_1501 = arith.constant 0 : i32
    %eq3A_1502 = arith.cmpi eq, %jit3A_1500, %eq3A_1501 : i32
    %jit3A_1503 = arith.constant 1 : i32
    %select_n3A_1504 = arith.select %eq3A_1502, %jit3A_1503, %jit3A_1500 : i32
    %rem3A_1505 = arith.remsi %mul3A_2, %select_n3A_1504 : i32
    %ne3A_1506 = arith.constant 0 : i32
    %ne3A_1507 = arith.cmpi ne, %rem3A_1505, %ne3A_1506 : i32
    %lt3A_1508 = arith.constant 0 : i32
    %lt3A_1509 = arith.cmpi slt, %rem3A_1505, %lt3A_1508 : i32
    %lt3A_1510 = arith.constant 0 : i32
    %lt3A_1511 = arith.cmpi slt, %select_n3A_1504, %lt3A_1510 : i32
    %ne3A_1512 = arith.xori %lt3A_1509, %lt3A_1511 : i1
    %and3A_1513 = arith.andi %ne3A_1512, %ne3A_1507 : i1
    %add3A_1514 = arith.addi %rem3A_1505, %select_n3A_1504 : i32
    %select_n3A_1515 = arith.select %and3A_1513, %add3A_1514, %rem3A_1505 : i32
    %add3A_1516 = arith.constant 3 : i32
    %add3A_1517 = arith.addi %select_n3A_1515, %add3A_1516 : i32
    %eq3A_1518 = vector.broadcast %add3A_1517 : i32 to vector<16xi32>
    %eq3A_1519 = arith.cmpi eq, %iota3A_1217, %eq3A_1518 : vector<16xi32>
    %broadcast_in_dim3A_1520 = vector.broadcast %reduce_sum3A_1482 : f32 to vector<16xf32>
    %select_n3A_1521 = arith.select %eq3A_1519, %broadcast_in_dim3A_1520, %select_n3A_1465 : vector<16xi1>, vector<16xf32>
    %jit3A_1522 = arith.constant 8 : i32
    %eq3A_1523 = arith.constant 0 : i32
    %eq3A_1524 = arith.cmpi eq, %jit3A_1522, %eq3A_1523 : i32
    %jit3A_1525 = arith.constant 1 : i32
    %select_n3A_1526 = arith.select %eq3A_1524, %jit3A_1525, %jit3A_1522 : i32
    %rem3A_1527 = arith.remsi %mul3A_2, %select_n3A_1526 : i32
    %ne3A_1528 = arith.constant 0 : i32
    %ne3A_1529 = arith.cmpi ne, %rem3A_1527, %ne3A_1528 : i32
    %lt3A_1530 = arith.constant 0 : i32
    %lt3A_1531 = arith.cmpi slt, %rem3A_1527, %lt3A_1530 : i32
    %lt3A_1532 = arith.constant 0 : i32
    %lt3A_1533 = arith.cmpi slt, %select_n3A_1526, %lt3A_1532 : i32
    %ne3A_1534 = arith.xori %lt3A_1531, %lt3A_1533 : i1
    %and3A_1535 = arith.andi %ne3A_1534, %ne3A_1529 : i1
    %add3A_1536 = arith.addi %rem3A_1527, %select_n3A_1526 : i32
    %select_n3A_1537 = arith.select %and3A_1535, %add3A_1536, %rem3A_1527 : i32
    %add3A_1538 = arith.constant 8 : i32
    %add3A_1539 = arith.addi %add3A_1538, %select_n3A_1537 : i32
    %add3A_1540 = arith.constant 3 : i32
    %add3A_1541 = arith.addi %add3A_1539, %add3A_1540 : i32
    %eq3A_1542 = vector.broadcast %add3A_1541 : i32 to vector<16xi32>
    %eq3A_1543 = arith.cmpi eq, %iota3A_1217, %eq3A_1542 : vector<16xi32>
    %add3A_1544 = arith.constant 1.000000e+00 : f32
    %add3A_1545 = arith.addf %reduce_sum3A_1499, %add3A_1544 : f32
    %broadcast_in_dim3A_1546 = vector.broadcast %add3A_1545 : f32 to vector<16xf32>
    %select_n3A_1547 = arith.select %eq3A_1543, %broadcast_in_dim3A_1546, %select_n3A_1521 : vector<16xi1>, vector<16xf32>
    %jit3A_1548 = arith.constant 2 : i32
    %eq3A_1549 = arith.constant 0 : i32
    %eq3A_1550 = arith.cmpi eq, %jit3A_1548, %eq3A_1549 : i32
    %jit3A_1551 = arith.constant 1 : i32
    %select_n3A_1552 = arith.select %eq3A_1550, %jit3A_1551, %jit3A_1548 : i32
    %rem3A_1553 = arith.remsi %arg1, %select_n3A_1552 : i32
    %ne3A_1554 = arith.constant 0 : i32
    %ne3A_1555 = arith.cmpi ne, %rem3A_1553, %ne3A_1554 : i32
    %lt3A_1556 = arith.constant 0 : i32
    %lt3A_1557 = arith.cmpi slt, %rem3A_1553, %lt3A_1556 : i32
    %lt3A_1558 = arith.constant 0 : i32
    %lt3A_1559 = arith.cmpi slt, %select_n3A_1552, %lt3A_1558 : i32
    %ne3A_1560 = arith.xori %lt3A_1557, %lt3A_1559 : i1
    %and3A_1561 = arith.andi %ne3A_1560, %ne3A_1555 : i1
    %add3A_1562 = arith.addi %rem3A_1553, %select_n3A_1552 : i32
    %select_n3A_1563 = arith.select %and3A_1561, %add3A_1562, %rem3A_1553 : i32
    %eq3A_1564 = arith.constant 1 : i32
    %eq3A_1565 = arith.cmpi eq, %select_n3A_1563, %eq3A_1564 : i32
    %convert_element_type3A_1566 = arith.extui %eq3A_1565 : i1 to i32
    %cond3A = arith.constant 0 : i32
    %cond3A_1567 = arith.cmpi ne, %convert_element_type3A_1566, %cond3A : i32
    scf.if %cond3A_1567 {
      %swap3A = arith.constant 0 : index
      %swap3A_1589 = tpu.vector_load %arg9[%swap3A] {strides = array<i32>} : memref<16xf32, #tpu.memory_space<vmem>>, vector<16xf32>,
      tpu.vector_store %arg9[%swap3A], %select_n3A_1547 {strides = array<i32>} : memref<16xf32, #tpu.memory_space<vmem>>, vector<16xf32>,
      "tpu.region"() ({
        %run_scoped3A = tpu.sem_alloc : memref<!tpu.dma_semaphore, #tpu.memory_space<semaphore_mem>>
        %dma_start3A_1590 = arith.constant 0 : i32
        %dma_start3A_1591 = tpu.memref_slice %arg10[%arg1, %dma_start3A_1590] : memref<16x16xf32, #tpu.memory_space<vmem_shared>> -> memref<1x16xf32, #tpu.memory_space<vmem_shared>>
        %dma_start3A_1592 = tpu.memref_squeeze %dma_start3A_1591 : memref<1x16xf32, #tpu.memory_space<vmem_shared>> -> memref<16xf32, #tpu.memory_space<vmem_shared>>
        %dma_start3A_1593 = arith.constant 0 : i32
        %dma_start3A_1594 = tpu.memref_slice %arg10[%arg1, %dma_start3A_1593] : memref<16x16xf32, #tpu.memory_space<vmem_shared>> -> memref<1x16xf32, #tpu.memory_space<vmem_shared>>
        %dma_start3A_1595 = tpu.memref_squeeze %dma_start3A_1594 : memref<1x16xf32, #tpu.memory_space<vmem_shared>> -> memref<16xf32, #tpu.memory_space<vmem_shared>>
        tpu.enqueue_dma source(%arg9 : memref<16xf32, #tpu.memory_space<vmem>>) target(%dma_start3A_1595 : memref<16xf32, #tpu.memory_space<vmem_shared>>) target_semaphore(%run_scoped3A : memref<!tpu.dma_semaphore, #tpu.memory_space<semaphore_mem>>)
        %dma_wait3A_1596 = arith.constant 0 : i32
        %dma_wait3A_1597 = tpu.memref_slice %arg10[%arg1, %dma_wait3A_1596] : memref<16x16xf32, #tpu.memory_space<vmem_shared>> -> memref<1x16xf32, #tpu.memory_space<vmem_shared>>
        %dma_wait3A_1598 = tpu.memref_squeeze %dma_wait3A_1597 : memref<1x16xf32, #tpu.memory_space<vmem_shared>> -> memref<16xf32, #tpu.memory_space<vmem_shared>>
        %dma_wait3A_1599 = arith.constant 0 : i32
        %dma_wait3A_1600 = tpu.memref_slice %arg10[%arg1, %dma_wait3A_1599] : memref<16x16xf32, #tpu.memory_space<vmem_shared>> -> memref<1x16xf32, #tpu.memory_space<vmem_shared>>
        %dma_wait3A_1601 = tpu.memref_squeeze %dma_wait3A_1600 : memref<1x16xf32, #tpu.memory_space<vmem_shared>> -> memref<16xf32, #tpu.memory_space<vmem_shared>>
        tpu.wait_dma2 semaphore(%run_scoped3A : memref<!tpu.dma_semaphore, #tpu.memory_space<semaphore_mem>>) src(%arg9 : memref<16xf32, #tpu.memory_space<vmem>>) dst(%dma_wait3A_1601 : memref<16xf32, #tpu.memory_space<vmem_shared>>)
        tpu.yield
      }) : () -> ()
    } else {
    }
    %barrier3A = arith.constant 0 : index
    tpu.barrier barrier_id(%barrier3A)
    %jit3A_1568 = arith.constant 2 : i32
    %eq3A_1569 = arith.constant 0 : i32
    %eq3A_1570 = arith.cmpi eq, %jit3A_1568, %eq3A_1569 : i32
    %jit3A_1571 = arith.constant 1 : i32
    %select_n3A_1572 = arith.select %eq3A_1570, %jit3A_1571, %jit3A_1568 : i32
    %rem3A_1573 = arith.remsi %arg1, %select_n3A_1572 : i32
    %ne3A_1574 = arith.constant 0 : i32
    %ne3A_1575 = arith.cmpi ne, %rem3A_1573, %ne3A_1574 : i32
    %lt3A_1576 = arith.constant 0 : i32
    %lt3A_1577 = arith.cmpi slt, %rem3A_1573, %lt3A_1576 : i32
    %lt3A_1578 = arith.constant 0 : i32
    %lt3A_1579 = arith.cmpi slt, %select_n3A_1572, %lt3A_1578 : i32
    %ne3A_1580 = arith.xori %lt3A_1577, %lt3A_1579 : i1
    %and3A_1581 = arith.andi %ne3A_1580, %ne3A_1575 : i1
    %add3A_1582 = arith.addi %rem3A_1573, %select_n3A_1572 : i32
    %select_n3A_1583 = arith.select %and3A_1581, %add3A_1582, %rem3A_1573 : i32
    %eq3A_1584 = arith.constant 0 : i32
    %eq3A_1585 = arith.cmpi eq, %select_n3A_1583, %eq3A_1584 : i32
    %convert_element_type3A_1586 = arith.extui %eq3A_1585 : i1 to i32
    %cond3A_1587 = arith.constant 0 : i32
    %cond3A_1588 = arith.cmpi ne, %convert_element_type3A_1586, %cond3A_1587 : i32
    scf.if %cond3A_1588 {
      %add3A_1589 = arith.constant 1 : i32
      %add3A_1590 = arith.addi %arg1, %add3A_1589 : i32
      %dma_start3A_1591 = arith.constant 0 : i32
      %dma_start3A_1592 = tpu.memref_slice %arg10[%add3A_1590, %dma_start3A_1591] : memref<16x16xf32, #tpu.memory_space<vmem_shared>> -> memref<1x16xf32, #tpu.memory_space<vmem_shared>>
      %dma_start3A_1593 = tpu.memref_squeeze %dma_start3A_1592 : memref<1x16xf32, #tpu.memory_space<vmem_shared>> -> memref<16xf32, #tpu.memory_space<vmem_shared>>
      %dma_start3A_1594 = arith.constant 0 : i32
      %dma_start3A_1595 = tpu.memref_slice %arg10[%add3A_1590, %dma_start3A_1594] : memref<16x16xf32, #tpu.memory_space<vmem_shared>> -> memref<1x16xf32, #tpu.memory_space<vmem_shared>>
      %dma_start3A_1596 = tpu.memref_squeeze %dma_start3A_1595 : memref<1x16xf32, #tpu.memory_space<vmem_shared>> -> memref<16xf32, #tpu.memory_space<vmem_shared>>
      tpu.enqueue_dma source(%dma_start3A_1596 : memref<16xf32, #tpu.memory_space<vmem_shared>>) target(%arg9 : memref<16xf32, #tpu.memory_space<vmem>>) target_semaphore(%arg23 : memref<!tpu.dma_semaphore, #tpu.memory_space<semaphore_mem>>)
      %dma_wait3A_1597 = arith.constant 0 : i32
      %dma_wait3A_1598 = tpu.memref_slice %arg10[%add3A_1590, %dma_wait3A_1597] : memref<16x16xf32, #tpu.memory_space<vmem_shared>> -> memref<1x16xf32, #tpu.memory_space<vmem_shared>>
      %dma_wait3A_1599 = tpu.memref_squeeze %dma_wait3A_1598 : memref<1x16xf32, #tpu.memory_space<vmem_shared>> -> memref<16xf32, #tpu.memory_space<vmem_shared>>
      %dma_wait3A_1600 = arith.constant 0 : i32
      %dma_wait3A_1601 = tpu.memref_slice %arg10[%add3A_1590, %dma_wait3A_1600] : memref<16x16xf32, #tpu.memory_space<vmem_shared>> -> memref<1x16xf32, #tpu.memory_space<vmem_shared>>
      %dma_wait3A_1602 = tpu.memref_squeeze %dma_wait3A_1601 : memref<1x16xf32, #tpu.memory_space<vmem_shared>> -> memref<16xf32, #tpu.memory_space<vmem_shared>>
      tpu.wait_dma2 semaphore(%arg23 : memref<!tpu.dma_semaphore, #tpu.memory_space<semaphore_mem>>) src(%dma_wait3A_1602 : memref<16xf32, #tpu.memory_space<vmem_shared>>) dst(%arg9 : memref<16xf32, #tpu.memory_space<vmem>>)
      %get3A_1603 = arith.constant 0 : index
      %get3A_1604 = tpu.vector_load %arg9[%get3A_1603] {strides = array<i32>} : memref<16xf32, #tpu.memory_space<vmem>>, vector<16xf32>,
      %add3A_1605 = arith.addf %select_n3A_1547, %get3A_1604 : vector<16xf32>
      %swap3A = arith.constant 0 : index
      %swap3A_1606 = tpu.vector_load %arg9[%swap3A] {strides = array<i32>} : memref<16xf32, #tpu.memory_space<vmem>>, vector<16xf32>,
      tpu.vector_store %arg9[%swap3A], %add3A_1605 {strides = array<i32>} : memref<16xf32, #tpu.memory_space<vmem>>, vector<16xf32>,
      %multiple_of3A_1607 = tpu.assume_multiple %mul3A_2, 8 : i32
      %dma_start3A_1608 = arith.constant 0 : i32
      %dma_start3A_1609 = tpu.memref_slice %arg9[%dma_start3A_1608] : memref<16xf32, #tpu.memory_space<vmem>> -> memref<8xf32, #tpu.memory_space<vmem>>
      %dma_start3A_1610 = tpu.memref_slice %arg5[%multiple_of3A_1607] : memref<256xf32, #tpu.memory_space<hbm>> -> memref<8xf32, #tpu.memory_space<hbm>>
      %dma_start3A_1611 = tpu.memref_slice %arg5[%multiple_of3A_1607] : memref<256xf32, #tpu.memory_space<hbm>> -> memref<8xf32, #tpu.memory_space<hbm>>
      %dma_start3A_1612 = arith.constant 0 : i32
      %dma_start3A_1613 = tpu.memref_slice %arg9[%dma_start3A_1612] : memref<16xf32, #tpu.memory_space<vmem>> -> memref<8xf32, #tpu.memory_space<vmem>>
      tpu.enqueue_dma source(%dma_start3A_1613 : memref<8xf32, #tpu.memory_space<vmem>>) target(%dma_start3A_1611 : memref<8xf32, #tpu.memory_space<hbm>>) target_semaphore(%arg23 : memref<!tpu.dma_semaphore, #tpu.memory_space<semaphore_mem>>)
      %add3A_1614 = arith.constant 128 : i32
      %add3A_1615 = arith.addi %add3A_1614, %mul3A_2 : i32
      %multiple_of3A_1616 = tpu.assume_multiple %add3A_1615, 8 : i32
      %dma_start3A_1617 = arith.constant 8 : i32
      %dma_start3A_1618 = tpu.memref_slice %arg9[%dma_start3A_1617] : memref<16xf32, #tpu.memory_space<vmem>> -> memref<8xf32, #tpu.memory_space<vmem>>
      %dma_start3A_1619 = tpu.memref_slice %arg5[%multiple_of3A_1616] : memref<256xf32, #tpu.memory_space<hbm>> -> memref<8xf32, #tpu.memory_space<hbm>>
      %dma_start3A_1620 = tpu.memref_slice %arg5[%multiple_of3A_1616] : memref<256xf32, #tpu.memory_space<hbm>> -> memref<8xf32, #tpu.memory_space<hbm>>
      %dma_start3A_1621 = arith.constant 8 : i32
      %dma_start3A_1622 = tpu.memref_slice %arg9[%dma_start3A_1621] : memref<16xf32, #tpu.memory_space<vmem>> -> memref<8xf32, #tpu.memory_space<vmem>>
      tpu.enqueue_dma source(%dma_start3A_1622 : memref<8xf32, #tpu.memory_space<vmem>>) target(%dma_start3A_1620 : memref<8xf32, #tpu.memory_space<hbm>>) target_semaphore(%arg23 : memref<!tpu.dma_semaphore, #tpu.memory_space<semaphore_mem>>)
      %dma_wait3A_1623 = arith.constant 0 : i32
      %dma_wait3A_1624 = tpu.memref_slice %arg9[%dma_wait3A_1623] : memref<16xf32, #tpu.memory_space<vmem>> -> memref<8xf32, #tpu.memory_space<vmem>>
      %dma_wait3A_1625 = tpu.memref_slice %arg5[%multiple_of3A_1607] : memref<256xf32, #tpu.memory_space<hbm>> -> memref<8xf32, #tpu.memory_space<hbm>>
      %dma_wait3A_1626 = tpu.memref_slice %arg5[%multiple_of3A_1607] : memref<256xf32, #tpu.memory_space<hbm>> -> memref<8xf32, #tpu.memory_space<hbm>>
      %dma_wait3A_1627 = arith.constant 0 : i32
      %dma_wait3A_1628 = tpu.memref_slice %arg9[%dma_wait3A_1627] : memref<16xf32, #tpu.memory_space<vmem>> -> memref<8xf32, #tpu.memory_space<vmem>>
      tpu.wait_dma2 semaphore(%arg23 : memref<!tpu.dma_semaphore, #tpu.memory_space<semaphore_mem>>) src(%dma_wait3A_1628 : memref<8xf32, #tpu.memory_space<vmem>>) dst(%dma_wait3A_1626 : memref<8xf32, #tpu.memory_space<hbm>>)
      %dma_wait3A_1629 = arith.constant 8 : i32
      %dma_wait3A_1630 = tpu.memref_slice %arg9[%dma_wait3A_1629] : memref<16xf32, #tpu.memory_space<vmem>> -> memref<8xf32, #tpu.memory_space<vmem>>
      %dma_wait3A_1631 = tpu.memref_slice %arg5[%multiple_of3A_1616] : memref<256xf32, #tpu.memory_space<hbm>> -> memref<8xf32, #tpu.memory_space<hbm>>
      %dma_wait3A_1632 = tpu.memref_slice %arg5[%multiple_of3A_1616] : memref<256xf32, #tpu.memory_space<hbm>> -> memref<8xf32, #tpu.memory_space<hbm>>
      %dma_wait3A_1633 = arith.constant 8 : i32
      %dma_wait3A_1634 = tpu.memref_slice %arg9[%dma_wait3A_1633] : memref<16xf32, #tpu.memory_space<vmem>> -> memref<8xf32, #tpu.memory_space<vmem>>
      tpu.wait_dma2 semaphore(%arg23 : memref<!tpu.dma_semaphore, #tpu.memory_space<semaphore_mem>>) src(%dma_wait3A_1634 : memref<8xf32, #tpu.memory_space<vmem>>) dst(%dma_wait3A_1632 : memref<8xf32, #tpu.memory_space<hbm>>)
    } else {
    }
    return
  }
}

</mosaic_0001>

<sc_bundles>
// kernel: kernel.3.cloned.1.call-start
scs
__scs_entry_jumppad:
0x0: {  	(pc) =	sbr.rel $0x88, $3  }
0x1: {  	(tag) =	ssettag $0x0;
	lr =	simm.s32 $0x1  }
0x2: {  	[smem:$0x3F9E] =	sst lr;
	_ =	strace $0xD0000000  }
0x3: {  	_ = 	snop  }
0x4: {  	_ = 	snop  }
0x5: {  	_ = 	snop  }
0x6: {  	_ = 	snop  }
0x7: {  	_ = 	snop  }
__scs_overlays_trampoline_lowered:
0x8: {  	[smem:$0x3FAD] =	sst s0  }
0x9: {  	[smem:$0x3FAE] =	sst s1  }
0xa: {  	[smem:$0x3FAF] =	sst s2  }
0xb: {  	[smem:$0x3FB0] =	sst s3  }
0xc: {  	[smem:$0x3FB1] =	sst s4  }
0xd: {  	[smem:$0x3FB2] =	sst s5  }
0xe: {  	[smem:$0x3FB3] =	sst s6  }
0xf: {  	[smem:$0x3FB4] =	sst s7  }
0x10: {  	[smem:$0x3FB5] =	sst s8  }
0x11: {  	[smem:$0x3FB6] =	sst s9;
	s0 =	simm.s32 @!p0 $0x0  }
0x12: {  	s1 =	sld [smem:$0x3F9C];
	s0 =	simm.s32 @p0 $0x1  }
0x13: {  	[smem:$0x3FB7] =	sst s0;
	s0 =	simm.s32 @!p1 $0x0  }
0x14: {  	s2 =	sld [smem:$0x3F9B];
	s0 =	simm.s32 @p1 $0x1  }
0x15: {  	[smem:$0x3FB8] =	sst s0;
	s0 =	simm.s32 @!p2 $0x0  }
0x16: {  	s3 =	sld [smem:$0x3FDB];
	s0 =	simm.s32 @p2 $0x1  }
0x17: {  	s4 =	simm.s32 $0x1BF5;
	[smem:$0x3FBA] =	sst s0  }
0x18: {  	s0 =	sld [smem:$0x3F9D];
	_ =	swait.ge [sflag:s4], $0x0  }
0x19: {  	s7 =	sld [smem:$0x3F9E]  }
0x1a: {  	s8 =	sadd.s32 $0xFFFFE003, lr  }
0x1b: {  	s9 =	sadd.s32 $0xFFFFFEF7, lr;
	s5 =	simm.s32 $0xFFFFFFFF;
	p2 =	slt.u32 s8, $0xFFFFF086  }
0x1c: {  	p1 =	slt.u32 s9, $0xF7A;
	s5 =	simm.s32 @!p2 $0x0  }
0x1d: {  	s5 =	simm.s32 @p1 $0x1;
	p0 =	seq.s32 s7, s2  }
0x1e: {  	s7 =	smul.u32 @!p0 $0xF7A, s2;
	p2 =	seq.s32 @!p0 s5, $0x0  }
0x1f: {  	s9 =	smul.u32 $0xF7A, s1;
	s8 =	simm.s32 @!p0 $0x1BF5;
	p2 =	por !p2, p0  }
0x20: {  	[sflag:s8] =	ssyncset.s32 @!p0 $0xFFFFF086;
	s6 =	sadd.s32 @!p0 s3, s7;
	s7 =	simm.s32 @!p0 $0x108  }
0x21: {  	s3 =	sadd.s32 s3, s9;
	s6 =	sadd.s32 @!p0 $0x88, s6;
	s7 =	simm.s32 @p2 $0x1082  }
0x22: {  	[simem:s7], [sflag:s8] =	dma.local @!p0 [hbm:s6], $0xF7A  }
0x23: {  	s9 =	sor.u32 $0xD0000000, s2;
	s6 =	simm.s32 $0x108;
	_ =	swait.ge @!p0 [sflag:s8], $0x0  }
0x24: {  	s3 =	sadd.s32 $0x88, s3;
	s6 =	simm.s32 @!p1 $0x1082;
	[sflag:s4] =	ssyncset.s32 $0xFFFFF086  }
0x25: {  	[simem:s6], [sflag:s4] =	dma.local [hbm:s3], $0xF7A  }
0x26: {  	[smem:$0x3F9E] =	sst s1;
	(tag) =	ssettag s2;
	_ =	strace s9  }
0x27: {  	s1 =	sld [smem:$0x3FAE]  }
0x28: {  	s2 =	sld [smem:$0x3FAF]  }
0x29: {  	s4 =	sld [smem:$0x3FB1]  }
0x2a: {  	p0 =	seq.s32 s5, $0x0;
	s5 =	sld [smem:$0x3FB2]  }
0x2b: {  	s6 =	sld [smem:$0x3FB3]  }
0x2c: {  	s7 =	sld [smem:$0x3FB4]  }
0x2d: {  	s3 =	simm.s32 $0x108;
	s8 =	sld [smem:$0x3FB5]  }
0x2e: {  	s3 =	simm.s32 @!p0 $0x1082;
	s9 =	sld [smem:$0x3FB6]  }
0x2f: {  	lr =	sadd.s32 s0, s3;
	s0 =	sld [smem:$0x3FAD]  }
0x30: {  	s3 =	sld [smem:$0x3FB0]  }
0x31: {  	[smem:$0x3FB9] =	sst s10  }
0x32: {  	s10 =	sld [smem:$0x3FB7];
	_ =	sdelay $0x3  }
0x33: {  	p0 =	seq.s32 s10, $0x1;
	s10 =	sld [smem:$0x3FB9];
	_ =	sdelay $0x3  }
0x34: {  	[smem:$0x3FB9] =	sst s10  }
0x35: {  	s10 =	sld [smem:$0x3FB8];
	_ =	sdelay $0x3  }
0x36: {  	p1 =	seq.s32 s10, $0x1;
	s10 =	sld [smem:$0x3FB9];
	_ =	sdelay $0x3  }
0x37: {  	[smem:$0x3FB9] =	sst s10  }
0x38: {  	s10 =	sld [smem:$0x3FBA]  }
0x39: {  	_ = 	snop;
	(pc) =	sbr.ind lr, $3  }
0x3a: {  	_ = 	snop  }
0x3b: {  	_ = 	snop  }
0x3c: {  	p2 =	seq.s32 s10, $0x1;
	s10 =	sld [smem:$0x3FB9]  }
0x3d: {  	_ =	shalt  }
0x3e: {  	_ =	shalt  }
0x3f: {  	_ =	shalt  }
0x40: {  	_ =	shalt  }
0x41: {  	_ =	shalt  }
0x42: {  	_ =	shalt  }
0x43: {  	_ =	shalt  }
0x44: {  	_ =	shalt  }
0x45: {  	_ =	shalt  }
0x46: {  	_ =	shalt  }
0x47: {  	_ =	shalt  }
0x48: {  	_ =	shalt  }
0x49: {  	_ =	shalt  }
0x4a: {  	_ =	shalt  }
0x4b: {  	_ =	shalt  }
0x4c: {  	_ =	shalt  }
0x4d: {  	_ =	shalt  }
0x4e: {  	_ =	shalt  }
0x4f: {  	_ =	shalt  }
0x50: {  	_ =	shalt  }
0x51: {  	_ =	shalt  }
0x52: {  	_ =	shalt  }
0x53: {  	_ =	shalt  }
0x54: {  	_ =	shalt  }
0x55: {  	_ =	shalt  }
0x56: {  	_ =	shalt  }
0x57: {  	_ =	shalt  }
0x58: {  	_ =	shalt  }
0x59: {  	_ =	shalt  }
0x5a: {  	_ =	shalt  }
0x5b: {  	_ =	shalt  }
0x5c: {  	_ =	shalt  }
0x5d: {  	_ =	shalt  }
0x5e: {  	_ =	shalt  }
0x5f: {  	_ =	shalt  }
0x60: {  	_ =	shalt  }
0x61: {  	_ =	shalt  }
0x62: {  	_ =	shalt  }
0x63: {  	_ =	shalt  }
0x64: {  	_ =	shalt  }
0x65: {  	_ =	shalt  }
0x66: {  	_ =	shalt  }
0x67: {  	_ =	shalt  }
0x68: {  	_ =	shalt  }
0x69: {  	_ =	shalt  }
0x6a: {  	_ =	shalt  }
0x6b: {  	_ =	shalt  }
0x6c: {  	_ =	shalt  }
0x6d: {  	_ =	shalt  }
0x6e: {  	_ =	shalt  }
0x6f: {  	_ =	shalt  }
0x70: {  	_ =	shalt  }
0x71: {  	_ =	shalt  }
0x72: {  	_ =	shalt  }
0x73: {  	_ =	shalt  }
0x74: {  	_ =	shalt  }
0x75: {  	_ =	shalt  }
0x76: {  	_ =	shalt  }
0x77: {  	_ =	shalt  }
0x78: {  	_ =	shalt  }
0x79: {  	_ =	shalt  }
0x7a: {  	_ =	shalt  }
0x7b: {  	_ =	shalt  }
0x7c: {  	_ =	shalt  }
0x7d: {  	_ =	shalt  }
0x7e: {  	_ =	shalt  }
0x7f: {  	_ =	shalt  }
0x80: {  	_ =	shalt  }
0x81: {  	_ =	shalt  }
0x82: {  	_ =	shalt  }
0x83: {  	_ =	shalt  }
0x84: {  	_ =	shalt  }
0x85: {  	_ =	shalt  }
0x86: {  	_ =	shalt  }
0x87: {  	_ =	shalt  }
.Lfunc_end0:
.L_simem_size_0:
called_computation_lowered:
.L_overlay_start_0:
0x88: {  	s2 =	sld [smem:$0x3FD9]  }
0x89: {  	s3 =	sld [smem:$0x3FFE];
	_ =	sdelay $0x1  }
0x8a: {  	s1 =	srdreg.scid  }
0x8b: {  	s0 =	sand.u32 $0x1, s1  }
0x8c: {  	s18 =	sshll.u32 s0, $0xA;
	s2 =	sadd.s32 s3, s2  }
0x8d: {  	s2 =	sadd.s32 s2, s18  }
0x8e: {  	[smem:$0x3FC5] =	sst s2  }
0x8f: {  	_ = 	snop  }
0x90: {  	s2 =	sld [smem:$0x3FC9]  }
0x91: {  	s19 =	sld [smem:$0x3FC8]  }
0x92: {  	s4 =	sld [smem:$0x3FC7]  }
0x93: {  	s5 =	sld [smem:$0x3FD0];
	(tm) =	ssettm $0x1  }
0x94: {  	s6 =	sld [smem:$0x3FFB];
	_ =	sdelay $0x3  }
0x95: {  	_ =	strace s6  }
0x96: {  	s6 =	sld [smem:$0x3FFC];
	_ =	sdelay $0x3  }
0x97: {  	_ =	strace s6  }
0x98: {  	s6 =	sld [smem:$0x3FFD];
	_ =	sdelay $0x3  }
0x99: {  	_ =	strace s6  }
0x9a: {  	_ =	strace $0x8FFFFFFF  }
0x9b: {  	s20 =	sld [smem:$0x3FDB];
	_ =	sdelay $0x1  }
0x9c: {  	s7 =	simm.s32 $_scs_section_size  }
0x9d: {  	s8 =	simm.s32 $_size__tile_overlayer_lowered;
	s9 =	simm.s32 $_tile_overlayer_lowered  }
0x9e: {  	s23 =	simm.s32 $0x1BFF;
	s22 =	sshll.u32 s9, $0x1;
	s6 =	sadd.s32 s7, s20  }
0x9f: {  	s10 =	simm.s32 $0x0;
	s21 =	sshll.u32 s8, $0x1;
	s8 =	sadd.s32 s22, s6  }
0xa0: {  	[timem:s10], [sflag:s23] =	dma.local [hbm:s8], s21  }
0xa1: {  	_ =	swait.ge [sflag:s23], s21  }
0xa2: {  	s7 =	ssub.s32 $0x0, s21;
	[sflag:s23] =	ssyncset.done $0x0  }
0xa3: {  	[sflag:s23] =	ssyncadd.s32 s7;
	_ =	sdelay $0x1  }
0xa4: {  	s24 =	simm.s32 $0x1B8B  }
0xa5: {  	_ =	swait.ge [sflag:s24], $0x1  }
0xa6: {  	[sflag:s24] =	ssyncset.done $0x0  }
0xa7: {  	s25 =	simm.s32 $0x1B8E;
	[sflag:s24] =	ssyncadd.s32 $0xFFFFFFFF  }
0xa8: {  	s26 =	simm.s32 $execute0_lowered;
	[smem:$0x3FD2] =	sst s25  }
0xa9: {  	s7 =	sshll.u32 s26, $0x1;
	_ =	strace $0x80000046;
	[dreg:$0x1] =	wrdreg $0xFFFFFFFF  }
0xaa: {  	s28 =	simm.s32 $_size_execute0_lowered;
	s6 =	sadd.s32 s6, s7;
	[dreg:$0x0] =	wrdreg $0x0  }
0xab: {  	s7 =	sshll.u32 s28, $0x1;
	[dreg:$0x2] =	wrdreg s6  }
0xac: {  	[dreg:$0x3] =	wrdreg s7  }
0xad: {  	[dreg:$0x4] =	wrdreg $0xC0  }
0xae: {  	_ =	task [dreg:s10], $0x5FFFF  }
0xaf: {  	[dreg:$0x1] =	wrdreg $0xFFFFFFFF  }
0xb0: {  	[dreg:$0x0] =	wrdreg $0x60  }
0xb1: {  	[dreg:$0x2] =	wrdreg s2  }
0xb2: {  	[dreg:$0x3] =	wrdreg s19  }
0xb3: {  	[dreg:$0x4] =	wrdreg s4  }
0xb4: {  	[dreg:$0x5] =	wrdreg s5  }
0xb5: {  	[dreg:$0x6] =	wrdreg $0x81100  }
0xb6: {  	[dreg:$0x7] =	wrdreg $0x9  }
0xb7: {  	_ =	task.clear_ibuf [dreg:s10], $0x8FFFF;
	_ =	strace $0x90000046  }
0xb8: {  	s29 =	simm.s32 $0x9;
	_ =	strace $0x80000048  }
0xb9: {  	_ =	swait.ge [sflag:s29], $0x1  }
0xba: {  	[sflag:s29] =	ssyncadd.s32 $0xFFFFFFFF  }
0xbb: {  	_ =	strace $0x90000048  }
0xbc: {  	_ =	sfence  }
0xbd: {  	s30 =	sld [smem:$0x0];
	_ =	sdelay $0x2  }
0xbe: {  	s31 =	sshll.u32 s1, $0xD;
	s1 =	sshrl.u32 s1, $0x2  }
0xbf: {  	s3 =	sand.u32 $0x4000, s31;
	s1 =	sadd.s32 s1, s30  }
0xc0: {  	s0 =	sor.u32 s3, s0;
	s1 =	sshll.u32 s1, $0x11  }
0xc1: {  	s0 =	sor.u32 s1, s0  }
0xc2: {  	s0 =	sadd.s32 $0x8F2B, s0  }
0xc3: {  	[sflag:s0] =	ssyncadd.remote.s32 $0x1  }
0xc4: {  	_ =	sfence.sel $0xFFFF  }
0xc5: {  	[dreg:$0x0] =	wrdreg $0xFFFFFFFF;
	(pc) =	sbr.abs _section_cstart, $3  }
0xc6: {  	[dreg:$0x1] =	wrdreg $0xFFFFFFFF  }
0xc7: {  	_ =	task.clear_ibuf [dreg:s10], $0x2FFFF;
	_ =	strace $0x9FFFFFFF  }
0xc8: {  	(tm) =	ssettm $0x7FFFFFFF  }
0xc9: {  	_ =	shalt  }
tec
execute0_lowered:
.L_overlay_start_1:
0x0: {  	(tag) =	ssettag $0x1  }
0x1: {  	s8 =	rddreg [dreg:$0x0]  }
0x2: {  	s1 =	rddreg [dreg:$0x1]  }
0x3: {  	s0 =	srdreg.scid;
	s2 =	rddreg [dreg:$0x2]  }
0x4: {  	s22 =	stileid.u32;
	s13 =	rddreg [dreg:$0x3]  }
0x5: {  	s5 =	simm.s32 $0x1;
	s12 =	rddreg [dreg:$0x4];
	s31 =	simm.s32 $0x4  }
0x6: {  	s29 =	simm.s32 $0x5;
	s30 =	simm.s32 $0x7;
	s3 =	sand.u32 $0x1, s0  }
0x7: {  	s4 =	sshll.u32 s22, $0x2;
	s11 =	sand.u32 $0x1, s22;
	s25 =	sshll.u32 s22, $0x4  }
0x8: {  	s0 =	sshll.u32 s3, $0x6;
	p1 =	seq.s32 s11, $0x1;
	s3 =	ssub.s32 $0x2, s3  }
0x9: {  	s26 =	sadd.s32 s25, s12;
	s12 =	sadd.s32 $0x10, s1;
	s10 =	sor.u32 s4, s0  }
0xa: {  	s0 =	sand.u32 $0x4, s4;
	s4 =	simm.s32 $0x0;
	s6 =	sshrl.u32 s3, $0x1  }
0xb: {  	p0 =	seq.s32 s10, $0x0;
	s14 =	sshrl.u32 s10, $0x3;
	s16 =	sshll.u32 s0, $0x7  }
0xc: {  	[smem:$0x7FF] =	sst s4;
	s3 =	ssub.s32 s3, s6;
	p0 =	por !p0, !p1  }
0xd: {  	s6 =	sor.u32 $0x1, s0;
	s7 =	sor.u32 $0x3, s0;
	p0 =	por !p0, !p0  }
0xe: {  	s22 =	sor.u32 $0xB, s0;
	_ =	strace $0x80000047;
	s5 =	simm.s32 @!p0 $0x0  }
0xf: {  	s17 =	sshll.u32 s6, $0x7;
	s20 =	sshll.u32 s7, $0x7;
	s15 =	ssub.s32 s14, s5  }
0x10: {  	s3 =	smax.u32 s3, $0x1;
	[dreg:$0xb] =	wrdreg s26;
	s9 =	sshll.u32 s15, $0x10  }
0x11: {  	v2 =	vmov s6;
	s6 =	simm.s32 $0xA;
	v6 =	vmov s7;
	s7 =	simm.s32 $0xB;
	s23 =	sor.u32 s16, s9  }
0x12: {  	[dreg:$0xd] =	wrdreg s3;
	p0 =	seq.s32 s11, $0x0;
	s5 =	sshrl.u32 s23, $0x3  }
0x13: {  	s28 =	sshll.u32 s15, $0xE;
	s18 =	sor.u32 s17, s9;
	s5 =	sadd.s32 s8, s5  }
0x14: {  	s15 =	sor.u32 s28, s17;
	[dreg:$0x6] =	wrdreg s5;
	s5 =	sor.u32 $0x2, s0  }
0x15: {  	s17 =	sor.u32 s28, s20;
	s18 =	sshrl.u32 s18, $0x3;
	s19 =	sshll.u32 s5, $0x7  }
0x16: {  	s23 =	sadd.s32 $0x10, s26;
	s18 =	sadd.s32 s8, s18;
	s21 =	sor.u32 s19, s9  }
0x17: {  	[dreg:$0xe] =	wrdreg s23;
	s9 =	sor.u32 s20, s9;
	s24 =	sshrl.u32 s21, $0x3  }
0x18: {  	[dreg:$0x7] =	wrdreg s18;
	s9 =	sshrl.u32 s9, $0x3;
	s18 =	sadd.s32 s8, s24  }
0x19: {  	v4 =	vmov s5;
	s5 =	simm.s32 $0x9;
	s8 =	sadd.s32 s8, s9;
	[dreg:$0x8] =	wrdreg s18  }
0x1a: {  	s9 =	sshll.u32 s10, $0xE;
	s10 =	sadd.s32 s13, s14;
	[dreg:$0x9] =	wrdreg s8  }
0x1b: {  	s20 =	sor.u32 $0xA, s0;
	s13 =	sor.u32 $0x8, s0;
	[dreg:$0xc] =	wrdreg s10  }
0x1c: {  	s14 =	sor.u32 s28, s16;
	s24 =	sadd.s32 $0x10, s10;
	[dreg:$0xa] =	wrdreg s9  }
0x1d: {  	s16 =	sor.u32 s28, s19;
	s25 =	sor.u32 $0x4000, s9;
	[dreg:$0xf] =	wrdreg s24  }
0x1e: {  	s19 =	sor.u32 $0x9, s0;
	s26 =	sor.u32 $0x8000, s9;
	[dreg:$0x10] =	wrdreg s25  }
0x1f: {  	v0 =	vmov s0;
	s0 =	simm.s32 $0x8;
	s28 =	sor.u32 $0xC000, s9;
	[dreg:$0x11] =	wrdreg s26  }
0x20: {  	v8 =	vlaneseq.u32;
	v7 =	vmov s22;
	s8 =	simm.s32 $0xC;
	s18 =	simm.s32 $0x0;
	[dreg:$0x12] =	wrdreg s28  }
0x21: {  	v5 =	vmov s20;
	v1 =	vmov s13;
	v3 =	vmov s19;
	s24 =	simm.s32 $0x80;
	s25 =	simm.s32 $0x400;
	s26 =	simm.s32 $0x6  }
.LBB2_1:
0x22: {  	s3 =	rddreg [dreg:$0x6]  }
0x23: {  	[tilespmem:s4], [sflag:$0x1] =	stream.strided.gather [hbm4b:s3+s24], $0x2000, s25, s24, $0x38;
	[tilespmem:$0x8120] =	vst v63  }
0x24: {  	s19 =	rddreg [dreg:$0x7];
	s9 =	simm.s32 $0x2000;
	s20 =	simm.s32 $0x1  }
0x25: {  	[tilespmem:s9], [sflag:$0x2] =	stream.strided.gather [hbm4b:s19+s24], $0x2000, s25, s24, $0x38;
	[tilespmem:$0x8120] =	vst v63  }
0x26: {  	_ =	swait.ge [sflag:s20], $0x2000  }
0x27: {  	v10 =	vor.u32 $0x1000, v8;
	[sflag:s20] =	ssyncset.done $0x0  }
0x28: {  	s22 =	simm.s32 $0x4000;
	v18 =	vimm.f32 $-Inf;
	v9 =	vadd.s32 $0xF0, v8;
	v14 =	vadd.s32 $0xD0, v8;
	s21 =	rddreg [dreg:$0x8];
	[sflag:s20] =	ssyncadd.s32 $0xFFFFE000  }
0x29: {  	v12 =	vadd.s32 $0xE0, v8;
	v16 =	vadd.s32 $0xC0, v8;
	v19 =	vadd.s32 $0xA0, v8;
	[tilespmem:s22], [sflag:$0x3] =	stream.strided.gather [hbm4b:s21+s24], $0x2000, s25, s24, $0x38;
	[tilespmem:$0x8120] =	vst v63  }
0x2a: {  	s28 =	simm.s32 $0x6000;
	s11 =	simm.s32 $0x1000;
	v20 =	vadd.s32 $0xB0, v8;
	v23 =	vadd.s32 $0x90, v8;
	v27 =	vadd.s32 $0x70, v8;
	s23 =	rddreg [dreg:$0x9]  }
0x2b: {  	v28 =	vadd.s32 $0x80, v8;
	v31 =	vadd.s32 $0x60, v8;
	v35 =	vadd.s32 $0x40, v8;
	[tilespmem:s28], [sflag:$0x4] =	stream.strided.gather [hbm4b:s23+s24], $0x2000, s25, s24, $0x38;
	[tilespmem:$0x8120] =	vst v63  }
0x2c: {  	v36 =	vadd.s32 $0x50, v8;
	v39 =	vadd.s32 $0x30, v8;
	v42 =	vadd.s32 $0x10, v8;
	v22 =	vld [tilespmem:s11+$0xFFFFF000]  }
0x2d: {  	v43 =	vadd.s32 $0x20, v8;
	v11 =	vadd.s32 $0xF0, v10;
	v13 =	vadd.s32 $0xE0, v10;
	v26 =	vld [tilespmem:s11+$0x0]  }
0x2e: {  	v17 =	vadd.s32 $0xC0, v10;
	v15 =	vadd.s32 $0xD0, v10;
	v21 =	vadd.s32 $0xB0, v10;
	v30 =	vld [tilespmem:s11+$0xFFFFF010]  }
0x2f: {  	v24 =	vadd.s32 $0x90, v10;
	v25 =	vadd.s32 $0xA0, v10;
	v29 =	vadd.s32 $0x80, v10;
	v34 =	vld [tilespmem:s11+$0x10]  }
0x30: {  	v32 =	vadd.s32 $0x60, v10;
	v33 =	vadd.s32 $0x70, v10;
	v37 =	vadd.s32 $0x50, v10;
	v38 =	vld [tilespmem:s11+$0xFFFFF020]  }
0x31: {  	v40 =	vadd.s32 $0x30, v10;
	v41 =	vadd.s32 $0x40, v10;
	v44 =	vadd.s32 $0x20, v10;
	v45 =	vld [tilespmem:s11+$0x20]  }
0x32: {  	v46 =	vadd.s32 $0x10, v10;
	v47 =	vld [tilespmem:s11+$0xFFFFF030];
	vm0 =	vgt.f32 v22, v18;
	vm1 =	vgt.f32 v26, v18  }
0x33: {  	v48 =	vld [tilespmem:s11+$0x30];
	v22 =	vsel vm0, v22, v18;
	v18 =	vsel vm1, v26, v18;
	v26 =	vsel vm1, v10, v10  }
0x34: {  	v50 =	vld [tilespmem:s11+$0xFFFFF040];
	v49 =	vsel vm0, v8, v8;
	vm10 =	vgt.f32 v30, v22;
	vm11 =	vgt.f32 v34, v18  }
0x35: {  	v61 =	vld [tilespmem:s11+$0x40];
	v22 =	vsel vm10, v30, v22;
	v18 =	vsel vm11, v34, v18;
	v26 =	vsel vm11, v46, v26  }
0x36: {  	v63 =	vld [tilespmem:s11+$0xFFFFF050];
	v62 =	vsel vm10, v42, v49;
	vm12 =	vgt.f32 v38, v22;
	vm13 =	vgt.f32 v45, v18  }
0x37: {  	v22 =	vsel vm12, v38, v22;
	v18 =	vsel vm13, v45, v18;
	v26 =	vsel vm13, v44, v26;
	v45 =	vld [tilespmem:s11+$0x50]  }
0x38: {  	v46 =	vld [tilespmem:s11+$0xFFFFF060];
	v34 =	vsel vm12, v43, v62;
	vm14 =	vgt.f32 v47, v22;
	vm15 =	vgt.f32 v48, v18  }
0x39: {  	v22 =	vsel vm14, v47, v22;
	v18 =	vsel vm15, v48, v18;
	v26 =	vsel vm15, v40, v26;
	v48 =	vld [tilespmem:s11+$0x60]  }
0x3a: {  	v49 =	vld [tilespmem:s11+$0xFFFFF070];
	v34 =	vsel vm14, v39, v34;
	vm4 =	vgt.f32 v50, v22;
	vm5 =	vgt.f32 v61, v18  }
0x3b: {  	v22 =	vsel vm4, v50, v22;
	v18 =	vsel vm5, v61, v18;
	v26 =	vsel vm5, v41, v26;
	v50 =	vld [tilespmem:s11+$0x70]  }
0x3c: {  	v51 =	vld [tilespmem:s11+$0xFFFFF080];
	v34 =	vsel vm4, v35, v34;
	vm6 =	vgt.f32 v63, v22;
	vm7 =	vgt.f32 v45, v18  }
0x3d: {  	v52 =	vld [tilespmem:s11+$0x80];
	v22 =	vsel vm6, v63, v22;
	v18 =	vsel vm7, v45, v18;
	v26 =	vsel vm7, v37, v26  }
0x3e: {  	v53 =	vld [tilespmem:s11+$0xFFFFF090];
	v34 =	vsel vm6, v36, v34;
	vm8 =	vgt.f32 v46, v22;
	vm9 =	vgt.f32 v48, v18  }
0x3f: {  	v54 =	vld [tilespmem:s11+$0x90];
	v22 =	vsel vm8, v46, v22;
	v18 =	vsel vm9, v48, v18;
	v26 =	vsel vm9, v32, v26  }
0x40: {  	v55 =	vld [tilespmem:s11+$0xFFFFF0A0];
	v31 =	vsel vm8, v31, v34;
	vm10 =	vgt.f32 v49, v22;
	vm11 =	vgt.f32 v50, v18  }
0x41: {  	v56 =	vld [tilespmem:s11+$0xA0];
	v22 =	vsel vm10, v49, v22;
	v18 =	vsel vm11, v50, v18;
	v26 =	vsel vm11, v33, v26  }
0x42: {  	v57 =	vld [tilespmem:s11+$0xFFFFF0B0];
	v27 =	vsel vm10, v27, v31;
	vm12 =	vgt.f32 v51, v22;
	vm13 =	vgt.f32 v52, v18  }
0x43: {  	v22 =	vsel vm12, v51, v22;
	v18 =	vsel vm13, v52, v18;
	v26 =	vsel vm13, v29, v26;
	v29 =	vld [tilespmem:s11+$0xB0]  }
0x44: {  	v27 =	vsel vm12, v28, v27;
	v28 =	vld [tilespmem:s11+$0xFFFFF0C0];
	vm14 =	vgt.f32 v53, v22;
	vm15 =	vgt.f32 v54, v18  }
0x45: {  	v22 =	vsel vm14, v53, v22;
	v18 =	vsel vm15, v54, v18;
	v24 =	vsel vm15, v24, v26;
	v26 =	vld [tilespmem:s11+$0xC0]  }
0x46: {  	v23 =	vsel vm14, v23, v27;
	v27 =	vld [tilespmem:s11+$0xFFFFF0D0];
	vm4 =	vgt.f32 v55, v22;
	vm5 =	vgt.f32 v56, v18  }
0x47: {  	v22 =	vsel vm4, v55, v22;
	v18 =	vsel vm5, v56, v18;
	v24 =	vsel vm5, v25, v24;
	v25 =	vld [tilespmem:s11+$0xD0]  }
0x48: {  	v58 =	vld [tilespmem:s11+$0xFFFFF0E0];
	v10 =	vadd.s32 $0x100, v10;
	vm6 =	vgt.f32 v57, v22;
	vm7 =	vgt.f32 v29, v18  }
0x49: {  	v22 =	vsel vm6, v57, v22;
	v18 =	vsel vm7, v29, v18;
	v21 =	vsel vm7, v21, v24;
	v24 =	vld [tilespmem:s11+$0xE0]  }
0x4a: {  	v59 =	vld [tilespmem:s11+$0xFFFFF0F0];
	v19 =	vsel vm4, v19, v23;
	vm8 =	vgt.f32 v28, v22;
	vm9 =	vgt.f32 v26, v18  }
0x4b: {  	v60 =	vld [tilespmem:s11+$0xF0];
	v19 =	vsel vm6, v20, v19;
	v22 =	vsel vm8, v28, v22;
	v18 =	vsel vm9, v26, v18  }
0x4c: {  	v17 =	vsel vm9, v17, v21;
	vm10 =	vgt.f32 v27, v22;
	vm11 =	vgt.f32 v25, v18  }
0x4d: {  	v16 =	vsel vm8, v16, v19;
	v61 =	vsel vm10, v27, v22;
	v18 =	vsel vm11, v25, v18  }
0x4e: {  	v15 =	vsel vm11, v15, v17;
	vm12 =	vgt.f32 v58, v61;
	vm13 =	vgt.f32 v24, v18  }
0x4f: {  	v14 =	vsel vm10, v14, v16;
	v62 =	vsel vm12, v58, v61;
	v63 =	vsel vm13, v24, v18  }
0x50: {  	v13 =	vsel vm13, v13, v15;
	vm14 =	vgt.f32 v59, v62;
	vm15 =	vgt.f32 v60, v63  }
0x51: {  	v12 =	vsel vm12, v12, v14;
	v26 =	vsel vm14, v59, v62;
	v27 =	vsel vm15, v60, v63  }
0x52: {  	s10 =	simm.s32 $0x0;
	v24 =	vsel vm15, v11, v13;
	v25 =	vsel vm14, v9, v12;
	v9 =	vadd.s32 $0x100, v8  }
.LBB2_2:
0x53: {  	v11 =	vadd.s32 $0xF0, v9;
	v12 =	vadd.s32 $0xF0, v10  }
0x54: {  	v15 =	vadd.s32 $0xD0, v9;
	v13 =	vadd.s32 $0xE0, v9;
	v14 =	vadd.s32 $0xE0, v10  }
0x55: {  	v17 =	vadd.s32 $0xC0, v9;
	v18 =	vadd.s32 $0xC0, v10;
	v16 =	vadd.s32 $0xD0, v10  }
0x56: {  	v21 =	vadd.s32 $0xA0, v9;
	v19 =	vadd.s32 $0xB0, v9;
	v20 =	vadd.s32 $0xB0, v10;
	s11 =	sadd.s32 $0x100, s11  }
0x57: {  	v23 =	vadd.s32 $0x90, v9;
	v29 =	vadd.s32 $0x90, v10;
	v22 =	vadd.s32 $0xA0, v10;
	v28 =	vld [tilespmem:s11+$0xFFFFF000]  }
0x58: {  	v31 =	vadd.s32 $0x70, v9;
	v32 =	vadd.s32 $0x80, v9;
	v33 =	vadd.s32 $0x80, v10;
	s10 =	sadd.s32 $0x2, s10;
	v30 =	vld [tilespmem:s11+$0x0]  }
0x59: {  	v35 =	vadd.s32 $0x60, v9;
	v36 =	vadd.s32 $0x60, v10;
	v37 =	vadd.s32 $0x70, v10;
	p1 =	slt.u32 s10, $0x1E;
	v34 =	vld [tilespmem:s11+$0xFFFFF010]  }
0x5a: {  	v39 =	vadd.s32 $0x40, v9;
	v40 =	vadd.s32 $0x50, v9;
	v41 =	vadd.s32 $0x50, v10;
	v38 =	vld [tilespmem:s11+$0x10]  }
0x5b: {  	v43 =	vadd.s32 $0x30, v9;
	v44 =	vadd.s32 $0x30, v10;
	v45 =	vadd.s32 $0x40, v10;
	v42 =	vld [tilespmem:s11+$0xFFFFF020]  }
0x5c: {  	v46 =	vadd.s32 $0x10, v9;
	v47 =	vadd.s32 $0x20, v9;
	v48 =	vadd.s32 $0x20, v10;
	v49 =	vld [tilespmem:s11+$0x20]  }
0x5d: {  	v50 =	vadd.s32 $0x10, v10;
	vm0 =	vgt.f32 v28, v26;
	vm1 =	vgt.f32 v30, v27;
	v51 =	vld [tilespmem:s11+$0xFFFFF030]  }
0x5e: {  	v26 =	vsel vm0, v28, v26;
	v27 =	vsel vm1, v30, v27;
	v24 =	vsel vm1, v10, v24;
	v28 =	vld [tilespmem:s11+$0x30]  }
0x5f: {  	v25 =	vsel vm0, v9, v25;
	vm0 =	vgt.f32 v34, v26;
	vm1 =	vgt.f32 v38, v27;
	v30 =	vld [tilespmem:s11+$0xFFFFF040]  }
0x60: {  	v26 =	vsel vm0, v34, v26;
	v27 =	vsel vm1, v38, v27;
	v24 =	vsel vm1, v50, v24;
	v34 =	vld [tilespmem:s11+$0x40]  }
0x61: {  	v25 =	vsel vm0, v46, v25;
	vm0 =	vgt.f32 v42, v26;
	vm1 =	vgt.f32 v49, v27;
	v38 =	vld [tilespmem:s11+$0xFFFFF050]  }
0x62: {  	v26 =	vsel vm0, v42, v26;
	v27 =	vsel vm1, v49, v27;
	v24 =	vsel vm1, v48, v24;
	v42 =	vld [tilespmem:s11+$0x50]  }
0x63: {  	v25 =	vsel vm0, v47, v25;
	vm0 =	vgt.f32 v51, v26;
	vm1 =	vgt.f32 v28, v27;
	v46 =	vld [tilespmem:s11+$0xFFFFF060]  }
0x64: {  	v26 =	vsel vm0, v51, v26;
	v27 =	vsel vm1, v28, v27;
	v24 =	vsel vm1, v44, v24;
	v28 =	vld [tilespmem:s11+$0x60]  }
0x65: {  	v25 =	vsel vm0, v43, v25;
	vm0 =	vgt.f32 v30, v26;
	vm1 =	vgt.f32 v34, v27;
	v43 =	vld [tilespmem:s11+$0xFFFFF070]  }
0x66: {  	v26 =	vsel vm0, v30, v26;
	v27 =	vsel vm1, v34, v27;
	v24 =	vsel vm1, v45, v24;
	v30 =	vld [tilespmem:s11+$0x70]  }
0x67: {  	v25 =	vsel vm0, v39, v25;
	vm0 =	vgt.f32 v38, v26;
	vm1 =	vgt.f32 v42, v27;
	v34 =	vld [tilespmem:s11+$0xFFFFF080]  }
0x68: {  	v26 =	vsel vm0, v38, v26;
	v27 =	vsel vm1, v42, v27;
	v24 =	vsel vm1, v41, v24;
	v38 =	vld [tilespmem:s11+$0x80]  }
0x69: {  	v25 =	vsel vm0, v40, v25;
	vm0 =	vgt.f32 v46, v26;
	vm1 =	vgt.f32 v28, v27;
	v39 =	vld [tilespmem:s11+$0xFFFFF090]  }
0x6a: {  	v26 =	vsel vm0, v46, v26;
	v27 =	vsel vm1, v28, v27;
	v24 =	vsel vm1, v36, v24;
	v28 =	vld [tilespmem:s11+$0x90]  }
0x6b: {  	v25 =	vsel vm0, v35, v25;
	vm0 =	vgt.f32 v43, v26;
	vm1 =	vgt.f32 v30, v27;
	v35 =	vld [tilespmem:s11+$0xFFFFF0A0]  }
0x6c: {  	v26 =	vsel vm0, v43, v26;
	v27 =	vsel vm1, v30, v27;
	v24 =	vsel vm1, v37, v24;
	v30 =	vld [tilespmem:s11+$0xA0]  }
0x6d: {  	v25 =	vsel vm0, v31, v25;
	vm0 =	vgt.f32 v34, v26;
	vm1 =	vgt.f32 v38, v27;
	v31 =	vld [tilespmem:s11+$0xFFFFF0B0]  }
0x6e: {  	v26 =	vsel vm0, v34, v26;
	v27 =	vsel vm1, v38, v27;
	v24 =	vsel vm1, v33, v24;
	v33 =	vld [tilespmem:s11+$0xB0]  }
0x6f: {  	v25 =	vsel vm0, v32, v25;
	vm0 =	vgt.f32 v39, v26;
	vm1 =	vgt.f32 v28, v27;
	v32 =	vld [tilespmem:s11+$0xFFFFF0C0]  }
0x70: {  	v26 =	vsel vm0, v39, v26;
	v27 =	vsel vm1, v28, v27;
	v24 =	vsel vm1, v29, v24;
	v28 =	vld [tilespmem:s11+$0xC0]  }
0x71: {  	v23 =	vsel vm0, v23, v25;
	vm0 =	vgt.f32 v35, v26;
	vm1 =	vgt.f32 v30, v27;
	v25 =	vld [tilespmem:s11+$0xFFFFF0D0]  }
0x72: {  	v26 =	vsel vm0, v35, v26;
	v27 =	vsel vm1, v30, v27;
	v22 =	vsel vm1, v22, v24;
	v24 =	vld [tilespmem:s11+$0xD0]  }
0x73: {  	v21 =	vsel vm0, v21, v23;
	vm0 =	vgt.f32 v31, v26;
	vm1 =	vgt.f32 v33, v27;
	v23 =	vld [tilespmem:s11+$0xFFFFF0E0]  }
0x74: {  	v26 =	vsel vm0, v31, v26;
	v27 =	vsel vm1, v33, v27;
	v20 =	vsel vm1, v20, v22;
	v22 =	vld [tilespmem:s11+$0xE0]  }
0x75: {  	v19 =	vsel vm0, v19, v21;
	vm0 =	vgt.f32 v32, v26;
	vm1 =	vgt.f32 v28, v27;
	v21 =	vld [tilespmem:s11+$0xFFFFF0F0]  }
0x76: {  	v26 =	vsel vm0, v32, v26;
	v27 =	vsel vm1, v28, v27;
	v18 =	vsel vm1, v18, v20;
	v20 =	vld [tilespmem:s11+$0xF0]  }
0x77: {  	v17 =	vsel vm0, v17, v19;
	vm0 =	vgt.f32 v25, v26;
	vm1 =	vgt.f32 v24, v27  }
0x78: {  	v19 =	vsel vm0, v25, v26;
	v24 =	vsel vm1, v24, v27;
	v16 =	vsel vm1, v16, v18  }
.Ltmp0:
0x79: {  	v15 =	vsel vm0, v15, v17;
	vm0 =	vgt.f32 v23, v19;
	vm1 =	vgt.f32 v22, v24;
	(pc) =	sbr.rel @p1 .LBB2_2-.Ltmp0, $4  }
0x7a: {  	v17 =	vsel vm0, v23, v19;
	v18 =	vsel vm1, v22, v24;
	v14 =	vsel vm1, v14, v16  }
0x7b: {  	v13 =	vsel vm0, v13, v15;
	vm0 =	vgt.f32 v21, v17;
	vm1 =	vgt.f32 v20, v18  }
0x7c: {  	v26 =	vsel vm0, v21, v17;
	v27 =	vsel vm1, v20, v18;
	v24 =	vsel vm1, v12, v14  }
0x7d: {  	v9 =	vadd.s32 $0x100, v9;
	v10 =	vadd.s32 $0x100, v10;
	v25 =	vsel vm0, v11, v13  }
0x7e: {  	vm0 =	vgt.f32 v27, v26  }
0x7f: {  	v9 =	vsel vm0, v27, v26  }
0x80: {  	(xrf0) =	vmax.scan.msk.f32 $0xffff, v9;
	_ =	sdelay $0x5  }
0x81: {  	v10, _, _ =	vpop (xrf0)  }
0x82: {  	v10 =	vbroadcast v10, $0xF  }
0x83: {  	v11 =	vsel vm0, v24, v25  }
0x84: {  	vm8 =	veq.f32 v9, v10;
	v9 =	vxor.u32 $0x80000000, v11  }
0x85: {  	v9 =	vnsel vm8, $0xFFFFFFFF, v9  }
0x86: {  	(xrf0) =	vmin.scan.msk.u32 $0xffff, v9;
	_ =	sdelay $0x5  }
0x87: {  	v9, _, _ =	vpop (xrf0)  }
0x88: {  	(v2sf) =	vpush v9, $0xF;
	_ =	sdelay $0xe  }
0x89: {  	s19 =	spop (v2sf)  }
0x8a: {  	s10 =	sshll.u32 s19, $0x1  }
0x8b: {  	s3 =	rddreg [dreg:$0xa];
	s10 =	sand.u32 $0xFFFFFF00, s10  }
0x8c: {  	s11 =	sand.u32 $0x70, s19;
	s10 =	sadd.s32 s3, s10  }
0x8d: {  	s10 =	sor.u32 s11, s10  }
0x8e: {  	s10 =	sshrl.u32 s10, $0x3  }
0x8f: {  	s22 =	simm.s32 $0x8000;
	s21 =	sadd.s32 s1, s10  }
0x90: {  	[tilespmem:s22], [sflag:$0x5] =	stream.linear.gather [hbm4b:s21+s4], $0x10, $0x38;
	[tilespmem:$0x8120] =	vst v63  }
0x91: {  	s23 =	simm.s32 $0x8010;
	v19 =	vimm.f32 $-Inf;
	s28 =	simm.s32 $0x2;
	v9 =	vlaneseq.u32;
	s10 =	sadd.s32 s10, s12  }
0x92: {  	v10 =	vor.u32 $0x1000, v9;
	v11 =	vadd.s32 $0xF0, v9;
	v15 =	vadd.s32 $0xD0, v9;
	[tilespmem:s23], [sflag:$0x5] =	stream.linear.gather [hbm4b:s10+s4], $0x10, $0x38;
	[tilespmem:$0x8120] =	vst v63  }
0x93: {  	v13 =	vadd.s32 $0xE0, v9;
	v17 =	vadd.s32 $0xC0, v9;
	v20 =	vadd.s32 $0xA0, v9;
	_ =	swait.ge [sflag:s28], $0x2000  }
0x94: {  	v21 =	vadd.s32 $0xB0, v9;
	v24 =	vadd.s32 $0x90, v9;
	v28 =	vadd.s32 $0x70, v9;
	[sflag:s28] =	ssyncset.done $0x0  }
0x95: {  	v29 =	vadd.s32 $0x80, v9;
	v32 =	vadd.s32 $0x60, v9;
	v36 =	vadd.s32 $0x40, v9;
	s11 =	simm.s32 $0x30F0;
	[sflag:s28] =	ssyncadd.s32 $0xFFFFE000  }
0x96: {  	v37 =	vadd.s32 $0x50, v9;
	v40 =	vadd.s32 $0x30, v9;
	v43 =	vadd.s32 $0x10, v9;
	v23 =	vld [tilespmem:s11+$0xFFFFEF10]  }
0x97: {  	v44 =	vadd.s32 $0x20, v9;
	v12 =	vadd.s32 $0xF0, v10;
	v14 =	vadd.s32 $0xE0, v10;
	v27 =	vld [tilespmem:s11+$0xFFFFFF10]  }
0x98: {  	v18 =	vadd.s32 $0xC0, v10;
	v16 =	vadd.s32 $0xD0, v10;
	v22 =	vadd.s32 $0xB0, v10  }
0x99: {  	v25 =	vadd.s32 $0x90, v10;
	v26 =	vadd.s32 $0xA0, v10;
	v30 =	vadd.s32 $0x80, v10;
	v31 =	vld [tilespmem:s11+$0xFFFFEF20]  }
0x9a: {  	v33 =	vadd.s32 $0x60, v10;
	v34 =	vadd.s32 $0x70, v10;
	v38 =	vadd.s32 $0x50, v10;
	v35 =	vld [tilespmem:s11+$0xFFFFFF20]  }
0x9b: {  	v41 =	vadd.s32 $0x30, v10;
	v42 =	vadd.s32 $0x40, v10;
	v45 =	vadd.s32 $0x20, v10;
	v39 =	vld [tilespmem:s11+$0xFFFFEF30]  }
0x9c: {  	v47 =	vadd.s32 $0x10, v10;
	v46 =	vld [tilespmem:s11+$0xFFFFFF30];
	vm9 =	vgt.f32 v23, v19;
	vm1 =	vgt.f32 v27, v19  }
0x9d: {  	v48 =	vld [tilespmem:s11+$0xFFFFEF40];
	v23 =	vsel vm9, v23, v19;
	v19 =	vsel vm1, v27, v19;
	v27 =	vsel vm1, v10, v10  }
0x9e: {  	v49 =	vld [tilespmem:s11+$0xFFFFFF40];
	v50 =	vsel vm9, v9, v9;
	v9 =	vadd.s32 $0x100, v9;
	vm10 =	vgt.f32 v31, v23  }
0x9f: {  	v51 =	vld [tilespmem:s11+$0xFFFFEF50];
	v10 =	vadd.s32 $0x100, v10;
	vm11 =	vgt.f32 v35, v19;
	v23 =	vsel vm10, v31, v23  }
0xa0: {  	v59 =	vld [tilespmem:s11+$0xFFFFFF50];
	v19 =	vsel vm11, v35, v19;
	v27 =	vsel vm11, v47, v27;
	vm12 =	vgt.f32 v39, v23  }
0xa1: {  	v61 =	vld [tilespmem:s11+$0xFFFFEF60];
	v60 =	vsel vm10, v43, v50;
	vm13 =	vgt.f32 v46, v19;
	v23 =	vsel vm12, v39, v23  }
0xa2: {  	v62 =	vld [tilespmem:s11+$0xFFFFFF60];
	v19 =	vsel vm13, v46, v19;
	v27 =	vsel vm13, v45, v27;
	vm14 =	vgt.f32 v48, v23  }
0xa3: {  	v63 =	vld [tilespmem:s11+$0xFFFFEF70];
	v35 =	vsel vm12, v44, v60;
	vm15 =	vgt.f32 v49, v19;
	v23 =	vsel vm14, v48, v23  }
0xa4: {  	v19 =	vsel vm15, v49, v19;
	v27 =	vsel vm15, v41, v27;
	v48 =	vld [tilespmem:s11+$0xFFFFFF70];
	vm4 =	vgt.f32 v51, v23  }
0xa5: {  	v35 =	vsel vm14, v40, v35;
	v49 =	vld [tilespmem:s11+$0xFFFFEF80];
	vm5 =	vgt.f32 v59, v19;
	v23 =	vsel vm4, v51, v23  }
0xa6: {  	v50 =	vld [tilespmem:s11+$0xFFFFFF80];
	v19 =	vsel vm5, v59, v19;
	v27 =	vsel vm5, v42, v27;
	vm6 =	vgt.f32 v61, v23  }
0xa7: {  	v35 =	vsel vm4, v36, v35;
	v51 =	vld [tilespmem:s11+$0xFFFFEF90];
	vm7 =	vgt.f32 v62, v19;
	v23 =	vsel vm6, v61, v23  }
0xa8: {  	v52 =	vld [tilespmem:s11+$0xFFFFFF90];
	v19 =	vsel vm7, v62, v19;
	v27 =	vsel vm7, v38, v27;
	vm8 =	vgt.f32 v63, v23  }
0xa9: {  	v53 =	vld [tilespmem:s11+$0xFFFFEFA0];
	v35 =	vsel vm6, v37, v35;
	vm9 =	vgt.f32 v48, v19;
	v23 =	vsel vm8, v63, v23  }
0xaa: {  	v54 =	vld [tilespmem:s11+$0xFFFFFFA0];
	v19 =	vsel vm9, v48, v19;
	v27 =	vsel vm9, v33, v27;
	vm10 =	vgt.f32 v49, v23  }
0xab: {  	v55 =	vld [tilespmem:s11+$0xFFFFEFB0];
	v32 =	vsel vm8, v32, v35;
	vm11 =	vgt.f32 v50, v19;
	v23 =	vsel vm10, v49, v23  }
0xac: {  	v56 =	vld [tilespmem:s11+$0xFFFFFFB0];
	v19 =	vsel vm11, v50, v19;
	v27 =	vsel vm11, v34, v27;
	vm12 =	vgt.f32 v51, v23  }
0xad: {  	v57 =	vld [tilespmem:s11+$0xFFFFEFC0];
	v28 =	vsel vm10, v28, v32;
	vm13 =	vgt.f32 v52, v19;
	v23 =	vsel vm12, v51, v23  }
0xae: {  	v58 =	vld [tilespmem:s11+$0xFFFFFFC0];
	v19 =	vsel vm13, v52, v19;
	v27 =	vsel vm13, v30, v27;
	vm14 =	vgt.f32 v53, v23  }
0xaf: {  	v28 =	vsel vm12, v29, v28;
	v29 =	vld [tilespmem:s11+$0xFFFFEFD0];
	vm15 =	vgt.f32 v54, v19;
	v23 =	vsel vm14, v53, v23  }
0xb0: {  	v19 =	vsel vm15, v54, v19;
	v25 =	vsel vm15, v25, v27;
	v27 =	vld [tilespmem:s11+$0xFFFFFFD0];
	vm4 =	vgt.f32 v55, v23  }
0xb1: {  	v24 =	vsel vm14, v24, v28;
	v28 =	vld [tilespmem:s11+$0xFFFFEFE0];
	vm5 =	vgt.f32 v56, v19;
	v23 =	vsel vm4, v55, v23  }
0xb2: {  	v19 =	vsel vm5, v56, v19;
	v25 =	vsel vm5, v26, v25;
	v26 =	vld [tilespmem:s11+$0xFFFFFFE0];
	vm6 =	vgt.f32 v57, v23  }
0xb3: {  	v20 =	vsel vm4, v20, v24;
	v24 =	vld [tilespmem:s11+$0xFFFFEFF0];
	vm7 =	vgt.f32 v58, v19;
	v23 =	vsel vm6, v57, v23  }
0xb4: {  	v19 =	vsel vm7, v58, v19;
	v22 =	vsel vm7, v22, v25;
	v25 =	vld [tilespmem:s11+$0xFFFFFFF0];
	vm8 =	vgt.f32 v29, v23  }
0xb5: {  	v59 =	vld [tilespmem:s11+$0xFFFFF000];
	v20 =	vsel vm6, v21, v20;
	vm9 =	vgt.f32 v27, v19;
	v23 =	vsel vm8, v29, v23  }
0xb6: {  	v60 =	vld [tilespmem:s11+$0x0];
	v19 =	vsel vm9, v27, v19;
	v18 =	vsel vm9, v18, v22;
	vm10 =	vgt.f32 v28, v23  }
0xb7: {  	v17 =	vsel vm8, v17, v20;
	vm11 =	vgt.f32 v26, v19;
	v61 =	vsel vm10, v28, v23  }
0xb8: {  	v19 =	vsel vm11, v26, v19;
	v16 =	vsel vm11, v16, v18;
	vm12 =	vgt.f32 v24, v61  }
0xb9: {  	v15 =	vsel vm10, v15, v17;
	vm13 =	vgt.f32 v25, v19;
	v62 =	vsel vm12, v24, v61  }
0xba: {  	v63 =	vsel vm13, v25, v19;
	v14 =	vsel vm13, v14, v16;
	vm14 =	vgt.f32 v59, v62  }
0xbb: {  	v13 =	vsel vm12, v13, v15;
	vm15 =	vgt.f32 v60, v63;
	v25 =	vsel vm14, v59, v62  }
0xbc: {  	s20 =	sxor.u32 $0x80000000, s19;
	s10 =	simm.s32 $0x0;
	v27 =	vsel vm15, v60, v63;
	v24 =	vsel vm15, v12, v14;
	v26 =	vsel vm14, v11, v13  }
.LBB2_4:
0xbd: {  	v11 =	vadd.s32 $0xF0, v9;
	v12 =	vadd.s32 $0xF0, v10  }
0xbe: {  	v15 =	vadd.s32 $0xD0, v9;
	v13 =	vadd.s32 $0xE0, v9;
	v14 =	vadd.s32 $0xE0, v10  }
0xbf: {  	v17 =	vadd.s32 $0xC0, v9;
	v18 =	vadd.s32 $0xC0, v10;
	v16 =	vadd.s32 $0xD0, v10  }
0xc0: {  	v21 =	vadd.s32 $0xA0, v9;
	v19 =	vadd.s32 $0xB0, v9;
	v20 =	vadd.s32 $0xB0, v10;
	s11 =	sadd.s32 $0x100, s11  }
0xc1: {  	v23 =	vadd.s32 $0x90, v9;
	v29 =	vadd.s32 $0x90, v10;
	v22 =	vadd.s32 $0xA0, v10;
	v28 =	vld [tilespmem:s11+$0xFFFFEF10]  }
0xc2: {  	v31 =	vadd.s32 $0x70, v9;
	v32 =	vadd.s32 $0x80, v9;
	v33 =	vadd.s32 $0x80, v10;
	s10 =	sadd.s32 $0x2, s10;
	v30 =	vld [tilespmem:s11+$0xFFFFFF10]  }
0xc3: {  	v35 =	vadd.s32 $0x60, v9;
	v36 =	vadd.s32 $0x60, v10;
	v37 =	vadd.s32 $0x70, v10;
	p1 =	slt.u32 s10, $0x1E;
	v34 =	vld [tilespmem:s11+$0xFFFFEF20]  }
0xc4: {  	v39 =	vadd.s32 $0x40, v9;
	v40 =	vadd.s32 $0x50, v9;
	v41 =	vadd.s32 $0x50, v10;
	v38 =	vld [tilespmem:s11+$0xFFFFFF20]  }
0xc5: {  	v43 =	vadd.s32 $0x30, v9;
	v44 =	vadd.s32 $0x30, v10;
	v45 =	vadd.s32 $0x40, v10;
	v42 =	vld [tilespmem:s11+$0xFFFFEF30]  }
0xc6: {  	v46 =	vadd.s32 $0x10, v9;
	v47 =	vadd.s32 $0x20, v9;
	v48 =	vadd.s32 $0x20, v10;
	v49 =	vld [tilespmem:s11+$0xFFFFFF30]  }
0xc7: {  	v50 =	vadd.s32 $0x10, v10;
	vm0 =	vgt.f32 v28, v25;
	vm1 =	vgt.f32 v30, v27;
	v51 =	vld [tilespmem:s11+$0xFFFFEF40]  }
0xc8: {  	v25 =	vsel vm0, v28, v25;
	v27 =	vsel vm1, v30, v27;
	v24 =	vsel vm1, v10, v24;
	v28 =	vld [tilespmem:s11+$0xFFFFFF40]  }
0xc9: {  	v26 =	vsel vm0, v9, v26;
	vm0 =	vgt.f32 v34, v25;
	vm1 =	vgt.f32 v38, v27;
	v30 =	vld [tilespmem:s11+$0xFFFFEF50]  }
0xca: {  	v25 =	vsel vm0, v34, v25;
	v27 =	vsel vm1, v38, v27;
	v24 =	vsel vm1, v50, v24;
	v34 =	vld [tilespmem:s11+$0xFFFFFF50]  }
0xcb: {  	v26 =	vsel vm0, v46, v26;
	vm0 =	vgt.f32 v42, v25;
	vm1 =	vgt.f32 v49, v27;
	v38 =	vld [tilespmem:s11+$0xFFFFEF60]  }
0xcc: {  	v25 =	vsel vm0, v42, v25;
	v27 =	vsel vm1, v49, v27;
	v24 =	vsel vm1, v48, v24;
	v42 =	vld [tilespmem:s11+$0xFFFFFF60]  }
0xcd: {  	v26 =	vsel vm0, v47, v26;
	vm0 =	vgt.f32 v51, v25;
	vm1 =	vgt.f32 v28, v27;
	v46 =	vld [tilespmem:s11+$0xFFFFEF70]  }
0xce: {  	v25 =	vsel vm0, v51, v25;
	v27 =	vsel vm1, v28, v27;
	v24 =	vsel vm1, v44, v24;
	v28 =	vld [tilespmem:s11+$0xFFFFFF70]  }
0xcf: {  	v26 =	vsel vm0, v43, v26;
	vm0 =	vgt.f32 v30, v25;
	vm1 =	vgt.f32 v34, v27;
	v43 =	vld [tilespmem:s11+$0xFFFFEF80]  }
0xd0: {  	v25 =	vsel vm0, v30, v25;
	v27 =	vsel vm1, v34, v27;
	v24 =	vsel vm1, v45, v24;
	v30 =	vld [tilespmem:s11+$0xFFFFFF80]  }
0xd1: {  	v26 =	vsel vm0, v39, v26;
	vm0 =	vgt.f32 v38, v25;
	vm1 =	vgt.f32 v42, v27;
	v34 =	vld [tilespmem:s11+$0xFFFFEF90]  }
0xd2: {  	v25 =	vsel vm0, v38, v25;
	v27 =	vsel vm1, v42, v27;
	v24 =	vsel vm1, v41, v24;
	v38 =	vld [tilespmem:s11+$0xFFFFFF90]  }
0xd3: {  	v26 =	vsel vm0, v40, v26;
	vm0 =	vgt.f32 v46, v25;
	vm1 =	vgt.f32 v28, v27;
	v39 =	vld [tilespmem:s11+$0xFFFFEFA0]  }
0xd4: {  	v25 =	vsel vm0, v46, v25;
	v27 =	vsel vm1, v28, v27;
	v24 =	vsel vm1, v36, v24;
	v28 =	vld [tilespmem:s11+$0xFFFFFFA0]  }
0xd5: {  	v26 =	vsel vm0, v35, v26;
	vm0 =	vgt.f32 v43, v25;
	vm1 =	vgt.f32 v30, v27;
	v35 =	vld [tilespmem:s11+$0xFFFFEFB0]  }
0xd6: {  	v25 =	vsel vm0, v43, v25;
	v27 =	vsel vm1, v30, v27;
	v24 =	vsel vm1, v37, v24;
	v30 =	vld [tilespmem:s11+$0xFFFFFFB0]  }
0xd7: {  	v26 =	vsel vm0, v31, v26;
	vm0 =	vgt.f32 v34, v25;
	vm1 =	vgt.f32 v38, v27;
	v31 =	vld [tilespmem:s11+$0xFFFFEFC0]  }
0xd8: {  	v25 =	vsel vm0, v34, v25;
	v27 =	vsel vm1, v38, v27;
	v24 =	vsel vm1, v33, v24;
	v33 =	vld [tilespmem:s11+$0xFFFFFFC0]  }
0xd9: {  	v26 =	vsel vm0, v32, v26;
	vm0 =	vgt.f32 v39, v25;
	vm1 =	vgt.f32 v28, v27;
	v32 =	vld [tilespmem:s11+$0xFFFFEFD0]  }
0xda: {  	v25 =	vsel vm0, v39, v25;
	v27 =	vsel vm1, v28, v27;
	v24 =	vsel vm1, v29, v24;
	v28 =	vld [tilespmem:s11+$0xFFFFFFD0]  }
0xdb: {  	v23 =	vsel vm0, v23, v26;
	vm0 =	vgt.f32 v35, v25;
	vm1 =	vgt.f32 v30, v27;
	v26 =	vld [tilespmem:s11+$0xFFFFEFE0]  }
0xdc: {  	v25 =	vsel vm0, v35, v25;
	v27 =	vsel vm1, v30, v27;
	v22 =	vsel vm1, v22, v24;
	v24 =	vld [tilespmem:s11+$0xFFFFFFE0]  }
0xdd: {  	v21 =	vsel vm0, v21, v23;
	vm0 =	vgt.f32 v31, v25;
	vm1 =	vgt.f32 v33, v27;
	v23 =	vld [tilespmem:s11+$0xFFFFEFF0]  }
0xde: {  	v25 =	vsel vm0, v31, v25;
	v27 =	vsel vm1, v33, v27;
	v20 =	vsel vm1, v20, v22;
	v22 =	vld [tilespmem:s11+$0xFFFFFFF0]  }
0xdf: {  	v19 =	vsel vm0, v19, v21;
	vm0 =	vgt.f32 v32, v25;
	vm1 =	vgt.f32 v28, v27;
	v21 =	vld [tilespmem:s11+$0xFFFFF000]  }
0xe0: {  	v25 =	vsel vm0, v32, v25;
	v27 =	vsel vm1, v28, v27;
	v18 =	vsel vm1, v18, v20;
	v20 =	vld [tilespmem:s11+$0x0]  }
0xe1: {  	v17 =	vsel vm0, v17, v19;
	vm0 =	vgt.f32 v26, v25;
	vm1 =	vgt.f32 v24, v27  }
0xe2: {  	v19 =	vsel vm0, v26, v25;
	v24 =	vsel vm1, v24, v27;
	v16 =	vsel vm1, v16, v18  }
.Ltmp1:
0xe3: {  	v15 =	vsel vm0, v15, v17;
	vm0 =	vgt.f32 v23, v19;
	vm1 =	vgt.f32 v22, v24;
	(pc) =	sbr.rel @p1 .LBB2_4-.Ltmp1, $4  }
0xe4: {  	v17 =	vsel vm0, v23, v19;
	v18 =	vsel vm1, v22, v24;
	v14 =	vsel vm1, v14, v16  }
0xe5: {  	v13 =	vsel vm0, v13, v15;
	vm0 =	vgt.f32 v21, v17;
	vm1 =	vgt.f32 v20, v18  }
0xe6: {  	v25 =	vsel vm0, v21, v17;
	v27 =	vsel vm1, v20, v18;
	v24 =	vsel vm1, v12, v14  }
0xe7: {  	v9 =	vadd.s32 $0x100, v9;
	v10 =	vadd.s32 $0x100, v10;
	v26 =	vsel vm0, v11, v13  }
0xe8: {  	vm0 =	vgt.f32 v27, v25  }
0xe9: {  	v9 =	vsel vm0, v27, v25  }
0xea: {  	(xrf0) =	vmax.scan.msk.f32 $0xffff, v9;
	_ =	sdelay $0x5  }
0xeb: {  	v10, _, _ =	vpop (xrf0)  }
0xec: {  	v10 =	vbroadcast v10, $0xF  }
0xed: {  	v11 =	vsel vm0, v24, v26  }
0xee: {  	vm8 =	veq.f32 v9, v10;
	v9 =	vxor.u32 $0x80000000, v11  }
0xef: {  	v9 =	vnsel vm8, $0xFFFFFFFF, v9  }
0xf0: {  	(xrf0) =	vmin.scan.msk.u32 $0xffff, v9;
	_ =	sdelay $0x5  }
0xf1: {  	v9, _, _ =	vpop (xrf0)  }
0xf2: {  	(v2sf) =	vpush v9, $0xF;
	_ =	sdelay $0xe  }
0xf3: {  	s21 =	spop (v2sf)  }
0xf4: {  	s3 =	rddreg [dreg:$0x10];
	s10 =	sand.u32 $0x70, s21;
	s11 =	sshll.u32 s21, $0x1  }
0xf5: {  	s11 =	sand.u32 $0xFFFFFF00, s11;
	s10 =	sor.u32 s3, s10  }
0xf6: {  	s10 =	sadd.s32 s11, s10  }
0xf7: {  	s10 =	sshrl.u32 s10, $0x3  }
0xf8: {  	s22 =	simm.s32 $0x8020;
	s13 =	sadd.s32 s1, s10  }
0xf9: {  	[tilespmem:s22], [sflag:$0x6] =	stream.linear.gather [hbm4b:s13+s4], $0x10, $0x38;
	[tilespmem:$0x8120] =	vst v63  }
0xfa: {  	s23 =	simm.s32 $0x8030;
	v19 =	vimm.f32 $-Inf;
	s28 =	simm.s32 $0x3;
	v9 =	vlaneseq.u32;
	s10 =	sadd.s32 s10, s12  }
0xfb: {  	v10 =	vor.u32 $0x1000, v9;
	v11 =	vadd.s32 $0xF0, v9;
	v15 =	vadd.s32 $0xD0, v9;
	[tilespmem:s23], [sflag:$0x6] =	stream.linear.gather [hbm4b:s10+s4], $0x10, $0x38;
	[tilespmem:$0x8120] =	vst v63  }
0xfc: {  	v13 =	vadd.s32 $0xE0, v9;
	v17 =	vadd.s32 $0xC0, v9;
	v20 =	vadd.s32 $0xA0, v9;
	_ =	swait.ge [sflag:s28], $0x2000  }
0xfd: {  	v21 =	vadd.s32 $0xB0, v9;
	v24 =	vadd.s32 $0x90, v9;
	v28 =	vadd.s32 $0x70, v9;
	[sflag:s28] =	ssyncset.done $0x0  }
0xfe: {  	v29 =	vadd.s32 $0x80, v9;
	v32 =	vadd.s32 $0x60, v9;
	v36 =	vadd.s32 $0x40, v9;
	s11 =	simm.s32 $0x4000;
	[sflag:s28] =	ssyncadd.s32 $0xFFFFE000  }
0xff: {  	v37 =	vadd.s32 $0x50, v9;
	v40 =	vadd.s32 $0x30, v9;
	v43 =	vadd.s32 $0x10, v9;
	v23 =	vld [tilespmem:s11+$0x0]  }
0x100: {  	v44 =	vadd.s32 $0x20, v9;
	v12 =	vadd.s32 $0xF0, v10;
	v14 =	vadd.s32 $0xE0, v10;
	v27 =	vld [tilespmem:s11+$0x1000]  }
0x101: {  	v18 =	vadd.s32 $0xC0, v10;
	v16 =	vadd.s32 $0xD0, v10;
	v22 =	vadd.s32 $0xB0, v10  }
0x102: {  	v25 =	vadd.s32 $0x90, v10;
	v26 =	vadd.s32 $0xA0, v10;
	v30 =	vadd.s32 $0x80, v10;
	v31 =	vld [tilespmem:s11+$0x10]  }
0x103: {  	v33 =	vadd.s32 $0x60, v10;
	v34 =	vadd.s32 $0x70, v10;
	v38 =	vadd.s32 $0x50, v10;
	v35 =	vld [tilespmem:s11+$0x1010]  }
0x104: {  	v41 =	vadd.s32 $0x30, v10;
	v42 =	vadd.s32 $0x40, v10;
	v45 =	vadd.s32 $0x20, v10;
	v39 =	vld [tilespmem:s11+$0x20]  }
0x105: {  	v47 =	vadd.s32 $0x10, v10;
	v46 =	vld [tilespmem:s11+$0x1020];
	vm9 =	vgt.f32 v23, v19;
	vm1 =	vgt.f32 v27, v19  }
0x106: {  	v48 =	vld [tilespmem:s11+$0x30];
	v23 =	vsel vm9, v23, v19;
	v19 =	vsel vm1, v27, v19;
	v27 =	vsel vm1, v10, v10  }
0x107: {  	v49 =	vld [tilespmem:s11+$0x1030];
	v50 =	vsel vm9, v9, v9;
	v9 =	vadd.s32 $0x100, v9;
	vm10 =	vgt.f32 v31, v23  }
0x108: {  	v51 =	vld [tilespmem:s11+$0x40];
	v10 =	vadd.s32 $0x100, v10;
	vm11 =	vgt.f32 v35, v19;
	v23 =	vsel vm10, v31, v23  }
0x109: {  	v59 =	vld [tilespmem:s11+$0x1040];
	v19 =	vsel vm11, v35, v19;
	v27 =	vsel vm11, v47, v27;
	vm12 =	vgt.f32 v39, v23  }
0x10a: {  	v61 =	vld [tilespmem:s11+$0x50];
	v60 =	vsel vm10, v43, v50;
	vm13 =	vgt.f32 v46, v19;
	v23 =	vsel vm12, v39, v23  }
0x10b: {  	v62 =	vld [tilespmem:s11+$0x1050];
	v19 =	vsel vm13, v46, v19;
	v27 =	vsel vm13, v45, v27;
	vm14 =	vgt.f32 v48, v23  }
0x10c: {  	v63 =	vld [tilespmem:s11+$0x60];
	v35 =	vsel vm12, v44, v60;
	vm15 =	vgt.f32 v49, v19;
	v23 =	vsel vm14, v48, v23  }
0x10d: {  	v19 =	vsel vm15, v49, v19;
	v27 =	vsel vm15, v41, v27;
	v48 =	vld [tilespmem:s11+$0x1060];
	vm4 =	vgt.f32 v51, v23  }
0x10e: {  	v35 =	vsel vm14, v40, v35;
	v49 =	vld [tilespmem:s11+$0x70];
	vm5 =	vgt.f32 v59, v19;
	v23 =	vsel vm4, v51, v23  }
0x10f: {  	v50 =	vld [tilespmem:s11+$0x1070];
	v19 =	vsel vm5, v59, v19;
	v27 =	vsel vm5, v42, v27;
	vm6 =	vgt.f32 v61, v23  }
0x110: {  	v35 =	vsel vm4, v36, v35;
	v51 =	vld [tilespmem:s11+$0x80];
	vm7 =	vgt.f32 v62, v19;
	v23 =	vsel vm6, v61, v23  }
0x111: {  	v52 =	vld [tilespmem:s11+$0x1080];
	v19 =	vsel vm7, v62, v19;
	v27 =	vsel vm7, v38, v27;
	vm8 =	vgt.f32 v63, v23  }
0x112: {  	v53 =	vld [tilespmem:s11+$0x90];
	v35 =	vsel vm6, v37, v35;
	vm9 =	vgt.f32 v48, v19;
	v23 =	vsel vm8, v63, v23  }
0x113: {  	v54 =	vld [tilespmem:s11+$0x1090];
	v19 =	vsel vm9, v48, v19;
	v27 =	vsel vm9, v33, v27;
	vm10 =	vgt.f32 v49, v23  }
0x114: {  	v55 =	vld [tilespmem:s11+$0xA0];
	v32 =	vsel vm8, v32, v35;
	vm11 =	vgt.f32 v50, v19;
	v23 =	vsel vm10, v49, v23  }
0x115: {  	v56 =	vld [tilespmem:s11+$0x10A0];
	v19 =	vsel vm11, v50, v19;
	v27 =	vsel vm11, v34, v27;
	vm12 =	vgt.f32 v51, v23  }
0x116: {  	v57 =	vld [tilespmem:s11+$0xB0];
	v28 =	vsel vm10, v28, v32;
	vm13 =	vgt.f32 v52, v19;
	v23 =	vsel vm12, v51, v23  }
0x117: {  	v58 =	vld [tilespmem:s11+$0x10B0];
	v19 =	vsel vm13, v52, v19;
	v27 =	vsel vm13, v30, v27;
	vm14 =	vgt.f32 v53, v23  }
0x118: {  	v28 =	vsel vm12, v29, v28;
	v29 =	vld [tilespmem:s11+$0xC0];
	vm15 =	vgt.f32 v54, v19;
	v23 =	vsel vm14, v53, v23  }
0x119: {  	v19 =	vsel vm15, v54, v19;
	v25 =	vsel vm15, v25, v27;
	v27 =	vld [tilespmem:s11+$0x10C0];
	vm4 =	vgt.f32 v55, v23  }
0x11a: {  	v24 =	vsel vm14, v24, v28;
	v28 =	vld [tilespmem:s11+$0xD0];
	vm5 =	vgt.f32 v56, v19;
	v23 =	vsel vm4, v55, v23  }
0x11b: {  	v19 =	vsel vm5, v56, v19;
	v25 =	vsel vm5, v26, v25;
	v26 =	vld [tilespmem:s11+$0x10D0];
	vm6 =	vgt.f32 v57, v23  }
0x11c: {  	v20 =	vsel vm4, v20, v24;
	v24 =	vld [tilespmem:s11+$0xE0];
	vm7 =	vgt.f32 v58, v19;
	v23 =	vsel vm6, v57, v23  }
0x11d: {  	v19 =	vsel vm7, v58, v19;
	v22 =	vsel vm7, v22, v25;
	v25 =	vld [tilespmem:s11+$0x10E0];
	vm8 =	vgt.f32 v29, v23  }
0x11e: {  	v59 =	vld [tilespmem:s11+$0xF0];
	v20 =	vsel vm6, v21, v20;
	vm9 =	vgt.f32 v27, v19;
	v23 =	vsel vm8, v29, v23  }
0x11f: {  	v60 =	vld [tilespmem:s11+$0x10F0];
	v19 =	vsel vm9, v27, v19;
	v18 =	vsel vm9, v18, v22;
	vm10 =	vgt.f32 v28, v23  }
0x120: {  	v17 =	vsel vm8, v17, v20;
	vm11 =	vgt.f32 v26, v19;
	v61 =	vsel vm10, v28, v23  }
0x121: {  	v19 =	vsel vm11, v26, v19;
	v16 =	vsel vm11, v16, v18;
	vm12 =	vgt.f32 v24, v61  }
0x122: {  	v15 =	vsel vm10, v15, v17;
	vm13 =	vgt.f32 v25, v19;
	v62 =	vsel vm12, v24, v61  }
0x123: {  	v63 =	vsel vm13, v25, v19;
	v14 =	vsel vm13, v14, v16;
	vm14 =	vgt.f32 v59, v62  }
0x124: {  	v13 =	vsel vm12, v13, v15;
	vm15 =	vgt.f32 v60, v63;
	v25 =	vsel vm14, v59, v62  }
0x125: {  	s22 =	sxor.u32 $0x80000000, s21;
	s10 =	simm.s32 $0x0;
	v27 =	vsel vm15, v60, v63;
	v24 =	vsel vm15, v12, v14;
	v26 =	vsel vm14, v11, v13  }
.LBB2_6:
0x126: {  	v11 =	vadd.s32 $0xF0, v9;
	v12 =	vadd.s32 $0xF0, v10  }
0x127: {  	v15 =	vadd.s32 $0xD0, v9;
	v13 =	vadd.s32 $0xE0, v9;
	v14 =	vadd.s32 $0xE0, v10  }
0x128: {  	v17 =	vadd.s32 $0xC0, v9;
	v18 =	vadd.s32 $0xC0, v10;
	v16 =	vadd.s32 $0xD0, v10  }
0x129: {  	v21 =	vadd.s32 $0xA0, v9;
	v19 =	vadd.s32 $0xB0, v9;
	v20 =	vadd.s32 $0xB0, v10;
	s11 =	sadd.s32 $0x100, s11  }
0x12a: {  	v23 =	vadd.s32 $0x90, v9;
	v29 =	vadd.s32 $0x90, v10;
	v22 =	vadd.s32 $0xA0, v10;
	v28 =	vld [tilespmem:s11+$0x0]  }
0x12b: {  	v31 =	vadd.s32 $0x70, v9;
	v32 =	vadd.s32 $0x80, v9;
	v33 =	vadd.s32 $0x80, v10;
	s10 =	sadd.s32 $0x2, s10;
	v30 =	vld [tilespmem:s11+$0x1000]  }
0x12c: {  	v35 =	vadd.s32 $0x60, v9;
	v36 =	vadd.s32 $0x60, v10;
	v37 =	vadd.s32 $0x70, v10;
	p1 =	slt.u32 s10, $0x1E;
	v34 =	vld [tilespmem:s11+$0x10]  }
0x12d: {  	v39 =	vadd.s32 $0x40, v9;
	v40 =	vadd.s32 $0x50, v9;
	v41 =	vadd.s32 $0x50, v10;
	v38 =	vld [tilespmem:s11+$0x1010]  }
0x12e: {  	v43 =	vadd.s32 $0x30, v9;
	v44 =	vadd.s32 $0x30, v10;
	v45 =	vadd.s32 $0x40, v10;
	v42 =	vld [tilespmem:s11+$0x20]  }
0x12f: {  	v46 =	vadd.s32 $0x10, v9;
	v47 =	vadd.s32 $0x20, v9;
	v48 =	vadd.s32 $0x20, v10;
	v49 =	vld [tilespmem:s11+$0x1020]  }
0x130: {  	v50 =	vadd.s32 $0x10, v10;
	vm0 =	vgt.f32 v28, v25;
	vm1 =	vgt.f32 v30, v27;
	v51 =	vld [tilespmem:s11+$0x30]  }
0x131: {  	v25 =	vsel vm0, v28, v25;
	v27 =	vsel vm1, v30, v27;
	v24 =	vsel vm1, v10, v24;
	v28 =	vld [tilespmem:s11+$0x1030]  }
0x132: {  	v26 =	vsel vm0, v9, v26;
	vm0 =	vgt.f32 v34, v25;
	vm1 =	vgt.f32 v38, v27;
	v30 =	vld [tilespmem:s11+$0x40]  }
0x133: {  	v25 =	vsel vm0, v34, v25;
	v27 =	vsel vm1, v38, v27;
	v24 =	vsel vm1, v50, v24;
	v34 =	vld [tilespmem:s11+$0x1040]  }
0x134: {  	v26 =	vsel vm0, v46, v26;
	vm0 =	vgt.f32 v42, v25;
	vm1 =	vgt.f32 v49, v27;
	v38 =	vld [tilespmem:s11+$0x50]  }
0x135: {  	v25 =	vsel vm0, v42, v25;
	v27 =	vsel vm1, v49, v27;
	v24 =	vsel vm1, v48, v24;
	v42 =	vld [tilespmem:s11+$0x1050]  }
0x136: {  	v26 =	vsel vm0, v47, v26;
	vm0 =	vgt.f32 v51, v25;
	vm1 =	vgt.f32 v28, v27;
	v46 =	vld [tilespmem:s11+$0x60]  }
0x137: {  	v25 =	vsel vm0, v51, v25;
	v27 =	vsel vm1, v28, v27;
	v24 =	vsel vm1, v44, v24;
	v28 =	vld [tilespmem:s11+$0x1060]  }
0x138: {  	v26 =	vsel vm0, v43, v26;
	vm0 =	vgt.f32 v30, v25;
	vm1 =	vgt.f32 v34, v27;
	v43 =	vld [tilespmem:s11+$0x70]  }
0x139: {  	v25 =	vsel vm0, v30, v25;
	v27 =	vsel vm1, v34, v27;
	v24 =	vsel vm1, v45, v24;
	v30 =	vld [tilespmem:s11+$0x1070]  }
0x13a: {  	v26 =	vsel vm0, v39, v26;
	vm0 =	vgt.f32 v38, v25;
	vm1 =	vgt.f32 v42, v27;
	v34 =	vld [tilespmem:s11+$0x80]  }
0x13b: {  	v25 =	vsel vm0, v38, v25;
	v27 =	vsel vm1, v42, v27;
	v24 =	vsel vm1, v41, v24;
	v38 =	vld [tilespmem:s11+$0x1080]  }
0x13c: {  	v26 =	vsel vm0, v40, v26;
	vm0 =	vgt.f32 v46, v25;
	vm1 =	vgt.f32 v28, v27;
	v39 =	vld [tilespmem:s11+$0x90]  }
0x13d: {  	v25 =	vsel vm0, v46, v25;
	v27 =	vsel vm1, v28, v27;
	v24 =	vsel vm1, v36, v24;
	v28 =	vld [tilespmem:s11+$0x1090]  }
0x13e: {  	v26 =	vsel vm0, v35, v26;
	vm0 =	vgt.f32 v43, v25;
	vm1 =	vgt.f32 v30, v27;
	v35 =	vld [tilespmem:s11+$0xA0]  }
0x13f: {  	v25 =	vsel vm0, v43, v25;
	v27 =	vsel vm1, v30, v27;
	v24 =	vsel vm1, v37, v24;
	v30 =	vld [tilespmem:s11+$0x10A0]  }
0x140: {  	v26 =	vsel vm0, v31, v26;
	vm0 =	vgt.f32 v34, v25;
	vm1 =	vgt.f32 v38, v27;
	v31 =	vld [tilespmem:s11+$0xB0]  }
0x141: {  	v25 =	vsel vm0, v34, v25;
	v27 =	vsel vm1, v38, v27;
	v24 =	vsel vm1, v33, v24;
	v33 =	vld [tilespmem:s11+$0x10B0]  }
0x142: {  	v26 =	vsel vm0, v32, v26;
	vm0 =	vgt.f32 v39, v25;
	vm1 =	vgt.f32 v28, v27;
	v32 =	vld [tilespmem:s11+$0xC0]  }
0x143: {  	v25 =	vsel vm0, v39, v25;
	v27 =	vsel vm1, v28, v27;
	v24 =	vsel vm1, v29, v24;
	v28 =	vld [tilespmem:s11+$0x10C0]  }
0x144: {  	v23 =	vsel vm0, v23, v26;
	vm0 =	vgt.f32 v35, v25;
	vm1 =	vgt.f32 v30, v27;
	v26 =	vld [tilespmem:s11+$0xD0]  }
0x145: {  	v25 =	vsel vm0, v35, v25;
	v27 =	vsel vm1, v30, v27;
	v22 =	vsel vm1, v22, v24;
	v24 =	vld [tilespmem:s11+$0x10D0]  }
0x146: {  	v21 =	vsel vm0, v21, v23;
	vm0 =	vgt.f32 v31, v25;
	vm1 =	vgt.f32 v33, v27;
	v23 =	vld [tilespmem:s11+$0xE0]  }
0x147: {  	v25 =	vsel vm0, v31, v25;
	v27 =	vsel vm1, v33, v27;
	v20 =	vsel vm1, v20, v22;
	v22 =	vld [tilespmem:s11+$0x10E0]  }
0x148: {  	v19 =	vsel vm0, v19, v21;
	vm0 =	vgt.f32 v32, v25;
	vm1 =	vgt.f32 v28, v27;
	v21 =	vld [tilespmem:s11+$0xF0]  }
0x149: {  	v25 =	vsel vm0, v32, v25;
	v27 =	vsel vm1, v28, v27;
	v18 =	vsel vm1, v18, v20;
	v20 =	vld [tilespmem:s11+$0x10F0]  }
0x14a: {  	v17 =	vsel vm0, v17, v19;
	vm0 =	vgt.f32 v26, v25;
	vm1 =	vgt.f32 v24, v27  }
0x14b: {  	v19 =	vsel vm0, v26, v25;
	v24 =	vsel vm1, v24, v27;
	v16 =	vsel vm1, v16, v18  }
.Ltmp2:
0x14c: {  	v15 =	vsel vm0, v15, v17;
	vm0 =	vgt.f32 v23, v19;
	vm1 =	vgt.f32 v22, v24;
	(pc) =	sbr.rel @p1 .LBB2_6-.Ltmp2, $4  }
0x14d: {  	v17 =	vsel vm0, v23, v19;
	v18 =	vsel vm1, v22, v24;
	v14 =	vsel vm1, v14, v16  }
0x14e: {  	v13 =	vsel vm0, v13, v15;
	vm0 =	vgt.f32 v21, v17;
	vm1 =	vgt.f32 v20, v18  }
0x14f: {  	v25 =	vsel vm0, v21, v17;
	v27 =	vsel vm1, v20, v18;
	v24 =	vsel vm1, v12, v14  }
0x150: {  	v9 =	vadd.s32 $0x100, v9;
	v10 =	vadd.s32 $0x100, v10;
	v26 =	vsel vm0, v11, v13  }
0x151: {  	vm0 =	vgt.f32 v27, v25  }
0x152: {  	v9 =	vsel vm0, v27, v25  }
0x153: {  	(xrf0) =	vmax.scan.msk.f32 $0xffff, v9;
	_ =	sdelay $0x5  }
0x154: {  	v10, _, _ =	vpop (xrf0)  }
0x155: {  	v10 =	vbroadcast v10, $0xF  }
0x156: {  	v11 =	vsel vm0, v24, v26  }
0x157: {  	vm8 =	veq.f32 v9, v10;
	v9 =	vxor.u32 $0x80000000, v11  }
0x158: {  	v9 =	vnsel vm8, $0xFFFFFFFF, v9  }
0x159: {  	(xrf0) =	vmin.scan.msk.u32 $0xffff, v9;
	_ =	sdelay $0x5  }
0x15a: {  	v9, _, _ =	vpop (xrf0)  }
0x15b: {  	(v2sf) =	vpush v9, $0xF;
	_ =	sdelay $0xe  }
0x15c: {  	s23 =	spop (v2sf)  }
0x15d: {  	s3 =	rddreg [dreg:$0x11];
	s10 =	sand.u32 $0x70, s23;
	s11 =	sshll.u32 s23, $0x1  }
0x15e: {  	s11 =	sand.u32 $0xFFFFFF00, s11;
	s10 =	sor.u32 s3, s10  }
0x15f: {  	s10 =	sadd.s32 s11, s10  }
0x160: {  	s10 =	sshrl.u32 s10, $0x3  }
0x161: {  	s13 =	simm.s32 $0x8040;
	s9 =	sadd.s32 s1, s10  }
0x162: {  	[tilespmem:s13], [sflag:$0x7] =	stream.linear.gather [hbm4b:s9+s4], $0x10, $0x38;
	[tilespmem:$0x8120] =	vst v63  }
0x163: {  	s28 =	simm.s32 $0x8050;
	v19 =	vimm.f32 $-Inf;
	v9 =	vlaneseq.u32;
	s10 =	sadd.s32 s10, s12  }
0x164: {  	v10 =	vor.u32 $0x1000, v9;
	v11 =	vadd.s32 $0xF0, v9;
	v15 =	vadd.s32 $0xD0, v9;
	[tilespmem:s28], [sflag:$0x7] =	stream.linear.gather [hbm4b:s10+s4], $0x10, $0x38;
	[tilespmem:$0x8120] =	vst v63  }
0x165: {  	v13 =	vadd.s32 $0xE0, v9;
	v17 =	vadd.s32 $0xC0, v9;
	v20 =	vadd.s32 $0xA0, v9;
	_ =	swait.ge [sflag:s31], $0x2000  }
0x166: {  	v21 =	vadd.s32 $0xB0, v9;
	v24 =	vadd.s32 $0x90, v9;
	v28 =	vadd.s32 $0x70, v9;
	[sflag:s31] =	ssyncset.done $0x0  }
0x167: {  	v29 =	vadd.s32 $0x80, v9;
	v32 =	vadd.s32 $0x60, v9;
	v36 =	vadd.s32 $0x40, v9;
	s13 =	simm.s32 $0x6000;
	[sflag:s31] =	ssyncadd.s32 $0xFFFFE000  }
0x168: {  	v37 =	vadd.s32 $0x50, v9;
	v40 =	vadd.s32 $0x30, v9;
	v43 =	vadd.s32 $0x10, v9;
	v23 =	vld [tilespmem:s13+$0x0]  }
0x169: {  	v44 =	vadd.s32 $0x20, v9;
	v12 =	vadd.s32 $0xF0, v10;
	v14 =	vadd.s32 $0xE0, v10;
	v27 =	vld [tilespmem:s13+$0x1000]  }
0x16a: {  	v18 =	vadd.s32 $0xC0, v10;
	v16 =	vadd.s32 $0xD0, v10;
	v22 =	vadd.s32 $0xB0, v10  }
0x16b: {  	v25 =	vadd.s32 $0x90, v10;
	v26 =	vadd.s32 $0xA0, v10;
	v30 =	vadd.s32 $0x80, v10;
	v31 =	vld [tilespmem:s13+$0x10]  }
0x16c: {  	v33 =	vadd.s32 $0x60, v10;
	v34 =	vadd.s32 $0x70, v10;
	v38 =	vadd.s32 $0x50, v10;
	v35 =	vld [tilespmem:s13+$0x1010]  }
0x16d: {  	v41 =	vadd.s32 $0x30, v10;
	v42 =	vadd.s32 $0x40, v10;
	v45 =	vadd.s32 $0x20, v10;
	v39 =	vld [tilespmem:s13+$0x20]  }
0x16e: {  	v47 =	vadd.s32 $0x10, v10;
	v46 =	vld [tilespmem:s13+$0x1020];
	vm9 =	vgt.f32 v23, v19;
	vm1 =	vgt.f32 v27, v19  }
0x16f: {  	v48 =	vld [tilespmem:s13+$0x30];
	v23 =	vsel vm9, v23, v19;
	v19 =	vsel vm1, v27, v19;
	v27 =	vsel vm1, v10, v10  }
0x170: {  	v49 =	vld [tilespmem:s13+$0x1030];
	v50 =	vsel vm9, v9, v9;
	v9 =	vadd.s32 $0x100, v9;
	vm10 =	vgt.f32 v31, v23  }
0x171: {  	v51 =	vld [tilespmem:s13+$0x40];
	v10 =	vadd.s32 $0x100, v10;
	vm11 =	vgt.f32 v35, v19;
	v23 =	vsel vm10, v31, v23  }
0x172: {  	v59 =	vld [tilespmem:s13+$0x1040];
	v19 =	vsel vm11, v35, v19;
	v27 =	vsel vm11, v47, v27;
	vm12 =	vgt.f32 v39, v23  }
0x173: {  	v61 =	vld [tilespmem:s13+$0x50];
	v60 =	vsel vm10, v43, v50;
	vm13 =	vgt.f32 v46, v19;
	v23 =	vsel vm12, v39, v23  }
0x174: {  	v62 =	vld [tilespmem:s13+$0x1050];
	v19 =	vsel vm13, v46, v19;
	v27 =	vsel vm13, v45, v27;
	vm14 =	vgt.f32 v48, v23  }
0x175: {  	v63 =	vld [tilespmem:s13+$0x60];
	v35 =	vsel vm12, v44, v60;
	vm15 =	vgt.f32 v49, v19;
	v23 =	vsel vm14, v48, v23  }
0x176: {  	v19 =	vsel vm15, v49, v19;
	v27 =	vsel vm15, v41, v27;
	v48 =	vld [tilespmem:s13+$0x1060];
	vm4 =	vgt.f32 v51, v23  }
0x177: {  	v35 =	vsel vm14, v40, v35;
	v49 =	vld [tilespmem:s13+$0x70];
	vm5 =	vgt.f32 v59, v19;
	v23 =	vsel vm4, v51, v23  }
0x178: {  	v50 =	vld [tilespmem:s13+$0x1070];
	v19 =	vsel vm5, v59, v19;
	v27 =	vsel vm5, v42, v27;
	vm6 =	vgt.f32 v61, v23  }
0x179: {  	v35 =	vsel vm4, v36, v35;
	v51 =	vld [tilespmem:s13+$0x80];
	vm7 =	vgt.f32 v62, v19;
	v23 =	vsel vm6, v61, v23  }
0x17a: {  	v52 =	vld [tilespmem:s13+$0x1080];
	v19 =	vsel vm7, v62, v19;
	v27 =	vsel vm7, v38, v27;
	vm8 =	vgt.f32 v63, v23  }
0x17b: {  	v53 =	vld [tilespmem:s13+$0x90];
	v35 =	vsel vm6, v37, v35;
	vm9 =	vgt.f32 v48, v19;
	v23 =	vsel vm8, v63, v23  }
0x17c: {  	v54 =	vld [tilespmem:s13+$0x1090];
	v19 =	vsel vm9, v48, v19;
	v27 =	vsel vm9, v33, v27;
	vm10 =	vgt.f32 v49, v23  }
0x17d: {  	v55 =	vld [tilespmem:s13+$0xA0];
	v32 =	vsel vm8, v32, v35;
	vm11 =	vgt.f32 v50, v19;
	v23 =	vsel vm10, v49, v23  }
0x17e: {  	v56 =	vld [tilespmem:s13+$0x10A0];
	v19 =	vsel vm11, v50, v19;
	v27 =	vsel vm11, v34, v27;
	vm12 =	vgt.f32 v51, v23  }
0x17f: {  	v57 =	vld [tilespmem:s13+$0xB0];
	v28 =	vsel vm10, v28, v32;
	vm13 =	vgt.f32 v52, v19;
	v23 =	vsel vm12, v51, v23  }
0x180: {  	v58 =	vld [tilespmem:s13+$0x10B0];
	v19 =	vsel vm13, v52, v19;
	v27 =	vsel vm13, v30, v27;
	vm14 =	vgt.f32 v53, v23  }
0x181: {  	v28 =	vsel vm12, v29, v28;
	v29 =	vld [tilespmem:s13+$0xC0];
	vm15 =	vgt.f32 v54, v19;
	v23 =	vsel vm14, v53, v23  }
0x182: {  	v19 =	vsel vm15, v54, v19;
	v25 =	vsel vm15, v25, v27;
	v27 =	vld [tilespmem:s13+$0x10C0];
	vm4 =	vgt.f32 v55, v23  }
0x183: {  	v24 =	vsel vm14, v24, v28;
	v28 =	vld [tilespmem:s13+$0xD0];
	vm5 =	vgt.f32 v56, v19;
	v23 =	vsel vm4, v55, v23  }
0x184: {  	v19 =	vsel vm5, v56, v19;
	v25 =	vsel vm5, v26, v25;
	v26 =	vld [tilespmem:s13+$0x10D0];
	vm6 =	vgt.f32 v57, v23  }
0x185: {  	v20 =	vsel vm4, v20, v24;
	v24 =	vld [tilespmem:s13+$0xE0];
	vm7 =	vgt.f32 v58, v19;
	v23 =	vsel vm6, v57, v23  }
0x186: {  	v19 =	vsel vm7, v58, v19;
	v22 =	vsel vm7, v22, v25;
	v25 =	vld [tilespmem:s13+$0x10E0];
	vm8 =	vgt.f32 v29, v23  }
0x187: {  	v59 =	vld [tilespmem:s13+$0xF0];
	v20 =	vsel vm6, v21, v20;
	vm9 =	vgt.f32 v27, v19;
	v23 =	vsel vm8, v29, v23  }
0x188: {  	v60 =	vld [tilespmem:s13+$0x10F0];
	v19 =	vsel vm9, v27, v19;
	v18 =	vsel vm9, v18, v22;
	vm10 =	vgt.f32 v28, v23  }
0x189: {  	v17 =	vsel vm8, v17, v20;
	vm11 =	vgt.f32 v26, v19;
	v61 =	vsel vm10, v28, v23  }
0x18a: {  	v19 =	vsel vm11, v26, v19;
	v16 =	vsel vm11, v16, v18;
	vm12 =	vgt.f32 v24, v61  }
0x18b: {  	v15 =	vsel vm10, v15, v17;
	vm13 =	vgt.f32 v25, v19;
	v62 =	vsel vm12, v24, v61  }
0x18c: {  	v63 =	vsel vm13, v25, v19;
	v14 =	vsel vm13, v14, v16;
	vm14 =	vgt.f32 v59, v62  }
0x18d: {  	v13 =	vsel vm12, v13, v15;
	vm15 =	vgt.f32 v60, v63;
	v25 =	vsel vm14, v59, v62  }
0x18e: {  	s11 =	sxor.u32 $0x80000000, s23;
	s10 =	simm.s32 $0x0;
	v27 =	vsel vm15, v60, v63;
	v24 =	vsel vm15, v12, v14;
	v26 =	vsel vm14, v11, v13  }
.LBB2_8:
0x18f: {  	v11 =	vadd.s32 $0xF0, v9;
	v12 =	vadd.s32 $0xF0, v10  }
0x190: {  	v15 =	vadd.s32 $0xD0, v9;
	v13 =	vadd.s32 $0xE0, v9;
	v14 =	vadd.s32 $0xE0, v10  }
0x191: {  	v17 =	vadd.s32 $0xC0, v9;
	v18 =	vadd.s32 $0xC0, v10;
	v16 =	vadd.s32 $0xD0, v10  }
0x192: {  	v21 =	vadd.s32 $0xA0, v9;
	v19 =	vadd.s32 $0xB0, v9;
	v20 =	vadd.s32 $0xB0, v10;
	s13 =	sadd.s32 $0x100, s13  }
0x193: {  	v23 =	vadd.s32 $0x90, v9;
	v29 =	vadd.s32 $0x90, v10;
	v22 =	vadd.s32 $0xA0, v10;
	v28 =	vld [tilespmem:s13+$0x0]  }
0x194: {  	v31 =	vadd.s32 $0x70, v9;
	v32 =	vadd.s32 $0x80, v9;
	v33 =	vadd.s32 $0x80, v10;
	s10 =	sadd.s32 $0x2, s10;
	v30 =	vld [tilespmem:s13+$0x1000]  }
0x195: {  	v35 =	vadd.s32 $0x60, v9;
	v36 =	vadd.s32 $0x60, v10;
	v37 =	vadd.s32 $0x70, v10;
	p1 =	slt.u32 s10, $0x1E;
	v34 =	vld [tilespmem:s13+$0x10]  }
0x196: {  	v39 =	vadd.s32 $0x40, v9;
	v40 =	vadd.s32 $0x50, v9;
	v41 =	vadd.s32 $0x50, v10;
	v38 =	vld [tilespmem:s13+$0x1010]  }
0x197: {  	v43 =	vadd.s32 $0x30, v9;
	v44 =	vadd.s32 $0x30, v10;
	v45 =	vadd.s32 $0x40, v10;
	v42 =	vld [tilespmem:s13+$0x20]  }
0x198: {  	v46 =	vadd.s32 $0x10, v9;
	v47 =	vadd.s32 $0x20, v9;
	v48 =	vadd.s32 $0x20, v10;
	v49 =	vld [tilespmem:s13+$0x1020]  }
0x199: {  	v50 =	vadd.s32 $0x10, v10;
	vm0 =	vgt.f32 v28, v25;
	vm1 =	vgt.f32 v30, v27;
	v51 =	vld [tilespmem:s13+$0x30]  }
0x19a: {  	v25 =	vsel vm0, v28, v25;
	v27 =	vsel vm1, v30, v27;
	v24 =	vsel vm1, v10, v24;
	v28 =	vld [tilespmem:s13+$0x1030]  }
0x19b: {  	v26 =	vsel vm0, v9, v26;
	vm0 =	vgt.f32 v34, v25;
	vm1 =	vgt.f32 v38, v27;
	v30 =	vld [tilespmem:s13+$0x40]  }
0x19c: {  	v25 =	vsel vm0, v34, v25;
	v27 =	vsel vm1, v38, v27;
	v24 =	vsel vm1, v50, v24;
	v34 =	vld [tilespmem:s13+$0x1040]  }
0x19d: {  	v26 =	vsel vm0, v46, v26;
	vm0 =	vgt.f32 v42, v25;
	vm1 =	vgt.f32 v49, v27;
	v38 =	vld [tilespmem:s13+$0x50]  }
0x19e: {  	v25 =	vsel vm0, v42, v25;
	v27 =	vsel vm1, v49, v27;
	v24 =	vsel vm1, v48, v24;
	v42 =	vld [tilespmem:s13+$0x1050]  }
0x19f: {  	v26 =	vsel vm0, v47, v26;
	vm0 =	vgt.f32 v51, v25;
	vm1 =	vgt.f32 v28, v27;
	v46 =	vld [tilespmem:s13+$0x60]  }
0x1a0: {  	v25 =	vsel vm0, v51, v25;
	v27 =	vsel vm1, v28, v27;
	v24 =	vsel vm1, v44, v24;
	v28 =	vld [tilespmem:s13+$0x1060]  }
0x1a1: {  	v26 =	vsel vm0, v43, v26;
	vm0 =	vgt.f32 v30, v25;
	vm1 =	vgt.f32 v34, v27;
	v43 =	vld [tilespmem:s13+$0x70]  }
0x1a2: {  	v25 =	vsel vm0, v30, v25;
	v27 =	vsel vm1, v34, v27;
	v24 =	vsel vm1, v45, v24;
	v30 =	vld [tilespmem:s13+$0x1070]  }
0x1a3: {  	v26 =	vsel vm0, v39, v26;
	vm0 =	vgt.f32 v38, v25;
	vm1 =	vgt.f32 v42, v27;
	v34 =	vld [tilespmem:s13+$0x80]  }
0x1a4: {  	v25 =	vsel vm0, v38, v25;
	v27 =	vsel vm1, v42, v27;
	v24 =	vsel vm1, v41, v24;
	v38 =	vld [tilespmem:s13+$0x1080]  }
0x1a5: {  	v26 =	vsel vm0, v40, v26;
	vm0 =	vgt.f32 v46, v25;
	vm1 =	vgt.f32 v28, v27;
	v39 =	vld [tilespmem:s13+$0x90]  }
0x1a6: {  	v25 =	vsel vm0, v46, v25;
	v27 =	vsel vm1, v28, v27;
	v24 =	vsel vm1, v36, v24;
	v28 =	vld [tilespmem:s13+$0x1090]  }
0x1a7: {  	v26 =	vsel vm0, v35, v26;
	vm0 =	vgt.f32 v43, v25;
	vm1 =	vgt.f32 v30, v27;
	v35 =	vld [tilespmem:s13+$0xA0]  }
0x1a8: {  	v25 =	vsel vm0, v43, v25;
	v27 =	vsel vm1, v30, v27;
	v24 =	vsel vm1, v37, v24;
	v30 =	vld [tilespmem:s13+$0x10A0]  }
0x1a9: {  	v26 =	vsel vm0, v31, v26;
	vm0 =	vgt.f32 v34, v25;
	vm1 =	vgt.f32 v38, v27;
	v31 =	vld [tilespmem:s13+$0xB0]  }
0x1aa: {  	v25 =	vsel vm0, v34, v25;
	v27 =	vsel vm1, v38, v27;
	v24 =	vsel vm1, v33, v24;
	v33 =	vld [tilespmem:s13+$0x10B0]  }
0x1ab: {  	v26 =	vsel vm0, v32, v26;
	vm0 =	vgt.f32 v39, v25;
	vm1 =	vgt.f32 v28, v27;
	v32 =	vld [tilespmem:s13+$0xC0]  }
0x1ac: {  	v25 =	vsel vm0, v39, v25;
	v27 =	vsel vm1, v28, v27;
	v24 =	vsel vm1, v29, v24;
	v28 =	vld [tilespmem:s13+$0x10C0]  }
0x1ad: {  	v23 =	vsel vm0, v23, v26;
	vm0 =	vgt.f32 v35, v25;
	vm1 =	vgt.f32 v30, v27;
	v26 =	vld [tilespmem:s13+$0xD0]  }
0x1ae: {  	v25 =	vsel vm0, v35, v25;
	v27 =	vsel vm1, v30, v27;
	v22 =	vsel vm1, v22, v24;
	v24 =	vld [tilespmem:s13+$0x10D0]  }
0x1af: {  	v21 =	vsel vm0, v21, v23;
	vm0 =	vgt.f32 v31, v25;
	vm1 =	vgt.f32 v33, v27;
	v23 =	vld [tilespmem:s13+$0xE0]  }
0x1b0: {  	v25 =	vsel vm0, v31, v25;
	v27 =	vsel vm1, v33, v27;
	v20 =	vsel vm1, v20, v22;
	v22 =	vld [tilespmem:s13+$0x10E0]  }
0x1b1: {  	v19 =	vsel vm0, v19, v21;
	vm0 =	vgt.f32 v32, v25;
	vm1 =	vgt.f32 v28, v27;
	v21 =	vld [tilespmem:s13+$0xF0]  }
0x1b2: {  	v25 =	vsel vm0, v32, v25;
	v27 =	vsel vm1, v28, v27;
	v18 =	vsel vm1, v18, v20;
	v20 =	vld [tilespmem:s13+$0x10F0]  }
0x1b3: {  	v17 =	vsel vm0, v17, v19;
	vm0 =	vgt.f32 v26, v25;
	vm1 =	vgt.f32 v24, v27  }
0x1b4: {  	v19 =	vsel vm0, v26, v25;
	v24 =	vsel vm1, v24, v27;
	v16 =	vsel vm1, v16, v18  }
.Ltmp3:
0x1b5: {  	v15 =	vsel vm0, v15, v17;
	vm0 =	vgt.f32 v23, v19;
	vm1 =	vgt.f32 v22, v24;
	(pc) =	sbr.rel @p1 .LBB2_8-.Ltmp3, $4  }
0x1b6: {  	v17 =	vsel vm0, v23, v19;
	v18 =	vsel vm1, v22, v24;
	v14 =	vsel vm1, v14, v16  }
0x1b7: {  	v13 =	vsel vm0, v13, v15;
	vm0 =	vgt.f32 v21, v17;
	vm1 =	vgt.f32 v20, v18  }
0x1b8: {  	v25 =	vsel vm0, v21, v17;
	v27 =	vsel vm1, v20, v18;
	v24 =	vsel vm1, v12, v14  }
0x1b9: {  	v9 =	vadd.s32 $0x100, v9;
	v10 =	vadd.s32 $0x100, v10;
	v26 =	vsel vm0, v11, v13  }
0x1ba: {  	vm0 =	vgt.f32 v27, v25  }
0x1bb: {  	v9 =	vsel vm0, v27, v25  }
0x1bc: {  	(xrf0) =	vmax.scan.msk.f32 $0xffff, v9;
	_ =	sdelay $0x5  }
0x1bd: {  	v10, _, _ =	vpop (xrf0)  }
0x1be: {  	v10 =	vbroadcast v10, $0xF  }
0x1bf: {  	v11 =	vsel vm0, v24, v26  }
0x1c0: {  	vm8 =	veq.f32 v9, v10;
	v9 =	vxor.u32 $0x80000000, v11  }
0x1c1: {  	v9 =	vnsel vm8, $0xFFFFFFFF, v9  }
0x1c2: {  	(xrf0) =	vmin.scan.msk.u32 $0xffff, v9;
	_ =	sdelay $0x5  }
0x1c3: {  	v9, _, _ =	vpop (xrf0)  }
0x1c4: {  	(v2sf) =	vpush v9, $0xF;
	_ =	sdelay $0xe  }
0x1c5: {  	s10 =	spop (v2sf)  }
0x1c6: {  	s3 =	rddreg [dreg:$0x12];
	s13 =	sand.u32 $0x70, s10;
	s9 =	sshll.u32 s10, $0x1  }
0x1c7: {  	s9 =	sand.u32 $0xFFFFFF00, s9;
	s13 =	sor.u32 s3, s13  }
0x1c8: {  	s9 =	sadd.s32 s9, s13  }
0x1c9: {  	s9 =	sshrl.u32 s9, $0x3  }
0x1ca: {  	s28 =	simm.s32 $0x8060;
	s3 =	sadd.s32 s1, s9  }
0x1cb: {  	[tilespmem:s28], [sflag:$0x8] =	stream.linear.gather [hbm4b:s3+s4], $0x10, $0x38;
	[tilespmem:$0x8120] =	vst v63  }
0x1cc: {  	s9 =	sadd.s32 s9, s12;
	s28 =	simm.s32 $0x8070  }
0x1cd: {  	[tilespmem:s28], [sflag:$0x8] =	stream.linear.gather [hbm4b:s9+s4], $0x10, $0x38;
	[tilespmem:$0x8120] =	vst v63  }
0x1ce: {  	_ =	swait.ge [sflag:s29], $0x10  }
0x1cf: {  	[sflag:s29] =	ssyncset.done $0x0  }
0x1d0: {  	[sflag:s29] =	ssyncadd.s32 $0xFFFFFFF0  }
0x1d1: {  	_ =	swait.ge [sflag:s29], $0x10  }
0x1d2: {  	[sflag:s29] =	ssyncset.done $0x0  }
0x1d3: {  	[sflag:s29] =	ssyncadd.s32 $0xFFFFFFF0  }
0x1d4: {  	v9 =	vld [tilespmem:$0x8000];
	_ =	sdelay $0x1  }
0x1d5: {  	s13 =	sand.u32 $0xF, s19  }
0x1d6: {  	v10 =	vmov s13  }
0x1d7: {  	vm9 =	veq.s32 v10, v8  }
0x1d8: {  	v9 =	vnsel vm9, $0x0, v9  }
0x1d9: {  	(xrf2) =	vadd.scan.msk.f32 $0xffff, v9;
	v9 =	vld [tilespmem:$0x8010];
	_ =	sdelay $0x4  }
0x1da: {  	v9 =	vnsel vm9, $0x0, v9  }
0x1db: {  	(xrf2) =	vadd.scan.msk.f32 $0xffff, v9;
	_ =	sdelay $0x3  }
0x1dc: {  	v9, _, _ =	vpop (xrf2)  }
0x1dd: {  	(v2sf) =	vpush v9, $0xF;
	_ =	sdelay $0x4  }
0x1de: {  	v9, _, _ =	vpop (xrf2)  }
0x1df: {  	(v2sf) =	vpush v9, $0xF;
	_ =	sdelay $0x3  }
0x1e0: {  	s19 =	sand.u32 $0x3, s19  }
0x1e1: {  	s20 =	sshra.s32 s20, $0x2;
	s9 =	sshll.u32 s31, s19  }
0x1e2: {  	s13 =	scvt.s32.f32 s20;
	s9 =	scvt.s32.f32 s9  }
0x1e3: {  	_ = 	snop  }
0x1e4: {  	s28 =	ssub.f32 s13, s9  }
0x1e5: {  	s3 =	spop (v2sf)  }
0x1e6: {  	s19 =	sadd.f32 s3, s28;
	_ =	sdelay $0x1  }
0x1e7: {  	s20 =	scvt.f32.s32 s19;
	_ =	sdelay $0x1  }
0x1e8: {  	s9 =	sadd.f32 s9, s13;
	s13 =	scvt.s32.f32 s20  }
0x1e9: {  	s28 =	spop (v2sf)  }
0x1ea: {  	s3 =	sadd.f32 s28, s9;
	p1 =	slt.f32 s19, s13  }
0x1eb: {  	s9 =	simm.s32 $0x1  }
0x1ec: {  	s9 =	simm.s32 @!p1 $0x0;
	s19 =	scvt.f32.s32 s3  }
0x1ed: {  	s9 =	ssub.s32 s20, s9  }
0x1ee: {  	s20 =	scvt.s32.f32 s19;
	p1 =	sgt.s32 s9, $0x0  }
0x1ef: {  	s9 =	simm.s32 @!p1 $0x0  }
0x1f0: {  	p1 =	slt.f32 s3, s20;
	s13 =	smin.u32 s9, $0x7FF  }
0x1f1: {  	s3 =	simm.s32 $0x1;
	s9 =	sshll.u32 s13, $0x3  }
0x1f2: {  	s28 =	sand.u32 $0x70, s13;
	s3 =	simm.s32 @!p1 $0x0;
	s9 =	sand.u32 $0x3C00, s9  }
0x1f3: {  	s3 =	ssub.s32 s19, s3;
	s9 =	sor.u32 s9, s28  }
0x1f4: {  	p1 =	sgt.s32 s3, $0x0;
	s9 =	sor.u32 s14, s9  }
0x1f5: {  	s3 =	simm.s32 @!p1 $0x0;
	s9 =	sshrl.u32 s9, $0x3  }
0x1f6: {  	s28 =	simm.s32 $0x8080;
	s19 =	smin.u32 s3, $0x7FF;
	s20 =	sadd.s32 s2, s9  }
0x1f7: {  	[tilespmem:s28], [sflag:$0x9] =	stream.linear.gather [hbm4b:s20+s4], $0x10, $0x38;
	[tilespmem:$0x8120] =	vst v63  }
0x1f8: {  	s20 =	sshll.u32 s19, $0x3  }
0x1f9: {  	s28 =	sand.u32 $0x70, s19;
	s3 =	sand.u32 $0x3C00, s20  }
0x1fa: {  	s3 =	sor.u32 s3, s28  }
0x1fb: {  	s3 =	sor.u32 s14, s3  }
0x1fc: {  	s3 =	sshrl.u32 s3, $0x3  }
0x1fd: {  	s20 =	simm.s32 $0x80C0;
	s3 =	sadd.s32 s2, s3  }
0x1fe: {  	[tilespmem:s20], [sflag:$0x9] =	stream.linear.gather [hbm4b:s3+s4], $0x10, $0x38;
	[tilespmem:$0x8120] =	vst v63  }
0x1ff: {  	_ =	swait.ge [sflag:s26], $0x10  }
0x200: {  	[sflag:s26] =	ssyncset.done $0x0  }
0x201: {  	[sflag:s26] =	ssyncadd.s32 $0xFFFFFFF0  }
0x202: {  	_ =	swait.ge [sflag:s26], $0x10  }
0x203: {  	[sflag:s26] =	ssyncset.done $0x0  }
0x204: {  	[sflag:s26] =	ssyncadd.s32 $0xFFFFFFF0  }
0x205: {  	v9 =	vld [tilespmem:$0x8020];
	_ =	sdelay $0x1  }
0x206: {  	s28 =	sand.u32 $0xF, s21  }
0x207: {  	v10 =	vmov s28  }
0x208: {  	vm10 =	veq.s32 v10, v8  }
0x209: {  	v9 =	vnsel vm10, $0x0, v9  }
0x20a: {  	(xrf2) =	vadd.scan.msk.f32 $0xffff, v9;
	v9 =	vld [tilespmem:$0x8030];
	_ =	sdelay $0x4  }
0x20b: {  	v9 =	vnsel vm10, $0x0, v9  }
0x20c: {  	(xrf2) =	vadd.scan.msk.f32 $0xffff, v9;
	_ =	sdelay $0x3  }
0x20d: {  	v9, _, _ =	vpop (xrf2)  }
0x20e: {  	(v2sf) =	vpush v9, $0xF;
	_ =	sdelay $0x4  }
0x20f: {  	v9, _, _ =	vpop (xrf2)  }
0x210: {  	(v2sf) =	vpush v9, $0xF;
	_ =	sdelay $0x3  }
0x211: {  	s9 =	sand.u32 $0x3, s21  }
0x212: {  	s20 =	sshra.s32 s22, $0x2;
	s3 =	sshll.u32 s31, s9  }
0x213: {  	s9 =	scvt.s32.f32 s20;
	s3 =	scvt.s32.f32 s3  }
0x214: {  	_ = 	snop  }
0x215: {  	s21 =	ssub.f32 s9, s3  }
0x216: {  	s22 =	spop (v2sf)  }
0x217: {  	s20 =	sadd.f32 s22, s21;
	_ =	sdelay $0x1  }
0x218: {  	s21 =	scvt.f32.s32 s20;
	_ =	sdelay $0x1  }
0x219: {  	s3 =	sadd.f32 s3, s9;
	s9 =	scvt.s32.f32 s21  }
0x21a: {  	s28 =	spop (v2sf)  }
0x21b: {  	s3 =	sadd.f32 s28, s3;
	p1 =	slt.f32 s20, s9  }
0x21c: {  	s9 =	simm.s32 $0x1  }
0x21d: {  	s9 =	simm.s32 @!p1 $0x0;
	s22 =	scvt.f32.s32 s3  }
0x21e: {  	s9 =	ssub.s32 s21, s9  }
0x21f: {  	s21 =	scvt.s32.f32 s22;
	p1 =	sgt.s32 s9, $0x0  }
0x220: {  	s9 =	simm.s32 @!p1 $0x0  }
0x221: {  	p1 =	slt.f32 s3, s21;
	s20 =	smin.u32 s9, $0x7FF  }
0x222: {  	s3 =	simm.s32 $0x1;
	s9 =	sshll.u32 s20, $0x3  }
0x223: {  	s28 =	sand.u32 $0x70, s20;
	s3 =	simm.s32 @!p1 $0x0;
	s9 =	sand.u32 $0x3C00, s9  }
0x224: {  	s3 =	ssub.s32 s22, s3;
	s9 =	sor.u32 s9, s28  }
0x225: {  	p1 =	sgt.s32 s3, $0x0;
	s9 =	sor.u32 s15, s9  }
0x226: {  	s3 =	simm.s32 @!p1 $0x0;
	s9 =	sshrl.u32 s9, $0x3  }
0x227: {  	s28 =	simm.s32 $0x8090;
	s21 =	smin.u32 s3, $0x7FF;
	s22 =	sadd.s32 s2, s9  }
0x228: {  	[tilespmem:s28], [sflag:$0xA] =	stream.linear.gather [hbm4b:s22+s4], $0x10, $0x38;
	[tilespmem:$0x8120] =	vst v63  }
0x229: {  	s22 =	sshll.u32 s21, $0x3  }
0x22a: {  	s28 =	sand.u32 $0x70, s21;
	s3 =	sand.u32 $0x3C00, s22  }
0x22b: {  	s3 =	sor.u32 s3, s28  }
0x22c: {  	s3 =	sor.u32 s15, s3  }
0x22d: {  	s3 =	sshrl.u32 s3, $0x3  }
0x22e: {  	s22 =	simm.s32 $0x80D0;
	s3 =	sadd.s32 s2, s3  }
0x22f: {  	[tilespmem:s22], [sflag:$0xA] =	stream.linear.gather [hbm4b:s3+s4], $0x10, $0x38;
	[tilespmem:$0x8120] =	vst v63  }
0x230: {  	_ =	swait.ge [sflag:s30], $0x10  }
0x231: {  	[sflag:s30] =	ssyncset.done $0x0  }
0x232: {  	[sflag:s30] =	ssyncadd.s32 $0xFFFFFFF0  }
0x233: {  	_ =	swait.ge [sflag:s30], $0x10  }
0x234: {  	[sflag:s30] =	ssyncset.done $0x0  }
0x235: {  	[sflag:s30] =	ssyncadd.s32 $0xFFFFFFF0  }
0x236: {  	v9 =	vld [tilespmem:$0x8040];
	_ =	sdelay $0x1  }
0x237: {  	s28 =	sand.u32 $0xF, s23  }
0x238: {  	v10 =	vmov s28  }
0x239: {  	vm11 =	veq.s32 v10, v8  }
0x23a: {  	v9 =	vnsel vm11, $0x0, v9  }
0x23b: {  	(xrf2) =	vadd.scan.msk.f32 $0xffff, v9;
	v9 =	vld [tilespmem:$0x8050];
	_ =	sdelay $0x4  }
0x23c: {  	v9 =	vnsel vm11, $0x0, v9  }
0x23d: {  	(xrf2) =	vadd.scan.msk.f32 $0xffff, v9;
	_ =	sdelay $0x3  }
0x23e: {  	v9, _, _ =	vpop (xrf2)  }
0x23f: {  	(v2sf) =	vpush v9, $0xF;
	_ =	sdelay $0x4  }
0x240: {  	v9, _, _ =	vpop (xrf2)  }
0x241: {  	(v2sf) =	vpush v9, $0xF;
	_ =	sdelay $0x3  }
0x242: {  	s9 =	sand.u32 $0x3, s23  }
0x243: {  	s11 =	sshra.s32 s11, $0x2;
	s3 =	sshll.u32 s31, s9  }
0x244: {  	s9 =	scvt.s32.f32 s11;
	s3 =	scvt.s32.f32 s3  }
0x245: {  	_ = 	snop  }
0x246: {  	s22 =	ssub.f32 s9, s3  }
0x247: {  	s23 =	spop (v2sf)  }
0x248: {  	s11 =	sadd.f32 s23, s22;
	_ =	sdelay $0x1  }
0x249: {  	s22 =	scvt.f32.s32 s11;
	_ =	sdelay $0x1  }
0x24a: {  	s3 =	sadd.f32 s3, s9;
	s9 =	scvt.s32.f32 s22  }
0x24b: {  	s28 =	spop (v2sf)  }
0x24c: {  	s3 =	sadd.f32 s28, s3;
	p1 =	slt.f32 s11, s9  }
0x24d: {  	s9 =	simm.s32 $0x1  }
0x24e: {  	s9 =	simm.s32 @!p1 $0x0;
	s23 =	scvt.f32.s32 s3  }
0x24f: {  	s9 =	ssub.s32 s22, s9  }
0x250: {  	s22 =	scvt.s32.f32 s23;
	p1 =	sgt.s32 s9, $0x0  }
0x251: {  	s9 =	simm.s32 @!p1 $0x0  }
0x252: {  	p1 =	slt.f32 s3, s22;
	s11 =	smin.u32 s9, $0x7FF  }
0x253: {  	s3 =	simm.s32 $0x1;
	s9 =	sshll.u32 s11, $0x3  }
0x254: {  	s28 =	sand.u32 $0x70, s11;
	s3 =	simm.s32 @!p1 $0x0;
	s9 =	sand.u32 $0x3C00, s9  }
0x255: {  	s3 =	ssub.s32 s23, s3;
	s9 =	sor.u32 s9, s28  }
0x256: {  	p1 =	sgt.s32 s3, $0x0;
	s9 =	sor.u32 s16, s9  }
0x257: {  	s3 =	simm.s32 @!p1 $0x0;
	s9 =	sshrl.u32 s9, $0x3  }
0x258: {  	s28 =	simm.s32 $0x80A0;
	s22 =	smin.u32 s3, $0x7FF;
	s23 =	sadd.s32 s2, s9  }
0x259: {  	[tilespmem:s28], [sflag:$0xB] =	stream.linear.gather [hbm4b:s23+s4], $0x10, $0x38;
	[tilespmem:$0x8120] =	vst v63  }
0x25a: {  	s23 =	sshll.u32 s22, $0x3  }
0x25b: {  	s28 =	sand.u32 $0x70, s22;
	s3 =	sand.u32 $0x3C00, s23  }
0x25c: {  	s3 =	sor.u32 s3, s28  }
0x25d: {  	s3 =	sor.u32 s16, s3  }
0x25e: {  	s3 =	sshrl.u32 s3, $0x3  }
0x25f: {  	s23 =	simm.s32 $0x80E0;
	s3 =	sadd.s32 s2, s3  }
0x260: {  	[tilespmem:s23], [sflag:$0xB] =	stream.linear.gather [hbm4b:s3+s4], $0x10, $0x38;
	[tilespmem:$0x8120] =	vst v63  }
0x261: {  	_ =	swait.ge [sflag:s0], $0x10  }
0x262: {  	[sflag:s0] =	ssyncset.done $0x0  }
0x263: {  	[sflag:s0] =	ssyncadd.s32 $0xFFFFFFF0  }
0x264: {  	_ =	swait.ge [sflag:s0], $0x10  }
0x265: {  	[sflag:s0] =	ssyncset.done $0x0  }
0x266: {  	[sflag:s0] =	ssyncadd.s32 $0xFFFFFFF0  }
0x267: {  	v9 =	vld [tilespmem:$0x8060];
	_ =	sdelay $0x1  }
0x268: {  	s28 =	sand.u32 $0xF, s10  }
0x269: {  	v10 =	vmov s28  }
0x26a: {  	vm12 =	veq.s32 v10, v8  }
0x26b: {  	v9 =	vnsel vm12, $0x0, v9  }
0x26c: {  	(xrf2) =	vadd.scan.msk.f32 $0xffff, v9;
	v9 =	vld [tilespmem:$0x8070];
	_ =	sdelay $0x4  }
0x26d: {  	v9 =	vnsel vm12, $0x0, v9  }
0x26e: {  	(xrf2) =	vadd.scan.msk.f32 $0xffff, v9;
	_ =	sdelay $0x3  }
0x26f: {  	v9, _, _ =	vpop (xrf2)  }
0x270: {  	(v2sf) =	vpush v9, $0xF;
	_ =	sdelay $0x4  }
0x271: {  	v9, _, _ =	vpop (xrf2)  }
0x272: {  	(v2sf) =	vpush v9, $0xF;
	_ =	sdelay $0x3  }
0x273: {  	s9 =	sxor.u32 $0x80000000, s10;
	s10 =	sand.u32 $0x3, s10  }
0x274: {  	s3 =	sshra.s32 s9, $0x2;
	s9 =	sshll.u32 s31, s10  }
0x275: {  	s3 =	scvt.s32.f32 s3;
	s9 =	scvt.s32.f32 s9  }
0x276: {  	_ = 	snop  }
0x277: {  	s23 =	ssub.f32 s3, s9  }
0x278: {  	s28 =	spop (v2sf)  }
0x279: {  	s10 =	sadd.f32 s28, s23;
	_ =	sdelay $0x1  }
0x27a: {  	s23 =	scvt.f32.s32 s10;
	_ =	sdelay $0x1  }
0x27b: {  	s3 =	sadd.f32 s9, s3;
	s9 =	scvt.s32.f32 s23  }
0x27c: {  	s28 =	spop (v2sf)  }
0x27d: {  	s3 =	sadd.f32 s28, s3;
	p1 =	slt.f32 s10, s9  }
0x27e: {  	s9 =	simm.s32 $0x1  }
0x27f: {  	s9 =	simm.s32 @!p1 $0x0;
	s28 =	scvt.f32.s32 s3  }
0x280: {  	s9 =	ssub.s32 s23, s9  }
0x281: {  	s23 =	scvt.s32.f32 s28;
	p1 =	sgt.s32 s9, $0x0  }
0x282: {  	s9 =	simm.s32 @!p1 $0x0  }
0x283: {  	p1 =	slt.f32 s3, s23;
	s10 =	smin.u32 s9, $0x7FF  }
0x284: {  	s3 =	simm.s32 $0x1;
	s9 =	sshll.u32 s10, $0x3  }
0x285: {  	s23 =	sand.u32 $0x70, s10;
	s3 =	simm.s32 @!p1 $0x0;
	s9 =	sand.u32 $0x3C00, s9  }
0x286: {  	s3 =	ssub.s32 s28, s3;
	s9 =	sor.u32 s9, s23  }
0x287: {  	p1 =	sgt.s32 s3, $0x0;
	s9 =	sor.u32 s17, s9  }
0x288: {  	s3 =	simm.s32 @!p1 $0x0;
	s9 =	sshrl.u32 s9, $0x3  }
0x289: {  	s28 =	simm.s32 $0x80B0;
	s23 =	smin.u32 s3, $0x7FF;
	s9 =	sadd.s32 s2, s9  }
0x28a: {  	[tilespmem:s28], [sflag:$0xC] =	stream.linear.gather [hbm4b:s9+s4], $0x10, $0x38;
	[tilespmem:$0x8120] =	vst v63  }
0x28b: {  	s9 =	sshll.u32 s23, $0x3  }
0x28c: {  	s28 =	sand.u32 $0x70, s23;
	s3 =	sand.u32 $0x3C00, s9  }
0x28d: {  	s3 =	sor.u32 s3, s28  }
0x28e: {  	s3 =	sor.u32 s17, s3  }
0x28f: {  	s3 =	sshrl.u32 s3, $0x3  }
0x290: {  	s28 =	simm.s32 $0x80F0;
	s3 =	sadd.s32 s2, s3  }
0x291: {  	[tilespmem:s28], [sflag:$0xC] =	stream.linear.gather [hbm4b:s3+s4], $0x10, $0x38;
	[tilespmem:$0x8120] =	vst v63  }
0x292: {  	_ =	swait.ge [sflag:s5], $0x10  }
0x293: {  	[sflag:s5] =	ssyncset.done $0x0  }
0x294: {  	[sflag:s5] =	ssyncadd.s32 $0xFFFFFFF0  }
0x295: {  	_ =	swait.ge [sflag:s5], $0x10  }
0x296: {  	[sflag:s5] =	ssyncset.done $0x0  }
0x297: {  	[sflag:s5] =	ssyncadd.s32 $0xFFFFFFF0  }
0x298: {  	_ =	swait.ge [sflag:s6], $0x10  }
0x299: {  	[sflag:s6] =	ssyncset.done $0x0  }
0x29a: {  	[sflag:s6] =	ssyncadd.s32 $0xFFFFFFF0  }
0x29b: {  	_ =	swait.ge [sflag:s6], $0x10  }
0x29c: {  	[sflag:s6] =	ssyncset.done $0x0  }
0x29d: {  	[sflag:s6] =	ssyncadd.s32 $0xFFFFFFF0  }
0x29e: {  	_ =	swait.ge [sflag:s7], $0x10  }
0x29f: {  	[sflag:s7] =	ssyncset.done $0x0  }
0x2a0: {  	[sflag:s7] =	ssyncadd.s32 $0xFFFFFFF0  }
0x2a1: {  	_ =	swait.ge [sflag:s7], $0x10  }
0x2a2: {  	[sflag:s7] =	ssyncset.done $0x0  }
0x2a3: {  	[sflag:s7] =	ssyncadd.s32 $0xFFFFFFF0  }
0x2a4: {  	_ =	swait.ge [sflag:s8], $0x10  }
0x2a5: {  	[sflag:s8] =	ssyncset.done $0x0  }
0x2a6: {  	[sflag:s8] =	ssyncadd.s32 $0xFFFFFFF0  }
0x2a7: {  	_ =	swait.ge [sflag:s8], $0x10  }
0x2a8: {  	[sflag:s8] =	ssyncset.done $0x0  }
0x2a9: {  	[sflag:s8] =	ssyncadd.s32 $0xFFFFFFF0  }
0x2aa: {  	v9 =	vld [tilespmem:$0x8080]  }
0x2ab: {  	s13 =	sand.u32 $0xF, s13;
	v10 =	vld [tilespmem:$0x80C0]  }
0x2ac: {  	v13 =	vmov s13;
	s13 =	sand.u32 $0xF, s20;
	v11 =	vld [tilespmem:$0x8090]  }
0x2ad: {  	v54 =	vmov s13;
	s20 =	sand.u32 $0xF, s11;
	v12 =	vld [tilespmem:$0x80D0]  }
0x2ae: {  	vm13 =	veq.s32 v13, v8;
	vm14 =	veq.s32 v54, v8;
	v56 =	vmov s20;
	s28 =	sand.u32 $0xF, s19;
	v15 =	vld [tilespmem:$0x80A0]  }
0x2af: {  	vm4 =	veq.s32 v56, v8;
	s19 =	sand.u32 $0xF, s21;
	s21 =	sand.u32 $0xF, s22;
	v14 =	vmov s28;
	v53 =	vld [tilespmem:$0x80E0];
	v9 =	vcvt.s32.f32 v9  }
0x2b0: {  	v16 =	vmov s19;
	v57 =	vmov s21;
	v55 =	vld [tilespmem:$0x80B0];
	v10 =	vcvt.s32.f32 v10  }
0x2b1: {  	s22 =	sand.u32 $0xF, s10;
	vm1 =	veq.s32 v14, v8;
	v17 =	vld [tilespmem:$0x80F0];
	v11 =	vcvt.s32.f32 v11;
	v9 =	vnsel vm13, $0x0, v9  }
0x2b2: {  	v58 =	vmov s22;
	v12 =	vcvt.s32.f32 v12;
	v10 =	vnsel vm1, $0x0, v10;
	(xrf2) =	vadd.scan.msk.f32 $0xffff, v9  }
0x2b3: {  	vm15 =	veq.s32 v16, v8;
	v11 =	vnsel vm14, $0x0, v11;
	v9 =	vcvt.s32.f32 v15;
	(xrf2) =	vadd.scan.msk.f32 $0xffff, v10  }
0x2b4: {  	vm5 =	veq.s32 v57, v8;
	v10 =	vcvt.s32.f32 v53;
	(xrf2) =	vadd.scan.msk.f32 $0xffff, v11;
	v11 =	vnsel vm15, $0x0, v12  }
0x2b5: {  	s28 =	sand.u32 $0xF, s23;
	vm6 =	veq.s32 v58, v8;
	v9 =	vnsel vm4, $0x0, v9;
	(xrf2) =	vadd.scan.msk.f32 $0xffff, v11;
	v11 =	vcvt.s32.f32 v55  }
0x2b6: {  	v59 =	vmov s28;
	v10 =	vnsel vm5, $0x0, v10;
	(xrf2) =	vadd.scan.msk.f32 $0xffff, v9;
	v9 =	vcvt.s32.f32 v17  }
0x2b7: {  	vm7 =	veq.s32 v59, v8;
	(xrf2) =	vadd.scan.msk.f32 $0xffff, v10;
	v10 =	vnsel vm6, $0x0, v11  }
0x2b8: {  	(xrf2) =	vadd.scan.msk.f32 $0xffff, v10;
	v9 =	vnsel vm7, $0x0, v9  }
0x2b9: {  	(xrf2) =	vadd.scan.msk.f32 $0xffff, v9;
	_ =	sdelay $0x2  }
0x2ba: {  	v9, _, _ =	vpop (xrf2)  }
0x2bb: {  	v10, _, _ =	vpop (xrf2)  }
0x2bc: {  	v11, _, _ =	vpop (xrf2)  }
0x2bd: {  	v60, _, _ =	vpop (xrf2)  }
0x2be: {  	v61, _, _ =	vpop (xrf2)  }
0x2bf: {  	(v2sf) =	vpush v10, $0xF;
	v62, _, _ =	vpop (xrf2)  }
0x2c0: {  	(v2sf) =	vpush v60, $0xF;
	v10, _, _ =	vpop (xrf2)  }
0x2c1: {  	(v2sf) =	vpush v62, $0xF;
	v63, _, _ =	vpop (xrf2)  }
0x2c2: {  	(v2sf) =	vpush v63, $0xF;
	_ =	sdelay $0xb  }
0x2c3: {  	s9 =	spop (v2sf)  }
0x2c4: {  	s10 =	spop (v2sf)  }
0x2c5: {  	s11 =	spop (v2sf)  }
0x2c6: {  	s20 =	spop (v2sf)  }
0x2c7: {  	[bflag:$0x0] =	sbarrier.arrive @p0 $0xFFFF  }
0x2c8: {  	s13 =	simm.s32 @p0 $0x8100;
	s19 =	rddreg [dreg:$0xe]  }
0x2c9: {  	v9 =	vbroadcast v9, $0xF;
	[tilespmem:s13], [sflag:$0xD] =	stream.linear.gather @p0 [spmem:s19], $0x10, $0x38;
	[tilespmem:$0x8120] =	vst v63  }
0x2ca: {  	vm8 =	veq.s32 v0, v8;
	s3 =	sadd.f32 $1.000000000e+00, s9;
	s19 =	simm.s32 @p0 $0xD  }
0x2cb: {  	vm9 =	veq.s32 v1, v8;
	v9 =	vnsel vm8, $0x0, v9;
	v11 =	vbroadcast v11, $0xF;
	_ =	swait.ge @p0 [sflag:s19], $0x10  }
0x2cc: {  	vm10 =	veq.s32 v2, v8;
	v9 =	vsel vm9, s3, v9;
	s21 =	sadd.f32 $1.000000000e+00, s10;
	[sflag:s19] =	ssyncset.done @p0 $0x0  }
0x2cd: {  	vm11 =	veq.s32 v3, v8;
	v9 =	vsel vm10, v11, v9;
	v11 =	vbroadcast v61, $0xF;
	[sflag:s19] =	ssyncadd.s32 @p0 $0xFFFFFFF0  }
0x2ce: {  	vm12 =	veq.s32 v4, v8;
	v9 =	vsel vm11, s21, v9;
	s22 =	sadd.f32 $1.000000000e+00, s11;
	v12 =	vld @p0 [tilespmem:$0x8100]  }
0x2cf: {  	vm13 =	veq.s32 v5, v8;
	v10 =	vbroadcast v10, $0xF;
	v9 =	vsel vm12, v11, v9  }
0x2d0: {  	vm14 =	veq.s32 v6, v8;
	v9 =	vsel vm13, s22, v9;
	s23 =	sadd.f32 $1.000000000e+00, s20  }
0x2d1: {  	vm15 =	veq.s32 v7, v8;
	v9 =	vsel vm14, v10, v9  }
0x2d2: {  	v9 =	vsel vm15, s23, v9  }
0x2d3: {  	v10 =	vadd.f32 @p0 v12, v9;
	_ =	sdelay $0x1  }
0x2d4: {  	s3 =	simm.s32 @p0 $0x0;
	s9 =	rddreg [dreg:$0xc];
	[tilespmem:$0x8100] =	vst @p0 v10  }
0x2d5: {  	[hbm4b:s9+s3] =	stream.linear.scatter @p0 [tilespmem:s13], [sflag:$0xD], $0x8, $0x38;
	[tilespmem:$0x8120] =	vst v63  }
0x2d6: {  	s10 =	rddreg [dreg:$0xf];
	s9 =	simm.s32 @p0 $0x8108  }
0x2d7: {  	[hbm4b:s10+s3] =	stream.linear.scatter @p0 [tilespmem:s9], [sflag:$0xD], $0x8, $0x38;
	[tilespmem:$0x8120] =	vst v63  }
0x2d8: {  	_ =	swait.ge @p0 [sflag:s19], $0x8  }
0x2d9: {  	[sflag:s19] =	ssyncset.done @p0 $0x0  }
0x2da: {  	[sflag:s19] =	ssyncadd.s32 @p0 $0xFFFFFFF8  }
0x2db: {  	_ =	swait.ge @p0 [sflag:s19], $0x8  }
0x2dc: {  	[sflag:s19] =	ssyncset.done @p0 $0x0  }
0x2dd: {  	[sflag:s19] =	ssyncadd.s32 @p0 $0xFFFFFFF8  }
0x2de: {  	s3 =	simm.s32 @!p0 $0x8100;
	s9 =	rddreg [dreg:$0xb];
	[tilespmem:$0x8100] =	vst @!p0 v9  }
0x2df: {  	[spmem:s9] =	stream.linear.scatter @!p0 [tilespmem:s3], [sflag:$0xE], $0x10, $0x38;
	[tilespmem:$0x8120] =	vst v63  }
0x2e0: {  	s3 =	simm.s32 @!p0 $0xE  }
0x2e1: {  	_ =	swait.ge @!p0 [sflag:s3], $0x10  }
0x2e2: {  	s18 =	sadd.s32 $0x1, s18;
	s28 =	rddreg [dreg:$0xd]  }
0x2e3: {  	p1 =	sne.s32 s18, s28  }
.Ltmp4:
0x2e4: {  	_ = 	snop;
	(pc) =	sbr.rel @p1 .LBB2_1-.Ltmp4, $3  }
0x2e5: {  	[sflag:s3] =	ssyncset.done @!p0 $0x0  }
0x2e6: {  	[sflag:s3] =	ssyncadd.s32 @!p0 $0xFFFFFFF0  }
0x2e7: {  	[bflag:$0x0] =	sbarrier.arrive @!p0 $0xFFFF;
	_ =	sdelay $0x1  }
0x2e8: {  	_ =	sfence.sel $0x180000  }
0x2e9: {  	[bflag:$0x0] =	sbarrier.arrive $0xFFFF  }
0x2ea: {  	_ =	strace $0x90000047  }
0x2eb: {  	s0 =	stileid.u32;
	[bflag:$0x2] =	sbarrier.arrive $0xFFFF  }
0x2ec: {  	p0 =	sne.s32 s0, $0x0;
	s0 =	rddreg [dreg:$0x5]  }
0x2ed: {  	s0 =	sadd.s32 @!p0 $0x100000, s0  }
0x2ee: {  	[sflag:s0] =	ssyncadd.tile.s32 @!p0 $0x1;
	_ =	shalt  }
.Lfunc_end2:
_tile_overlayer_lowered:
.L_overlay_start_2:
0x2ef: {  	(tag) =	ssettag $0x2  }
0x2f0: {  	s0 =	rddreg [dreg:$0x0];
	s2 =	stileid.u32  }
0x2f1: {  	s1 =	rddreg [dreg:$0x1];
	p0 =	sne.s32 s2, $0x0  }
0x2f2: {  	s3 =	rddreg [dreg:$0x2];
	[bflag:$0x3] =	sbarrier.arrive $0xFFFF;
	s2 =	simm.s32 @!p0 $0x1C0E  }
0x2f3: {  	[timem:s3], [sflag:s2] =	dma.local @!p0 [hbm:s0], s1  }
0x2f4: {  	s0 =	simm.s32 @!p0 $0xE  }
0x2f5: {  	_ =	swait.ge @!p0 [sflag:s0], s1  }
0x2f6: {  	s1 =	ssub.s32 @!p0 $0x0, s1;
	[sflag:s0] =	ssyncset.done @!p0 $0x0  }
0x2f7: {  	[sflag:s0] =	ssyncadd.s32 @!p0 s1  }
0x2f8: {  	[bflag:$0x3] =	sbarrier.arrive $0xFFFF  }
0x2f9: {  	_ =	shalt  }

</sc_bundles>
